<compile_context>
chip_gen: v7x
topology: tpu7x:2x2x1
jax: 0.10.2.dev20260603
libtpu: 0.0.44.dev20260713+nightly
codegen_flags: <defaults>
</compile_context>

<pallas_src>
import functools

import jax
import jax.numpy as jnp
from jax import lax
from jax.experimental import pallas as pl
from jax.experimental.pallas import tpu as pltpu
from jax.experimental.pallas import tpu_sc as plsc

NUM_ROWS = 400
EDIM = 32
XW = 16
WP = 33
OW = 78
CHUNK = 512
BATCH = 16


def _body(x_hbm, w_hbm, out_hbm, w_v, x_v0, x_v1, o_v0, o_v1,
          isem0, isem1, osem0, osem1, *, tokens_per_worker, num_cores):
    wid = lax.axis_index("s") * num_cores + lax.axis_index("c")
    pltpu.sync_copy(w_hbm, w_v)
    base0 = wid * tokens_per_worker
    n_chunks = tokens_per_worker // CHUNK
    x_bufs = (x_v0, x_v1)
    o_bufs = (o_v0, o_v1)
    i_sems = (isem0, isem1)
    o_sems = (osem0, osem1)

    def in_cp(c, b):
        return pltpu.make_async_copy(
            x_hbm.at[pl.ds(base0 + c * CHUNK, CHUNK)], x_bufs[b], i_sems[b])

    def out_cp(c, b):
        return pltpu.make_async_copy(
            o_bufs[b], out_hbm.at[pl.ds(base0 + c * CHUNK, CHUNK)], o_sems[b])

    def compute(x_v, out_v):
        @plsc.parallel_loop(0, CHUNK // 16, unroll=4)
        def do_group(g):
            tok = g * 16 + lax.iota(jnp.int32, 16)

            def col(c):
                return jnp.full((16,), c, jnp.int32)

            lane = lax.iota(jnp.int32, 16)
            va = plsc.load_gather(x_v, [tok, col(0)])
            ia = jnp.clip(va.astype(jnp.int32), 0, NUM_ROWS - 1)
            vo = plsc.load_gather(x_v, [tok, col(8)])
            io = jnp.clip(vo.astype(jnp.int32), 0, NUM_ROWS - 1)

            plan = []
            for c in range(EDIM):
                plan.append((ia, c, c))
                plan.append((io, c, 39 + c))
            for i in range(0, len(plan), BATCH):
                batch = plan[i:i + BATCH]
                vals = [plsc.load_gather(w_v, [rows, col(sc)])
                        for rows, sc, _ in batch]
                for (_, _, dc), v in zip(batch, vals):
                    plsc.store_scatter(out_v, [tok, col(dc)], v)

            for r in range(XW):
                src_c = jnp.bitwise_and(r + lane, XW - 1)
                v = plsc.load_gather(x_v, [tok, src_c])
                dst_c = jnp.where(src_c < 8, 31 + src_c, 62 + src_c)
                msk = jnp.logical_and(src_c != 0, src_c != 8)
                plsc.store_scatter(out_v, [tok, dst_c], v, mask=msk)

    in_cp(0, 0).start()
    in_cp(1, 1).start()

    def do_pair(ci2, _):
        for b in range(2):
            c = ci2 * 2 + b
            in_cp(c, b).wait()

            @pl.when(c >= 2)
            def _():
                out_cp(c - 2, b).wait()

            compute(x_bufs[b], o_bufs[b])
            out_cp(c, b).start()

            @pl.when(c + 2 < n_chunks)
            def _():
                in_cp(c + 2, b).start()
        return 0

    lax.fori_loop(0, n_chunks // 2, do_pair, 0)
    out_cp(n_chunks - 2, 0).wait()
    out_cp(n_chunks - 1, 1).wait()


def kernel(x, W):
    B, H, _ = x.shape
    n = B * H
    mesh = plsc.VectorSubcoreMesh(core_axis_name="c", subcore_axis_name="s")
    n_workers = mesh.num_cores * mesh.num_subcores
    tokens_per_worker = n // n_workers
    assert tokens_per_worker * n_workers == n
    assert tokens_per_worker % CHUNK == 0
    assert (tokens_per_worker // CHUNK) % 2 == 0

    body = functools.partial(
        _body,
        tokens_per_worker=tokens_per_worker,
        num_cores=mesh.num_cores,
    )
    out = pl.kernel(
        body,
        out_type=jax.ShapeDtypeStruct((n, OW), jnp.float32),
        mesh=mesh,
        compiler_params=pltpu.CompilerParams(
            needs_layout_passes=False,
            use_tc_tiling_on_sc=False,
            disable_bounds_checks=True,
        ),
        scratch_types=[
            pltpu.VMEM((NUM_ROWS, WP), jnp.float32),
            pltpu.VMEM((CHUNK, XW), jnp.float32),
            pltpu.VMEM((CHUNK, XW), jnp.float32),
            pltpu.VMEM((CHUNK, OW), jnp.float32),
            pltpu.VMEM((CHUNK, OW), jnp.float32),
            pltpu.SemaphoreType.DMA,
            pltpu.SemaphoreType.DMA,
            pltpu.SemaphoreType.DMA,
            pltpu.SemaphoreType.DMA,
        ],
    )(
        x.reshape(n, XW),
        jnp.pad(W, ((0, 0), (0, WP - EDIM))),
    )
    return out.reshape(B, H, OW)

# --- scband reference (transcript-rebuilt; emitter-appended) ---
"""Pipeline reference for scband-observation-embedding-10110353015328 (READ-ONLY COPY).

The authoritative reference and input builder live on the scoring server;
editing this copy changes nothing except your own understanding.
"""

import jax, jax.numpy as jnp
import numpy as np

NUM_EMB = 400
EMB_DIM = 32

def setup_inputs(seed: int = 0) -> dict:
    key = jax.random.key(seed)
    k1, k2 = jax.random.split(key)
    x = jax.random.normal(k1, (16384, 200, 16), dtype=jnp.float32)
    # learned embedding table (torch inits to zero, but use small random for a nontrivial check)
    W = jax.random.normal(k2, (NUM_EMB, EMB_DIM), dtype=jnp.float32) * 0.02
    return {"x": x, "W": W}

def _embed(h, W):
    a = h[..., :1]
    s = h[..., 1:]
    idx = jnp.clip(a.astype(jnp.int32), 0, NUM_EMB - 1)
    actionstate = jnp.take(W, idx, axis=0)  # [..., 1, EMB_DIM]
    actionstate = jnp.squeeze(actionstate, axis=-2)  # [..., EMB_DIM]
    return jnp.concatenate([actionstate, s], axis=-1)

def reference(x, W):
    agent, opponent = jnp.split(x, 2, axis=-1)
    agent_e = _embed(agent, W)
    opponent_e = _embed(opponent, W)
    return jnp.concatenate([agent_e, opponent_e], axis=-1)

if __name__ == "__main__":
    import jax
    _d = setup_inputs()
    print(jax.jit(kernel)(*tuple(_d.values())))

</pallas_src>

<mosaic_0001>
#map = affine_map<(d0, d1) -> (0, 0)>
module attributes {stable_mosaic.version = 14 : i64} {
  func.func @_body(%arg0: i32, %arg1: i32, %arg2: memref<3276800x16xf32, #tpu.memory_space<hbm>>, %arg3: memref<400x33xf32, #tpu.memory_space<hbm>>, %arg4: memref<3276800x78xf32, #tpu.memory_space<hbm>>, %arg5: memref<400x33xf32, #tpu.memory_space<vmem>>, %arg6: memref<512x16xf32, #tpu.memory_space<vmem>>, %arg7: memref<512x16xf32, #tpu.memory_space<vmem>>, %arg8: memref<512x78xf32, #tpu.memory_space<vmem>>, %arg9: memref<512x78xf32, #tpu.memory_space<vmem>>, %arg10: memref<!tpu.dma_semaphore, #tpu.memory_space<semaphore_mem>>, %arg11: memref<!tpu.dma_semaphore, #tpu.memory_space<semaphore_mem>>, %arg12: memref<!tpu.dma_semaphore, #tpu.memory_space<semaphore_mem>>, %arg13: memref<!tpu.dma_semaphore, #tpu.memory_space<semaphore_mem>>) attributes {dimension_semantics = [#tpu.dimension_semantics<core_parallel>, #tpu.dimension_semantics<subcore_parallel>], iteration_bounds = array<i64: 2, 16>, scalar_prefetch = 0 : i64, scratch_operands = 9 : i64, tpu.core_type = #tpu.core_type<sc_vector_subcore>, window_params = [{transform_indices = #map}, {transform_indices = #map}, {transform_indices = #map}]} {
    %mul3A = arith.constant 2 : i32
    %mul3A_0 = arith.muli %arg1, %mul3A : i32
    %add3A = arith.addi %mul3A_0, %arg0 : i32
    "tpu.region"() ({
      %run_scoped3A = tpu.sem_alloc : memref<!tpu.dma_semaphore, #tpu.memory_space<semaphore_mem>>
      tpu.enqueue_dma source(%arg3 : memref<400x33xf32, #tpu.memory_space<hbm>>) target(%arg5 : memref<400x33xf32, #tpu.memory_space<vmem>>) target_semaphore(%run_scoped3A : memref<!tpu.dma_semaphore, #tpu.memory_space<semaphore_mem>>)
      tpu.wait_dma2 semaphore(%run_scoped3A : memref<!tpu.dma_semaphore, #tpu.memory_space<semaphore_mem>>) src(%arg3 : memref<400x33xf32, #tpu.memory_space<hbm>>) dst(%arg5 : memref<400x33xf32, #tpu.memory_space<vmem>>)
      tpu.yield
    }) : () -> ()
    %mul3A_1 = arith.constant 102400 : i32
    %mul3A_2 = arith.muli %add3A, %mul3A_1 : i32
    %add3A_3 = arith.constant 0 : i32
    %add3A_4 = arith.addi %mul3A_2, %add3A_3 : i32
    %dma_start3A = arith.constant 0 : i32
    %dma_start3A_5 = tpu.memref_slice %arg2[%add3A_4, %dma_start3A] : memref<3276800x16xf32, #tpu.memory_space<hbm>> -> memref<512x16xf32, #tpu.memory_space<hbm>>
    %dma_start3A_6 = arith.constant 0 : i32
    %dma_start3A_7 = tpu.memref_slice %arg2[%add3A_4, %dma_start3A_6] : memref<3276800x16xf32, #tpu.memory_space<hbm>> -> memref<512x16xf32, #tpu.memory_space<hbm>>
    tpu.enqueue_dma source(%dma_start3A_7 : memref<512x16xf32, #tpu.memory_space<hbm>>) target(%arg6 : memref<512x16xf32, #tpu.memory_space<vmem>>) target_semaphore(%arg10 : memref<!tpu.dma_semaphore, #tpu.memory_space<semaphore_mem>>)
    %add3A_8 = arith.constant 512 : i32
    %add3A_9 = arith.addi %mul3A_2, %add3A_8 : i32
    %dma_start3A_10 = arith.constant 0 : i32
    %dma_start3A_11 = tpu.memref_slice %arg2[%add3A_9, %dma_start3A_10] : memref<3276800x16xf32, #tpu.memory_space<hbm>> -> memref<512x16xf32, #tpu.memory_space<hbm>>
    %dma_start3A_12 = arith.constant 0 : i32
    %dma_start3A_13 = tpu.memref_slice %arg2[%add3A_9, %dma_start3A_12] : memref<3276800x16xf32, #tpu.memory_space<hbm>> -> memref<512x16xf32, #tpu.memory_space<hbm>>
    tpu.enqueue_dma source(%dma_start3A_13 : memref<512x16xf32, #tpu.memory_space<hbm>>) target(%arg7 : memref<512x16xf32, #tpu.memory_space<vmem>>) target_semaphore(%arg11 : memref<!tpu.dma_semaphore, #tpu.memory_space<semaphore_mem>>)
    %scan3A = arith.constant 0 : i32
    %scan3A_14 = arith.constant 0 : i32
    %scan3A_15 = arith.constant 100 : i32
    %scan3A_16 = arith.addi %scan3A_14, %scan3A_15 : i32
    %scan3A_17 = arith.constant 1 : i32
    %scan3A_18 = scf.for %scan3A_31 = %scan3A_14 to %scan3A_16 step %scan3A_17 iter_args(%scan3A_32 = %scan3A) -> (i32)  : i32 {
      %mul3A_33 = arith.constant 2 : i32
      %mul3A_34 = arith.muli %scan3A_31, %mul3A_33 : i32
      %add3A_35 = arith.constant 0 : i32
      %add3A_36 = arith.addi %mul3A_34, %add3A_35 : i32
      %mul3A_37 = arith.constant 512 : i32
      %mul3A_38 = arith.muli %add3A_36, %mul3A_37 : i32
      %add3A_39 = arith.addi %mul3A_2, %mul3A_38 : i32
      %dma_wait3A_40 = arith.constant 0 : i32
      %dma_wait3A_41 = tpu.memref_slice %arg2[%add3A_39, %dma_wait3A_40] : memref<3276800x16xf32, #tpu.memory_space<hbm>> -> memref<512x16xf32, #tpu.memory_space<hbm>>
      %dma_wait3A_42 = arith.constant 0 : i32
      %dma_wait3A_43 = tpu.memref_slice %arg2[%add3A_39, %dma_wait3A_42] : memref<3276800x16xf32, #tpu.memory_space<hbm>> -> memref<512x16xf32, #tpu.memory_space<hbm>>
      tpu.wait_dma2 semaphore(%arg10 : memref<!tpu.dma_semaphore, #tpu.memory_space<semaphore_mem>>) src(%dma_wait3A_43 : memref<512x16xf32, #tpu.memory_space<hbm>>) dst(%arg6 : memref<512x16xf32, #tpu.memory_space<vmem>>)
      %ge3A = arith.constant 2 : i32
      %ge3A_44 = arith.cmpi sge, %add3A_36, %ge3A : i32
      %convert_element_type3A = arith.extui %ge3A_44 : i1 to i32
      %cond3A = arith.constant 0 : i32
      %cond3A_45 = arith.cmpi ne, %convert_element_type3A, %cond3A : i32
      scf.if %cond3A_45 {
        %sub3A = arith.constant 2 : i32
        %sub3A_95 = arith.subi %add3A_36, %sub3A : i32
        %mul3A_96 = arith.constant 512 : i32
        %mul3A_97 = arith.muli %sub3A_95, %mul3A_96 : i32
        %add3A_98 = arith.addi %mul3A_2, %mul3A_97 : i32
        %dma_wait3A_99 = arith.constant 0 : i32
        %dma_wait3A_100 = tpu.memref_slice %arg4[%add3A_98, %dma_wait3A_99] : memref<3276800x78xf32, #tpu.memory_space<hbm>> -> memref<512x78xf32, #tpu.memory_space<hbm>>
        %dma_wait3A_101 = arith.constant 0 : i32
        %dma_wait3A_102 = tpu.memref_slice %arg4[%add3A_98, %dma_wait3A_101] : memref<3276800x78xf32, #tpu.memory_space<hbm>> -> memref<512x78xf32, #tpu.memory_space<hbm>>
        tpu.wait_dma2 semaphore(%arg12 : memref<!tpu.dma_semaphore, #tpu.memory_space<semaphore_mem>>) src(%arg8 : memref<512x78xf32, #tpu.memory_space<vmem>>) dst(%dma_wait3A_102 : memref<512x78xf32, #tpu.memory_space<hbm>>)
      } else {
      }
      %parallel_loop3A = arith.constant 0 : i32
      %parallel_loop3A_46 = arith.constant 32 : i32
      %parallel_loop3A_47 = arith.constant 1 : i32
      scf.for %parallel_loop3A_95 = %parallel_loop3A to %parallel_loop3A_46 step %parallel_loop3A_47  : i32 {
        %parallel_loop3A_96 = arith.constant 16 : i32
        %parallel_loop3A_97 = arith.muli %parallel_loop3A_95, %parallel_loop3A_96 : i32
        %parallel_loop3A_98 = tpu.iota {dimensions = array<i32: 0>} : vector<16xi32>
        %parallel_loop3A_99 = vector.broadcast %parallel_loop3A_97 : i32 to vector<16xi32>
        %parallel_loop3A_100 = arith.addi %parallel_loop3A_99, %parallel_loop3A_98 : vector<16xi32>
        %parallel_loop3A_101 = tpu.iota {dimensions = array<i32: 0>} : vector<16xi32>
        %parallel_loop3A_102 = arith.constant 0 : i32
        %parallel_loop3A_103 = vector.broadcast %parallel_loop3A_102 : i32 to vector<16xi32>
        %parallel_loop3A_104 = tpu.vector_load_idx %arg6[%parallel_loop3A_100, %parallel_loop3A_103] : memref<512x16xf32, #tpu.memory_space<vmem>>[vector<16xi32>, vector<16xi32>], vector<16xf32>,
        %parallel_loop3A_105 = arith.fptosi %parallel_loop3A_104 : vector<16xf32> to vector<16xi32>
        %parallel_loop3A_106 = arith.constant 0 : i32
        %parallel_loop3A_107 = arith.constant 399 : i32
        %parallel_loop3A_108 = vector.broadcast %parallel_loop3A_106 : i32 to vector<16xi32>
        %parallel_loop3A_109 = arith.maxsi %parallel_loop3A_108, %parallel_loop3A_105 : vector<16xi32>
        %parallel_loop3A_110 = vector.broadcast %parallel_loop3A_107 : i32 to vector<16xi32>
        %parallel_loop3A_111 = arith.minsi %parallel_loop3A_110, %parallel_loop3A_109 : vector<16xi32>
        %parallel_loop3A_112 = arith.constant 8 : i32
        %parallel_loop3A_113 = vector.broadcast %parallel_loop3A_112 : i32 to vector<16xi32>
        %parallel_loop3A_114 = tpu.vector_load_idx %arg6[%parallel_loop3A_100, %parallel_loop3A_113] : memref<512x16xf32, #tpu.memory_space<vmem>>[vector<16xi32>, vector<16xi32>], vector<16xf32>,
        %parallel_loop3A_115 = arith.fptosi %parallel_loop3A_114 : vector<16xf32> to vector<16xi32>
        %parallel_loop3A_116 = arith.constant 0 : i32
        %parallel_loop3A_117 = arith.constant 399 : i32
        %parallel_loop3A_118 = vector.broadcast %parallel_loop3A_116 : i32 to vector<16xi32>
        %parallel_loop3A_119 = arith.maxsi %parallel_loop3A_118, %parallel_loop3A_115 : vector<16xi32>
        %parallel_loop3A_120 = vector.broadcast %parallel_loop3A_117 : i32 to vector<16xi32>
        %parallel_loop3A_121 = arith.minsi %parallel_loop3A_120, %parallel_loop3A_119 : vector<16xi32>
        %parallel_loop3A_122 = arith.constant 0 : i32
        %parallel_loop3A_123 = vector.broadcast %parallel_loop3A_122 : i32 to vector<16xi32>
        %parallel_loop3A_124 = tpu.vector_load_idx %arg5[%parallel_loop3A_111, %parallel_loop3A_123] : memref<400x33xf32, #tpu.memory_space<vmem>>[vector<16xi32>, vector<16xi32>], vector<16xf32>,
        %parallel_loop3A_125 = arith.constant 0 : i32
        %parallel_loop3A_126 = vector.broadcast %parallel_loop3A_125 : i32 to vector<16xi32>
        %parallel_loop3A_127 = tpu.vector_load_idx %arg5[%parallel_loop3A_121, %parallel_loop3A_126] : memref<400x33xf32, #tpu.memory_space<vmem>>[vector<16xi32>, vector<16xi32>], vector<16xf32>,
        %parallel_loop3A_128 = arith.constant 1 : i32
        %parallel_loop3A_129 = vector.broadcast %parallel_loop3A_128 : i32 to vector<16xi32>
        %parallel_loop3A_130 = tpu.vector_load_idx %arg5[%parallel_loop3A_111, %parallel_loop3A_129] : memref<400x33xf32, #tpu.memory_space<vmem>>[vector<16xi32>, vector<16xi32>], vector<16xf32>,
        %parallel_loop3A_131 = arith.constant 1 : i32
        %parallel_loop3A_132 = vector.broadcast %parallel_loop3A_131 : i32 to vector<16xi32>
        %parallel_loop3A_133 = tpu.vector_load_idx %arg5[%parallel_loop3A_121, %parallel_loop3A_132] : memref<400x33xf32, #tpu.memory_space<vmem>>[vector<16xi32>, vector<16xi32>], vector<16xf32>,
        %parallel_loop3A_134 = arith.constant 2 : i32
        %parallel_loop3A_135 = vector.broadcast %parallel_loop3A_134 : i32 to vector<16xi32>
        %parallel_loop3A_136 = tpu.vector_load_idx %arg5[%parallel_loop3A_111, %parallel_loop3A_135] : memref<400x33xf32, #tpu.memory_space<vmem>>[vector<16xi32>, vector<16xi32>], vector<16xf32>,
        %parallel_loop3A_137 = arith.constant 2 : i32
        %parallel_loop3A_138 = vector.broadcast %parallel_loop3A_137 : i32 to vector<16xi32>
        %parallel_loop3A_139 = tpu.vector_load_idx %arg5[%parallel_loop3A_121, %parallel_loop3A_138] : memref<400x33xf32, #tpu.memory_space<vmem>>[vector<16xi32>, vector<16xi32>], vector<16xf32>,
        %parallel_loop3A_140 = arith.constant 3 : i32
        %parallel_loop3A_141 = vector.broadcast %parallel_loop3A_140 : i32 to vector<16xi32>
        %parallel_loop3A_142 = tpu.vector_load_idx %arg5[%parallel_loop3A_111, %parallel_loop3A_141] : memref<400x33xf32, #tpu.memory_space<vmem>>[vector<16xi32>, vector<16xi32>], vector<16xf32>,
        %parallel_loop3A_143 = arith.constant 3 : i32
        %parallel_loop3A_144 = vector.broadcast %parallel_loop3A_143 : i32 to vector<16xi32>
        %parallel_loop3A_145 = tpu.vector_load_idx %arg5[%parallel_loop3A_121, %parallel_loop3A_144] : memref<400x33xf32, #tpu.memory_space<vmem>>[vector<16xi32>, vector<16xi32>], vector<16xf32>,
        %parallel_loop3A_146 = arith.constant 4 : i32
        %parallel_loop3A_147 = vector.broadcast %parallel_loop3A_146 : i32 to vector<16xi32>
        %parallel_loop3A_148 = tpu.vector_load_idx %arg5[%parallel_loop3A_111, %parallel_loop3A_147] : memref<400x33xf32, #tpu.memory_space<vmem>>[vector<16xi32>, vector<16xi32>], vector<16xf32>,
        %parallel_loop3A_149 = arith.constant 4 : i32
        %parallel_loop3A_150 = vector.broadcast %parallel_loop3A_149 : i32 to vector<16xi32>
        %parallel_loop3A_151 = tpu.vector_load_idx %arg5[%parallel_loop3A_121, %parallel_loop3A_150] : memref<400x33xf32, #tpu.memory_space<vmem>>[vector<16xi32>, vector<16xi32>], vector<16xf32>,
        %parallel_loop3A_152 = arith.constant 5 : i32
        %parallel_loop3A_153 = vector.broadcast %parallel_loop3A_152 : i32 to vector<16xi32>
        %parallel_loop3A_154 = tpu.vector_load_idx %arg5[%parallel_loop3A_111, %parallel_loop3A_153] : memref<400x33xf32, #tpu.memory_space<vmem>>[vector<16xi32>, vector<16xi32>], vector<16xf32>,
        %parallel_loop3A_155 = arith.constant 5 : i32
        %parallel_loop3A_156 = vector.broadcast %parallel_loop3A_155 : i32 to vector<16xi32>
        %parallel_loop3A_157 = tpu.vector_load_idx %arg5[%parallel_loop3A_121, %parallel_loop3A_156] : memref<400x33xf32, #tpu.memory_space<vmem>>[vector<16xi32>, vector<16xi32>], vector<16xf32>,
        %parallel_loop3A_158 = arith.constant 6 : i32
        %parallel_loop3A_159 = vector.broadcast %parallel_loop3A_158 : i32 to vector<16xi32>
        %parallel_loop3A_160 = tpu.vector_load_idx %arg5[%parallel_loop3A_111, %parallel_loop3A_159] : memref<400x33xf32, #tpu.memory_space<vmem>>[vector<16xi32>, vector<16xi32>], vector<16xf32>,
        %parallel_loop3A_161 = arith.constant 6 : i32
        %parallel_loop3A_162 = vector.broadcast %parallel_loop3A_161 : i32 to vector<16xi32>
        %parallel_loop3A_163 = tpu.vector_load_idx %arg5[%parallel_loop3A_121, %parallel_loop3A_162] : memref<400x33xf32, #tpu.memory_space<vmem>>[vector<16xi32>, vector<16xi32>], vector<16xf32>,
        %parallel_loop3A_164 = arith.constant 7 : i32
        %parallel_loop3A_165 = vector.broadcast %parallel_loop3A_164 : i32 to vector<16xi32>
        %parallel_loop3A_166 = tpu.vector_load_idx %arg5[%parallel_loop3A_111, %parallel_loop3A_165] : memref<400x33xf32, #tpu.memory_space<vmem>>[vector<16xi32>, vector<16xi32>], vector<16xf32>,
        %parallel_loop3A_167 = arith.constant 7 : i32
        %parallel_loop3A_168 = vector.broadcast %parallel_loop3A_167 : i32 to vector<16xi32>
        %parallel_loop3A_169 = tpu.vector_load_idx %arg5[%parallel_loop3A_121, %parallel_loop3A_168] : memref<400x33xf32, #tpu.memory_space<vmem>>[vector<16xi32>, vector<16xi32>], vector<16xf32>,
        %parallel_loop3A_170 = arith.constant 0 : i32
        %parallel_loop3A_171 = vector.broadcast %parallel_loop3A_170 : i32 to vector<16xi32>
        tpu.vector_store_idx %arg8[%parallel_loop3A_100, %parallel_loop3A_171], %parallel_loop3A_124 : memref<512x78xf32, #tpu.memory_space<vmem>>[vector<16xi32>, vector<16xi32>], vector<16xf32>,
        %parallel_loop3A_172 = arith.constant 39 : i32
        %parallel_loop3A_173 = vector.broadcast %parallel_loop3A_172 : i32 to vector<16xi32>
        tpu.vector_store_idx %arg8[%parallel_loop3A_100, %parallel_loop3A_173], %parallel_loop3A_127 : memref<512x78xf32, #tpu.memory_space<vmem>>[vector<16xi32>, vector<16xi32>], vector<16xf32>,
        %parallel_loop3A_174 = arith.constant 1 : i32
        %parallel_loop3A_175 = vector.broadcast %parallel_loop3A_174 : i32 to vector<16xi32>
        tpu.vector_store_idx %arg8[%parallel_loop3A_100, %parallel_loop3A_175], %parallel_loop3A_130 : memref<512x78xf32, #tpu.memory_space<vmem>>[vector<16xi32>, vector<16xi32>], vector<16xf32>,
        %parallel_loop3A_176 = arith.constant 40 : i32
        %parallel_loop3A_177 = vector.broadcast %parallel_loop3A_176 : i32 to vector<16xi32>
        tpu.vector_store_idx %arg8[%parallel_loop3A_100, %parallel_loop3A_177], %parallel_loop3A_133 : memref<512x78xf32, #tpu.memory_space<vmem>>[vector<16xi32>, vector<16xi32>], vector<16xf32>,
        %parallel_loop3A_178 = arith.constant 2 : i32
        %parallel_loop3A_179 = vector.broadcast %parallel_loop3A_178 : i32 to vector<16xi32>
        tpu.vector_store_idx %arg8[%parallel_loop3A_100, %parallel_loop3A_179], %parallel_loop3A_136 : memref<512x78xf32, #tpu.memory_space<vmem>>[vector<16xi32>, vector<16xi32>], vector<16xf32>,
        %parallel_loop3A_180 = arith.constant 41 : i32
        %parallel_loop3A_181 = vector.broadcast %parallel_loop3A_180 : i32 to vector<16xi32>
        tpu.vector_store_idx %arg8[%parallel_loop3A_100, %parallel_loop3A_181], %parallel_loop3A_139 : memref<512x78xf32, #tpu.memory_space<vmem>>[vector<16xi32>, vector<16xi32>], vector<16xf32>,
        %parallel_loop3A_182 = arith.constant 3 : i32
        %parallel_loop3A_183 = vector.broadcast %parallel_loop3A_182 : i32 to vector<16xi32>
        tpu.vector_store_idx %arg8[%parallel_loop3A_100, %parallel_loop3A_183], %parallel_loop3A_142 : memref<512x78xf32, #tpu.memory_space<vmem>>[vector<16xi32>, vector<16xi32>], vector<16xf32>,
        %parallel_loop3A_184 = arith.constant 42 : i32
        %parallel_loop3A_185 = vector.broadcast %parallel_loop3A_184 : i32 to vector<16xi32>
        tpu.vector_store_idx %arg8[%parallel_loop3A_100, %parallel_loop3A_185], %parallel_loop3A_145 : memref<512x78xf32, #tpu.memory_space<vmem>>[vector<16xi32>, vector<16xi32>], vector<16xf32>,
        %parallel_loop3A_186 = arith.constant 4 : i32
        %parallel_loop3A_187 = vector.broadcast %parallel_loop3A_186 : i32 to vector<16xi32>
        tpu.vector_store_idx %arg8[%parallel_loop3A_100, %parallel_loop3A_187], %parallel_loop3A_148 : memref<512x78xf32, #tpu.memory_space<vmem>>[vector<16xi32>, vector<16xi32>], vector<16xf32>,
        %parallel_loop3A_188 = arith.constant 43 : i32
        %parallel_loop3A_189 = vector.broadcast %parallel_loop3A_188 : i32 to vector<16xi32>
        tpu.vector_store_idx %arg8[%parallel_loop3A_100, %parallel_loop3A_189], %parallel_loop3A_151 : memref<512x78xf32, #tpu.memory_space<vmem>>[vector<16xi32>, vector<16xi32>], vector<16xf32>,
        %parallel_loop3A_190 = arith.constant 5 : i32
        %parallel_loop3A_191 = vector.broadcast %parallel_loop3A_190 : i32 to vector<16xi32>
        tpu.vector_store_idx %arg8[%parallel_loop3A_100, %parallel_loop3A_191], %parallel_loop3A_154 : memref<512x78xf32, #tpu.memory_space<vmem>>[vector<16xi32>, vector<16xi32>], vector<16xf32>,
        %parallel_loop3A_192 = arith.constant 44 : i32
        %parallel_loop3A_193 = vector.broadcast %parallel_loop3A_192 : i32 to vector<16xi32>
        tpu.vector_store_idx %arg8[%parallel_loop3A_100, %parallel_loop3A_193], %parallel_loop3A_157 : memref<512x78xf32, #tpu.memory_space<vmem>>[vector<16xi32>, vector<16xi32>], vector<16xf32>,
        %parallel_loop3A_194 = arith.constant 6 : i32
        %parallel_loop3A_195 = vector.broadcast %parallel_loop3A_194 : i32 to vector<16xi32>
        tpu.vector_store_idx %arg8[%parallel_loop3A_100, %parallel_loop3A_195], %parallel_loop3A_160 : memref<512x78xf32, #tpu.memory_space<vmem>>[vector<16xi32>, vector<16xi32>], vector<16xf32>,
        %parallel_loop3A_196 = arith.constant 45 : i32
        %parallel_loop3A_197 = vector.broadcast %parallel_loop3A_196 : i32 to vector<16xi32>
        tpu.vector_store_idx %arg8[%parallel_loop3A_100, %parallel_loop3A_197], %parallel_loop3A_163 : memref<512x78xf32, #tpu.memory_space<vmem>>[vector<16xi32>, vector<16xi32>], vector<16xf32>,
        %parallel_loop3A_198 = arith.constant 7 : i32
        %parallel_loop3A_199 = vector.broadcast %parallel_loop3A_198 : i32 to vector<16xi32>
        tpu.vector_store_idx %arg8[%parallel_loop3A_100, %parallel_loop3A_199], %parallel_loop3A_166 : memref<512x78xf32, #tpu.memory_space<vmem>>[vector<16xi32>, vector<16xi32>], vector<16xf32>,
        %parallel_loop3A_200 = arith.constant 46 : i32
        %parallel_loop3A_201 = vector.broadcast %parallel_loop3A_200 : i32 to vector<16xi32>
        tpu.vector_store_idx %arg8[%parallel_loop3A_100, %parallel_loop3A_201], %parallel_loop3A_169 : memref<512x78xf32, #tpu.memory_space<vmem>>[vector<16xi32>, vector<16xi32>], vector<16xf32>,
        %parallel_loop3A_202 = arith.constant 8 : i32
        %parallel_loop3A_203 = vector.broadcast %parallel_loop3A_202 : i32 to vector<16xi32>
        %parallel_loop3A_204 = tpu.vector_load_idx %arg5[%parallel_loop3A_111, %parallel_loop3A_203] : memref<400x33xf32, #tpu.memory_space<vmem>>[vector<16xi32>, vector<16xi32>], vector<16xf32>,
        %parallel_loop3A_205 = arith.constant 8 : i32
        %parallel_loop3A_206 = vector.broadcast %parallel_loop3A_205 : i32 to vector<16xi32>
        %parallel_loop3A_207 = tpu.vector_load_idx %arg5[%parallel_loop3A_121, %parallel_loop3A_206] : memref<400x33xf32, #tpu.memory_space<vmem>>[vector<16xi32>, vector<16xi32>], vector<16xf32>,
        %parallel_loop3A_208 = arith.constant 9 : i32
        %parallel_loop3A_209 = vector.broadcast %parallel_loop3A_208 : i32 to vector<16xi32>
        %parallel_loop3A_210 = tpu.vector_load_idx %arg5[%parallel_loop3A_111, %parallel_loop3A_209] : memref<400x33xf32, #tpu.memory_space<vmem>>[vector<16xi32>, vector<16xi32>], vector<16xf32>,
        %parallel_loop3A_211 = arith.constant 9 : i32
        %parallel_loop3A_212 = vector.broadcast %parallel_loop3A_211 : i32 to vector<16xi32>
        %parallel_loop3A_213 = tpu.vector_load_idx %arg5[%parallel_loop3A_121, %parallel_loop3A_212] : memref<400x33xf32, #tpu.memory_space<vmem>>[vector<16xi32>, vector<16xi32>], vector<16xf32>,
        %parallel_loop3A_214 = arith.constant 10 : i32
        %parallel_loop3A_215 = vector.broadcast %parallel_loop3A_214 : i32 to vector<16xi32>
        %parallel_loop3A_216 = tpu.vector_load_idx %arg5[%parallel_loop3A_111, %parallel_loop3A_215] : memref<400x33xf32, #tpu.memory_space<vmem>>[vector<16xi32>, vector<16xi32>], vector<16xf32>,
        %parallel_loop3A_217 = arith.constant 10 : i32
        %parallel_loop3A_218 = vector.broadcast %parallel_loop3A_217 : i32 to vector<16xi32>
        %parallel_loop3A_219 = tpu.vector_load_idx %arg5[%parallel_loop3A_121, %parallel_loop3A_218] : memref<400x33xf32, #tpu.memory_space<vmem>>[vector<16xi32>, vector<16xi32>], vector<16xf32>,
        %parallel_loop3A_220 = arith.constant 11 : i32
        %parallel_loop3A_221 = vector.broadcast %parallel_loop3A_220 : i32 to vector<16xi32>
        %parallel_loop3A_222 = tpu.vector_load_idx %arg5[%parallel_loop3A_111, %parallel_loop3A_221] : memref<400x33xf32, #tpu.memory_space<vmem>>[vector<16xi32>, vector<16xi32>], vector<16xf32>,
        %parallel_loop3A_223 = arith.constant 11 : i32
        %parallel_loop3A_224 = vector.broadcast %parallel_loop3A_223 : i32 to vector<16xi32>
        %parallel_loop3A_225 = tpu.vector_load_idx %arg5[%parallel_loop3A_121, %parallel_loop3A_224] : memref<400x33xf32, #tpu.memory_space<vmem>>[vector<16xi32>, vector<16xi32>], vector<16xf32>,
        %parallel_loop3A_226 = arith.constant 12 : i32
        %parallel_loop3A_227 = vector.broadcast %parallel_loop3A_226 : i32 to vector<16xi32>
        %parallel_loop3A_228 = tpu.vector_load_idx %arg5[%parallel_loop3A_111, %parallel_loop3A_227] : memref<400x33xf32, #tpu.memory_space<vmem>>[vector<16xi32>, vector<16xi32>], vector<16xf32>,
        %parallel_loop3A_229 = arith.constant 12 : i32
        %parallel_loop3A_230 = vector.broadcast %parallel_loop3A_229 : i32 to vector<16xi32>
        %parallel_loop3A_231 = tpu.vector_load_idx %arg5[%parallel_loop3A_121, %parallel_loop3A_230] : memref<400x33xf32, #tpu.memory_space<vmem>>[vector<16xi32>, vector<16xi32>], vector<16xf32>,
        %parallel_loop3A_232 = arith.constant 13 : i32
        %parallel_loop3A_233 = vector.broadcast %parallel_loop3A_232 : i32 to vector<16xi32>
        %parallel_loop3A_234 = tpu.vector_load_idx %arg5[%parallel_loop3A_111, %parallel_loop3A_233] : memref<400x33xf32, #tpu.memory_space<vmem>>[vector<16xi32>, vector<16xi32>], vector<16xf32>,
        %parallel_loop3A_235 = arith.constant 13 : i32
        %parallel_loop3A_236 = vector.broadcast %parallel_loop3A_235 : i32 to vector<16xi32>
        %parallel_loop3A_237 = tpu.vector_load_idx %arg5[%parallel_loop3A_121, %parallel_loop3A_236] : memref<400x33xf32, #tpu.memory_space<vmem>>[vector<16xi32>, vector<16xi32>], vector<16xf32>,
        %parallel_loop3A_238 = arith.constant 14 : i32
        %parallel_loop3A_239 = vector.broadcast %parallel_loop3A_238 : i32 to vector<16xi32>
        %parallel_loop3A_240 = tpu.vector_load_idx %arg5[%parallel_loop3A_111, %parallel_loop3A_239] : memref<400x33xf32, #tpu.memory_space<vmem>>[vector<16xi32>, vector<16xi32>], vector<16xf32>,
        %parallel_loop3A_241 = arith.constant 14 : i32
        %parallel_loop3A_242 = vector.broadcast %parallel_loop3A_241 : i32 to vector<16xi32>
        %parallel_loop3A_243 = tpu.vector_load_idx %arg5[%parallel_loop3A_121, %parallel_loop3A_242] : memref<400x33xf32, #tpu.memory_space<vmem>>[vector<16xi32>, vector<16xi32>], vector<16xf32>,
        %parallel_loop3A_244 = arith.constant 15 : i32
        %parallel_loop3A_245 = vector.broadcast %parallel_loop3A_244 : i32 to vector<16xi32>
        %parallel_loop3A_246 = tpu.vector_load_idx %arg5[%parallel_loop3A_111, %parallel_loop3A_245] : memref<400x33xf32, #tpu.memory_space<vmem>>[vector<16xi32>, vector<16xi32>], vector<16xf32>,
        %parallel_loop3A_247 = arith.constant 15 : i32
        %parallel_loop3A_248 = vector.broadcast %parallel_loop3A_247 : i32 to vector<16xi32>
        %parallel_loop3A_249 = tpu.vector_load_idx %arg5[%parallel_loop3A_121, %parallel_loop3A_248] : memref<400x33xf32, #tpu.memory_space<vmem>>[vector<16xi32>, vector<16xi32>], vector<16xf32>,
        %parallel_loop3A_250 = arith.constant 8 : i32
        %parallel_loop3A_251 = vector.broadcast %parallel_loop3A_250 : i32 to vector<16xi32>
        tpu.vector_store_idx %arg8[%parallel_loop3A_100, %parallel_loop3A_251], %parallel_loop3A_204 : memref<512x78xf32, #tpu.memory_space<vmem>>[vector<16xi32>, vector<16xi32>], vector<16xf32>,
        %parallel_loop3A_252 = arith.constant 47 : i32
        %parallel_loop3A_253 = vector.broadcast %parallel_loop3A_252 : i32 to vector<16xi32>
        tpu.vector_store_idx %arg8[%parallel_loop3A_100, %parallel_loop3A_253], %parallel_loop3A_207 : memref<512x78xf32, #tpu.memory_space<vmem>>[vector<16xi32>, vector<16xi32>], vector<16xf32>,
        %parallel_loop3A_254 = arith.constant 9 : i32
        %parallel_loop3A_255 = vector.broadcast %parallel_loop3A_254 : i32 to vector<16xi32>
        tpu.vector_store_idx %arg8[%parallel_loop3A_100, %parallel_loop3A_255], %parallel_loop3A_210 : memref<512x78xf32, #tpu.memory_space<vmem>>[vector<16xi32>, vector<16xi32>], vector<16xf32>,
        %parallel_loop3A_256 = arith.constant 48 : i32
        %parallel_loop3A_257 = vector.broadcast %parallel_loop3A_256 : i32 to vector<16xi32>
        tpu.vector_store_idx %arg8[%parallel_loop3A_100, %parallel_loop3A_257], %parallel_loop3A_213 : memref<512x78xf32, #tpu.memory_space<vmem>>[vector<16xi32>, vector<16xi32>], vector<16xf32>,
        %parallel_loop3A_258 = arith.constant 10 : i32
        %parallel_loop3A_259 = vector.broadcast %parallel_loop3A_258 : i32 to vector<16xi32>
        tpu.vector_store_idx %arg8[%parallel_loop3A_100, %parallel_loop3A_259], %parallel_loop3A_216 : memref<512x78xf32, #tpu.memory_space<vmem>>[vector<16xi32>, vector<16xi32>], vector<16xf32>,
        %parallel_loop3A_260 = arith.constant 49 : i32
        %parallel_loop3A_261 = vector.broadcast %parallel_loop3A_260 : i32 to vector<16xi32>
        tpu.vector_store_idx %arg8[%parallel_loop3A_100, %parallel_loop3A_261], %parallel_loop3A_219 : memref<512x78xf32, #tpu.memory_space<vmem>>[vector<16xi32>, vector<16xi32>], vector<16xf32>,
        %parallel_loop3A_262 = arith.constant 11 : i32
        %parallel_loop3A_263 = vector.broadcast %parallel_loop3A_262 : i32 to vector<16xi32>
        tpu.vector_store_idx %arg8[%parallel_loop3A_100, %parallel_loop3A_263], %parallel_loop3A_222 : memref<512x78xf32, #tpu.memory_space<vmem>>[vector<16xi32>, vector<16xi32>], vector<16xf32>,
        %parallel_loop3A_264 = arith.constant 50 : i32
        %parallel_loop3A_265 = vector.broadcast %parallel_loop3A_264 : i32 to vector<16xi32>
        tpu.vector_store_idx %arg8[%parallel_loop3A_100, %parallel_loop3A_265], %parallel_loop3A_225 : memref<512x78xf32, #tpu.memory_space<vmem>>[vector<16xi32>, vector<16xi32>], vector<16xf32>,
        %parallel_loop3A_266 = arith.constant 12 : i32
        %parallel_loop3A_267 = vector.broadcast %parallel_loop3A_266 : i32 to vector<16xi32>
        tpu.vector_store_idx %arg8[%parallel_loop3A_100, %parallel_loop3A_267], %parallel_loop3A_228 : memref<512x78xf32, #tpu.memory_space<vmem>>[vector<16xi32>, vector<16xi32>], vector<16xf32>,
        %parallel_loop3A_268 = arith.constant 51 : i32
        %parallel_loop3A_269 = vector.broadcast %parallel_loop3A_268 : i32 to vector<16xi32>
        tpu.vector_store_idx %arg8[%parallel_loop3A_100, %parallel_loop3A_269], %parallel_loop3A_231 : memref<512x78xf32, #tpu.memory_space<vmem>>[vector<16xi32>, vector<16xi32>], vector<16xf32>,
        %parallel_loop3A_270 = arith.constant 13 : i32
        %parallel_loop3A_271 = vector.broadcast %parallel_loop3A_270 : i32 to vector<16xi32>
        tpu.vector_store_idx %arg8[%parallel_loop3A_100, %parallel_loop3A_271], %parallel_loop3A_234 : memref<512x78xf32, #tpu.memory_space<vmem>>[vector<16xi32>, vector<16xi32>], vector<16xf32>,
        %parallel_loop3A_272 = arith.constant 52 : i32
        %parallel_loop3A_273 = vector.broadcast %parallel_loop3A_272 : i32 to vector<16xi32>
        tpu.vector_store_idx %arg8[%parallel_loop3A_100, %parallel_loop3A_273], %parallel_loop3A_237 : memref<512x78xf32, #tpu.memory_space<vmem>>[vector<16xi32>, vector<16xi32>], vector<16xf32>,
        %parallel_loop3A_274 = arith.constant 14 : i32
        %parallel_loop3A_275 = vector.broadcast %parallel_loop3A_274 : i32 to vector<16xi32>
        tpu.vector_store_idx %arg8[%parallel_loop3A_100, %parallel_loop3A_275], %parallel_loop3A_240 : memref<512x78xf32, #tpu.memory_space<vmem>>[vector<16xi32>, vector<16xi32>], vector<16xf32>,
        %parallel_loop3A_276 = arith.constant 53 : i32
        %parallel_loop3A_277 = vector.broadcast %parallel_loop3A_276 : i32 to vector<16xi32>
        tpu.vector_store_idx %arg8[%parallel_loop3A_100, %parallel_loop3A_277], %parallel_loop3A_243 : memref<512x78xf32, #tpu.memory_space<vmem>>[vector<16xi32>, vector<16xi32>], vector<16xf32>,
        %parallel_loop3A_278 = arith.constant 15 : i32
        %parallel_loop3A_279 = vector.broadcast %parallel_loop3A_278 : i32 to vector<16xi32>
        tpu.vector_store_idx %arg8[%parallel_loop3A_100, %parallel_loop3A_279], %parallel_loop3A_246 : memref<512x78xf32, #tpu.memory_space<vmem>>[vector<16xi32>, vector<16xi32>], vector<16xf32>,
        %parallel_loop3A_280 = arith.constant 54 : i32
        %parallel_loop3A_281 = vector.broadcast %parallel_loop3A_280 : i32 to vector<16xi32>
        tpu.vector_store_idx %arg8[%parallel_loop3A_100, %parallel_loop3A_281], %parallel_loop3A_249 : memref<512x78xf32, #tpu.memory_space<vmem>>[vector<16xi32>, vector<16xi32>], vector<16xf32>,
        %parallel_loop3A_282 = arith.constant 16 : i32
        %parallel_loop3A_283 = vector.broadcast %parallel_loop3A_282 : i32 to vector<16xi32>
        %parallel_loop3A_284 = tpu.vector_load_idx %arg5[%parallel_loop3A_111, %parallel_loop3A_283] : memref<400x33xf32, #tpu.memory_space<vmem>>[vector<16xi32>, vector<16xi32>], vector<16xf32>,
        %parallel_loop3A_285 = arith.constant 16 : i32
        %parallel_loop3A_286 = vector.broadcast %parallel_loop3A_285 : i32 to vector<16xi32>
        %parallel_loop3A_287 = tpu.vector_load_idx %arg5[%parallel_loop3A_121, %parallel_loop3A_286] : memref<400x33xf32, #tpu.memory_space<vmem>>[vector<16xi32>, vector<16xi32>], vector<16xf32>,
        %parallel_loop3A_288 = arith.constant 17 : i32
        %parallel_loop3A_289 = vector.broadcast %parallel_loop3A_288 : i32 to vector<16xi32>
        %parallel_loop3A_290 = tpu.vector_load_idx %arg5[%parallel_loop3A_111, %parallel_loop3A_289] : memref<400x33xf32, #tpu.memory_space<vmem>>[vector<16xi32>, vector<16xi32>], vector<16xf32>,
        %parallel_loop3A_291 = arith.constant 17 : i32
        %parallel_loop3A_292 = vector.broadcast %parallel_loop3A_291 : i32 to vector<16xi32>
        %parallel_loop3A_293 = tpu.vector_load_idx %arg5[%parallel_loop3A_121, %parallel_loop3A_292] : memref<400x33xf32, #tpu.memory_space<vmem>>[vector<16xi32>, vector<16xi32>], vector<16xf32>,
        %parallel_loop3A_294 = arith.constant 18 : i32
        %parallel_loop3A_295 = vector.broadcast %parallel_loop3A_294 : i32 to vector<16xi32>
        %parallel_loop3A_296 = tpu.vector_load_idx %arg5[%parallel_loop3A_111, %parallel_loop3A_295] : memref<400x33xf32, #tpu.memory_space<vmem>>[vector<16xi32>, vector<16xi32>], vector<16xf32>,
        %parallel_loop3A_297 = arith.constant 18 : i32
        %parallel_loop3A_298 = vector.broadcast %parallel_loop3A_297 : i32 to vector<16xi32>
        %parallel_loop3A_299 = tpu.vector_load_idx %arg5[%parallel_loop3A_121, %parallel_loop3A_298] : memref<400x33xf32, #tpu.memory_space<vmem>>[vector<16xi32>, vector<16xi32>], vector<16xf32>,
        %parallel_loop3A_300 = arith.constant 19 : i32
        %parallel_loop3A_301 = vector.broadcast %parallel_loop3A_300 : i32 to vector<16xi32>
        %parallel_loop3A_302 = tpu.vector_load_idx %arg5[%parallel_loop3A_111, %parallel_loop3A_301] : memref<400x33xf32, #tpu.memory_space<vmem>>[vector<16xi32>, vector<16xi32>], vector<16xf32>,
        %parallel_loop3A_303 = arith.constant 19 : i32
        %parallel_loop3A_304 = vector.broadcast %parallel_loop3A_303 : i32 to vector<16xi32>
        %parallel_loop3A_305 = tpu.vector_load_idx %arg5[%parallel_loop3A_121, %parallel_loop3A_304] : memref<400x33xf32, #tpu.memory_space<vmem>>[vector<16xi32>, vector<16xi32>], vector<16xf32>,
        %parallel_loop3A_306 = arith.constant 20 : i32
        %parallel_loop3A_307 = vector.broadcast %parallel_loop3A_306 : i32 to vector<16xi32>
        %parallel_loop3A_308 = tpu.vector_load_idx %arg5[%parallel_loop3A_111, %parallel_loop3A_307] : memref<400x33xf32, #tpu.memory_space<vmem>>[vector<16xi32>, vector<16xi32>], vector<16xf32>,
        %parallel_loop3A_309 = arith.constant 20 : i32
        %parallel_loop3A_310 = vector.broadcast %parallel_loop3A_309 : i32 to vector<16xi32>
        %parallel_loop3A_311 = tpu.vector_load_idx %arg5[%parallel_loop3A_121, %parallel_loop3A_310] : memref<400x33xf32, #tpu.memory_space<vmem>>[vector<16xi32>, vector<16xi32>], vector<16xf32>,
        %parallel_loop3A_312 = arith.constant 21 : i32
        %parallel_loop3A_313 = vector.broadcast %parallel_loop3A_312 : i32 to vector<16xi32>
        %parallel_loop3A_314 = tpu.vector_load_idx %arg5[%parallel_loop3A_111, %parallel_loop3A_313] : memref<400x33xf32, #tpu.memory_space<vmem>>[vector<16xi32>, vector<16xi32>], vector<16xf32>,
        %parallel_loop3A_315 = arith.constant 21 : i32
        %parallel_loop3A_316 = vector.broadcast %parallel_loop3A_315 : i32 to vector<16xi32>
        %parallel_loop3A_317 = tpu.vector_load_idx %arg5[%parallel_loop3A_121, %parallel_loop3A_316] : memref<400x33xf32, #tpu.memory_space<vmem>>[vector<16xi32>, vector<16xi32>], vector<16xf32>,
        %parallel_loop3A_318 = arith.constant 22 : i32
        %parallel_loop3A_319 = vector.broadcast %parallel_loop3A_318 : i32 to vector<16xi32>
        %parallel_loop3A_320 = tpu.vector_load_idx %arg5[%parallel_loop3A_111, %parallel_loop3A_319] : memref<400x33xf32, #tpu.memory_space<vmem>>[vector<16xi32>, vector<16xi32>], vector<16xf32>,
        %parallel_loop3A_321 = arith.constant 22 : i32
        %parallel_loop3A_322 = vector.broadcast %parallel_loop3A_321 : i32 to vector<16xi32>
        %parallel_loop3A_323 = tpu.vector_load_idx %arg5[%parallel_loop3A_121, %parallel_loop3A_322] : memref<400x33xf32, #tpu.memory_space<vmem>>[vector<16xi32>, vector<16xi32>], vector<16xf32>,
        %parallel_loop3A_324 = arith.constant 23 : i32
        %parallel_loop3A_325 = vector.broadcast %parallel_loop3A_324 : i32 to vector<16xi32>
        %parallel_loop3A_326 = tpu.vector_load_idx %arg5[%parallel_loop3A_111, %parallel_loop3A_325] : memref<400x33xf32, #tpu.memory_space<vmem>>[vector<16xi32>, vector<16xi32>], vector<16xf32>,
        %parallel_loop3A_327 = arith.constant 23 : i32
        %parallel_loop3A_328 = vector.broadcast %parallel_loop3A_327 : i32 to vector<16xi32>
        %parallel_loop3A_329 = tpu.vector_load_idx %arg5[%parallel_loop3A_121, %parallel_loop3A_328] : memref<400x33xf32, #tpu.memory_space<vmem>>[vector<16xi32>, vector<16xi32>], vector<16xf32>,
        %parallel_loop3A_330 = arith.constant 16 : i32
        %parallel_loop3A_331 = vector.broadcast %parallel_loop3A_330 : i32 to vector<16xi32>
        tpu.vector_store_idx %arg8[%parallel_loop3A_100, %parallel_loop3A_331], %parallel_loop3A_284 : memref<512x78xf32, #tpu.memory_space<vmem>>[vector<16xi32>, vector<16xi32>], vector<16xf32>,
        %parallel_loop3A_332 = arith.constant 55 : i32
        %parallel_loop3A_333 = vector.broadcast %parallel_loop3A_332 : i32 to vector<16xi32>
        tpu.vector_store_idx %arg8[%parallel_loop3A_100, %parallel_loop3A_333], %parallel_loop3A_287 : memref<512x78xf32, #tpu.memory_space<vmem>>[vector<16xi32>, vector<16xi32>], vector<16xf32>,
        %parallel_loop3A_334 = arith.constant 17 : i32
        %parallel_loop3A_335 = vector.broadcast %parallel_loop3A_334 : i32 to vector<16xi32>
        tpu.vector_store_idx %arg8[%parallel_loop3A_100, %parallel_loop3A_335], %parallel_loop3A_290 : memref<512x78xf32, #tpu.memory_space<vmem>>[vector<16xi32>, vector<16xi32>], vector<16xf32>,
        %parallel_loop3A_336 = arith.constant 56 : i32
        %parallel_loop3A_337 = vector.broadcast %parallel_loop3A_336 : i32 to vector<16xi32>
        tpu.vector_store_idx %arg8[%parallel_loop3A_100, %parallel_loop3A_337], %parallel_loop3A_293 : memref<512x78xf32, #tpu.memory_space<vmem>>[vector<16xi32>, vector<16xi32>], vector<16xf32>,
        %parallel_loop3A_338 = arith.constant 18 : i32
        %parallel_loop3A_339 = vector.broadcast %parallel_loop3A_338 : i32 to vector<16xi32>
        tpu.vector_store_idx %arg8[%parallel_loop3A_100, %parallel_loop3A_339], %parallel_loop3A_296 : memref<512x78xf32, #tpu.memory_space<vmem>>[vector<16xi32>, vector<16xi32>], vector<16xf32>,
        %parallel_loop3A_340 = arith.constant 57 : i32
        %parallel_loop3A_341 = vector.broadcast %parallel_loop3A_340 : i32 to vector<16xi32>
        tpu.vector_store_idx %arg8[%parallel_loop3A_100, %parallel_loop3A_341], %parallel_loop3A_299 : memref<512x78xf32, #tpu.memory_space<vmem>>[vector<16xi32>, vector<16xi32>], vector<16xf32>,
        %parallel_loop3A_342 = arith.constant 19 : i32
        %parallel_loop3A_343 = vector.broadcast %parallel_loop3A_342 : i32 to vector<16xi32>
        tpu.vector_store_idx %arg8[%parallel_loop3A_100, %parallel_loop3A_343], %parallel_loop3A_302 : memref<512x78xf32, #tpu.memory_space<vmem>>[vector<16xi32>, vector<16xi32>], vector<16xf32>,
        %parallel_loop3A_344 = arith.constant 58 : i32
        %parallel_loop3A_345 = vector.broadcast %parallel_loop3A_344 : i32 to vector<16xi32>
        tpu.vector_store_idx %arg8[%parallel_loop3A_100, %parallel_loop3A_345], %parallel_loop3A_305 : memref<512x78xf32, #tpu.memory_space<vmem>>[vector<16xi32>, vector<16xi32>], vector<16xf32>,
        %parallel_loop3A_346 = arith.constant 20 : i32
        %parallel_loop3A_347 = vector.broadcast %parallel_loop3A_346 : i32 to vector<16xi32>
        tpu.vector_store_idx %arg8[%parallel_loop3A_100, %parallel_loop3A_347], %parallel_loop3A_308 : memref<512x78xf32, #tpu.memory_space<vmem>>[vector<16xi32>, vector<16xi32>], vector<16xf32>,
        %parallel_loop3A_348 = arith.constant 59 : i32
        %parallel_loop3A_349 = vector.broadcast %parallel_loop3A_348 : i32 to vector<16xi32>
        tpu.vector_store_idx %arg8[%parallel_loop3A_100, %parallel_loop3A_349], %parallel_loop3A_311 : memref<512x78xf32, #tpu.memory_space<vmem>>[vector<16xi32>, vector<16xi32>], vector<16xf32>,
        %parallel_loop3A_350 = arith.constant 21 : i32
        %parallel_loop3A_351 = vector.broadcast %parallel_loop3A_350 : i32 to vector<16xi32>
        tpu.vector_store_idx %arg8[%parallel_loop3A_100, %parallel_loop3A_351], %parallel_loop3A_314 : memref<512x78xf32, #tpu.memory_space<vmem>>[vector<16xi32>, vector<16xi32>], vector<16xf32>,
        %parallel_loop3A_352 = arith.constant 60 : i32
        %parallel_loop3A_353 = vector.broadcast %parallel_loop3A_352 : i32 to vector<16xi32>
        tpu.vector_store_idx %arg8[%parallel_loop3A_100, %parallel_loop3A_353], %parallel_loop3A_317 : memref<512x78xf32, #tpu.memory_space<vmem>>[vector<16xi32>, vector<16xi32>], vector<16xf32>,
        %parallel_loop3A_354 = arith.constant 22 : i32
        %parallel_loop3A_355 = vector.broadcast %parallel_loop3A_354 : i32 to vector<16xi32>
        tpu.vector_store_idx %arg8[%parallel_loop3A_100, %parallel_loop3A_355], %parallel_loop3A_320 : memref<512x78xf32, #tpu.memory_space<vmem>>[vector<16xi32>, vector<16xi32>], vector<16xf32>,
        %parallel_loop3A_356 = arith.constant 61 : i32
        %parallel_loop3A_357 = vector.broadcast %parallel_loop3A_356 : i32 to vector<16xi32>
        tpu.vector_store_idx %arg8[%parallel_loop3A_100, %parallel_loop3A_357], %parallel_loop3A_323 : memref<512x78xf32, #tpu.memory_space<vmem>>[vector<16xi32>, vector<16xi32>], vector<16xf32>,
        %parallel_loop3A_358 = arith.constant 23 : i32
        %parallel_loop3A_359 = vector.broadcast %parallel_loop3A_358 : i32 to vector<16xi32>
        tpu.vector_store_idx %arg8[%parallel_loop3A_100, %parallel_loop3A_359], %parallel_loop3A_326 : memref<512x78xf32, #tpu.memory_space<vmem>>[vector<16xi32>, vector<16xi32>], vector<16xf32>,
        %parallel_loop3A_360 = arith.constant 62 : i32
        %parallel_loop3A_361 = vector.broadcast %parallel_loop3A_360 : i32 to vector<16xi32>
        tpu.vector_store_idx %arg8[%parallel_loop3A_100, %parallel_loop3A_361], %parallel_loop3A_329 : memref<512x78xf32, #tpu.memory_space<vmem>>[vector<16xi32>, vector<16xi32>], vector<16xf32>,
        %parallel_loop3A_362 = arith.constant 24 : i32
        %parallel_loop3A_363 = vector.broadcast %parallel_loop3A_362 : i32 to vector<16xi32>
        %parallel_loop3A_364 = tpu.vector_load_idx %arg5[%parallel_loop3A_111, %parallel_loop3A_363] : memref<400x33xf32, #tpu.memory_space<vmem>>[vector<16xi32>, vector<16xi32>], vector<16xf32>,
        %parallel_loop3A_365 = arith.constant 24 : i32
        %parallel_loop3A_366 = vector.broadcast %parallel_loop3A_365 : i32 to vector<16xi32>
        %parallel_loop3A_367 = tpu.vector_load_idx %arg5[%parallel_loop3A_121, %parallel_loop3A_366] : memref<400x33xf32, #tpu.memory_space<vmem>>[vector<16xi32>, vector<16xi32>], vector<16xf32>,
        %parallel_loop3A_368 = arith.constant 25 : i32
        %parallel_loop3A_369 = vector.broadcast %parallel_loop3A_368 : i32 to vector<16xi32>
        %parallel_loop3A_370 = tpu.vector_load_idx %arg5[%parallel_loop3A_111, %parallel_loop3A_369] : memref<400x33xf32, #tpu.memory_space<vmem>>[vector<16xi32>, vector<16xi32>], vector<16xf32>,
        %parallel_loop3A_371 = arith.constant 25 : i32
        %parallel_loop3A_372 = vector.broadcast %parallel_loop3A_371 : i32 to vector<16xi32>
        %parallel_loop3A_373 = tpu.vector_load_idx %arg5[%parallel_loop3A_121, %parallel_loop3A_372] : memref<400x33xf32, #tpu.memory_space<vmem>>[vector<16xi32>, vector<16xi32>], vector<16xf32>,
        %parallel_loop3A_374 = arith.constant 26 : i32
        %parallel_loop3A_375 = vector.broadcast %parallel_loop3A_374 : i32 to vector<16xi32>
        %parallel_loop3A_376 = tpu.vector_load_idx %arg5[%parallel_loop3A_111, %parallel_loop3A_375] : memref<400x33xf32, #tpu.memory_space<vmem>>[vector<16xi32>, vector<16xi32>], vector<16xf32>,
        %parallel_loop3A_377 = arith.constant 26 : i32
        %parallel_loop3A_378 = vector.broadcast %parallel_loop3A_377 : i32 to vector<16xi32>
        %parallel_loop3A_379 = tpu.vector_load_idx %arg5[%parallel_loop3A_121, %parallel_loop3A_378] : memref<400x33xf32, #tpu.memory_space<vmem>>[vector<16xi32>, vector<16xi32>], vector<16xf32>,
        %parallel_loop3A_380 = arith.constant 27 : i32
        %parallel_loop3A_381 = vector.broadcast %parallel_loop3A_380 : i32 to vector<16xi32>
        %parallel_loop3A_382 = tpu.vector_load_idx %arg5[%parallel_loop3A_111, %parallel_loop3A_381] : memref<400x33xf32, #tpu.memory_space<vmem>>[vector<16xi32>, vector<16xi32>], vector<16xf32>,
        %parallel_loop3A_383 = arith.constant 27 : i32
        %parallel_loop3A_384 = vector.broadcast %parallel_loop3A_383 : i32 to vector<16xi32>
        %parallel_loop3A_385 = tpu.vector_load_idx %arg5[%parallel_loop3A_121, %parallel_loop3A_384] : memref<400x33xf32, #tpu.memory_space<vmem>>[vector<16xi32>, vector<16xi32>], vector<16xf32>,
        %parallel_loop3A_386 = arith.constant 28 : i32
        %parallel_loop3A_387 = vector.broadcast %parallel_loop3A_386 : i32 to vector<16xi32>
        %parallel_loop3A_388 = tpu.vector_load_idx %arg5[%parallel_loop3A_111, %parallel_loop3A_387] : memref<400x33xf32, #tpu.memory_space<vmem>>[vector<16xi32>, vector<16xi32>], vector<16xf32>,
        %parallel_loop3A_389 = arith.constant 28 : i32
        %parallel_loop3A_390 = vector.broadcast %parallel_loop3A_389 : i32 to vector<16xi32>
        %parallel_loop3A_391 = tpu.vector_load_idx %arg5[%parallel_loop3A_121, %parallel_loop3A_390] : memref<400x33xf32, #tpu.memory_space<vmem>>[vector<16xi32>, vector<16xi32>], vector<16xf32>,
        %parallel_loop3A_392 = arith.constant 29 : i32
        %parallel_loop3A_393 = vector.broadcast %parallel_loop3A_392 : i32 to vector<16xi32>
        %parallel_loop3A_394 = tpu.vector_load_idx %arg5[%parallel_loop3A_111, %parallel_loop3A_393] : memref<400x33xf32, #tpu.memory_space<vmem>>[vector<16xi32>, vector<16xi32>], vector<16xf32>,
        %parallel_loop3A_395 = arith.constant 29 : i32
        %parallel_loop3A_396 = vector.broadcast %parallel_loop3A_395 : i32 to vector<16xi32>
        %parallel_loop3A_397 = tpu.vector_load_idx %arg5[%parallel_loop3A_121, %parallel_loop3A_396] : memref<400x33xf32, #tpu.memory_space<vmem>>[vector<16xi32>, vector<16xi32>], vector<16xf32>,
        %parallel_loop3A_398 = arith.constant 30 : i32
        %parallel_loop3A_399 = vector.broadcast %parallel_loop3A_398 : i32 to vector<16xi32>
        %parallel_loop3A_400 = tpu.vector_load_idx %arg5[%parallel_loop3A_111, %parallel_loop3A_399] : memref<400x33xf32, #tpu.memory_space<vmem>>[vector<16xi32>, vector<16xi32>], vector<16xf32>,
        %parallel_loop3A_401 = arith.constant 30 : i32
        %parallel_loop3A_402 = vector.broadcast %parallel_loop3A_401 : i32 to vector<16xi32>
        %parallel_loop3A_403 = tpu.vector_load_idx %arg5[%parallel_loop3A_121, %parallel_loop3A_402] : memref<400x33xf32, #tpu.memory_space<vmem>>[vector<16xi32>, vector<16xi32>], vector<16xf32>,
        %parallel_loop3A_404 = arith.constant 31 : i32
        %parallel_loop3A_405 = vector.broadcast %parallel_loop3A_404 : i32 to vector<16xi32>
        %parallel_loop3A_406 = tpu.vector_load_idx %arg5[%parallel_loop3A_111, %parallel_loop3A_405] : memref<400x33xf32, #tpu.memory_space<vmem>>[vector<16xi32>, vector<16xi32>], vector<16xf32>,
        %parallel_loop3A_407 = arith.constant 31 : i32
        %parallel_loop3A_408 = vector.broadcast %parallel_loop3A_407 : i32 to vector<16xi32>
        %parallel_loop3A_409 = tpu.vector_load_idx %arg5[%parallel_loop3A_121, %parallel_loop3A_408] : memref<400x33xf32, #tpu.memory_space<vmem>>[vector<16xi32>, vector<16xi32>], vector<16xf32>,
        %parallel_loop3A_410 = arith.constant 24 : i32
        %parallel_loop3A_411 = vector.broadcast %parallel_loop3A_410 : i32 to vector<16xi32>
        tpu.vector_store_idx %arg8[%parallel_loop3A_100, %parallel_loop3A_411], %parallel_loop3A_364 : memref<512x78xf32, #tpu.memory_space<vmem>>[vector<16xi32>, vector<16xi32>], vector<16xf32>,
        %parallel_loop3A_412 = arith.constant 63 : i32
        %parallel_loop3A_413 = vector.broadcast %parallel_loop3A_412 : i32 to vector<16xi32>
        tpu.vector_store_idx %arg8[%parallel_loop3A_100, %parallel_loop3A_413], %parallel_loop3A_367 : memref<512x78xf32, #tpu.memory_space<vmem>>[vector<16xi32>, vector<16xi32>], vector<16xf32>,
        %parallel_loop3A_414 = arith.constant 25 : i32
        %parallel_loop3A_415 = vector.broadcast %parallel_loop3A_414 : i32 to vector<16xi32>
        tpu.vector_store_idx %arg8[%parallel_loop3A_100, %parallel_loop3A_415], %parallel_loop3A_370 : memref<512x78xf32, #tpu.memory_space<vmem>>[vector<16xi32>, vector<16xi32>], vector<16xf32>,
        %parallel_loop3A_416 = arith.constant 64 : i32
        %parallel_loop3A_417 = vector.broadcast %parallel_loop3A_416 : i32 to vector<16xi32>
        tpu.vector_store_idx %arg8[%parallel_loop3A_100, %parallel_loop3A_417], %parallel_loop3A_373 : memref<512x78xf32, #tpu.memory_space<vmem>>[vector<16xi32>, vector<16xi32>], vector<16xf32>,
        %parallel_loop3A_418 = arith.constant 26 : i32
        %parallel_loop3A_419 = vector.broadcast %parallel_loop3A_418 : i32 to vector<16xi32>
        tpu.vector_store_idx %arg8[%parallel_loop3A_100, %parallel_loop3A_419], %parallel_loop3A_376 : memref<512x78xf32, #tpu.memory_space<vmem>>[vector<16xi32>, vector<16xi32>], vector<16xf32>,
        %parallel_loop3A_420 = arith.constant 65 : i32
        %parallel_loop3A_421 = vector.broadcast %parallel_loop3A_420 : i32 to vector<16xi32>
        tpu.vector_store_idx %arg8[%parallel_loop3A_100, %parallel_loop3A_421], %parallel_loop3A_379 : memref<512x78xf32, #tpu.memory_space<vmem>>[vector<16xi32>, vector<16xi32>], vector<16xf32>,
        %parallel_loop3A_422 = arith.constant 27 : i32
        %parallel_loop3A_423 = vector.broadcast %parallel_loop3A_422 : i32 to vector<16xi32>
        tpu.vector_store_idx %arg8[%parallel_loop3A_100, %parallel_loop3A_423], %parallel_loop3A_382 : memref<512x78xf32, #tpu.memory_space<vmem>>[vector<16xi32>, vector<16xi32>], vector<16xf32>,
        %parallel_loop3A_424 = arith.constant 66 : i32
        %parallel_loop3A_425 = vector.broadcast %parallel_loop3A_424 : i32 to vector<16xi32>
        tpu.vector_store_idx %arg8[%parallel_loop3A_100, %parallel_loop3A_425], %parallel_loop3A_385 : memref<512x78xf32, #tpu.memory_space<vmem>>[vector<16xi32>, vector<16xi32>], vector<16xf32>,
        %parallel_loop3A_426 = arith.constant 28 : i32
        %parallel_loop3A_427 = vector.broadcast %parallel_loop3A_426 : i32 to vector<16xi32>
        tpu.vector_store_idx %arg8[%parallel_loop3A_100, %parallel_loop3A_427], %parallel_loop3A_388 : memref<512x78xf32, #tpu.memory_space<vmem>>[vector<16xi32>, vector<16xi32>], vector<16xf32>,
        %parallel_loop3A_428 = arith.constant 67 : i32
        %parallel_loop3A_429 = vector.broadcast %parallel_loop3A_428 : i32 to vector<16xi32>
        tpu.vector_store_idx %arg8[%parallel_loop3A_100, %parallel_loop3A_429], %parallel_loop3A_391 : memref<512x78xf32, #tpu.memory_space<vmem>>[vector<16xi32>, vector<16xi32>], vector<16xf32>,
        %parallel_loop3A_430 = arith.constant 29 : i32
        %parallel_loop3A_431 = vector.broadcast %parallel_loop3A_430 : i32 to vector<16xi32>
        tpu.vector_store_idx %arg8[%parallel_loop3A_100, %parallel_loop3A_431], %parallel_loop3A_394 : memref<512x78xf32, #tpu.memory_space<vmem>>[vector<16xi32>, vector<16xi32>], vector<16xf32>,
        %parallel_loop3A_432 = arith.constant 68 : i32
        %parallel_loop3A_433 = vector.broadcast %parallel_loop3A_432 : i32 to vector<16xi32>
        tpu.vector_store_idx %arg8[%parallel_loop3A_100, %parallel_loop3A_433], %parallel_loop3A_397 : memref<512x78xf32, #tpu.memory_space<vmem>>[vector<16xi32>, vector<16xi32>], vector<16xf32>,
        %parallel_loop3A_434 = arith.constant 30 : i32
        %parallel_loop3A_435 = vector.broadcast %parallel_loop3A_434 : i32 to vector<16xi32>
        tpu.vector_store_idx %arg8[%parallel_loop3A_100, %parallel_loop3A_435], %parallel_loop3A_400 : memref<512x78xf32, #tpu.memory_space<vmem>>[vector<16xi32>, vector<16xi32>], vector<16xf32>,
        %parallel_loop3A_436 = arith.constant 69 : i32
        %parallel_loop3A_437 = vector.broadcast %parallel_loop3A_436 : i32 to vector<16xi32>
        tpu.vector_store_idx %arg8[%parallel_loop3A_100, %parallel_loop3A_437], %parallel_loop3A_403 : memref<512x78xf32, #tpu.memory_space<vmem>>[vector<16xi32>, vector<16xi32>], vector<16xf32>,
        %parallel_loop3A_438 = arith.constant 31 : i32
        %parallel_loop3A_439 = vector.broadcast %parallel_loop3A_438 : i32 to vector<16xi32>
        tpu.vector_store_idx %arg8[%parallel_loop3A_100, %parallel_loop3A_439], %parallel_loop3A_406 : memref<512x78xf32, #tpu.memory_space<vmem>>[vector<16xi32>, vector<16xi32>], vector<16xf32>,
        %parallel_loop3A_440 = arith.constant 70 : i32
        %parallel_loop3A_441 = vector.broadcast %parallel_loop3A_440 : i32 to vector<16xi32>
        tpu.vector_store_idx %arg8[%parallel_loop3A_100, %parallel_loop3A_441], %parallel_loop3A_409 : memref<512x78xf32, #tpu.memory_space<vmem>>[vector<16xi32>, vector<16xi32>], vector<16xf32>,
        %parallel_loop3A_442 = arith.constant 0 : i32
        %parallel_loop3A_443 = vector.broadcast %parallel_loop3A_442 : i32 to vector<16xi32>
        %parallel_loop3A_444 = arith.addi %parallel_loop3A_443, %parallel_loop3A_101 : vector<16xi32>
        %parallel_loop3A_445 = arith.constant 15 : i32
        %parallel_loop3A_446 = vector.broadcast %parallel_loop3A_445 : i32 to vector<16xi32>
        %parallel_loop3A_447 = arith.andi %parallel_loop3A_444, %parallel_loop3A_446 : vector<16xi32>
        %parallel_loop3A_448 = tpu.vector_load_idx %arg6[%parallel_loop3A_100, %parallel_loop3A_447] : memref<512x16xf32, #tpu.memory_space<vmem>>[vector<16xi32>, vector<16xi32>], vector<16xf32>,
        %parallel_loop3A_449 = arith.constant 8 : i32
        %parallel_loop3A_450 = vector.broadcast %parallel_loop3A_449 : i32 to vector<16xi32>
        %parallel_loop3A_451 = arith.cmpi slt, %parallel_loop3A_447, %parallel_loop3A_450 : vector<16xi32>
        %parallel_loop3A_452 = arith.constant 31 : i32
        %parallel_loop3A_453 = vector.broadcast %parallel_loop3A_452 : i32 to vector<16xi32>
        %parallel_loop3A_454 = arith.addi %parallel_loop3A_453, %parallel_loop3A_447 : vector<16xi32>
        %parallel_loop3A_455 = arith.constant 62 : i32
        %parallel_loop3A_456 = vector.broadcast %parallel_loop3A_455 : i32 to vector<16xi32>
        %parallel_loop3A_457 = arith.addi %parallel_loop3A_456, %parallel_loop3A_447 : vector<16xi32>
        %parallel_loop3A_458 = arith.select %parallel_loop3A_451, %parallel_loop3A_454, %parallel_loop3A_457 : vector<16xi1>, vector<16xi32>
        %parallel_loop3A_459 = arith.constant 0 : i32
        %parallel_loop3A_460 = vector.broadcast %parallel_loop3A_459 : i32 to vector<16xi32>
        %parallel_loop3A_461 = arith.cmpi ne, %parallel_loop3A_447, %parallel_loop3A_460 : vector<16xi32>
        %parallel_loop3A_462 = arith.constant 8 : i32
        %parallel_loop3A_463 = vector.broadcast %parallel_loop3A_462 : i32 to vector<16xi32>
        %parallel_loop3A_464 = arith.cmpi ne, %parallel_loop3A_447, %parallel_loop3A_463 : vector<16xi32>
        %parallel_loop3A_465 = arith.andi %parallel_loop3A_461, %parallel_loop3A_464 : vector<16xi1>
        tpu.vector_store_idx %arg8[%parallel_loop3A_100, %parallel_loop3A_458], %parallel_loop3A_448 masked %parallel_loop3A_465 : memref<512x78xf32, #tpu.memory_space<vmem>>[vector<16xi32>, vector<16xi32>], vector<16xf32>, vector<16xi1>
        %parallel_loop3A_466 = arith.constant 1 : i32
        %parallel_loop3A_467 = vector.broadcast %parallel_loop3A_466 : i32 to vector<16xi32>
        %parallel_loop3A_468 = arith.addi %parallel_loop3A_467, %parallel_loop3A_101 : vector<16xi32>
        %parallel_loop3A_469 = arith.constant 15 : i32
        %parallel_loop3A_470 = vector.broadcast %parallel_loop3A_469 : i32 to vector<16xi32>
        %parallel_loop3A_471 = arith.andi %parallel_loop3A_468, %parallel_loop3A_470 : vector<16xi32>
        %parallel_loop3A_472 = tpu.vector_load_idx %arg6[%parallel_loop3A_100, %parallel_loop3A_471] : memref<512x16xf32, #tpu.memory_space<vmem>>[vector<16xi32>, vector<16xi32>], vector<16xf32>,
        %parallel_loop3A_473 = arith.constant 8 : i32
        %parallel_loop3A_474 = vector.broadcast %parallel_loop3A_473 : i32 to vector<16xi32>
        %parallel_loop3A_475 = arith.cmpi slt, %parallel_loop3A_471, %parallel_loop3A_474 : vector<16xi32>
        %parallel_loop3A_476 = arith.constant 31 : i32
        %parallel_loop3A_477 = vector.broadcast %parallel_loop3A_476 : i32 to vector<16xi32>
        %parallel_loop3A_478 = arith.addi %parallel_loop3A_477, %parallel_loop3A_471 : vector<16xi32>
        %parallel_loop3A_479 = arith.constant 62 : i32
        %parallel_loop3A_480 = vector.broadcast %parallel_loop3A_479 : i32 to vector<16xi32>
        %parallel_loop3A_481 = arith.addi %parallel_loop3A_480, %parallel_loop3A_471 : vector<16xi32>
        %parallel_loop3A_482 = arith.select %parallel_loop3A_475, %parallel_loop3A_478, %parallel_loop3A_481 : vector<16xi1>, vector<16xi32>
        %parallel_loop3A_483 = arith.constant 0 : i32
        %parallel_loop3A_484 = vector.broadcast %parallel_loop3A_483 : i32 to vector<16xi32>
        %parallel_loop3A_485 = arith.cmpi ne, %parallel_loop3A_471, %parallel_loop3A_484 : vector<16xi32>
        %parallel_loop3A_486 = arith.constant 8 : i32
        %parallel_loop3A_487 = vector.broadcast %parallel_loop3A_486 : i32 to vector<16xi32>
        %parallel_loop3A_488 = arith.cmpi ne, %parallel_loop3A_471, %parallel_loop3A_487 : vector<16xi32>
        %parallel_loop3A_489 = arith.andi %parallel_loop3A_485, %parallel_loop3A_488 : vector<16xi1>
        tpu.vector_store_idx %arg8[%parallel_loop3A_100, %parallel_loop3A_482], %parallel_loop3A_472 masked %parallel_loop3A_489 : memref<512x78xf32, #tpu.memory_space<vmem>>[vector<16xi32>, vector<16xi32>], vector<16xf32>, vector<16xi1>
        %parallel_loop3A_490 = arith.constant 2 : i32
        %parallel_loop3A_491 = vector.broadcast %parallel_loop3A_490 : i32 to vector<16xi32>
        %parallel_loop3A_492 = arith.addi %parallel_loop3A_491, %parallel_loop3A_101 : vector<16xi32>
        %parallel_loop3A_493 = arith.constant 15 : i32
        %parallel_loop3A_494 = vector.broadcast %parallel_loop3A_493 : i32 to vector<16xi32>
        %parallel_loop3A_495 = arith.andi %parallel_loop3A_492, %parallel_loop3A_494 : vector<16xi32>
        %parallel_loop3A_496 = tpu.vector_load_idx %arg6[%parallel_loop3A_100, %parallel_loop3A_495] : memref<512x16xf32, #tpu.memory_space<vmem>>[vector<16xi32>, vector<16xi32>], vector<16xf32>,
        %parallel_loop3A_497 = arith.constant 8 : i32
        %parallel_loop3A_498 = vector.broadcast %parallel_loop3A_497 : i32 to vector<16xi32>
        %parallel_loop3A_499 = arith.cmpi slt, %parallel_loop3A_495, %parallel_loop3A_498 : vector<16xi32>
        %parallel_loop3A_500 = arith.constant 31 : i32
        %parallel_loop3A_501 = vector.broadcast %parallel_loop3A_500 : i32 to vector<16xi32>
        %parallel_loop3A_502 = arith.addi %parallel_loop3A_501, %parallel_loop3A_495 : vector<16xi32>
        %parallel_loop3A_503 = arith.constant 62 : i32
        %parallel_loop3A_504 = vector.broadcast %parallel_loop3A_503 : i32 to vector<16xi32>
        %parallel_loop3A_505 = arith.addi %parallel_loop3A_504, %parallel_loop3A_495 : vector<16xi32>
        %parallel_loop3A_506 = arith.select %parallel_loop3A_499, %parallel_loop3A_502, %parallel_loop3A_505 : vector<16xi1>, vector<16xi32>
        %parallel_loop3A_507 = arith.constant 0 : i32
        %parallel_loop3A_508 = vector.broadcast %parallel_loop3A_507 : i32 to vector<16xi32>
        %parallel_loop3A_509 = arith.cmpi ne, %parallel_loop3A_495, %parallel_loop3A_508 : vector<16xi32>
        %parallel_loop3A_510 = arith.constant 8 : i32
        %parallel_loop3A_511 = vector.broadcast %parallel_loop3A_510 : i32 to vector<16xi32>
        %parallel_loop3A_512 = arith.cmpi ne, %parallel_loop3A_495, %parallel_loop3A_511 : vector<16xi32>
        %parallel_loop3A_513 = arith.andi %parallel_loop3A_509, %parallel_loop3A_512 : vector<16xi1>
        tpu.vector_store_idx %arg8[%parallel_loop3A_100, %parallel_loop3A_506], %parallel_loop3A_496 masked %parallel_loop3A_513 : memref<512x78xf32, #tpu.memory_space<vmem>>[vector<16xi32>, vector<16xi32>], vector<16xf32>, vector<16xi1>
        %parallel_loop3A_514 = arith.constant 3 : i32
        %parallel_loop3A_515 = vector.broadcast %parallel_loop3A_514 : i32 to vector<16xi32>
        %parallel_loop3A_516 = arith.addi %parallel_loop3A_515, %parallel_loop3A_101 : vector<16xi32>
        %parallel_loop3A_517 = arith.constant 15 : i32
        %parallel_loop3A_518 = vector.broadcast %parallel_loop3A_517 : i32 to vector<16xi32>
        %parallel_loop3A_519 = arith.andi %parallel_loop3A_516, %parallel_loop3A_518 : vector<16xi32>
        %parallel_loop3A_520 = tpu.vector_load_idx %arg6[%parallel_loop3A_100, %parallel_loop3A_519] : memref<512x16xf32, #tpu.memory_space<vmem>>[vector<16xi32>, vector<16xi32>], vector<16xf32>,
        %parallel_loop3A_521 = arith.constant 8 : i32
        %parallel_loop3A_522 = vector.broadcast %parallel_loop3A_521 : i32 to vector<16xi32>
        %parallel_loop3A_523 = arith.cmpi slt, %parallel_loop3A_519, %parallel_loop3A_522 : vector<16xi32>
        %parallel_loop3A_524 = arith.constant 31 : i32
        %parallel_loop3A_525 = vector.broadcast %parallel_loop3A_524 : i32 to vector<16xi32>
        %parallel_loop3A_526 = arith.addi %parallel_loop3A_525, %parallel_loop3A_519 : vector<16xi32>
        %parallel_loop3A_527 = arith.constant 62 : i32
        %parallel_loop3A_528 = vector.broadcast %parallel_loop3A_527 : i32 to vector<16xi32>
        %parallel_loop3A_529 = arith.addi %parallel_loop3A_528, %parallel_loop3A_519 : vector<16xi32>
        %parallel_loop3A_530 = arith.select %parallel_loop3A_523, %parallel_loop3A_526, %parallel_loop3A_529 : vector<16xi1>, vector<16xi32>
        %parallel_loop3A_531 = arith.constant 0 : i32
        %parallel_loop3A_532 = vector.broadcast %parallel_loop3A_531 : i32 to vector<16xi32>
        %parallel_loop3A_533 = arith.cmpi ne, %parallel_loop3A_519, %parallel_loop3A_532 : vector<16xi32>
        %parallel_loop3A_534 = arith.constant 8 : i32
        %parallel_loop3A_535 = vector.broadcast %parallel_loop3A_534 : i32 to vector<16xi32>
        %parallel_loop3A_536 = arith.cmpi ne, %parallel_loop3A_519, %parallel_loop3A_535 : vector<16xi32>
        %parallel_loop3A_537 = arith.andi %parallel_loop3A_533, %parallel_loop3A_536 : vector<16xi1>
        tpu.vector_store_idx %arg8[%parallel_loop3A_100, %parallel_loop3A_530], %parallel_loop3A_520 masked %parallel_loop3A_537 : memref<512x78xf32, #tpu.memory_space<vmem>>[vector<16xi32>, vector<16xi32>], vector<16xf32>, vector<16xi1>
        %parallel_loop3A_538 = arith.constant 4 : i32
        %parallel_loop3A_539 = vector.broadcast %parallel_loop3A_538 : i32 to vector<16xi32>
        %parallel_loop3A_540 = arith.addi %parallel_loop3A_539, %parallel_loop3A_101 : vector<16xi32>
        %parallel_loop3A_541 = arith.constant 15 : i32
        %parallel_loop3A_542 = vector.broadcast %parallel_loop3A_541 : i32 to vector<16xi32>
        %parallel_loop3A_543 = arith.andi %parallel_loop3A_540, %parallel_loop3A_542 : vector<16xi32>
        %parallel_loop3A_544 = tpu.vector_load_idx %arg6[%parallel_loop3A_100, %parallel_loop3A_543] : memref<512x16xf32, #tpu.memory_space<vmem>>[vector<16xi32>, vector<16xi32>], vector<16xf32>,
        %parallel_loop3A_545 = arith.constant 8 : i32
        %parallel_loop3A_546 = vector.broadcast %parallel_loop3A_545 : i32 to vector<16xi32>
        %parallel_loop3A_547 = arith.cmpi slt, %parallel_loop3A_543, %parallel_loop3A_546 : vector<16xi32>
        %parallel_loop3A_548 = arith.constant 31 : i32
        %parallel_loop3A_549 = vector.broadcast %parallel_loop3A_548 : i32 to vector<16xi32>
        %parallel_loop3A_550 = arith.addi %parallel_loop3A_549, %parallel_loop3A_543 : vector<16xi32>
        %parallel_loop3A_551 = arith.constant 62 : i32
        %parallel_loop3A_552 = vector.broadcast %parallel_loop3A_551 : i32 to vector<16xi32>
        %parallel_loop3A_553 = arith.addi %parallel_loop3A_552, %parallel_loop3A_543 : vector<16xi32>
        %parallel_loop3A_554 = arith.select %parallel_loop3A_547, %parallel_loop3A_550, %parallel_loop3A_553 : vector<16xi1>, vector<16xi32>
        %parallel_loop3A_555 = arith.constant 0 : i32
        %parallel_loop3A_556 = vector.broadcast %parallel_loop3A_555 : i32 to vector<16xi32>
        %parallel_loop3A_557 = arith.cmpi ne, %parallel_loop3A_543, %parallel_loop3A_556 : vector<16xi32>
        %parallel_loop3A_558 = arith.constant 8 : i32
        %parallel_loop3A_559 = vector.broadcast %parallel_loop3A_558 : i32 to vector<16xi32>
        %parallel_loop3A_560 = arith.cmpi ne, %parallel_loop3A_543, %parallel_loop3A_559 : vector<16xi32>
        %parallel_loop3A_561 = arith.andi %parallel_loop3A_557, %parallel_loop3A_560 : vector<16xi1>
        tpu.vector_store_idx %arg8[%parallel_loop3A_100, %parallel_loop3A_554], %parallel_loop3A_544 masked %parallel_loop3A_561 : memref<512x78xf32, #tpu.memory_space<vmem>>[vector<16xi32>, vector<16xi32>], vector<16xf32>, vector<16xi1>
        %parallel_loop3A_562 = arith.constant 5 : i32
        %parallel_loop3A_563 = vector.broadcast %parallel_loop3A_562 : i32 to vector<16xi32>
        %parallel_loop3A_564 = arith.addi %parallel_loop3A_563, %parallel_loop3A_101 : vector<16xi32>
        %parallel_loop3A_565 = arith.constant 15 : i32
        %parallel_loop3A_566 = vector.broadcast %parallel_loop3A_565 : i32 to vector<16xi32>
        %parallel_loop3A_567 = arith.andi %parallel_loop3A_564, %parallel_loop3A_566 : vector<16xi32>
        %parallel_loop3A_568 = tpu.vector_load_idx %arg6[%parallel_loop3A_100, %parallel_loop3A_567] : memref<512x16xf32, #tpu.memory_space<vmem>>[vector<16xi32>, vector<16xi32>], vector<16xf32>,
        %parallel_loop3A_569 = arith.constant 8 : i32
        %parallel_loop3A_570 = vector.broadcast %parallel_loop3A_569 : i32 to vector<16xi32>
        %parallel_loop3A_571 = arith.cmpi slt, %parallel_loop3A_567, %parallel_loop3A_570 : vector<16xi32>
        %parallel_loop3A_572 = arith.constant 31 : i32
        %parallel_loop3A_573 = vector.broadcast %parallel_loop3A_572 : i32 to vector<16xi32>
        %parallel_loop3A_574 = arith.addi %parallel_loop3A_573, %parallel_loop3A_567 : vector<16xi32>
        %parallel_loop3A_575 = arith.constant 62 : i32
        %parallel_loop3A_576 = vector.broadcast %parallel_loop3A_575 : i32 to vector<16xi32>
        %parallel_loop3A_577 = arith.addi %parallel_loop3A_576, %parallel_loop3A_567 : vector<16xi32>
        %parallel_loop3A_578 = arith.select %parallel_loop3A_571, %parallel_loop3A_574, %parallel_loop3A_577 : vector<16xi1>, vector<16xi32>
        %parallel_loop3A_579 = arith.constant 0 : i32
        %parallel_loop3A_580 = vector.broadcast %parallel_loop3A_579 : i32 to vector<16xi32>
        %parallel_loop3A_581 = arith.cmpi ne, %parallel_loop3A_567, %parallel_loop3A_580 : vector<16xi32>
        %parallel_loop3A_582 = arith.constant 8 : i32
        %parallel_loop3A_583 = vector.broadcast %parallel_loop3A_582 : i32 to vector<16xi32>
        %parallel_loop3A_584 = arith.cmpi ne, %parallel_loop3A_567, %parallel_loop3A_583 : vector<16xi32>
        %parallel_loop3A_585 = arith.andi %parallel_loop3A_581, %parallel_loop3A_584 : vector<16xi1>
        tpu.vector_store_idx %arg8[%parallel_loop3A_100, %parallel_loop3A_578], %parallel_loop3A_568 masked %parallel_loop3A_585 : memref<512x78xf32, #tpu.memory_space<vmem>>[vector<16xi32>, vector<16xi32>], vector<16xf32>, vector<16xi1>
        %parallel_loop3A_586 = arith.constant 6 : i32
        %parallel_loop3A_587 = vector.broadcast %parallel_loop3A_586 : i32 to vector<16xi32>
        %parallel_loop3A_588 = arith.addi %parallel_loop3A_587, %parallel_loop3A_101 : vector<16xi32>
        %parallel_loop3A_589 = arith.constant 15 : i32
        %parallel_loop3A_590 = vector.broadcast %parallel_loop3A_589 : i32 to vector<16xi32>
        %parallel_loop3A_591 = arith.andi %parallel_loop3A_588, %parallel_loop3A_590 : vector<16xi32>
        %parallel_loop3A_592 = tpu.vector_load_idx %arg6[%parallel_loop3A_100, %parallel_loop3A_591] : memref<512x16xf32, #tpu.memory_space<vmem>>[vector<16xi32>, vector<16xi32>], vector<16xf32>,
        %parallel_loop3A_593 = arith.constant 8 : i32
        %parallel_loop3A_594 = vector.broadcast %parallel_loop3A_593 : i32 to vector<16xi32>
        %parallel_loop3A_595 = arith.cmpi slt, %parallel_loop3A_591, %parallel_loop3A_594 : vector<16xi32>
        %parallel_loop3A_596 = arith.constant 31 : i32
        %parallel_loop3A_597 = vector.broadcast %parallel_loop3A_596 : i32 to vector<16xi32>
        %parallel_loop3A_598 = arith.addi %parallel_loop3A_597, %parallel_loop3A_591 : vector<16xi32>
        %parallel_loop3A_599 = arith.constant 62 : i32
        %parallel_loop3A_600 = vector.broadcast %parallel_loop3A_599 : i32 to vector<16xi32>
        %parallel_loop3A_601 = arith.addi %parallel_loop3A_600, %parallel_loop3A_591 : vector<16xi32>
        %parallel_loop3A_602 = arith.select %parallel_loop3A_595, %parallel_loop3A_598, %parallel_loop3A_601 : vector<16xi1>, vector<16xi32>
        %parallel_loop3A_603 = arith.constant 0 : i32
        %parallel_loop3A_604 = vector.broadcast %parallel_loop3A_603 : i32 to vector<16xi32>
        %parallel_loop3A_605 = arith.cmpi ne, %parallel_loop3A_591, %parallel_loop3A_604 : vector<16xi32>
        %parallel_loop3A_606 = arith.constant 8 : i32
        %parallel_loop3A_607 = vector.broadcast %parallel_loop3A_606 : i32 to vector<16xi32>
        %parallel_loop3A_608 = arith.cmpi ne, %parallel_loop3A_591, %parallel_loop3A_607 : vector<16xi32>
        %parallel_loop3A_609 = arith.andi %parallel_loop3A_605, %parallel_loop3A_608 : vector<16xi1>
        tpu.vector_store_idx %arg8[%parallel_loop3A_100, %parallel_loop3A_602], %parallel_loop3A_592 masked %parallel_loop3A_609 : memref<512x78xf32, #tpu.memory_space<vmem>>[vector<16xi32>, vector<16xi32>], vector<16xf32>, vector<16xi1>
        %parallel_loop3A_610 = arith.constant 7 : i32
        %parallel_loop3A_611 = vector.broadcast %parallel_loop3A_610 : i32 to vector<16xi32>
        %parallel_loop3A_612 = arith.addi %parallel_loop3A_611, %parallel_loop3A_101 : vector<16xi32>
        %parallel_loop3A_613 = arith.constant 15 : i32
        %parallel_loop3A_614 = vector.broadcast %parallel_loop3A_613 : i32 to vector<16xi32>
        %parallel_loop3A_615 = arith.andi %parallel_loop3A_612, %parallel_loop3A_614 : vector<16xi32>
        %parallel_loop3A_616 = tpu.vector_load_idx %arg6[%parallel_loop3A_100, %parallel_loop3A_615] : memref<512x16xf32, #tpu.memory_space<vmem>>[vector<16xi32>, vector<16xi32>], vector<16xf32>,
        %parallel_loop3A_617 = arith.constant 8 : i32
        %parallel_loop3A_618 = vector.broadcast %parallel_loop3A_617 : i32 to vector<16xi32>
        %parallel_loop3A_619 = arith.cmpi slt, %parallel_loop3A_615, %parallel_loop3A_618 : vector<16xi32>
        %parallel_loop3A_620 = arith.constant 31 : i32
        %parallel_loop3A_621 = vector.broadcast %parallel_loop3A_620 : i32 to vector<16xi32>
        %parallel_loop3A_622 = arith.addi %parallel_loop3A_621, %parallel_loop3A_615 : vector<16xi32>
        %parallel_loop3A_623 = arith.constant 62 : i32
        %parallel_loop3A_624 = vector.broadcast %parallel_loop3A_623 : i32 to vector<16xi32>
        %parallel_loop3A_625 = arith.addi %parallel_loop3A_624, %parallel_loop3A_615 : vector<16xi32>
        %parallel_loop3A_626 = arith.select %parallel_loop3A_619, %parallel_loop3A_622, %parallel_loop3A_625 : vector<16xi1>, vector<16xi32>
        %parallel_loop3A_627 = arith.constant 0 : i32
        %parallel_loop3A_628 = vector.broadcast %parallel_loop3A_627 : i32 to vector<16xi32>
        %parallel_loop3A_629 = arith.cmpi ne, %parallel_loop3A_615, %parallel_loop3A_628 : vector<16xi32>
        %parallel_loop3A_630 = arith.constant 8 : i32
        %parallel_loop3A_631 = vector.broadcast %parallel_loop3A_630 : i32 to vector<16xi32>
        %parallel_loop3A_632 = arith.cmpi ne, %parallel_loop3A_615, %parallel_loop3A_631 : vector<16xi32>
        %parallel_loop3A_633 = arith.andi %parallel_loop3A_629, %parallel_loop3A_632 : vector<16xi1>
        tpu.vector_store_idx %arg8[%parallel_loop3A_100, %parallel_loop3A_626], %parallel_loop3A_616 masked %parallel_loop3A_633 : memref<512x78xf32, #tpu.memory_space<vmem>>[vector<16xi32>, vector<16xi32>], vector<16xf32>, vector<16xi1>
        %parallel_loop3A_634 = arith.constant 8 : i32
        %parallel_loop3A_635 = vector.broadcast %parallel_loop3A_634 : i32 to vector<16xi32>
        %parallel_loop3A_636 = arith.addi %parallel_loop3A_635, %parallel_loop3A_101 : vector<16xi32>
        %parallel_loop3A_637 = arith.constant 15 : i32
        %parallel_loop3A_638 = vector.broadcast %parallel_loop3A_637 : i32 to vector<16xi32>
        %parallel_loop3A_639 = arith.andi %parallel_loop3A_636, %parallel_loop3A_638 : vector<16xi32>
        %parallel_loop3A_640 = tpu.vector_load_idx %arg6[%parallel_loop3A_100, %parallel_loop3A_639] : memref<512x16xf32, #tpu.memory_space<vmem>>[vector<16xi32>, vector<16xi32>], vector<16xf32>,
        %parallel_loop3A_641 = arith.constant 8 : i32
        %parallel_loop3A_642 = vector.broadcast %parallel_loop3A_641 : i32 to vector<16xi32>
        %parallel_loop3A_643 = arith.cmpi slt, %parallel_loop3A_639, %parallel_loop3A_642 : vector<16xi32>
        %parallel_loop3A_644 = arith.constant 31 : i32
        %parallel_loop3A_645 = vector.broadcast %parallel_loop3A_644 : i32 to vector<16xi32>
        %parallel_loop3A_646 = arith.addi %parallel_loop3A_645, %parallel_loop3A_639 : vector<16xi32>
        %parallel_loop3A_647 = arith.constant 62 : i32
        %parallel_loop3A_648 = vector.broadcast %parallel_loop3A_647 : i32 to vector<16xi32>
        %parallel_loop3A_649 = arith.addi %parallel_loop3A_648, %parallel_loop3A_639 : vector<16xi32>
        %parallel_loop3A_650 = arith.select %parallel_loop3A_643, %parallel_loop3A_646, %parallel_loop3A_649 : vector<16xi1>, vector<16xi32>
        %parallel_loop3A_651 = arith.constant 0 : i32
        %parallel_loop3A_652 = vector.broadcast %parallel_loop3A_651 : i32 to vector<16xi32>
        %parallel_loop3A_653 = arith.cmpi ne, %parallel_loop3A_639, %parallel_loop3A_652 : vector<16xi32>
        %parallel_loop3A_654 = arith.constant 8 : i32
        %parallel_loop3A_655 = vector.broadcast %parallel_loop3A_654 : i32 to vector<16xi32>
        %parallel_loop3A_656 = arith.cmpi ne, %parallel_loop3A_639, %parallel_loop3A_655 : vector<16xi32>
        %parallel_loop3A_657 = arith.andi %parallel_loop3A_653, %parallel_loop3A_656 : vector<16xi1>
        tpu.vector_store_idx %arg8[%parallel_loop3A_100, %parallel_loop3A_650], %parallel_loop3A_640 masked %parallel_loop3A_657 : memref<512x78xf32, #tpu.memory_space<vmem>>[vector<16xi32>, vector<16xi32>], vector<16xf32>, vector<16xi1>
        %parallel_loop3A_658 = arith.constant 9 : i32
        %parallel_loop3A_659 = vector.broadcast %parallel_loop3A_658 : i32 to vector<16xi32>
        %parallel_loop3A_660 = arith.addi %parallel_loop3A_659, %parallel_loop3A_101 : vector<16xi32>
        %parallel_loop3A_661 = arith.constant 15 : i32
        %parallel_loop3A_662 = vector.broadcast %parallel_loop3A_661 : i32 to vector<16xi32>
        %parallel_loop3A_663 = arith.andi %parallel_loop3A_660, %parallel_loop3A_662 : vector<16xi32>
        %parallel_loop3A_664 = tpu.vector_load_idx %arg6[%parallel_loop3A_100, %parallel_loop3A_663] : memref<512x16xf32, #tpu.memory_space<vmem>>[vector<16xi32>, vector<16xi32>], vector<16xf32>,
        %parallel_loop3A_665 = arith.constant 8 : i32
        %parallel_loop3A_666 = vector.broadcast %parallel_loop3A_665 : i32 to vector<16xi32>
        %parallel_loop3A_667 = arith.cmpi slt, %parallel_loop3A_663, %parallel_loop3A_666 : vector<16xi32>
        %parallel_loop3A_668 = arith.constant 31 : i32
        %parallel_loop3A_669 = vector.broadcast %parallel_loop3A_668 : i32 to vector<16xi32>
        %parallel_loop3A_670 = arith.addi %parallel_loop3A_669, %parallel_loop3A_663 : vector<16xi32>
        %parallel_loop3A_671 = arith.constant 62 : i32
        %parallel_loop3A_672 = vector.broadcast %parallel_loop3A_671 : i32 to vector<16xi32>
        %parallel_loop3A_673 = arith.addi %parallel_loop3A_672, %parallel_loop3A_663 : vector<16xi32>
        %parallel_loop3A_674 = arith.select %parallel_loop3A_667, %parallel_loop3A_670, %parallel_loop3A_673 : vector<16xi1>, vector<16xi32>
        %parallel_loop3A_675 = arith.constant 0 : i32
        %parallel_loop3A_676 = vector.broadcast %parallel_loop3A_675 : i32 to vector<16xi32>
        %parallel_loop3A_677 = arith.cmpi ne, %parallel_loop3A_663, %parallel_loop3A_676 : vector<16xi32>
        %parallel_loop3A_678 = arith.constant 8 : i32
        %parallel_loop3A_679 = vector.broadcast %parallel_loop3A_678 : i32 to vector<16xi32>
        %parallel_loop3A_680 = arith.cmpi ne, %parallel_loop3A_663, %parallel_loop3A_679 : vector<16xi32>
        %parallel_loop3A_681 = arith.andi %parallel_loop3A_677, %parallel_loop3A_680 : vector<16xi1>
        tpu.vector_store_idx %arg8[%parallel_loop3A_100, %parallel_loop3A_674], %parallel_loop3A_664 masked %parallel_loop3A_681 : memref<512x78xf32, #tpu.memory_space<vmem>>[vector<16xi32>, vector<16xi32>], vector<16xf32>, vector<16xi1>
        %parallel_loop3A_682 = arith.constant 10 : i32
        %parallel_loop3A_683 = vector.broadcast %parallel_loop3A_682 : i32 to vector<16xi32>
        %parallel_loop3A_684 = arith.addi %parallel_loop3A_683, %parallel_loop3A_101 : vector<16xi32>
        %parallel_loop3A_685 = arith.constant 15 : i32
        %parallel_loop3A_686 = vector.broadcast %parallel_loop3A_685 : i32 to vector<16xi32>
        %parallel_loop3A_687 = arith.andi %parallel_loop3A_684, %parallel_loop3A_686 : vector<16xi32>
        %parallel_loop3A_688 = tpu.vector_load_idx %arg6[%parallel_loop3A_100, %parallel_loop3A_687] : memref<512x16xf32, #tpu.memory_space<vmem>>[vector<16xi32>, vector<16xi32>], vector<16xf32>,
        %parallel_loop3A_689 = arith.constant 8 : i32
        %parallel_loop3A_690 = vector.broadcast %parallel_loop3A_689 : i32 to vector<16xi32>
        %parallel_loop3A_691 = arith.cmpi slt, %parallel_loop3A_687, %parallel_loop3A_690 : vector<16xi32>
        %parallel_loop3A_692 = arith.constant 31 : i32
        %parallel_loop3A_693 = vector.broadcast %parallel_loop3A_692 : i32 to vector<16xi32>
        %parallel_loop3A_694 = arith.addi %parallel_loop3A_693, %parallel_loop3A_687 : vector<16xi32>
        %parallel_loop3A_695 = arith.constant 62 : i32
        %parallel_loop3A_696 = vector.broadcast %parallel_loop3A_695 : i32 to vector<16xi32>
        %parallel_loop3A_697 = arith.addi %parallel_loop3A_696, %parallel_loop3A_687 : vector<16xi32>
        %parallel_loop3A_698 = arith.select %parallel_loop3A_691, %parallel_loop3A_694, %parallel_loop3A_697 : vector<16xi1>, vector<16xi32>
        %parallel_loop3A_699 = arith.constant 0 : i32
        %parallel_loop3A_700 = vector.broadcast %parallel_loop3A_699 : i32 to vector<16xi32>
        %parallel_loop3A_701 = arith.cmpi ne, %parallel_loop3A_687, %parallel_loop3A_700 : vector<16xi32>
        %parallel_loop3A_702 = arith.constant 8 : i32
        %parallel_loop3A_703 = vector.broadcast %parallel_loop3A_702 : i32 to vector<16xi32>
        %parallel_loop3A_704 = arith.cmpi ne, %parallel_loop3A_687, %parallel_loop3A_703 : vector<16xi32>
        %parallel_loop3A_705 = arith.andi %parallel_loop3A_701, %parallel_loop3A_704 : vector<16xi1>
        tpu.vector_store_idx %arg8[%parallel_loop3A_100, %parallel_loop3A_698], %parallel_loop3A_688 masked %parallel_loop3A_705 : memref<512x78xf32, #tpu.memory_space<vmem>>[vector<16xi32>, vector<16xi32>], vector<16xf32>, vector<16xi1>
        %parallel_loop3A_706 = arith.constant 11 : i32
        %parallel_loop3A_707 = vector.broadcast %parallel_loop3A_706 : i32 to vector<16xi32>
        %parallel_loop3A_708 = arith.addi %parallel_loop3A_707, %parallel_loop3A_101 : vector<16xi32>
        %parallel_loop3A_709 = arith.constant 15 : i32
        %parallel_loop3A_710 = vector.broadcast %parallel_loop3A_709 : i32 to vector<16xi32>
        %parallel_loop3A_711 = arith.andi %parallel_loop3A_708, %parallel_loop3A_710 : vector<16xi32>
        %parallel_loop3A_712 = tpu.vector_load_idx %arg6[%parallel_loop3A_100, %parallel_loop3A_711] : memref<512x16xf32, #tpu.memory_space<vmem>>[vector<16xi32>, vector<16xi32>], vector<16xf32>,
        %parallel_loop3A_713 = arith.constant 8 : i32
        %parallel_loop3A_714 = vector.broadcast %parallel_loop3A_713 : i32 to vector<16xi32>
        %parallel_loop3A_715 = arith.cmpi slt, %parallel_loop3A_711, %parallel_loop3A_714 : vector<16xi32>
        %parallel_loop3A_716 = arith.constant 31 : i32
        %parallel_loop3A_717 = vector.broadcast %parallel_loop3A_716 : i32 to vector<16xi32>
        %parallel_loop3A_718 = arith.addi %parallel_loop3A_717, %parallel_loop3A_711 : vector<16xi32>
        %parallel_loop3A_719 = arith.constant 62 : i32
        %parallel_loop3A_720 = vector.broadcast %parallel_loop3A_719 : i32 to vector<16xi32>
        %parallel_loop3A_721 = arith.addi %parallel_loop3A_720, %parallel_loop3A_711 : vector<16xi32>
        %parallel_loop3A_722 = arith.select %parallel_loop3A_715, %parallel_loop3A_718, %parallel_loop3A_721 : vector<16xi1>, vector<16xi32>
        %parallel_loop3A_723 = arith.constant 0 : i32
        %parallel_loop3A_724 = vector.broadcast %parallel_loop3A_723 : i32 to vector<16xi32>
        %parallel_loop3A_725 = arith.cmpi ne, %parallel_loop3A_711, %parallel_loop3A_724 : vector<16xi32>
        %parallel_loop3A_726 = arith.constant 8 : i32
        %parallel_loop3A_727 = vector.broadcast %parallel_loop3A_726 : i32 to vector<16xi32>
        %parallel_loop3A_728 = arith.cmpi ne, %parallel_loop3A_711, %parallel_loop3A_727 : vector<16xi32>
        %parallel_loop3A_729 = arith.andi %parallel_loop3A_725, %parallel_loop3A_728 : vector<16xi1>
        tpu.vector_store_idx %arg8[%parallel_loop3A_100, %parallel_loop3A_722], %parallel_loop3A_712 masked %parallel_loop3A_729 : memref<512x78xf32, #tpu.memory_space<vmem>>[vector<16xi32>, vector<16xi32>], vector<16xf32>, vector<16xi1>
        %parallel_loop3A_730 = arith.constant 12 : i32
        %parallel_loop3A_731 = vector.broadcast %parallel_loop3A_730 : i32 to vector<16xi32>
        %parallel_loop3A_732 = arith.addi %parallel_loop3A_731, %parallel_loop3A_101 : vector<16xi32>
        %parallel_loop3A_733 = arith.constant 15 : i32
        %parallel_loop3A_734 = vector.broadcast %parallel_loop3A_733 : i32 to vector<16xi32>
        %parallel_loop3A_735 = arith.andi %parallel_loop3A_732, %parallel_loop3A_734 : vector<16xi32>
        %parallel_loop3A_736 = tpu.vector_load_idx %arg6[%parallel_loop3A_100, %parallel_loop3A_735] : memref<512x16xf32, #tpu.memory_space<vmem>>[vector<16xi32>, vector<16xi32>], vector<16xf32>,
        %parallel_loop3A_737 = arith.constant 8 : i32
        %parallel_loop3A_738 = vector.broadcast %parallel_loop3A_737 : i32 to vector<16xi32>
        %parallel_loop3A_739 = arith.cmpi slt, %parallel_loop3A_735, %parallel_loop3A_738 : vector<16xi32>
        %parallel_loop3A_740 = arith.constant 31 : i32
        %parallel_loop3A_741 = vector.broadcast %parallel_loop3A_740 : i32 to vector<16xi32>
        %parallel_loop3A_742 = arith.addi %parallel_loop3A_741, %parallel_loop3A_735 : vector<16xi32>
        %parallel_loop3A_743 = arith.constant 62 : i32
        %parallel_loop3A_744 = vector.broadcast %parallel_loop3A_743 : i32 to vector<16xi32>
        %parallel_loop3A_745 = arith.addi %parallel_loop3A_744, %parallel_loop3A_735 : vector<16xi32>
        %parallel_loop3A_746 = arith.select %parallel_loop3A_739, %parallel_loop3A_742, %parallel_loop3A_745 : vector<16xi1>, vector<16xi32>
        %parallel_loop3A_747 = arith.constant 0 : i32
        %parallel_loop3A_748 = vector.broadcast %parallel_loop3A_747 : i32 to vector<16xi32>
        %parallel_loop3A_749 = arith.cmpi ne, %parallel_loop3A_735, %parallel_loop3A_748 : vector<16xi32>
        %parallel_loop3A_750 = arith.constant 8 : i32
        %parallel_loop3A_751 = vector.broadcast %parallel_loop3A_750 : i32 to vector<16xi32>
        %parallel_loop3A_752 = arith.cmpi ne, %parallel_loop3A_735, %parallel_loop3A_751 : vector<16xi32>
        %parallel_loop3A_753 = arith.andi %parallel_loop3A_749, %parallel_loop3A_752 : vector<16xi1>
        tpu.vector_store_idx %arg8[%parallel_loop3A_100, %parallel_loop3A_746], %parallel_loop3A_736 masked %parallel_loop3A_753 : memref<512x78xf32, #tpu.memory_space<vmem>>[vector<16xi32>, vector<16xi32>], vector<16xf32>, vector<16xi1>
        %parallel_loop3A_754 = arith.constant 13 : i32
        %parallel_loop3A_755 = vector.broadcast %parallel_loop3A_754 : i32 to vector<16xi32>
        %parallel_loop3A_756 = arith.addi %parallel_loop3A_755, %parallel_loop3A_101 : vector<16xi32>
        %parallel_loop3A_757 = arith.constant 15 : i32
        %parallel_loop3A_758 = vector.broadcast %parallel_loop3A_757 : i32 to vector<16xi32>
        %parallel_loop3A_759 = arith.andi %parallel_loop3A_756, %parallel_loop3A_758 : vector<16xi32>
        %parallel_loop3A_760 = tpu.vector_load_idx %arg6[%parallel_loop3A_100, %parallel_loop3A_759] : memref<512x16xf32, #tpu.memory_space<vmem>>[vector<16xi32>, vector<16xi32>], vector<16xf32>,
        %parallel_loop3A_761 = arith.constant 8 : i32
        %parallel_loop3A_762 = vector.broadcast %parallel_loop3A_761 : i32 to vector<16xi32>
        %parallel_loop3A_763 = arith.cmpi slt, %parallel_loop3A_759, %parallel_loop3A_762 : vector<16xi32>
        %parallel_loop3A_764 = arith.constant 31 : i32
        %parallel_loop3A_765 = vector.broadcast %parallel_loop3A_764 : i32 to vector<16xi32>
        %parallel_loop3A_766 = arith.addi %parallel_loop3A_765, %parallel_loop3A_759 : vector<16xi32>
        %parallel_loop3A_767 = arith.constant 62 : i32
        %parallel_loop3A_768 = vector.broadcast %parallel_loop3A_767 : i32 to vector<16xi32>
        %parallel_loop3A_769 = arith.addi %parallel_loop3A_768, %parallel_loop3A_759 : vector<16xi32>
        %parallel_loop3A_770 = arith.select %parallel_loop3A_763, %parallel_loop3A_766, %parallel_loop3A_769 : vector<16xi1>, vector<16xi32>
        %parallel_loop3A_771 = arith.constant 0 : i32
        %parallel_loop3A_772 = vector.broadcast %parallel_loop3A_771 : i32 to vector<16xi32>
        %parallel_loop3A_773 = arith.cmpi ne, %parallel_loop3A_759, %parallel_loop3A_772 : vector<16xi32>
        %parallel_loop3A_774 = arith.constant 8 : i32
        %parallel_loop3A_775 = vector.broadcast %parallel_loop3A_774 : i32 to vector<16xi32>
        %parallel_loop3A_776 = arith.cmpi ne, %parallel_loop3A_759, %parallel_loop3A_775 : vector<16xi32>
        %parallel_loop3A_777 = arith.andi %parallel_loop3A_773, %parallel_loop3A_776 : vector<16xi1>
        tpu.vector_store_idx %arg8[%parallel_loop3A_100, %parallel_loop3A_770], %parallel_loop3A_760 masked %parallel_loop3A_777 : memref<512x78xf32, #tpu.memory_space<vmem>>[vector<16xi32>, vector<16xi32>], vector<16xf32>, vector<16xi1>
        %parallel_loop3A_778 = arith.constant 14 : i32
        %parallel_loop3A_779 = vector.broadcast %parallel_loop3A_778 : i32 to vector<16xi32>
        %parallel_loop3A_780 = arith.addi %parallel_loop3A_779, %parallel_loop3A_101 : vector<16xi32>
        %parallel_loop3A_781 = arith.constant 15 : i32
        %parallel_loop3A_782 = vector.broadcast %parallel_loop3A_781 : i32 to vector<16xi32>
        %parallel_loop3A_783 = arith.andi %parallel_loop3A_780, %parallel_loop3A_782 : vector<16xi32>
        %parallel_loop3A_784 = tpu.vector_load_idx %arg6[%parallel_loop3A_100, %parallel_loop3A_783] : memref<512x16xf32, #tpu.memory_space<vmem>>[vector<16xi32>, vector<16xi32>], vector<16xf32>,
        %parallel_loop3A_785 = arith.constant 8 : i32
        %parallel_loop3A_786 = vector.broadcast %parallel_loop3A_785 : i32 to vector<16xi32>
        %parallel_loop3A_787 = arith.cmpi slt, %parallel_loop3A_783, %parallel_loop3A_786 : vector<16xi32>
        %parallel_loop3A_788 = arith.constant 31 : i32
        %parallel_loop3A_789 = vector.broadcast %parallel_loop3A_788 : i32 to vector<16xi32>
        %parallel_loop3A_790 = arith.addi %parallel_loop3A_789, %parallel_loop3A_783 : vector<16xi32>
        %parallel_loop3A_791 = arith.constant 62 : i32
        %parallel_loop3A_792 = vector.broadcast %parallel_loop3A_791 : i32 to vector<16xi32>
        %parallel_loop3A_793 = arith.addi %parallel_loop3A_792, %parallel_loop3A_783 : vector<16xi32>
        %parallel_loop3A_794 = arith.select %parallel_loop3A_787, %parallel_loop3A_790, %parallel_loop3A_793 : vector<16xi1>, vector<16xi32>
        %parallel_loop3A_795 = arith.constant 0 : i32
        %parallel_loop3A_796 = vector.broadcast %parallel_loop3A_795 : i32 to vector<16xi32>
        %parallel_loop3A_797 = arith.cmpi ne, %parallel_loop3A_783, %parallel_loop3A_796 : vector<16xi32>
        %parallel_loop3A_798 = arith.constant 8 : i32
        %parallel_loop3A_799 = vector.broadcast %parallel_loop3A_798 : i32 to vector<16xi32>
        %parallel_loop3A_800 = arith.cmpi ne, %parallel_loop3A_783, %parallel_loop3A_799 : vector<16xi32>
        %parallel_loop3A_801 = arith.andi %parallel_loop3A_797, %parallel_loop3A_800 : vector<16xi1>
        tpu.vector_store_idx %arg8[%parallel_loop3A_100, %parallel_loop3A_794], %parallel_loop3A_784 masked %parallel_loop3A_801 : memref<512x78xf32, #tpu.memory_space<vmem>>[vector<16xi32>, vector<16xi32>], vector<16xf32>, vector<16xi1>
        %parallel_loop3A_802 = arith.constant 15 : i32
        %parallel_loop3A_803 = vector.broadcast %parallel_loop3A_802 : i32 to vector<16xi32>
        %parallel_loop3A_804 = arith.addi %parallel_loop3A_803, %parallel_loop3A_101 : vector<16xi32>
        %parallel_loop3A_805 = arith.constant 15 : i32
        %parallel_loop3A_806 = vector.broadcast %parallel_loop3A_805 : i32 to vector<16xi32>
        %parallel_loop3A_807 = arith.andi %parallel_loop3A_804, %parallel_loop3A_806 : vector<16xi32>
        %parallel_loop3A_808 = tpu.vector_load_idx %arg6[%parallel_loop3A_100, %parallel_loop3A_807] : memref<512x16xf32, #tpu.memory_space<vmem>>[vector<16xi32>, vector<16xi32>], vector<16xf32>,
        %parallel_loop3A_809 = arith.constant 8 : i32
        %parallel_loop3A_810 = vector.broadcast %parallel_loop3A_809 : i32 to vector<16xi32>
        %parallel_loop3A_811 = arith.cmpi slt, %parallel_loop3A_807, %parallel_loop3A_810 : vector<16xi32>
        %parallel_loop3A_812 = arith.constant 31 : i32
        %parallel_loop3A_813 = vector.broadcast %parallel_loop3A_812 : i32 to vector<16xi32>
        %parallel_loop3A_814 = arith.addi %parallel_loop3A_813, %parallel_loop3A_807 : vector<16xi32>
        %parallel_loop3A_815 = arith.constant 62 : i32
        %parallel_loop3A_816 = vector.broadcast %parallel_loop3A_815 : i32 to vector<16xi32>
        %parallel_loop3A_817 = arith.addi %parallel_loop3A_816, %parallel_loop3A_807 : vector<16xi32>
        %parallel_loop3A_818 = arith.select %parallel_loop3A_811, %parallel_loop3A_814, %parallel_loop3A_817 : vector<16xi1>, vector<16xi32>
        %parallel_loop3A_819 = arith.constant 0 : i32
        %parallel_loop3A_820 = vector.broadcast %parallel_loop3A_819 : i32 to vector<16xi32>
        %parallel_loop3A_821 = arith.cmpi ne, %parallel_loop3A_807, %parallel_loop3A_820 : vector<16xi32>
        %parallel_loop3A_822 = arith.constant 8 : i32
        %parallel_loop3A_823 = vector.broadcast %parallel_loop3A_822 : i32 to vector<16xi32>
        %parallel_loop3A_824 = arith.cmpi ne, %parallel_loop3A_807, %parallel_loop3A_823 : vector<16xi32>
        %parallel_loop3A_825 = arith.andi %parallel_loop3A_821, %parallel_loop3A_824 : vector<16xi1>
        tpu.vector_store_idx %arg8[%parallel_loop3A_100, %parallel_loop3A_818], %parallel_loop3A_808 masked %parallel_loop3A_825 : memref<512x78xf32, #tpu.memory_space<vmem>>[vector<16xi32>, vector<16xi32>], vector<16xf32>, vector<16xi1>
      } {sc.loop_unroll_factor = 4 : i64, sc.parallel_access}
      %mul3A_48 = arith.constant 512 : i32
      %mul3A_49 = arith.muli %add3A_36, %mul3A_48 : i32
      %add3A_50 = arith.addi %mul3A_2, %mul3A_49 : i32
      %dma_start3A_51 = arith.constant 0 : i32
      %dma_start3A_52 = tpu.memref_slice %arg4[%add3A_50, %dma_start3A_51] : memref<3276800x78xf32, #tpu.memory_space<hbm>> -> memref<512x78xf32, #tpu.memory_space<hbm>>
      %dma_start3A_53 = arith.constant 0 : i32
      %dma_start3A_54 = tpu.memref_slice %arg4[%add3A_50, %dma_start3A_53] : memref<3276800x78xf32, #tpu.memory_space<hbm>> -> memref<512x78xf32, #tpu.memory_space<hbm>>
      tpu.enqueue_dma source(%arg8 : memref<512x78xf32, #tpu.memory_space<vmem>>) target(%dma_start3A_54 : memref<512x78xf32, #tpu.memory_space<hbm>>) target_semaphore(%arg12 : memref<!tpu.dma_semaphore, #tpu.memory_space<semaphore_mem>>)
      %add3A_55 = arith.constant 2 : i32
      %add3A_56 = arith.addi %add3A_36, %add3A_55 : i32
      %lt3A = arith.constant 200 : i32
      %lt3A_57 = arith.cmpi slt, %add3A_56, %lt3A : i32
      %convert_element_type3A_58 = arith.extui %lt3A_57 : i1 to i32
      %cond3A_59 = arith.constant 0 : i32
      %cond3A_60 = arith.cmpi ne, %convert_element_type3A_58, %cond3A_59 : i32
      scf.if %cond3A_60 {
        %add3A_95 = arith.constant 2 : i32
        %add3A_96 = arith.addi %add3A_36, %add3A_95 : i32
        %mul3A_97 = arith.constant 512 : i32
        %mul3A_98 = arith.muli %add3A_96, %mul3A_97 : i32
        %add3A_99 = arith.addi %mul3A_2, %mul3A_98 : i32
        %dma_start3A_100 = arith.constant 0 : i32
        %dma_start3A_101 = tpu.memref_slice %arg2[%add3A_99, %dma_start3A_100] : memref<3276800x16xf32, #tpu.memory_space<hbm>> -> memref<512x16xf32, #tpu.memory_space<hbm>>
        %dma_start3A_102 = arith.constant 0 : i32
        %dma_start3A_103 = tpu.memref_slice %arg2[%add3A_99, %dma_start3A_102] : memref<3276800x16xf32, #tpu.memory_space<hbm>> -> memref<512x16xf32, #tpu.memory_space<hbm>>
        tpu.enqueue_dma source(%dma_start3A_103 : memref<512x16xf32, #tpu.memory_space<hbm>>) target(%arg6 : memref<512x16xf32, #tpu.memory_space<vmem>>) target_semaphore(%arg10 : memref<!tpu.dma_semaphore, #tpu.memory_space<semaphore_mem>>)
      } else {
      }
      %mul3A_61 = arith.constant 2 : i32
      %mul3A_62 = arith.muli %scan3A_31, %mul3A_61 : i32
      %add3A_63 = arith.constant 1 : i32
      %add3A_64 = arith.addi %mul3A_62, %add3A_63 : i32
      %mul3A_65 = arith.constant 512 : i32
      %mul3A_66 = arith.muli %add3A_64, %mul3A_65 : i32
      %add3A_67 = arith.addi %mul3A_2, %mul3A_66 : i32
      %dma_wait3A_68 = arith.constant 0 : i32
      %dma_wait3A_69 = tpu.memref_slice %arg2[%add3A_67, %dma_wait3A_68] : memref<3276800x16xf32, #tpu.memory_space<hbm>> -> memref<512x16xf32, #tpu.memory_space<hbm>>
      %dma_wait3A_70 = arith.constant 0 : i32
      %dma_wait3A_71 = tpu.memref_slice %arg2[%add3A_67, %dma_wait3A_70] : memref<3276800x16xf32, #tpu.memory_space<hbm>> -> memref<512x16xf32, #tpu.memory_space<hbm>>
      tpu.wait_dma2 semaphore(%arg11 : memref<!tpu.dma_semaphore, #tpu.memory_space<semaphore_mem>>) src(%dma_wait3A_71 : memref<512x16xf32, #tpu.memory_space<hbm>>) dst(%arg7 : memref<512x16xf32, #tpu.memory_space<vmem>>)
      %ge3A_72 = arith.constant 2 : i32
      %ge3A_73 = arith.cmpi sge, %add3A_64, %ge3A_72 : i32
      %convert_element_type3A_74 = arith.extui %ge3A_73 : i1 to i32
      %cond3A_75 = arith.constant 0 : i32
      %cond3A_76 = arith.cmpi ne, %convert_element_type3A_74, %cond3A_75 : i32
      scf.if %cond3A_76 {
        %sub3A = arith.constant 2 : i32
        %sub3A_95 = arith.subi %add3A_64, %sub3A : i32
        %mul3A_96 = arith.constant 512 : i32
        %mul3A_97 = arith.muli %sub3A_95, %mul3A_96 : i32
        %add3A_98 = arith.addi %mul3A_2, %mul3A_97 : i32
        %dma_wait3A_99 = arith.constant 0 : i32
        %dma_wait3A_100 = tpu.memref_slice %arg4[%add3A_98, %dma_wait3A_99] : memref<3276800x78xf32, #tpu.memory_space<hbm>> -> memref<512x78xf32, #tpu.memory_space<hbm>>
        %dma_wait3A_101 = arith.constant 0 : i32
        %dma_wait3A_102 = tpu.memref_slice %arg4[%add3A_98, %dma_wait3A_101] : memref<3276800x78xf32, #tpu.memory_space<hbm>> -> memref<512x78xf32, #tpu.memory_space<hbm>>
        tpu.wait_dma2 semaphore(%arg13 : memref<!tpu.dma_semaphore, #tpu.memory_space<semaphore_mem>>) src(%arg9 : memref<512x78xf32, #tpu.memory_space<vmem>>) dst(%dma_wait3A_102 : memref<512x78xf32, #tpu.memory_space<hbm>>)
      } else {
      }
      %parallel_loop3A_77 = arith.constant 0 : i32
      %parallel_loop3A_78 = arith.constant 32 : i32
      %parallel_loop3A_79 = arith.constant 1 : i32
      scf.for %parallel_loop3A_95 = %parallel_loop3A_77 to %parallel_loop3A_78 step %parallel_loop3A_79  : i32 {
        %parallel_loop3A_96 = arith.constant 16 : i32
        %parallel_loop3A_97 = arith.muli %parallel_loop3A_95, %parallel_loop3A_96 : i32
        %parallel_loop3A_98 = tpu.iota {dimensions = array<i32: 0>} : vector<16xi32>
        %parallel_loop3A_99 = vector.broadcast %parallel_loop3A_97 : i32 to vector<16xi32>
        %parallel_loop3A_100 = arith.addi %parallel_loop3A_99, %parallel_loop3A_98 : vector<16xi32>
        %parallel_loop3A_101 = tpu.iota {dimensions = array<i32: 0>} : vector<16xi32>
        %parallel_loop3A_102 = arith.constant 0 : i32
        %parallel_loop3A_103 = vector.broadcast %parallel_loop3A_102 : i32 to vector<16xi32>
        %parallel_loop3A_104 = tpu.vector_load_idx %arg7[%parallel_loop3A_100, %parallel_loop3A_103] : memref<512x16xf32, #tpu.memory_space<vmem>>[vector<16xi32>, vector<16xi32>], vector<16xf32>,
        %parallel_loop3A_105 = arith.fptosi %parallel_loop3A_104 : vector<16xf32> to vector<16xi32>
        %parallel_loop3A_106 = arith.constant 0 : i32
        %parallel_loop3A_107 = arith.constant 399 : i32
        %parallel_loop3A_108 = vector.broadcast %parallel_loop3A_106 : i32 to vector<16xi32>
        %parallel_loop3A_109 = arith.maxsi %parallel_loop3A_108, %parallel_loop3A_105 : vector<16xi32>
        %parallel_loop3A_110 = vector.broadcast %parallel_loop3A_107 : i32 to vector<16xi32>
        %parallel_loop3A_111 = arith.minsi %parallel_loop3A_110, %parallel_loop3A_109 : vector<16xi32>
        %parallel_loop3A_112 = arith.constant 8 : i32
        %parallel_loop3A_113 = vector.broadcast %parallel_loop3A_112 : i32 to vector<16xi32>
        %parallel_loop3A_114 = tpu.vector_load_idx %arg7[%parallel_loop3A_100, %parallel_loop3A_113] : memref<512x16xf32, #tpu.memory_space<vmem>>[vector<16xi32>, vector<16xi32>], vector<16xf32>,
        %parallel_loop3A_115 = arith.fptosi %parallel_loop3A_114 : vector<16xf32> to vector<16xi32>
        %parallel_loop3A_116 = arith.constant 0 : i32
        %parallel_loop3A_117 = arith.constant 399 : i32
        %parallel_loop3A_118 = vector.broadcast %parallel_loop3A_116 : i32 to vector<16xi32>
        %parallel_loop3A_119 = arith.maxsi %parallel_loop3A_118, %parallel_loop3A_115 : vector<16xi32>
        %parallel_loop3A_120 = vector.broadcast %parallel_loop3A_117 : i32 to vector<16xi32>
        %parallel_loop3A_121 = arith.minsi %parallel_loop3A_120, %parallel_loop3A_119 : vector<16xi32>
        %parallel_loop3A_122 = arith.constant 0 : i32
        %parallel_loop3A_123 = vector.broadcast %parallel_loop3A_122 : i32 to vector<16xi32>
        %parallel_loop3A_124 = tpu.vector_load_idx %arg5[%parallel_loop3A_111, %parallel_loop3A_123] : memref<400x33xf32, #tpu.memory_space<vmem>>[vector<16xi32>, vector<16xi32>], vector<16xf32>,
        %parallel_loop3A_125 = arith.constant 0 : i32
        %parallel_loop3A_126 = vector.broadcast %parallel_loop3A_125 : i32 to vector<16xi32>
        %parallel_loop3A_127 = tpu.vector_load_idx %arg5[%parallel_loop3A_121, %parallel_loop3A_126] : memref<400x33xf32, #tpu.memory_space<vmem>>[vector<16xi32>, vector<16xi32>], vector<16xf32>,
        %parallel_loop3A_128 = arith.constant 1 : i32
        %parallel_loop3A_129 = vector.broadcast %parallel_loop3A_128 : i32 to vector<16xi32>
        %parallel_loop3A_130 = tpu.vector_load_idx %arg5[%parallel_loop3A_111, %parallel_loop3A_129] : memref<400x33xf32, #tpu.memory_space<vmem>>[vector<16xi32>, vector<16xi32>], vector<16xf32>,
        %parallel_loop3A_131 = arith.constant 1 : i32
        %parallel_loop3A_132 = vector.broadcast %parallel_loop3A_131 : i32 to vector<16xi32>
        %parallel_loop3A_133 = tpu.vector_load_idx %arg5[%parallel_loop3A_121, %parallel_loop3A_132] : memref<400x33xf32, #tpu.memory_space<vmem>>[vector<16xi32>, vector<16xi32>], vector<16xf32>,
        %parallel_loop3A_134 = arith.constant 2 : i32
        %parallel_loop3A_135 = vector.broadcast %parallel_loop3A_134 : i32 to vector<16xi32>
        %parallel_loop3A_136 = tpu.vector_load_idx %arg5[%parallel_loop3A_111, %parallel_loop3A_135] : memref<400x33xf32, #tpu.memory_space<vmem>>[vector<16xi32>, vector<16xi32>], vector<16xf32>,
        %parallel_loop3A_137 = arith.constant 2 : i32
        %parallel_loop3A_138 = vector.broadcast %parallel_loop3A_137 : i32 to vector<16xi32>
        %parallel_loop3A_139 = tpu.vector_load_idx %arg5[%parallel_loop3A_121, %parallel_loop3A_138] : memref<400x33xf32, #tpu.memory_space<vmem>>[vector<16xi32>, vector<16xi32>], vector<16xf32>,
        %parallel_loop3A_140 = arith.constant 3 : i32
        %parallel_loop3A_141 = vector.broadcast %parallel_loop3A_140 : i32 to vector<16xi32>
        %parallel_loop3A_142 = tpu.vector_load_idx %arg5[%parallel_loop3A_111, %parallel_loop3A_141] : memref<400x33xf32, #tpu.memory_space<vmem>>[vector<16xi32>, vector<16xi32>], vector<16xf32>,
        %parallel_loop3A_143 = arith.constant 3 : i32
        %parallel_loop3A_144 = vector.broadcast %parallel_loop3A_143 : i32 to vector<16xi32>
        %parallel_loop3A_145 = tpu.vector_load_idx %arg5[%parallel_loop3A_121, %parallel_loop3A_144] : memref<400x33xf32, #tpu.memory_space<vmem>>[vector<16xi32>, vector<16xi32>], vector<16xf32>,
        %parallel_loop3A_146 = arith.constant 4 : i32
        %parallel_loop3A_147 = vector.broadcast %parallel_loop3A_146 : i32 to vector<16xi32>
        %parallel_loop3A_148 = tpu.vector_load_idx %arg5[%parallel_loop3A_111, %parallel_loop3A_147] : memref<400x33xf32, #tpu.memory_space<vmem>>[vector<16xi32>, vector<16xi32>], vector<16xf32>,
        %parallel_loop3A_149 = arith.constant 4 : i32
        %parallel_loop3A_150 = vector.broadcast %parallel_loop3A_149 : i32 to vector<16xi32>
        %parallel_loop3A_151 = tpu.vector_load_idx %arg5[%parallel_loop3A_121, %parallel_loop3A_150] : memref<400x33xf32, #tpu.memory_space<vmem>>[vector<16xi32>, vector<16xi32>], vector<16xf32>,
        %parallel_loop3A_152 = arith.constant 5 : i32
        %parallel_loop3A_153 = vector.broadcast %parallel_loop3A_152 : i32 to vector<16xi32>
        %parallel_loop3A_154 = tpu.vector_load_idx %arg5[%parallel_loop3A_111, %parallel_loop3A_153] : memref<400x33xf32, #tpu.memory_space<vmem>>[vector<16xi32>, vector<16xi32>], vector<16xf32>,
        %parallel_loop3A_155 = arith.constant 5 : i32
        %parallel_loop3A_156 = vector.broadcast %parallel_loop3A_155 : i32 to vector<16xi32>
        %parallel_loop3A_157 = tpu.vector_load_idx %arg5[%parallel_loop3A_121, %parallel_loop3A_156] : memref<400x33xf32, #tpu.memory_space<vmem>>[vector<16xi32>, vector<16xi32>], vector<16xf32>,
        %parallel_loop3A_158 = arith.constant 6 : i32
        %parallel_loop3A_159 = vector.broadcast %parallel_loop3A_158 : i32 to vector<16xi32>
        %parallel_loop3A_160 = tpu.vector_load_idx %arg5[%parallel_loop3A_111, %parallel_loop3A_159] : memref<400x33xf32, #tpu.memory_space<vmem>>[vector<16xi32>, vector<16xi32>], vector<16xf32>,
        %parallel_loop3A_161 = arith.constant 6 : i32
        %parallel_loop3A_162 = vector.broadcast %parallel_loop3A_161 : i32 to vector<16xi32>
        %parallel_loop3A_163 = tpu.vector_load_idx %arg5[%parallel_loop3A_121, %parallel_loop3A_162] : memref<400x33xf32, #tpu.memory_space<vmem>>[vector<16xi32>, vector<16xi32>], vector<16xf32>,
        %parallel_loop3A_164 = arith.constant 7 : i32
        %parallel_loop3A_165 = vector.broadcast %parallel_loop3A_164 : i32 to vector<16xi32>
        %parallel_loop3A_166 = tpu.vector_load_idx %arg5[%parallel_loop3A_111, %parallel_loop3A_165] : memref<400x33xf32, #tpu.memory_space<vmem>>[vector<16xi32>, vector<16xi32>], vector<16xf32>,
        %parallel_loop3A_167 = arith.constant 7 : i32
        %parallel_loop3A_168 = vector.broadcast %parallel_loop3A_167 : i32 to vector<16xi32>
        %parallel_loop3A_169 = tpu.vector_load_idx %arg5[%parallel_loop3A_121, %parallel_loop3A_168] : memref<400x33xf32, #tpu.memory_space<vmem>>[vector<16xi32>, vector<16xi32>], vector<16xf32>,
        %parallel_loop3A_170 = arith.constant 0 : i32
        %parallel_loop3A_171 = vector.broadcast %parallel_loop3A_170 : i32 to vector<16xi32>
        tpu.vector_store_idx %arg9[%parallel_loop3A_100, %parallel_loop3A_171], %parallel_loop3A_124 : memref<512x78xf32, #tpu.memory_space<vmem>>[vector<16xi32>, vector<16xi32>], vector<16xf32>,
        %parallel_loop3A_172 = arith.constant 39 : i32
        %parallel_loop3A_173 = vector.broadcast %parallel_loop3A_172 : i32 to vector<16xi32>
        tpu.vector_store_idx %arg9[%parallel_loop3A_100, %parallel_loop3A_173], %parallel_loop3A_127 : memref<512x78xf32, #tpu.memory_space<vmem>>[vector<16xi32>, vector<16xi32>], vector<16xf32>,
        %parallel_loop3A_174 = arith.constant 1 : i32
        %parallel_loop3A_175 = vector.broadcast %parallel_loop3A_174 : i32 to vector<16xi32>
        tpu.vector_store_idx %arg9[%parallel_loop3A_100, %parallel_loop3A_175], %parallel_loop3A_130 : memref<512x78xf32, #tpu.memory_space<vmem>>[vector<16xi32>, vector<16xi32>], vector<16xf32>,
        %parallel_loop3A_176 = arith.constant 40 : i32
        %parallel_loop3A_177 = vector.broadcast %parallel_loop3A_176 : i32 to vector<16xi32>
        tpu.vector_store_idx %arg9[%parallel_loop3A_100, %parallel_loop3A_177], %parallel_loop3A_133 : memref<512x78xf32, #tpu.memory_space<vmem>>[vector<16xi32>, vector<16xi32>], vector<16xf32>,
        %parallel_loop3A_178 = arith.constant 2 : i32
        %parallel_loop3A_179 = vector.broadcast %parallel_loop3A_178 : i32 to vector<16xi32>
        tpu.vector_store_idx %arg9[%parallel_loop3A_100, %parallel_loop3A_179], %parallel_loop3A_136 : memref<512x78xf32, #tpu.memory_space<vmem>>[vector<16xi32>, vector<16xi32>], vector<16xf32>,
        %parallel_loop3A_180 = arith.constant 41 : i32
        %parallel_loop3A_181 = vector.broadcast %parallel_loop3A_180 : i32 to vector<16xi32>
        tpu.vector_store_idx %arg9[%parallel_loop3A_100, %parallel_loop3A_181], %parallel_loop3A_139 : memref<512x78xf32, #tpu.memory_space<vmem>>[vector<16xi32>, vector<16xi32>], vector<16xf32>,
        %parallel_loop3A_182 = arith.constant 3 : i32
        %parallel_loop3A_183 = vector.broadcast %parallel_loop3A_182 : i32 to vector<16xi32>
        tpu.vector_store_idx %arg9[%parallel_loop3A_100, %parallel_loop3A_183], %parallel_loop3A_142 : memref<512x78xf32, #tpu.memory_space<vmem>>[vector<16xi32>, vector<16xi32>], vector<16xf32>,
        %parallel_loop3A_184 = arith.constant 42 : i32
        %parallel_loop3A_185 = vector.broadcast %parallel_loop3A_184 : i32 to vector<16xi32>
        tpu.vector_store_idx %arg9[%parallel_loop3A_100, %parallel_loop3A_185], %parallel_loop3A_145 : memref<512x78xf32, #tpu.memory_space<vmem>>[vector<16xi32>, vector<16xi32>], vector<16xf32>,
        %parallel_loop3A_186 = arith.constant 4 : i32
        %parallel_loop3A_187 = vector.broadcast %parallel_loop3A_186 : i32 to vector<16xi32>
        tpu.vector_store_idx %arg9[%parallel_loop3A_100, %parallel_loop3A_187], %parallel_loop3A_148 : memref<512x78xf32, #tpu.memory_space<vmem>>[vector<16xi32>, vector<16xi32>], vector<16xf32>,
        %parallel_loop3A_188 = arith.constant 43 : i32
        %parallel_loop3A_189 = vector.broadcast %parallel_loop3A_188 : i32 to vector<16xi32>
        tpu.vector_store_idx %arg9[%parallel_loop3A_100, %parallel_loop3A_189], %parallel_loop3A_151 : memref<512x78xf32, #tpu.memory_space<vmem>>[vector<16xi32>, vector<16xi32>], vector<16xf32>,
        %parallel_loop3A_190 = arith.constant 5 : i32
        %parallel_loop3A_191 = vector.broadcast %parallel_loop3A_190 : i32 to vector<16xi32>
        tpu.vector_store_idx %arg9[%parallel_loop3A_100, %parallel_loop3A_191], %parallel_loop3A_154 : memref<512x78xf32, #tpu.memory_space<vmem>>[vector<16xi32>, vector<16xi32>], vector<16xf32>,
        %parallel_loop3A_192 = arith.constant 44 : i32
        %parallel_loop3A_193 = vector.broadcast %parallel_loop3A_192 : i32 to vector<16xi32>
        tpu.vector_store_idx %arg9[%parallel_loop3A_100, %parallel_loop3A_193], %parallel_loop3A_157 : memref<512x78xf32, #tpu.memory_space<vmem>>[vector<16xi32>, vector<16xi32>], vector<16xf32>,
        %parallel_loop3A_194 = arith.constant 6 : i32
        %parallel_loop3A_195 = vector.broadcast %parallel_loop3A_194 : i32 to vector<16xi32>
        tpu.vector_store_idx %arg9[%parallel_loop3A_100, %parallel_loop3A_195], %parallel_loop3A_160 : memref<512x78xf32, #tpu.memory_space<vmem>>[vector<16xi32>, vector<16xi32>], vector<16xf32>,
        %parallel_loop3A_196 = arith.constant 45 : i32
        %parallel_loop3A_197 = vector.broadcast %parallel_loop3A_196 : i32 to vector<16xi32>
        tpu.vector_store_idx %arg9[%parallel_loop3A_100, %parallel_loop3A_197], %parallel_loop3A_163 : memref<512x78xf32, #tpu.memory_space<vmem>>[vector<16xi32>, vector<16xi32>], vector<16xf32>,
        %parallel_loop3A_198 = arith.constant 7 : i32
        %parallel_loop3A_199 = vector.broadcast %parallel_loop3A_198 : i32 to vector<16xi32>
        tpu.vector_store_idx %arg9[%parallel_loop3A_100, %parallel_loop3A_199], %parallel_loop3A_166 : memref<512x78xf32, #tpu.memory_space<vmem>>[vector<16xi32>, vector<16xi32>], vector<16xf32>,
        %parallel_loop3A_200 = arith.constant 46 : i32
        %parallel_loop3A_201 = vector.broadcast %parallel_loop3A_200 : i32 to vector<16xi32>
        tpu.vector_store_idx %arg9[%parallel_loop3A_100, %parallel_loop3A_201], %parallel_loop3A_169 : memref<512x78xf32, #tpu.memory_space<vmem>>[vector<16xi32>, vector<16xi32>], vector<16xf32>,
        %parallel_loop3A_202 = arith.constant 8 : i32
        %parallel_loop3A_203 = vector.broadcast %parallel_loop3A_202 : i32 to vector<16xi32>
        %parallel_loop3A_204 = tpu.vector_load_idx %arg5[%parallel_loop3A_111, %parallel_loop3A_203] : memref<400x33xf32, #tpu.memory_space<vmem>>[vector<16xi32>, vector<16xi32>], vector<16xf32>,
        %parallel_loop3A_205 = arith.constant 8 : i32
        %parallel_loop3A_206 = vector.broadcast %parallel_loop3A_205 : i32 to vector<16xi32>
        %parallel_loop3A_207 = tpu.vector_load_idx %arg5[%parallel_loop3A_121, %parallel_loop3A_206] : memref<400x33xf32, #tpu.memory_space<vmem>>[vector<16xi32>, vector<16xi32>], vector<16xf32>,
        %parallel_loop3A_208 = arith.constant 9 : i32
        %parallel_loop3A_209 = vector.broadcast %parallel_loop3A_208 : i32 to vector<16xi32>
        %parallel_loop3A_210 = tpu.vector_load_idx %arg5[%parallel_loop3A_111, %parallel_loop3A_209] : memref<400x33xf32, #tpu.memory_space<vmem>>[vector<16xi32>, vector<16xi32>], vector<16xf32>,
        %parallel_loop3A_211 = arith.constant 9 : i32
        %parallel_loop3A_212 = vector.broadcast %parallel_loop3A_211 : i32 to vector<16xi32>
        %parallel_loop3A_213 = tpu.vector_load_idx %arg5[%parallel_loop3A_121, %parallel_loop3A_212] : memref<400x33xf32, #tpu.memory_space<vmem>>[vector<16xi32>, vector<16xi32>], vector<16xf32>,
        %parallel_loop3A_214 = arith.constant 10 : i32
        %parallel_loop3A_215 = vector.broadcast %parallel_loop3A_214 : i32 to vector<16xi32>
        %parallel_loop3A_216 = tpu.vector_load_idx %arg5[%parallel_loop3A_111, %parallel_loop3A_215] : memref<400x33xf32, #tpu.memory_space<vmem>>[vector<16xi32>, vector<16xi32>], vector<16xf32>,
        %parallel_loop3A_217 = arith.constant 10 : i32
        %parallel_loop3A_218 = vector.broadcast %parallel_loop3A_217 : i32 to vector<16xi32>
        %parallel_loop3A_219 = tpu.vector_load_idx %arg5[%parallel_loop3A_121, %parallel_loop3A_218] : memref<400x33xf32, #tpu.memory_space<vmem>>[vector<16xi32>, vector<16xi32>], vector<16xf32>,
        %parallel_loop3A_220 = arith.constant 11 : i32
        %parallel_loop3A_221 = vector.broadcast %parallel_loop3A_220 : i32 to vector<16xi32>
        %parallel_loop3A_222 = tpu.vector_load_idx %arg5[%parallel_loop3A_111, %parallel_loop3A_221] : memref<400x33xf32, #tpu.memory_space<vmem>>[vector<16xi32>, vector<16xi32>], vector<16xf32>,
        %parallel_loop3A_223 = arith.constant 11 : i32
        %parallel_loop3A_224 = vector.broadcast %parallel_loop3A_223 : i32 to vector<16xi32>
        %parallel_loop3A_225 = tpu.vector_load_idx %arg5[%parallel_loop3A_121, %parallel_loop3A_224] : memref<400x33xf32, #tpu.memory_space<vmem>>[vector<16xi32>, vector<16xi32>], vector<16xf32>,
        %parallel_loop3A_226 = arith.constant 12 : i32
        %parallel_loop3A_227 = vector.broadcast %parallel_loop3A_226 : i32 to vector<16xi32>
        %parallel_loop3A_228 = tpu.vector_load_idx %arg5[%parallel_loop3A_111, %parallel_loop3A_227] : memref<400x33xf32, #tpu.memory_space<vmem>>[vector<16xi32>, vector<16xi32>], vector<16xf32>,
        %parallel_loop3A_229 = arith.constant 12 : i32
        %parallel_loop3A_230 = vector.broadcast %parallel_loop3A_229 : i32 to vector<16xi32>
        %parallel_loop3A_231 = tpu.vector_load_idx %arg5[%parallel_loop3A_121, %parallel_loop3A_230] : memref<400x33xf32, #tpu.memory_space<vmem>>[vector<16xi32>, vector<16xi32>], vector<16xf32>,
        %parallel_loop3A_232 = arith.constant 13 : i32
        %parallel_loop3A_233 = vector.broadcast %parallel_loop3A_232 : i32 to vector<16xi32>
        %parallel_loop3A_234 = tpu.vector_load_idx %arg5[%parallel_loop3A_111, %parallel_loop3A_233] : memref<400x33xf32, #tpu.memory_space<vmem>>[vector<16xi32>, vector<16xi32>], vector<16xf32>,
        %parallel_loop3A_235 = arith.constant 13 : i32
        %parallel_loop3A_236 = vector.broadcast %parallel_loop3A_235 : i32 to vector<16xi32>
        %parallel_loop3A_237 = tpu.vector_load_idx %arg5[%parallel_loop3A_121, %parallel_loop3A_236] : memref<400x33xf32, #tpu.memory_space<vmem>>[vector<16xi32>, vector<16xi32>], vector<16xf32>,
        %parallel_loop3A_238 = arith.constant 14 : i32
        %parallel_loop3A_239 = vector.broadcast %parallel_loop3A_238 : i32 to vector<16xi32>
        %parallel_loop3A_240 = tpu.vector_load_idx %arg5[%parallel_loop3A_111, %parallel_loop3A_239] : memref<400x33xf32, #tpu.memory_space<vmem>>[vector<16xi32>, vector<16xi32>], vector<16xf32>,
        %parallel_loop3A_241 = arith.constant 14 : i32
        %parallel_loop3A_242 = vector.broadcast %parallel_loop3A_241 : i32 to vector<16xi32>
        %parallel_loop3A_243 = tpu.vector_load_idx %arg5[%parallel_loop3A_121, %parallel_loop3A_242] : memref<400x33xf32, #tpu.memory_space<vmem>>[vector<16xi32>, vector<16xi32>], vector<16xf32>,
        %parallel_loop3A_244 = arith.constant 15 : i32
        %parallel_loop3A_245 = vector.broadcast %parallel_loop3A_244 : i32 to vector<16xi32>
        %parallel_loop3A_246 = tpu.vector_load_idx %arg5[%parallel_loop3A_111, %parallel_loop3A_245] : memref<400x33xf32, #tpu.memory_space<vmem>>[vector<16xi32>, vector<16xi32>], vector<16xf32>,
        %parallel_loop3A_247 = arith.constant 15 : i32
        %parallel_loop3A_248 = vector.broadcast %parallel_loop3A_247 : i32 to vector<16xi32>
        %parallel_loop3A_249 = tpu.vector_load_idx %arg5[%parallel_loop3A_121, %parallel_loop3A_248] : memref<400x33xf32, #tpu.memory_space<vmem>>[vector<16xi32>, vector<16xi32>], vector<16xf32>,
        %parallel_loop3A_250 = arith.constant 8 : i32
        %parallel_loop3A_251 = vector.broadcast %parallel_loop3A_250 : i32 to vector<16xi32>
        tpu.vector_store_idx %arg9[%parallel_loop3A_100, %parallel_loop3A_251], %parallel_loop3A_204 : memref<512x78xf32, #tpu.memory_space<vmem>>[vector<16xi32>, vector<16xi32>], vector<16xf32>,
        %parallel_loop3A_252 = arith.constant 47 : i32
        %parallel_loop3A_253 = vector.broadcast %parallel_loop3A_252 : i32 to vector<16xi32>
        tpu.vector_store_idx %arg9[%parallel_loop3A_100, %parallel_loop3A_253], %parallel_loop3A_207 : memref<512x78xf32, #tpu.memory_space<vmem>>[vector<16xi32>, vector<16xi32>], vector<16xf32>,
        %parallel_loop3A_254 = arith.constant 9 : i32
        %parallel_loop3A_255 = vector.broadcast %parallel_loop3A_254 : i32 to vector<16xi32>
        tpu.vector_store_idx %arg9[%parallel_loop3A_100, %parallel_loop3A_255], %parallel_loop3A_210 : memref<512x78xf32, #tpu.memory_space<vmem>>[vector<16xi32>, vector<16xi32>], vector<16xf32>,
        %parallel_loop3A_256 = arith.constant 48 : i32
        %parallel_loop3A_257 = vector.broadcast %parallel_loop3A_256 : i32 to vector<16xi32>
        tpu.vector_store_idx %arg9[%parallel_loop3A_100, %parallel_loop3A_257], %parallel_loop3A_213 : memref<512x78xf32, #tpu.memory_space<vmem>>[vector<16xi32>, vector<16xi32>], vector<16xf32>,
        %parallel_loop3A_258 = arith.constant 10 : i32
        %parallel_loop3A_259 = vector.broadcast %parallel_loop3A_258 : i32 to vector<16xi32>
        tpu.vector_store_idx %arg9[%parallel_loop3A_100, %parallel_loop3A_259], %parallel_loop3A_216 : memref<512x78xf32, #tpu.memory_space<vmem>>[vector<16xi32>, vector<16xi32>], vector<16xf32>,
        %parallel_loop3A_260 = arith.constant 49 : i32
        %parallel_loop3A_261 = vector.broadcast %parallel_loop3A_260 : i32 to vector<16xi32>
        tpu.vector_store_idx %arg9[%parallel_loop3A_100, %parallel_loop3A_261], %parallel_loop3A_219 : memref<512x78xf32, #tpu.memory_space<vmem>>[vector<16xi32>, vector<16xi32>], vector<16xf32>,
        %parallel_loop3A_262 = arith.constant 11 : i32
        %parallel_loop3A_263 = vector.broadcast %parallel_loop3A_262 : i32 to vector<16xi32>
        tpu.vector_store_idx %arg9[%parallel_loop3A_100, %parallel_loop3A_263], %parallel_loop3A_222 : memref<512x78xf32, #tpu.memory_space<vmem>>[vector<16xi32>, vector<16xi32>], vector<16xf32>,
        %parallel_loop3A_264 = arith.constant 50 : i32
        %parallel_loop3A_265 = vector.broadcast %parallel_loop3A_264 : i32 to vector<16xi32>
        tpu.vector_store_idx %arg9[%parallel_loop3A_100, %parallel_loop3A_265], %parallel_loop3A_225 : memref<512x78xf32, #tpu.memory_space<vmem>>[vector<16xi32>, vector<16xi32>], vector<16xf32>,
        %parallel_loop3A_266 = arith.constant 12 : i32
        %parallel_loop3A_267 = vector.broadcast %parallel_loop3A_266 : i32 to vector<16xi32>
        tpu.vector_store_idx %arg9[%parallel_loop3A_100, %parallel_loop3A_267], %parallel_loop3A_228 : memref<512x78xf32, #tpu.memory_space<vmem>>[vector<16xi32>, vector<16xi32>], vector<16xf32>,
        %parallel_loop3A_268 = arith.constant 51 : i32
        %parallel_loop3A_269 = vector.broadcast %parallel_loop3A_268 : i32 to vector<16xi32>
        tpu.vector_store_idx %arg9[%parallel_loop3A_100, %parallel_loop3A_269], %parallel_loop3A_231 : memref<512x78xf32, #tpu.memory_space<vmem>>[vector<16xi32>, vector<16xi32>], vector<16xf32>,
        %parallel_loop3A_270 = arith.constant 13 : i32
        %parallel_loop3A_271 = vector.broadcast %parallel_loop3A_270 : i32 to vector<16xi32>
        tpu.vector_store_idx %arg9[%parallel_loop3A_100, %parallel_loop3A_271], %parallel_loop3A_234 : memref<512x78xf32, #tpu.memory_space<vmem>>[vector<16xi32>, vector<16xi32>], vector<16xf32>,
        %parallel_loop3A_272 = arith.constant 52 : i32
        %parallel_loop3A_273 = vector.broadcast %parallel_loop3A_272 : i32 to vector<16xi32>
        tpu.vector_store_idx %arg9[%parallel_loop3A_100, %parallel_loop3A_273], %parallel_loop3A_237 : memref<512x78xf32, #tpu.memory_space<vmem>>[vector<16xi32>, vector<16xi32>], vector<16xf32>,
        %parallel_loop3A_274 = arith.constant 14 : i32
        %parallel_loop3A_275 = vector.broadcast %parallel_loop3A_274 : i32 to vector<16xi32>
        tpu.vector_store_idx %arg9[%parallel_loop3A_100, %parallel_loop3A_275], %parallel_loop3A_240 : memref<512x78xf32, #tpu.memory_space<vmem>>[vector<16xi32>, vector<16xi32>], vector<16xf32>,
        %parallel_loop3A_276 = arith.constant 53 : i32
        %parallel_loop3A_277 = vector.broadcast %parallel_loop3A_276 : i32 to vector<16xi32>
        tpu.vector_store_idx %arg9[%parallel_loop3A_100, %parallel_loop3A_277], %parallel_loop3A_243 : memref<512x78xf32, #tpu.memory_space<vmem>>[vector<16xi32>, vector<16xi32>], vector<16xf32>,
        %parallel_loop3A_278 = arith.constant 15 : i32
        %parallel_loop3A_279 = vector.broadcast %parallel_loop3A_278 : i32 to vector<16xi32>
        tpu.vector_store_idx %arg9[%parallel_loop3A_100, %parallel_loop3A_279], %parallel_loop3A_246 : memref<512x78xf32, #tpu.memory_space<vmem>>[vector<16xi32>, vector<16xi32>], vector<16xf32>,
        %parallel_loop3A_280 = arith.constant 54 : i32
        %parallel_loop3A_281 = vector.broadcast %parallel_loop3A_280 : i32 to vector<16xi32>
        tpu.vector_store_idx %arg9[%parallel_loop3A_100, %parallel_loop3A_281], %parallel_loop3A_249 : memref<512x78xf32, #tpu.memory_space<vmem>>[vector<16xi32>, vector<16xi32>], vector<16xf32>,
        %parallel_loop3A_282 = arith.constant 16 : i32
        %parallel_loop3A_283 = vector.broadcast %parallel_loop3A_282 : i32 to vector<16xi32>
        %parallel_loop3A_284 = tpu.vector_load_idx %arg5[%parallel_loop3A_111, %parallel_loop3A_283] : memref<400x33xf32, #tpu.memory_space<vmem>>[vector<16xi32>, vector<16xi32>], vector<16xf32>,
        %parallel_loop3A_285 = arith.constant 16 : i32
        %parallel_loop3A_286 = vector.broadcast %parallel_loop3A_285 : i32 to vector<16xi32>
        %parallel_loop3A_287 = tpu.vector_load_idx %arg5[%parallel_loop3A_121, %parallel_loop3A_286] : memref<400x33xf32, #tpu.memory_space<vmem>>[vector<16xi32>, vector<16xi32>], vector<16xf32>,
        %parallel_loop3A_288 = arith.constant 17 : i32
        %parallel_loop3A_289 = vector.broadcast %parallel_loop3A_288 : i32 to vector<16xi32>
        %parallel_loop3A_290 = tpu.vector_load_idx %arg5[%parallel_loop3A_111, %parallel_loop3A_289] : memref<400x33xf32, #tpu.memory_space<vmem>>[vector<16xi32>, vector<16xi32>], vector<16xf32>,
        %parallel_loop3A_291 = arith.constant 17 : i32
        %parallel_loop3A_292 = vector.broadcast %parallel_loop3A_291 : i32 to vector<16xi32>
        %parallel_loop3A_293 = tpu.vector_load_idx %arg5[%parallel_loop3A_121, %parallel_loop3A_292] : memref<400x33xf32, #tpu.memory_space<vmem>>[vector<16xi32>, vector<16xi32>], vector<16xf32>,
        %parallel_loop3A_294 = arith.constant 18 : i32
        %parallel_loop3A_295 = vector.broadcast %parallel_loop3A_294 : i32 to vector<16xi32>
        %parallel_loop3A_296 = tpu.vector_load_idx %arg5[%parallel_loop3A_111, %parallel_loop3A_295] : memref<400x33xf32, #tpu.memory_space<vmem>>[vector<16xi32>, vector<16xi32>], vector<16xf32>,
        %parallel_loop3A_297 = arith.constant 18 : i32
        %parallel_loop3A_298 = vector.broadcast %parallel_loop3A_297 : i32 to vector<16xi32>
        %parallel_loop3A_299 = tpu.vector_load_idx %arg5[%parallel_loop3A_121, %parallel_loop3A_298] : memref<400x33xf32, #tpu.memory_space<vmem>>[vector<16xi32>, vector<16xi32>], vector<16xf32>,
        %parallel_loop3A_300 = arith.constant 19 : i32
        %parallel_loop3A_301 = vector.broadcast %parallel_loop3A_300 : i32 to vector<16xi32>
        %parallel_loop3A_302 = tpu.vector_load_idx %arg5[%parallel_loop3A_111, %parallel_loop3A_301] : memref<400x33xf32, #tpu.memory_space<vmem>>[vector<16xi32>, vector<16xi32>], vector<16xf32>,
        %parallel_loop3A_303 = arith.constant 19 : i32
        %parallel_loop3A_304 = vector.broadcast %parallel_loop3A_303 : i32 to vector<16xi32>
        %parallel_loop3A_305 = tpu.vector_load_idx %arg5[%parallel_loop3A_121, %parallel_loop3A_304] : memref<400x33xf32, #tpu.memory_space<vmem>>[vector<16xi32>, vector<16xi32>], vector<16xf32>,
        %parallel_loop3A_306 = arith.constant 20 : i32
        %parallel_loop3A_307 = vector.broadcast %parallel_loop3A_306 : i32 to vector<16xi32>
        %parallel_loop3A_308 = tpu.vector_load_idx %arg5[%parallel_loop3A_111, %parallel_loop3A_307] : memref<400x33xf32, #tpu.memory_space<vmem>>[vector<16xi32>, vector<16xi32>], vector<16xf32>,
        %parallel_loop3A_309 = arith.constant 20 : i32
        %parallel_loop3A_310 = vector.broadcast %parallel_loop3A_309 : i32 to vector<16xi32>
        %parallel_loop3A_311 = tpu.vector_load_idx %arg5[%parallel_loop3A_121, %parallel_loop3A_310] : memref<400x33xf32, #tpu.memory_space<vmem>>[vector<16xi32>, vector<16xi32>], vector<16xf32>,
        %parallel_loop3A_312 = arith.constant 21 : i32
        %parallel_loop3A_313 = vector.broadcast %parallel_loop3A_312 : i32 to vector<16xi32>
        %parallel_loop3A_314 = tpu.vector_load_idx %arg5[%parallel_loop3A_111, %parallel_loop3A_313] : memref<400x33xf32, #tpu.memory_space<vmem>>[vector<16xi32>, vector<16xi32>], vector<16xf32>,
        %parallel_loop3A_315 = arith.constant 21 : i32
        %parallel_loop3A_316 = vector.broadcast %parallel_loop3A_315 : i32 to vector<16xi32>
        %parallel_loop3A_317 = tpu.vector_load_idx %arg5[%parallel_loop3A_121, %parallel_loop3A_316] : memref<400x33xf32, #tpu.memory_space<vmem>>[vector<16xi32>, vector<16xi32>], vector<16xf32>,
        %parallel_loop3A_318 = arith.constant 22 : i32
        %parallel_loop3A_319 = vector.broadcast %parallel_loop3A_318 : i32 to vector<16xi32>
        %parallel_loop3A_320 = tpu.vector_load_idx %arg5[%parallel_loop3A_111, %parallel_loop3A_319] : memref<400x33xf32, #tpu.memory_space<vmem>>[vector<16xi32>, vector<16xi32>], vector<16xf32>,
        %parallel_loop3A_321 = arith.constant 22 : i32
        %parallel_loop3A_322 = vector.broadcast %parallel_loop3A_321 : i32 to vector<16xi32>
        %parallel_loop3A_323 = tpu.vector_load_idx %arg5[%parallel_loop3A_121, %parallel_loop3A_322] : memref<400x33xf32, #tpu.memory_space<vmem>>[vector<16xi32>, vector<16xi32>], vector<16xf32>,
        %parallel_loop3A_324 = arith.constant 23 : i32
        %parallel_loop3A_325 = vector.broadcast %parallel_loop3A_324 : i32 to vector<16xi32>
        %parallel_loop3A_326 = tpu.vector_load_idx %arg5[%parallel_loop3A_111, %parallel_loop3A_325] : memref<400x33xf32, #tpu.memory_space<vmem>>[vector<16xi32>, vector<16xi32>], vector<16xf32>,
        %parallel_loop3A_327 = arith.constant 23 : i32
        %parallel_loop3A_328 = vector.broadcast %parallel_loop3A_327 : i32 to vector<16xi32>
        %parallel_loop3A_329 = tpu.vector_load_idx %arg5[%parallel_loop3A_121, %parallel_loop3A_328] : memref<400x33xf32, #tpu.memory_space<vmem>>[vector<16xi32>, vector<16xi32>], vector<16xf32>,
        %parallel_loop3A_330 = arith.constant 16 : i32
        %parallel_loop3A_331 = vector.broadcast %parallel_loop3A_330 : i32 to vector<16xi32>
        tpu.vector_store_idx %arg9[%parallel_loop3A_100, %parallel_loop3A_331], %parallel_loop3A_284 : memref<512x78xf32, #tpu.memory_space<vmem>>[vector<16xi32>, vector<16xi32>], vector<16xf32>,
        %parallel_loop3A_332 = arith.constant 55 : i32
        %parallel_loop3A_333 = vector.broadcast %parallel_loop3A_332 : i32 to vector<16xi32>
        tpu.vector_store_idx %arg9[%parallel_loop3A_100, %parallel_loop3A_333], %parallel_loop3A_287 : memref<512x78xf32, #tpu.memory_space<vmem>>[vector<16xi32>, vector<16xi32>], vector<16xf32>,
        %parallel_loop3A_334 = arith.constant 17 : i32
        %parallel_loop3A_335 = vector.broadcast %parallel_loop3A_334 : i32 to vector<16xi32>
        tpu.vector_store_idx %arg9[%parallel_loop3A_100, %parallel_loop3A_335], %parallel_loop3A_290 : memref<512x78xf32, #tpu.memory_space<vmem>>[vector<16xi32>, vector<16xi32>], vector<16xf32>,
        %parallel_loop3A_336 = arith.constant 56 : i32
        %parallel_loop3A_337 = vector.broadcast %parallel_loop3A_336 : i32 to vector<16xi32>
        tpu.vector_store_idx %arg9[%parallel_loop3A_100, %parallel_loop3A_337], %parallel_loop3A_293 : memref<512x78xf32, #tpu.memory_space<vmem>>[vector<16xi32>, vector<16xi32>], vector<16xf32>,
        %parallel_loop3A_338 = arith.constant 18 : i32
        %parallel_loop3A_339 = vector.broadcast %parallel_loop3A_338 : i32 to vector<16xi32>
        tpu.vector_store_idx %arg9[%parallel_loop3A_100, %parallel_loop3A_339], %parallel_loop3A_296 : memref<512x78xf32, #tpu.memory_space<vmem>>[vector<16xi32>, vector<16xi32>], vector<16xf32>,
        %parallel_loop3A_340 = arith.constant 57 : i32
        %parallel_loop3A_341 = vector.broadcast %parallel_loop3A_340 : i32 to vector<16xi32>
        tpu.vector_store_idx %arg9[%parallel_loop3A_100, %parallel_loop3A_341], %parallel_loop3A_299 : memref<512x78xf32, #tpu.memory_space<vmem>>[vector<16xi32>, vector<16xi32>], vector<16xf32>,
        %parallel_loop3A_342 = arith.constant 19 : i32
        %parallel_loop3A_343 = vector.broadcast %parallel_loop3A_342 : i32 to vector<16xi32>
        tpu.vector_store_idx %arg9[%parallel_loop3A_100, %parallel_loop3A_343], %parallel_loop3A_302 : memref<512x78xf32, #tpu.memory_space<vmem>>[vector<16xi32>, vector<16xi32>], vector<16xf32>,
        %parallel_loop3A_344 = arith.constant 58 : i32
        %parallel_loop3A_345 = vector.broadcast %parallel_loop3A_344 : i32 to vector<16xi32>
        tpu.vector_store_idx %arg9[%parallel_loop3A_100, %parallel_loop3A_345], %parallel_loop3A_305 : memref<512x78xf32, #tpu.memory_space<vmem>>[vector<16xi32>, vector<16xi32>], vector<16xf32>,
        %parallel_loop3A_346 = arith.constant 20 : i32
        %parallel_loop3A_347 = vector.broadcast %parallel_loop3A_346 : i32 to vector<16xi32>
        tpu.vector_store_idx %arg9[%parallel_loop3A_100, %parallel_loop3A_347], %parallel_loop3A_308 : memref<512x78xf32, #tpu.memory_space<vmem>>[vector<16xi32>, vector<16xi32>], vector<16xf32>,
        %parallel_loop3A_348 = arith.constant 59 : i32
        %parallel_loop3A_349 = vector.broadcast %parallel_loop3A_348 : i32 to vector<16xi32>
        tpu.vector_store_idx %arg9[%parallel_loop3A_100, %parallel_loop3A_349], %parallel_loop3A_311 : memref<512x78xf32, #tpu.memory_space<vmem>>[vector<16xi32>, vector<16xi32>], vector<16xf32>,
        %parallel_loop3A_350 = arith.constant 21 : i32
        %parallel_loop3A_351 = vector.broadcast %parallel_loop3A_350 : i32 to vector<16xi32>
        tpu.vector_store_idx %arg9[%parallel_loop3A_100, %parallel_loop3A_351], %parallel_loop3A_314 : memref<512x78xf32, #tpu.memory_space<vmem>>[vector<16xi32>, vector<16xi32>], vector<16xf32>,
        %parallel_loop3A_352 = arith.constant 60 : i32
        %parallel_loop3A_353 = vector.broadcast %parallel_loop3A_352 : i32 to vector<16xi32>
        tpu.vector_store_idx %arg9[%parallel_loop3A_100, %parallel_loop3A_353], %parallel_loop3A_317 : memref<512x78xf32, #tpu.memory_space<vmem>>[vector<16xi32>, vector<16xi32>], vector<16xf32>,
        %parallel_loop3A_354 = arith.constant 22 : i32
        %parallel_loop3A_355 = vector.broadcast %parallel_loop3A_354 : i32 to vector<16xi32>
        tpu.vector_store_idx %arg9[%parallel_loop3A_100, %parallel_loop3A_355], %parallel_loop3A_320 : memref<512x78xf32, #tpu.memory_space<vmem>>[vector<16xi32>, vector<16xi32>], vector<16xf32>,
        %parallel_loop3A_356 = arith.constant 61 : i32
        %parallel_loop3A_357 = vector.broadcast %parallel_loop3A_356 : i32 to vector<16xi32>
        tpu.vector_store_idx %arg9[%parallel_loop3A_100, %parallel_loop3A_357], %parallel_loop3A_323 : memref<512x78xf32, #tpu.memory_space<vmem>>[vector<16xi32>, vector<16xi32>], vector<16xf32>,
        %parallel_loop3A_358 = arith.constant 23 : i32
        %parallel_loop3A_359 = vector.broadcast %parallel_loop3A_358 : i32 to vector<16xi32>
        tpu.vector_store_idx %arg9[%parallel_loop3A_100, %parallel_loop3A_359], %parallel_loop3A_326 : memref<512x78xf32, #tpu.memory_space<vmem>>[vector<16xi32>, vector<16xi32>], vector<16xf32>,
        %parallel_loop3A_360 = arith.constant 62 : i32
        %parallel_loop3A_361 = vector.broadcast %parallel_loop3A_360 : i32 to vector<16xi32>
        tpu.vector_store_idx %arg9[%parallel_loop3A_100, %parallel_loop3A_361], %parallel_loop3A_329 : memref<512x78xf32, #tpu.memory_space<vmem>>[vector<16xi32>, vector<16xi32>], vector<16xf32>,
        %parallel_loop3A_362 = arith.constant 24 : i32
        %parallel_loop3A_363 = vector.broadcast %parallel_loop3A_362 : i32 to vector<16xi32>
        %parallel_loop3A_364 = tpu.vector_load_idx %arg5[%parallel_loop3A_111, %parallel_loop3A_363] : memref<400x33xf32, #tpu.memory_space<vmem>>[vector<16xi32>, vector<16xi32>], vector<16xf32>,
        %parallel_loop3A_365 = arith.constant 24 : i32
        %parallel_loop3A_366 = vector.broadcast %parallel_loop3A_365 : i32 to vector<16xi32>
        %parallel_loop3A_367 = tpu.vector_load_idx %arg5[%parallel_loop3A_121, %parallel_loop3A_366] : memref<400x33xf32, #tpu.memory_space<vmem>>[vector<16xi32>, vector<16xi32>], vector<16xf32>,
        %parallel_loop3A_368 = arith.constant 25 : i32
        %parallel_loop3A_369 = vector.broadcast %parallel_loop3A_368 : i32 to vector<16xi32>
        %parallel_loop3A_370 = tpu.vector_load_idx %arg5[%parallel_loop3A_111, %parallel_loop3A_369] : memref<400x33xf32, #tpu.memory_space<vmem>>[vector<16xi32>, vector<16xi32>], vector<16xf32>,
        %parallel_loop3A_371 = arith.constant 25 : i32
        %parallel_loop3A_372 = vector.broadcast %parallel_loop3A_371 : i32 to vector<16xi32>
        %parallel_loop3A_373 = tpu.vector_load_idx %arg5[%parallel_loop3A_121, %parallel_loop3A_372] : memref<400x33xf32, #tpu.memory_space<vmem>>[vector<16xi32>, vector<16xi32>], vector<16xf32>,
        %parallel_loop3A_374 = arith.constant 26 : i32
        %parallel_loop3A_375 = vector.broadcast %parallel_loop3A_374 : i32 to vector<16xi32>
        %parallel_loop3A_376 = tpu.vector_load_idx %arg5[%parallel_loop3A_111, %parallel_loop3A_375] : memref<400x33xf32, #tpu.memory_space<vmem>>[vector<16xi32>, vector<16xi32>], vector<16xf32>,
        %parallel_loop3A_377 = arith.constant 26 : i32
        %parallel_loop3A_378 = vector.broadcast %parallel_loop3A_377 : i32 to vector<16xi32>
        %parallel_loop3A_379 = tpu.vector_load_idx %arg5[%parallel_loop3A_121, %parallel_loop3A_378] : memref<400x33xf32, #tpu.memory_space<vmem>>[vector<16xi32>, vector<16xi32>], vector<16xf32>,
        %parallel_loop3A_380 = arith.constant 27 : i32
        %parallel_loop3A_381 = vector.broadcast %parallel_loop3A_380 : i32 to vector<16xi32>
        %parallel_loop3A_382 = tpu.vector_load_idx %arg5[%parallel_loop3A_111, %parallel_loop3A_381] : memref<400x33xf32, #tpu.memory_space<vmem>>[vector<16xi32>, vector<16xi32>], vector<16xf32>,
        %parallel_loop3A_383 = arith.constant 27 : i32
        %parallel_loop3A_384 = vector.broadcast %parallel_loop3A_383 : i32 to vector<16xi32>
        %parallel_loop3A_385 = tpu.vector_load_idx %arg5[%parallel_loop3A_121, %parallel_loop3A_384] : memref<400x33xf32, #tpu.memory_space<vmem>>[vector<16xi32>, vector<16xi32>], vector<16xf32>,
        %parallel_loop3A_386 = arith.constant 28 : i32
        %parallel_loop3A_387 = vector.broadcast %parallel_loop3A_386 : i32 to vector<16xi32>
        %parallel_loop3A_388 = tpu.vector_load_idx %arg5[%parallel_loop3A_111, %parallel_loop3A_387] : memref<400x33xf32, #tpu.memory_space<vmem>>[vector<16xi32>, vector<16xi32>], vector<16xf32>,
        %parallel_loop3A_389 = arith.constant 28 : i32
        %parallel_loop3A_390 = vector.broadcast %parallel_loop3A_389 : i32 to vector<16xi32>
        %parallel_loop3A_391 = tpu.vector_load_idx %arg5[%parallel_loop3A_121, %parallel_loop3A_390] : memref<400x33xf32, #tpu.memory_space<vmem>>[vector<16xi32>, vector<16xi32>], vector<16xf32>,
        %parallel_loop3A_392 = arith.constant 29 : i32
        %parallel_loop3A_393 = vector.broadcast %parallel_loop3A_392 : i32 to vector<16xi32>
        %parallel_loop3A_394 = tpu.vector_load_idx %arg5[%parallel_loop3A_111, %parallel_loop3A_393] : memref<400x33xf32, #tpu.memory_space<vmem>>[vector<16xi32>, vector<16xi32>], vector<16xf32>,
        %parallel_loop3A_395 = arith.constant 29 : i32
        %parallel_loop3A_396 = vector.broadcast %parallel_loop3A_395 : i32 to vector<16xi32>
        %parallel_loop3A_397 = tpu.vector_load_idx %arg5[%parallel_loop3A_121, %parallel_loop3A_396] : memref<400x33xf32, #tpu.memory_space<vmem>>[vector<16xi32>, vector<16xi32>], vector<16xf32>,
        %parallel_loop3A_398 = arith.constant 30 : i32
        %parallel_loop3A_399 = vector.broadcast %parallel_loop3A_398 : i32 to vector<16xi32>
        %parallel_loop3A_400 = tpu.vector_load_idx %arg5[%parallel_loop3A_111, %parallel_loop3A_399] : memref<400x33xf32, #tpu.memory_space<vmem>>[vector<16xi32>, vector<16xi32>], vector<16xf32>,
        %parallel_loop3A_401 = arith.constant 30 : i32
        %parallel_loop3A_402 = vector.broadcast %parallel_loop3A_401 : i32 to vector<16xi32>
        %parallel_loop3A_403 = tpu.vector_load_idx %arg5[%parallel_loop3A_121, %parallel_loop3A_402] : memref<400x33xf32, #tpu.memory_space<vmem>>[vector<16xi32>, vector<16xi32>], vector<16xf32>,
        %parallel_loop3A_404 = arith.constant 31 : i32
        %parallel_loop3A_405 = vector.broadcast %parallel_loop3A_404 : i32 to vector<16xi32>
        %parallel_loop3A_406 = tpu.vector_load_idx %arg5[%parallel_loop3A_111, %parallel_loop3A_405] : memref<400x33xf32, #tpu.memory_space<vmem>>[vector<16xi32>, vector<16xi32>], vector<16xf32>,
        %parallel_loop3A_407 = arith.constant 31 : i32
        %parallel_loop3A_408 = vector.broadcast %parallel_loop3A_407 : i32 to vector<16xi32>
        %parallel_loop3A_409 = tpu.vector_load_idx %arg5[%parallel_loop3A_121, %parallel_loop3A_408] : memref<400x33xf32, #tpu.memory_space<vmem>>[vector<16xi32>, vector<16xi32>], vector<16xf32>,
        %parallel_loop3A_410 = arith.constant 24 : i32
        %parallel_loop3A_411 = vector.broadcast %parallel_loop3A_410 : i32 to vector<16xi32>
        tpu.vector_store_idx %arg9[%parallel_loop3A_100, %parallel_loop3A_411], %parallel_loop3A_364 : memref<512x78xf32, #tpu.memory_space<vmem>>[vector<16xi32>, vector<16xi32>], vector<16xf32>,
        %parallel_loop3A_412 = arith.constant 63 : i32
        %parallel_loop3A_413 = vector.broadcast %parallel_loop3A_412 : i32 to vector<16xi32>
        tpu.vector_store_idx %arg9[%parallel_loop3A_100, %parallel_loop3A_413], %parallel_loop3A_367 : memref<512x78xf32, #tpu.memory_space<vmem>>[vector<16xi32>, vector<16xi32>], vector<16xf32>,
        %parallel_loop3A_414 = arith.constant 25 : i32
        %parallel_loop3A_415 = vector.broadcast %parallel_loop3A_414 : i32 to vector<16xi32>
        tpu.vector_store_idx %arg9[%parallel_loop3A_100, %parallel_loop3A_415], %parallel_loop3A_370 : memref<512x78xf32, #tpu.memory_space<vmem>>[vector<16xi32>, vector<16xi32>], vector<16xf32>,
        %parallel_loop3A_416 = arith.constant 64 : i32
        %parallel_loop3A_417 = vector.broadcast %parallel_loop3A_416 : i32 to vector<16xi32>
        tpu.vector_store_idx %arg9[%parallel_loop3A_100, %parallel_loop3A_417], %parallel_loop3A_373 : memref<512x78xf32, #tpu.memory_space<vmem>>[vector<16xi32>, vector<16xi32>], vector<16xf32>,
        %parallel_loop3A_418 = arith.constant 26 : i32
        %parallel_loop3A_419 = vector.broadcast %parallel_loop3A_418 : i32 to vector<16xi32>
        tpu.vector_store_idx %arg9[%parallel_loop3A_100, %parallel_loop3A_419], %parallel_loop3A_376 : memref<512x78xf32, #tpu.memory_space<vmem>>[vector<16xi32>, vector<16xi32>], vector<16xf32>,
        %parallel_loop3A_420 = arith.constant 65 : i32
        %parallel_loop3A_421 = vector.broadcast %parallel_loop3A_420 : i32 to vector<16xi32>
        tpu.vector_store_idx %arg9[%parallel_loop3A_100, %parallel_loop3A_421], %parallel_loop3A_379 : memref<512x78xf32, #tpu.memory_space<vmem>>[vector<16xi32>, vector<16xi32>], vector<16xf32>,
        %parallel_loop3A_422 = arith.constant 27 : i32
        %parallel_loop3A_423 = vector.broadcast %parallel_loop3A_422 : i32 to vector<16xi32>
        tpu.vector_store_idx %arg9[%parallel_loop3A_100, %parallel_loop3A_423], %parallel_loop3A_382 : memref<512x78xf32, #tpu.memory_space<vmem>>[vector<16xi32>, vector<16xi32>], vector<16xf32>,
        %parallel_loop3A_424 = arith.constant 66 : i32
        %parallel_loop3A_425 = vector.broadcast %parallel_loop3A_424 : i32 to vector<16xi32>
        tpu.vector_store_idx %arg9[%parallel_loop3A_100, %parallel_loop3A_425], %parallel_loop3A_385 : memref<512x78xf32, #tpu.memory_space<vmem>>[vector<16xi32>, vector<16xi32>], vector<16xf32>,
        %parallel_loop3A_426 = arith.constant 28 : i32
        %parallel_loop3A_427 = vector.broadcast %parallel_loop3A_426 : i32 to vector<16xi32>
        tpu.vector_store_idx %arg9[%parallel_loop3A_100, %parallel_loop3A_427], %parallel_loop3A_388 : memref<512x78xf32, #tpu.memory_space<vmem>>[vector<16xi32>, vector<16xi32>], vector<16xf32>,
        %parallel_loop3A_428 = arith.constant 67 : i32
        %parallel_loop3A_429 = vector.broadcast %parallel_loop3A_428 : i32 to vector<16xi32>
        tpu.vector_store_idx %arg9[%parallel_loop3A_100, %parallel_loop3A_429], %parallel_loop3A_391 : memref<512x78xf32, #tpu.memory_space<vmem>>[vector<16xi32>, vector<16xi32>], vector<16xf32>,
        %parallel_loop3A_430 = arith.constant 29 : i32
        %parallel_loop3A_431 = vector.broadcast %parallel_loop3A_430 : i32 to vector<16xi32>
        tpu.vector_store_idx %arg9[%parallel_loop3A_100, %parallel_loop3A_431], %parallel_loop3A_394 : memref<512x78xf32, #tpu.memory_space<vmem>>[vector<16xi32>, vector<16xi32>], vector<16xf32>,
        %parallel_loop3A_432 = arith.constant 68 : i32
        %parallel_loop3A_433 = vector.broadcast %parallel_loop3A_432 : i32 to vector<16xi32>
        tpu.vector_store_idx %arg9[%parallel_loop3A_100, %parallel_loop3A_433], %parallel_loop3A_397 : memref<512x78xf32, #tpu.memory_space<vmem>>[vector<16xi32>, vector<16xi32>], vector<16xf32>,
        %parallel_loop3A_434 = arith.constant 30 : i32
        %parallel_loop3A_435 = vector.broadcast %parallel_loop3A_434 : i32 to vector<16xi32>
        tpu.vector_store_idx %arg9[%parallel_loop3A_100, %parallel_loop3A_435], %parallel_loop3A_400 : memref<512x78xf32, #tpu.memory_space<vmem>>[vector<16xi32>, vector<16xi32>], vector<16xf32>,
        %parallel_loop3A_436 = arith.constant 69 : i32
        %parallel_loop3A_437 = vector.broadcast %parallel_loop3A_436 : i32 to vector<16xi32>
        tpu.vector_store_idx %arg9[%parallel_loop3A_100, %parallel_loop3A_437], %parallel_loop3A_403 : memref<512x78xf32, #tpu.memory_space<vmem>>[vector<16xi32>, vector<16xi32>], vector<16xf32>,
        %parallel_loop3A_438 = arith.constant 31 : i32
        %parallel_loop3A_439 = vector.broadcast %parallel_loop3A_438 : i32 to vector<16xi32>
        tpu.vector_store_idx %arg9[%parallel_loop3A_100, %parallel_loop3A_439], %parallel_loop3A_406 : memref<512x78xf32, #tpu.memory_space<vmem>>[vector<16xi32>, vector<16xi32>], vector<16xf32>,
        %parallel_loop3A_440 = arith.constant 70 : i32
        %parallel_loop3A_441 = vector.broadcast %parallel_loop3A_440 : i32 to vector<16xi32>
        tpu.vector_store_idx %arg9[%parallel_loop3A_100, %parallel_loop3A_441], %parallel_loop3A_409 : memref<512x78xf32, #tpu.memory_space<vmem>>[vector<16xi32>, vector<16xi32>], vector<16xf32>,
        %parallel_loop3A_442 = arith.constant 0 : i32
        %parallel_loop3A_443 = vector.broadcast %parallel_loop3A_442 : i32 to vector<16xi32>
        %parallel_loop3A_444 = arith.addi %parallel_loop3A_443, %parallel_loop3A_101 : vector<16xi32>
        %parallel_loop3A_445 = arith.constant 15 : i32
        %parallel_loop3A_446 = vector.broadcast %parallel_loop3A_445 : i32 to vector<16xi32>
        %parallel_loop3A_447 = arith.andi %parallel_loop3A_444, %parallel_loop3A_446 : vector<16xi32>
        %parallel_loop3A_448 = tpu.vector_load_idx %arg7[%parallel_loop3A_100, %parallel_loop3A_447] : memref<512x16xf32, #tpu.memory_space<vmem>>[vector<16xi32>, vector<16xi32>], vector<16xf32>,
        %parallel_loop3A_449 = arith.constant 8 : i32
        %parallel_loop3A_450 = vector.broadcast %parallel_loop3A_449 : i32 to vector<16xi32>
        %parallel_loop3A_451 = arith.cmpi slt, %parallel_loop3A_447, %parallel_loop3A_450 : vector<16xi32>
        %parallel_loop3A_452 = arith.constant 31 : i32
        %parallel_loop3A_453 = vector.broadcast %parallel_loop3A_452 : i32 to vector<16xi32>
        %parallel_loop3A_454 = arith.addi %parallel_loop3A_453, %parallel_loop3A_447 : vector<16xi32>
        %parallel_loop3A_455 = arith.constant 62 : i32
        %parallel_loop3A_456 = vector.broadcast %parallel_loop3A_455 : i32 to vector<16xi32>
        %parallel_loop3A_457 = arith.addi %parallel_loop3A_456, %parallel_loop3A_447 : vector<16xi32>
        %parallel_loop3A_458 = arith.select %parallel_loop3A_451, %parallel_loop3A_454, %parallel_loop3A_457 : vector<16xi1>, vector<16xi32>
        %parallel_loop3A_459 = arith.constant 0 : i32
        %parallel_loop3A_460 = vector.broadcast %parallel_loop3A_459 : i32 to vector<16xi32>
        %parallel_loop3A_461 = arith.cmpi ne, %parallel_loop3A_447, %parallel_loop3A_460 : vector<16xi32>
        %parallel_loop3A_462 = arith.constant 8 : i32
        %parallel_loop3A_463 = vector.broadcast %parallel_loop3A_462 : i32 to vector<16xi32>
        %parallel_loop3A_464 = arith.cmpi ne, %parallel_loop3A_447, %parallel_loop3A_463 : vector<16xi32>
        %parallel_loop3A_465 = arith.andi %parallel_loop3A_461, %parallel_loop3A_464 : vector<16xi1>
        tpu.vector_store_idx %arg9[%parallel_loop3A_100, %parallel_loop3A_458], %parallel_loop3A_448 masked %parallel_loop3A_465 : memref<512x78xf32, #tpu.memory_space<vmem>>[vector<16xi32>, vector<16xi32>], vector<16xf32>, vector<16xi1>
        %parallel_loop3A_466 = arith.constant 1 : i32
        %parallel_loop3A_467 = vector.broadcast %parallel_loop3A_466 : i32 to vector<16xi32>
        %parallel_loop3A_468 = arith.addi %parallel_loop3A_467, %parallel_loop3A_101 : vector<16xi32>
        %parallel_loop3A_469 = arith.constant 15 : i32
        %parallel_loop3A_470 = vector.broadcast %parallel_loop3A_469 : i32 to vector<16xi32>
        %parallel_loop3A_471 = arith.andi %parallel_loop3A_468, %parallel_loop3A_470 : vector<16xi32>
        %parallel_loop3A_472 = tpu.vector_load_idx %arg7[%parallel_loop3A_100, %parallel_loop3A_471] : memref<512x16xf32, #tpu.memory_space<vmem>>[vector<16xi32>, vector<16xi32>], vector<16xf32>,
        %parallel_loop3A_473 = arith.constant 8 : i32
        %parallel_loop3A_474 = vector.broadcast %parallel_loop3A_473 : i32 to vector<16xi32>
        %parallel_loop3A_475 = arith.cmpi slt, %parallel_loop3A_471, %parallel_loop3A_474 : vector<16xi32>
        %parallel_loop3A_476 = arith.constant 31 : i32
        %parallel_loop3A_477 = vector.broadcast %parallel_loop3A_476 : i32 to vector<16xi32>
        %parallel_loop3A_478 = arith.addi %parallel_loop3A_477, %parallel_loop3A_471 : vector<16xi32>
        %parallel_loop3A_479 = arith.constant 62 : i32
        %parallel_loop3A_480 = vector.broadcast %parallel_loop3A_479 : i32 to vector<16xi32>
        %parallel_loop3A_481 = arith.addi %parallel_loop3A_480, %parallel_loop3A_471 : vector<16xi32>
        %parallel_loop3A_482 = arith.select %parallel_loop3A_475, %parallel_loop3A_478, %parallel_loop3A_481 : vector<16xi1>, vector<16xi32>
        %parallel_loop3A_483 = arith.constant 0 : i32
        %parallel_loop3A_484 = vector.broadcast %parallel_loop3A_483 : i32 to vector<16xi32>
        %parallel_loop3A_485 = arith.cmpi ne, %parallel_loop3A_471, %parallel_loop3A_484 : vector<16xi32>
        %parallel_loop3A_486 = arith.constant 8 : i32
        %parallel_loop3A_487 = vector.broadcast %parallel_loop3A_486 : i32 to vector<16xi32>
        %parallel_loop3A_488 = arith.cmpi ne, %parallel_loop3A_471, %parallel_loop3A_487 : vector<16xi32>
        %parallel_loop3A_489 = arith.andi %parallel_loop3A_485, %parallel_loop3A_488 : vector<16xi1>
        tpu.vector_store_idx %arg9[%parallel_loop3A_100, %parallel_loop3A_482], %parallel_loop3A_472 masked %parallel_loop3A_489 : memref<512x78xf32, #tpu.memory_space<vmem>>[vector<16xi32>, vector<16xi32>], vector<16xf32>, vector<16xi1>
        %parallel_loop3A_490 = arith.constant 2 : i32
        %parallel_loop3A_491 = vector.broadcast %parallel_loop3A_490 : i32 to vector<16xi32>
        %parallel_loop3A_492 = arith.addi %parallel_loop3A_491, %parallel_loop3A_101 : vector<16xi32>
        %parallel_loop3A_493 = arith.constant 15 : i32
        %parallel_loop3A_494 = vector.broadcast %parallel_loop3A_493 : i32 to vector<16xi32>
        %parallel_loop3A_495 = arith.andi %parallel_loop3A_492, %parallel_loop3A_494 : vector<16xi32>
        %parallel_loop3A_496 = tpu.vector_load_idx %arg7[%parallel_loop3A_100, %parallel_loop3A_495] : memref<512x16xf32, #tpu.memory_space<vmem>>[vector<16xi32>, vector<16xi32>], vector<16xf32>,
        %parallel_loop3A_497 = arith.constant 8 : i32
        %parallel_loop3A_498 = vector.broadcast %parallel_loop3A_497 : i32 to vector<16xi32>
        %parallel_loop3A_499 = arith.cmpi slt, %parallel_loop3A_495, %parallel_loop3A_498 : vector<16xi32>
        %parallel_loop3A_500 = arith.constant 31 : i32
        %parallel_loop3A_501 = vector.broadcast %parallel_loop3A_500 : i32 to vector<16xi32>
        %parallel_loop3A_502 = arith.addi %parallel_loop3A_501, %parallel_loop3A_495 : vector<16xi32>
        %parallel_loop3A_503 = arith.constant 62 : i32
        %parallel_loop3A_504 = vector.broadcast %parallel_loop3A_503 : i32 to vector<16xi32>
        %parallel_loop3A_505 = arith.addi %parallel_loop3A_504, %parallel_loop3A_495 : vector<16xi32>
        %parallel_loop3A_506 = arith.select %parallel_loop3A_499, %parallel_loop3A_502, %parallel_loop3A_505 : vector<16xi1>, vector<16xi32>
        %parallel_loop3A_507 = arith.constant 0 : i32
        %parallel_loop3A_508 = vector.broadcast %parallel_loop3A_507 : i32 to vector<16xi32>
        %parallel_loop3A_509 = arith.cmpi ne, %parallel_loop3A_495, %parallel_loop3A_508 : vector<16xi32>
        %parallel_loop3A_510 = arith.constant 8 : i32
        %parallel_loop3A_511 = vector.broadcast %parallel_loop3A_510 : i32 to vector<16xi32>
        %parallel_loop3A_512 = arith.cmpi ne, %parallel_loop3A_495, %parallel_loop3A_511 : vector<16xi32>
        %parallel_loop3A_513 = arith.andi %parallel_loop3A_509, %parallel_loop3A_512 : vector<16xi1>
        tpu.vector_store_idx %arg9[%parallel_loop3A_100, %parallel_loop3A_506], %parallel_loop3A_496 masked %parallel_loop3A_513 : memref<512x78xf32, #tpu.memory_space<vmem>>[vector<16xi32>, vector<16xi32>], vector<16xf32>, vector<16xi1>
        %parallel_loop3A_514 = arith.constant 3 : i32
        %parallel_loop3A_515 = vector.broadcast %parallel_loop3A_514 : i32 to vector<16xi32>
        %parallel_loop3A_516 = arith.addi %parallel_loop3A_515, %parallel_loop3A_101 : vector<16xi32>
        %parallel_loop3A_517 = arith.constant 15 : i32
        %parallel_loop3A_518 = vector.broadcast %parallel_loop3A_517 : i32 to vector<16xi32>
        %parallel_loop3A_519 = arith.andi %parallel_loop3A_516, %parallel_loop3A_518 : vector<16xi32>
        %parallel_loop3A_520 = tpu.vector_load_idx %arg7[%parallel_loop3A_100, %parallel_loop3A_519] : memref<512x16xf32, #tpu.memory_space<vmem>>[vector<16xi32>, vector<16xi32>], vector<16xf32>,
        %parallel_loop3A_521 = arith.constant 8 : i32
        %parallel_loop3A_522 = vector.broadcast %parallel_loop3A_521 : i32 to vector<16xi32>
        %parallel_loop3A_523 = arith.cmpi slt, %parallel_loop3A_519, %parallel_loop3A_522 : vector<16xi32>
        %parallel_loop3A_524 = arith.constant 31 : i32
        %parallel_loop3A_525 = vector.broadcast %parallel_loop3A_524 : i32 to vector<16xi32>
        %parallel_loop3A_526 = arith.addi %parallel_loop3A_525, %parallel_loop3A_519 : vector<16xi32>
        %parallel_loop3A_527 = arith.constant 62 : i32
        %parallel_loop3A_528 = vector.broadcast %parallel_loop3A_527 : i32 to vector<16xi32>
        %parallel_loop3A_529 = arith.addi %parallel_loop3A_528, %parallel_loop3A_519 : vector<16xi32>
        %parallel_loop3A_530 = arith.select %parallel_loop3A_523, %parallel_loop3A_526, %parallel_loop3A_529 : vector<16xi1>, vector<16xi32>
        %parallel_loop3A_531 = arith.constant 0 : i32
        %parallel_loop3A_532 = vector.broadcast %parallel_loop3A_531 : i32 to vector<16xi32>
        %parallel_loop3A_533 = arith.cmpi ne, %parallel_loop3A_519, %parallel_loop3A_532 : vector<16xi32>
        %parallel_loop3A_534 = arith.constant 8 : i32
        %parallel_loop3A_535 = vector.broadcast %parallel_loop3A_534 : i32 to vector<16xi32>
        %parallel_loop3A_536 = arith.cmpi ne, %parallel_loop3A_519, %parallel_loop3A_535 : vector<16xi32>
        %parallel_loop3A_537 = arith.andi %parallel_loop3A_533, %parallel_loop3A_536 : vector<16xi1>
        tpu.vector_store_idx %arg9[%parallel_loop3A_100, %parallel_loop3A_530], %parallel_loop3A_520 masked %parallel_loop3A_537 : memref<512x78xf32, #tpu.memory_space<vmem>>[vector<16xi32>, vector<16xi32>], vector<16xf32>, vector<16xi1>
        %parallel_loop3A_538 = arith.constant 4 : i32
        %parallel_loop3A_539 = vector.broadcast %parallel_loop3A_538 : i32 to vector<16xi32>
        %parallel_loop3A_540 = arith.addi %parallel_loop3A_539, %parallel_loop3A_101 : vector<16xi32>
        %parallel_loop3A_541 = arith.constant 15 : i32
        %parallel_loop3A_542 = vector.broadcast %parallel_loop3A_541 : i32 to vector<16xi32>
        %parallel_loop3A_543 = arith.andi %parallel_loop3A_540, %parallel_loop3A_542 : vector<16xi32>
        %parallel_loop3A_544 = tpu.vector_load_idx %arg7[%parallel_loop3A_100, %parallel_loop3A_543] : memref<512x16xf32, #tpu.memory_space<vmem>>[vector<16xi32>, vector<16xi32>], vector<16xf32>,
        %parallel_loop3A_545 = arith.constant 8 : i32
        %parallel_loop3A_546 = vector.broadcast %parallel_loop3A_545 : i32 to vector<16xi32>
        %parallel_loop3A_547 = arith.cmpi slt, %parallel_loop3A_543, %parallel_loop3A_546 : vector<16xi32>
        %parallel_loop3A_548 = arith.constant 31 : i32
        %parallel_loop3A_549 = vector.broadcast %parallel_loop3A_548 : i32 to vector<16xi32>
        %parallel_loop3A_550 = arith.addi %parallel_loop3A_549, %parallel_loop3A_543 : vector<16xi32>
        %parallel_loop3A_551 = arith.constant 62 : i32
        %parallel_loop3A_552 = vector.broadcast %parallel_loop3A_551 : i32 to vector<16xi32>
        %parallel_loop3A_553 = arith.addi %parallel_loop3A_552, %parallel_loop3A_543 : vector<16xi32>
        %parallel_loop3A_554 = arith.select %parallel_loop3A_547, %parallel_loop3A_550, %parallel_loop3A_553 : vector<16xi1>, vector<16xi32>
        %parallel_loop3A_555 = arith.constant 0 : i32
        %parallel_loop3A_556 = vector.broadcast %parallel_loop3A_555 : i32 to vector<16xi32>
        %parallel_loop3A_557 = arith.cmpi ne, %parallel_loop3A_543, %parallel_loop3A_556 : vector<16xi32>
        %parallel_loop3A_558 = arith.constant 8 : i32
        %parallel_loop3A_559 = vector.broadcast %parallel_loop3A_558 : i32 to vector<16xi32>
        %parallel_loop3A_560 = arith.cmpi ne, %parallel_loop3A_543, %parallel_loop3A_559 : vector<16xi32>
        %parallel_loop3A_561 = arith.andi %parallel_loop3A_557, %parallel_loop3A_560 : vector<16xi1>
        tpu.vector_store_idx %arg9[%parallel_loop3A_100, %parallel_loop3A_554], %parallel_loop3A_544 masked %parallel_loop3A_561 : memref<512x78xf32, #tpu.memory_space<vmem>>[vector<16xi32>, vector<16xi32>], vector<16xf32>, vector<16xi1>
        %parallel_loop3A_562 = arith.constant 5 : i32
        %parallel_loop3A_563 = vector.broadcast %parallel_loop3A_562 : i32 to vector<16xi32>
        %parallel_loop3A_564 = arith.addi %parallel_loop3A_563, %parallel_loop3A_101 : vector<16xi32>
        %parallel_loop3A_565 = arith.constant 15 : i32
        %parallel_loop3A_566 = vector.broadcast %parallel_loop3A_565 : i32 to vector<16xi32>
        %parallel_loop3A_567 = arith.andi %parallel_loop3A_564, %parallel_loop3A_566 : vector<16xi32>
        %parallel_loop3A_568 = tpu.vector_load_idx %arg7[%parallel_loop3A_100, %parallel_loop3A_567] : memref<512x16xf32, #tpu.memory_space<vmem>>[vector<16xi32>, vector<16xi32>], vector<16xf32>,
        %parallel_loop3A_569 = arith.constant 8 : i32
        %parallel_loop3A_570 = vector.broadcast %parallel_loop3A_569 : i32 to vector<16xi32>
        %parallel_loop3A_571 = arith.cmpi slt, %parallel_loop3A_567, %parallel_loop3A_570 : vector<16xi32>
        %parallel_loop3A_572 = arith.constant 31 : i32
        %parallel_loop3A_573 = vector.broadcast %parallel_loop3A_572 : i32 to vector<16xi32>
        %parallel_loop3A_574 = arith.addi %parallel_loop3A_573, %parallel_loop3A_567 : vector<16xi32>
        %parallel_loop3A_575 = arith.constant 62 : i32
        %parallel_loop3A_576 = vector.broadcast %parallel_loop3A_575 : i32 to vector<16xi32>
        %parallel_loop3A_577 = arith.addi %parallel_loop3A_576, %parallel_loop3A_567 : vector<16xi32>
        %parallel_loop3A_578 = arith.select %parallel_loop3A_571, %parallel_loop3A_574, %parallel_loop3A_577 : vector<16xi1>, vector<16xi32>
        %parallel_loop3A_579 = arith.constant 0 : i32
        %parallel_loop3A_580 = vector.broadcast %parallel_loop3A_579 : i32 to vector<16xi32>
        %parallel_loop3A_581 = arith.cmpi ne, %parallel_loop3A_567, %parallel_loop3A_580 : vector<16xi32>
        %parallel_loop3A_582 = arith.constant 8 : i32
        %parallel_loop3A_583 = vector.broadcast %parallel_loop3A_582 : i32 to vector<16xi32>
        %parallel_loop3A_584 = arith.cmpi ne, %parallel_loop3A_567, %parallel_loop3A_583 : vector<16xi32>
        %parallel_loop3A_585 = arith.andi %parallel_loop3A_581, %parallel_loop3A_584 : vector<16xi1>
        tpu.vector_store_idx %arg9[%parallel_loop3A_100, %parallel_loop3A_578], %parallel_loop3A_568 masked %parallel_loop3A_585 : memref<512x78xf32, #tpu.memory_space<vmem>>[vector<16xi32>, vector<16xi32>], vector<16xf32>, vector<16xi1>
        %parallel_loop3A_586 = arith.constant 6 : i32
        %parallel_loop3A_587 = vector.broadcast %parallel_loop3A_586 : i32 to vector<16xi32>
        %parallel_loop3A_588 = arith.addi %parallel_loop3A_587, %parallel_loop3A_101 : vector<16xi32>
        %parallel_loop3A_589 = arith.constant 15 : i32
        %parallel_loop3A_590 = vector.broadcast %parallel_loop3A_589 : i32 to vector<16xi32>
        %parallel_loop3A_591 = arith.andi %parallel_loop3A_588, %parallel_loop3A_590 : vector<16xi32>
        %parallel_loop3A_592 = tpu.vector_load_idx %arg7[%parallel_loop3A_100, %parallel_loop3A_591] : memref<512x16xf32, #tpu.memory_space<vmem>>[vector<16xi32>, vector<16xi32>], vector<16xf32>,
        %parallel_loop3A_593 = arith.constant 8 : i32
        %parallel_loop3A_594 = vector.broadcast %parallel_loop3A_593 : i32 to vector<16xi32>
        %parallel_loop3A_595 = arith.cmpi slt, %parallel_loop3A_591, %parallel_loop3A_594 : vector<16xi32>
        %parallel_loop3A_596 = arith.constant 31 : i32
        %parallel_loop3A_597 = vector.broadcast %parallel_loop3A_596 : i32 to vector<16xi32>
        %parallel_loop3A_598 = arith.addi %parallel_loop3A_597, %parallel_loop3A_591 : vector<16xi32>
        %parallel_loop3A_599 = arith.constant 62 : i32
        %parallel_loop3A_600 = vector.broadcast %parallel_loop3A_599 : i32 to vector<16xi32>
        %parallel_loop3A_601 = arith.addi %parallel_loop3A_600, %parallel_loop3A_591 : vector<16xi32>
        %parallel_loop3A_602 = arith.select %parallel_loop3A_595, %parallel_loop3A_598, %parallel_loop3A_601 : vector<16xi1>, vector<16xi32>
        %parallel_loop3A_603 = arith.constant 0 : i32
        %parallel_loop3A_604 = vector.broadcast %parallel_loop3A_603 : i32 to vector<16xi32>
        %parallel_loop3A_605 = arith.cmpi ne, %parallel_loop3A_591, %parallel_loop3A_604 : vector<16xi32>
        %parallel_loop3A_606 = arith.constant 8 : i32
        %parallel_loop3A_607 = vector.broadcast %parallel_loop3A_606 : i32 to vector<16xi32>
        %parallel_loop3A_608 = arith.cmpi ne, %parallel_loop3A_591, %parallel_loop3A_607 : vector<16xi32>
        %parallel_loop3A_609 = arith.andi %parallel_loop3A_605, %parallel_loop3A_608 : vector<16xi1>
        tpu.vector_store_idx %arg9[%parallel_loop3A_100, %parallel_loop3A_602], %parallel_loop3A_592 masked %parallel_loop3A_609 : memref<512x78xf32, #tpu.memory_space<vmem>>[vector<16xi32>, vector<16xi32>], vector<16xf32>, vector<16xi1>
        %parallel_loop3A_610 = arith.constant 7 : i32
        %parallel_loop3A_611 = vector.broadcast %parallel_loop3A_610 : i32 to vector<16xi32>
        %parallel_loop3A_612 = arith.addi %parallel_loop3A_611, %parallel_loop3A_101 : vector<16xi32>
        %parallel_loop3A_613 = arith.constant 15 : i32
        %parallel_loop3A_614 = vector.broadcast %parallel_loop3A_613 : i32 to vector<16xi32>
        %parallel_loop3A_615 = arith.andi %parallel_loop3A_612, %parallel_loop3A_614 : vector<16xi32>
        %parallel_loop3A_616 = tpu.vector_load_idx %arg7[%parallel_loop3A_100, %parallel_loop3A_615] : memref<512x16xf32, #tpu.memory_space<vmem>>[vector<16xi32>, vector<16xi32>], vector<16xf32>,
        %parallel_loop3A_617 = arith.constant 8 : i32
        %parallel_loop3A_618 = vector.broadcast %parallel_loop3A_617 : i32 to vector<16xi32>
        %parallel_loop3A_619 = arith.cmpi slt, %parallel_loop3A_615, %parallel_loop3A_618 : vector<16xi32>
        %parallel_loop3A_620 = arith.constant 31 : i32
        %parallel_loop3A_621 = vector.broadcast %parallel_loop3A_620 : i32 to vector<16xi32>
        %parallel_loop3A_622 = arith.addi %parallel_loop3A_621, %parallel_loop3A_615 : vector<16xi32>
        %parallel_loop3A_623 = arith.constant 62 : i32
        %parallel_loop3A_624 = vector.broadcast %parallel_loop3A_623 : i32 to vector<16xi32>
        %parallel_loop3A_625 = arith.addi %parallel_loop3A_624, %parallel_loop3A_615 : vector<16xi32>
        %parallel_loop3A_626 = arith.select %parallel_loop3A_619, %parallel_loop3A_622, %parallel_loop3A_625 : vector<16xi1>, vector<16xi32>
        %parallel_loop3A_627 = arith.constant 0 : i32
        %parallel_loop3A_628 = vector.broadcast %parallel_loop3A_627 : i32 to vector<16xi32>
        %parallel_loop3A_629 = arith.cmpi ne, %parallel_loop3A_615, %parallel_loop3A_628 : vector<16xi32>
        %parallel_loop3A_630 = arith.constant 8 : i32
        %parallel_loop3A_631 = vector.broadcast %parallel_loop3A_630 : i32 to vector<16xi32>
        %parallel_loop3A_632 = arith.cmpi ne, %parallel_loop3A_615, %parallel_loop3A_631 : vector<16xi32>
        %parallel_loop3A_633 = arith.andi %parallel_loop3A_629, %parallel_loop3A_632 : vector<16xi1>
        tpu.vector_store_idx %arg9[%parallel_loop3A_100, %parallel_loop3A_626], %parallel_loop3A_616 masked %parallel_loop3A_633 : memref<512x78xf32, #tpu.memory_space<vmem>>[vector<16xi32>, vector<16xi32>], vector<16xf32>, vector<16xi1>
        %parallel_loop3A_634 = arith.constant 8 : i32
        %parallel_loop3A_635 = vector.broadcast %parallel_loop3A_634 : i32 to vector<16xi32>
        %parallel_loop3A_636 = arith.addi %parallel_loop3A_635, %parallel_loop3A_101 : vector<16xi32>
        %parallel_loop3A_637 = arith.constant 15 : i32
        %parallel_loop3A_638 = vector.broadcast %parallel_loop3A_637 : i32 to vector<16xi32>
        %parallel_loop3A_639 = arith.andi %parallel_loop3A_636, %parallel_loop3A_638 : vector<16xi32>
        %parallel_loop3A_640 = tpu.vector_load_idx %arg7[%parallel_loop3A_100, %parallel_loop3A_639] : memref<512x16xf32, #tpu.memory_space<vmem>>[vector<16xi32>, vector<16xi32>], vector<16xf32>,
        %parallel_loop3A_641 = arith.constant 8 : i32
        %parallel_loop3A_642 = vector.broadcast %parallel_loop3A_641 : i32 to vector<16xi32>
        %parallel_loop3A_643 = arith.cmpi slt, %parallel_loop3A_639, %parallel_loop3A_642 : vector<16xi32>
        %parallel_loop3A_644 = arith.constant 31 : i32
        %parallel_loop3A_645 = vector.broadcast %parallel_loop3A_644 : i32 to vector<16xi32>
        %parallel_loop3A_646 = arith.addi %parallel_loop3A_645, %parallel_loop3A_639 : vector<16xi32>
        %parallel_loop3A_647 = arith.constant 62 : i32
        %parallel_loop3A_648 = vector.broadcast %parallel_loop3A_647 : i32 to vector<16xi32>
        %parallel_loop3A_649 = arith.addi %parallel_loop3A_648, %parallel_loop3A_639 : vector<16xi32>
        %parallel_loop3A_650 = arith.select %parallel_loop3A_643, %parallel_loop3A_646, %parallel_loop3A_649 : vector<16xi1>, vector<16xi32>
        %parallel_loop3A_651 = arith.constant 0 : i32
        %parallel_loop3A_652 = vector.broadcast %parallel_loop3A_651 : i32 to vector<16xi32>
        %parallel_loop3A_653 = arith.cmpi ne, %parallel_loop3A_639, %parallel_loop3A_652 : vector<16xi32>
        %parallel_loop3A_654 = arith.constant 8 : i32
        %parallel_loop3A_655 = vector.broadcast %parallel_loop3A_654 : i32 to vector<16xi32>
        %parallel_loop3A_656 = arith.cmpi ne, %parallel_loop3A_639, %parallel_loop3A_655 : vector<16xi32>
        %parallel_loop3A_657 = arith.andi %parallel_loop3A_653, %parallel_loop3A_656 : vector<16xi1>
        tpu.vector_store_idx %arg9[%parallel_loop3A_100, %parallel_loop3A_650], %parallel_loop3A_640 masked %parallel_loop3A_657 : memref<512x78xf32, #tpu.memory_space<vmem>>[vector<16xi32>, vector<16xi32>], vector<16xf32>, vector<16xi1>
        %parallel_loop3A_658 = arith.constant 9 : i32
        %parallel_loop3A_659 = vector.broadcast %parallel_loop3A_658 : i32 to vector<16xi32>
        %parallel_loop3A_660 = arith.addi %parallel_loop3A_659, %parallel_loop3A_101 : vector<16xi32>
        %parallel_loop3A_661 = arith.constant 15 : i32
        %parallel_loop3A_662 = vector.broadcast %parallel_loop3A_661 : i32 to vector<16xi32>
        %parallel_loop3A_663 = arith.andi %parallel_loop3A_660, %parallel_loop3A_662 : vector<16xi32>
        %parallel_loop3A_664 = tpu.vector_load_idx %arg7[%parallel_loop3A_100, %parallel_loop3A_663] : memref<512x16xf32, #tpu.memory_space<vmem>>[vector<16xi32>, vector<16xi32>], vector<16xf32>,
        %parallel_loop3A_665 = arith.constant 8 : i32
        %parallel_loop3A_666 = vector.broadcast %parallel_loop3A_665 : i32 to vector<16xi32>
        %parallel_loop3A_667 = arith.cmpi slt, %parallel_loop3A_663, %parallel_loop3A_666 : vector<16xi32>
        %parallel_loop3A_668 = arith.constant 31 : i32
        %parallel_loop3A_669 = vector.broadcast %parallel_loop3A_668 : i32 to vector<16xi32>
        %parallel_loop3A_670 = arith.addi %parallel_loop3A_669, %parallel_loop3A_663 : vector<16xi32>
        %parallel_loop3A_671 = arith.constant 62 : i32
        %parallel_loop3A_672 = vector.broadcast %parallel_loop3A_671 : i32 to vector<16xi32>
        %parallel_loop3A_673 = arith.addi %parallel_loop3A_672, %parallel_loop3A_663 : vector<16xi32>
        %parallel_loop3A_674 = arith.select %parallel_loop3A_667, %parallel_loop3A_670, %parallel_loop3A_673 : vector<16xi1>, vector<16xi32>
        %parallel_loop3A_675 = arith.constant 0 : i32
        %parallel_loop3A_676 = vector.broadcast %parallel_loop3A_675 : i32 to vector<16xi32>
        %parallel_loop3A_677 = arith.cmpi ne, %parallel_loop3A_663, %parallel_loop3A_676 : vector<16xi32>
        %parallel_loop3A_678 = arith.constant 8 : i32
        %parallel_loop3A_679 = vector.broadcast %parallel_loop3A_678 : i32 to vector<16xi32>
        %parallel_loop3A_680 = arith.cmpi ne, %parallel_loop3A_663, %parallel_loop3A_679 : vector<16xi32>
        %parallel_loop3A_681 = arith.andi %parallel_loop3A_677, %parallel_loop3A_680 : vector<16xi1>
        tpu.vector_store_idx %arg9[%parallel_loop3A_100, %parallel_loop3A_674], %parallel_loop3A_664 masked %parallel_loop3A_681 : memref<512x78xf32, #tpu.memory_space<vmem>>[vector<16xi32>, vector<16xi32>], vector<16xf32>, vector<16xi1>
        %parallel_loop3A_682 = arith.constant 10 : i32
        %parallel_loop3A_683 = vector.broadcast %parallel_loop3A_682 : i32 to vector<16xi32>
        %parallel_loop3A_684 = arith.addi %parallel_loop3A_683, %parallel_loop3A_101 : vector<16xi32>
        %parallel_loop3A_685 = arith.constant 15 : i32
        %parallel_loop3A_686 = vector.broadcast %parallel_loop3A_685 : i32 to vector<16xi32>
        %parallel_loop3A_687 = arith.andi %parallel_loop3A_684, %parallel_loop3A_686 : vector<16xi32>
        %parallel_loop3A_688 = tpu.vector_load_idx %arg7[%parallel_loop3A_100, %parallel_loop3A_687] : memref<512x16xf32, #tpu.memory_space<vmem>>[vector<16xi32>, vector<16xi32>], vector<16xf32>,
        %parallel_loop3A_689 = arith.constant 8 : i32
        %parallel_loop3A_690 = vector.broadcast %parallel_loop3A_689 : i32 to vector<16xi32>
        %parallel_loop3A_691 = arith.cmpi slt, %parallel_loop3A_687, %parallel_loop3A_690 : vector<16xi32>
        %parallel_loop3A_692 = arith.constant 31 : i32
        %parallel_loop3A_693 = vector.broadcast %parallel_loop3A_692 : i32 to vector<16xi32>
        %parallel_loop3A_694 = arith.addi %parallel_loop3A_693, %parallel_loop3A_687 : vector<16xi32>
        %parallel_loop3A_695 = arith.constant 62 : i32
        %parallel_loop3A_696 = vector.broadcast %parallel_loop3A_695 : i32 to vector<16xi32>
        %parallel_loop3A_697 = arith.addi %parallel_loop3A_696, %parallel_loop3A_687 : vector<16xi32>
        %parallel_loop3A_698 = arith.select %parallel_loop3A_691, %parallel_loop3A_694, %parallel_loop3A_697 : vector<16xi1>, vector<16xi32>
        %parallel_loop3A_699 = arith.constant 0 : i32
        %parallel_loop3A_700 = vector.broadcast %parallel_loop3A_699 : i32 to vector<16xi32>
        %parallel_loop3A_701 = arith.cmpi ne, %parallel_loop3A_687, %parallel_loop3A_700 : vector<16xi32>
        %parallel_loop3A_702 = arith.constant 8 : i32
        %parallel_loop3A_703 = vector.broadcast %parallel_loop3A_702 : i32 to vector<16xi32>
        %parallel_loop3A_704 = arith.cmpi ne, %parallel_loop3A_687, %parallel_loop3A_703 : vector<16xi32>
        %parallel_loop3A_705 = arith.andi %parallel_loop3A_701, %parallel_loop3A_704 : vector<16xi1>
        tpu.vector_store_idx %arg9[%parallel_loop3A_100, %parallel_loop3A_698], %parallel_loop3A_688 masked %parallel_loop3A_705 : memref<512x78xf32, #tpu.memory_space<vmem>>[vector<16xi32>, vector<16xi32>], vector<16xf32>, vector<16xi1>
        %parallel_loop3A_706 = arith.constant 11 : i32
        %parallel_loop3A_707 = vector.broadcast %parallel_loop3A_706 : i32 to vector<16xi32>
        %parallel_loop3A_708 = arith.addi %parallel_loop3A_707, %parallel_loop3A_101 : vector<16xi32>
        %parallel_loop3A_709 = arith.constant 15 : i32
        %parallel_loop3A_710 = vector.broadcast %parallel_loop3A_709 : i32 to vector<16xi32>
        %parallel_loop3A_711 = arith.andi %parallel_loop3A_708, %parallel_loop3A_710 : vector<16xi32>
        %parallel_loop3A_712 = tpu.vector_load_idx %arg7[%parallel_loop3A_100, %parallel_loop3A_711] : memref<512x16xf32, #tpu.memory_space<vmem>>[vector<16xi32>, vector<16xi32>], vector<16xf32>,
        %parallel_loop3A_713 = arith.constant 8 : i32
        %parallel_loop3A_714 = vector.broadcast %parallel_loop3A_713 : i32 to vector<16xi32>
        %parallel_loop3A_715 = arith.cmpi slt, %parallel_loop3A_711, %parallel_loop3A_714 : vector<16xi32>
        %parallel_loop3A_716 = arith.constant 31 : i32
        %parallel_loop3A_717 = vector.broadcast %parallel_loop3A_716 : i32 to vector<16xi32>
        %parallel_loop3A_718 = arith.addi %parallel_loop3A_717, %parallel_loop3A_711 : vector<16xi32>
        %parallel_loop3A_719 = arith.constant 62 : i32
        %parallel_loop3A_720 = vector.broadcast %parallel_loop3A_719 : i32 to vector<16xi32>
        %parallel_loop3A_721 = arith.addi %parallel_loop3A_720, %parallel_loop3A_711 : vector<16xi32>
        %parallel_loop3A_722 = arith.select %parallel_loop3A_715, %parallel_loop3A_718, %parallel_loop3A_721 : vector<16xi1>, vector<16xi32>
        %parallel_loop3A_723 = arith.constant 0 : i32
        %parallel_loop3A_724 = vector.broadcast %parallel_loop3A_723 : i32 to vector<16xi32>
        %parallel_loop3A_725 = arith.cmpi ne, %parallel_loop3A_711, %parallel_loop3A_724 : vector<16xi32>
        %parallel_loop3A_726 = arith.constant 8 : i32
        %parallel_loop3A_727 = vector.broadcast %parallel_loop3A_726 : i32 to vector<16xi32>
        %parallel_loop3A_728 = arith.cmpi ne, %parallel_loop3A_711, %parallel_loop3A_727 : vector<16xi32>
        %parallel_loop3A_729 = arith.andi %parallel_loop3A_725, %parallel_loop3A_728 : vector<16xi1>
        tpu.vector_store_idx %arg9[%parallel_loop3A_100, %parallel_loop3A_722], %parallel_loop3A_712 masked %parallel_loop3A_729 : memref<512x78xf32, #tpu.memory_space<vmem>>[vector<16xi32>, vector<16xi32>], vector<16xf32>, vector<16xi1>
        %parallel_loop3A_730 = arith.constant 12 : i32
        %parallel_loop3A_731 = vector.broadcast %parallel_loop3A_730 : i32 to vector<16xi32>
        %parallel_loop3A_732 = arith.addi %parallel_loop3A_731, %parallel_loop3A_101 : vector<16xi32>
        %parallel_loop3A_733 = arith.constant 15 : i32
        %parallel_loop3A_734 = vector.broadcast %parallel_loop3A_733 : i32 to vector<16xi32>
        %parallel_loop3A_735 = arith.andi %parallel_loop3A_732, %parallel_loop3A_734 : vector<16xi32>
        %parallel_loop3A_736 = tpu.vector_load_idx %arg7[%parallel_loop3A_100, %parallel_loop3A_735] : memref<512x16xf32, #tpu.memory_space<vmem>>[vector<16xi32>, vector<16xi32>], vector<16xf32>,
        %parallel_loop3A_737 = arith.constant 8 : i32
        %parallel_loop3A_738 = vector.broadcast %parallel_loop3A_737 : i32 to vector<16xi32>
        %parallel_loop3A_739 = arith.cmpi slt, %parallel_loop3A_735, %parallel_loop3A_738 : vector<16xi32>
        %parallel_loop3A_740 = arith.constant 31 : i32
        %parallel_loop3A_741 = vector.broadcast %parallel_loop3A_740 : i32 to vector<16xi32>
        %parallel_loop3A_742 = arith.addi %parallel_loop3A_741, %parallel_loop3A_735 : vector<16xi32>
        %parallel_loop3A_743 = arith.constant 62 : i32
        %parallel_loop3A_744 = vector.broadcast %parallel_loop3A_743 : i32 to vector<16xi32>
        %parallel_loop3A_745 = arith.addi %parallel_loop3A_744, %parallel_loop3A_735 : vector<16xi32>
        %parallel_loop3A_746 = arith.select %parallel_loop3A_739, %parallel_loop3A_742, %parallel_loop3A_745 : vector<16xi1>, vector<16xi32>
        %parallel_loop3A_747 = arith.constant 0 : i32
        %parallel_loop3A_748 = vector.broadcast %parallel_loop3A_747 : i32 to vector<16xi32>
        %parallel_loop3A_749 = arith.cmpi ne, %parallel_loop3A_735, %parallel_loop3A_748 : vector<16xi32>
        %parallel_loop3A_750 = arith.constant 8 : i32
        %parallel_loop3A_751 = vector.broadcast %parallel_loop3A_750 : i32 to vector<16xi32>
        %parallel_loop3A_752 = arith.cmpi ne, %parallel_loop3A_735, %parallel_loop3A_751 : vector<16xi32>
        %parallel_loop3A_753 = arith.andi %parallel_loop3A_749, %parallel_loop3A_752 : vector<16xi1>
        tpu.vector_store_idx %arg9[%parallel_loop3A_100, %parallel_loop3A_746], %parallel_loop3A_736 masked %parallel_loop3A_753 : memref<512x78xf32, #tpu.memory_space<vmem>>[vector<16xi32>, vector<16xi32>], vector<16xf32>, vector<16xi1>
        %parallel_loop3A_754 = arith.constant 13 : i32
        %parallel_loop3A_755 = vector.broadcast %parallel_loop3A_754 : i32 to vector<16xi32>
        %parallel_loop3A_756 = arith.addi %parallel_loop3A_755, %parallel_loop3A_101 : vector<16xi32>
        %parallel_loop3A_757 = arith.constant 15 : i32
        %parallel_loop3A_758 = vector.broadcast %parallel_loop3A_757 : i32 to vector<16xi32>
        %parallel_loop3A_759 = arith.andi %parallel_loop3A_756, %parallel_loop3A_758 : vector<16xi32>
        %parallel_loop3A_760 = tpu.vector_load_idx %arg7[%parallel_loop3A_100, %parallel_loop3A_759] : memref<512x16xf32, #tpu.memory_space<vmem>>[vector<16xi32>, vector<16xi32>], vector<16xf32>,
        %parallel_loop3A_761 = arith.constant 8 : i32
        %parallel_loop3A_762 = vector.broadcast %parallel_loop3A_761 : i32 to vector<16xi32>
        %parallel_loop3A_763 = arith.cmpi slt, %parallel_loop3A_759, %parallel_loop3A_762 : vector<16xi32>
        %parallel_loop3A_764 = arith.constant 31 : i32
        %parallel_loop3A_765 = vector.broadcast %parallel_loop3A_764 : i32 to vector<16xi32>
        %parallel_loop3A_766 = arith.addi %parallel_loop3A_765, %parallel_loop3A_759 : vector<16xi32>
        %parallel_loop3A_767 = arith.constant 62 : i32
        %parallel_loop3A_768 = vector.broadcast %parallel_loop3A_767 : i32 to vector<16xi32>
        %parallel_loop3A_769 = arith.addi %parallel_loop3A_768, %parallel_loop3A_759 : vector<16xi32>
        %parallel_loop3A_770 = arith.select %parallel_loop3A_763, %parallel_loop3A_766, %parallel_loop3A_769 : vector<16xi1>, vector<16xi32>
        %parallel_loop3A_771 = arith.constant 0 : i32
        %parallel_loop3A_772 = vector.broadcast %parallel_loop3A_771 : i32 to vector<16xi32>
        %parallel_loop3A_773 = arith.cmpi ne, %parallel_loop3A_759, %parallel_loop3A_772 : vector<16xi32>
        %parallel_loop3A_774 = arith.constant 8 : i32
        %parallel_loop3A_775 = vector.broadcast %parallel_loop3A_774 : i32 to vector<16xi32>
        %parallel_loop3A_776 = arith.cmpi ne, %parallel_loop3A_759, %parallel_loop3A_775 : vector<16xi32>
        %parallel_loop3A_777 = arith.andi %parallel_loop3A_773, %parallel_loop3A_776 : vector<16xi1>
        tpu.vector_store_idx %arg9[%parallel_loop3A_100, %parallel_loop3A_770], %parallel_loop3A_760 masked %parallel_loop3A_777 : memref<512x78xf32, #tpu.memory_space<vmem>>[vector<16xi32>, vector<16xi32>], vector<16xf32>, vector<16xi1>
        %parallel_loop3A_778 = arith.constant 14 : i32
        %parallel_loop3A_779 = vector.broadcast %parallel_loop3A_778 : i32 to vector<16xi32>
        %parallel_loop3A_780 = arith.addi %parallel_loop3A_779, %parallel_loop3A_101 : vector<16xi32>
        %parallel_loop3A_781 = arith.constant 15 : i32
        %parallel_loop3A_782 = vector.broadcast %parallel_loop3A_781 : i32 to vector<16xi32>
        %parallel_loop3A_783 = arith.andi %parallel_loop3A_780, %parallel_loop3A_782 : vector<16xi32>
        %parallel_loop3A_784 = tpu.vector_load_idx %arg7[%parallel_loop3A_100, %parallel_loop3A_783] : memref<512x16xf32, #tpu.memory_space<vmem>>[vector<16xi32>, vector<16xi32>], vector<16xf32>,
        %parallel_loop3A_785 = arith.constant 8 : i32
        %parallel_loop3A_786 = vector.broadcast %parallel_loop3A_785 : i32 to vector<16xi32>
        %parallel_loop3A_787 = arith.cmpi slt, %parallel_loop3A_783, %parallel_loop3A_786 : vector<16xi32>
        %parallel_loop3A_788 = arith.constant 31 : i32
        %parallel_loop3A_789 = vector.broadcast %parallel_loop3A_788 : i32 to vector<16xi32>
        %parallel_loop3A_790 = arith.addi %parallel_loop3A_789, %parallel_loop3A_783 : vector<16xi32>
        %parallel_loop3A_791 = arith.constant 62 : i32
        %parallel_loop3A_792 = vector.broadcast %parallel_loop3A_791 : i32 to vector<16xi32>
        %parallel_loop3A_793 = arith.addi %parallel_loop3A_792, %parallel_loop3A_783 : vector<16xi32>
        %parallel_loop3A_794 = arith.select %parallel_loop3A_787, %parallel_loop3A_790, %parallel_loop3A_793 : vector<16xi1>, vector<16xi32>
        %parallel_loop3A_795 = arith.constant 0 : i32
        %parallel_loop3A_796 = vector.broadcast %parallel_loop3A_795 : i32 to vector<16xi32>
        %parallel_loop3A_797 = arith.cmpi ne, %parallel_loop3A_783, %parallel_loop3A_796 : vector<16xi32>
        %parallel_loop3A_798 = arith.constant 8 : i32
        %parallel_loop3A_799 = vector.broadcast %parallel_loop3A_798 : i32 to vector<16xi32>
        %parallel_loop3A_800 = arith.cmpi ne, %parallel_loop3A_783, %parallel_loop3A_799 : vector<16xi32>
        %parallel_loop3A_801 = arith.andi %parallel_loop3A_797, %parallel_loop3A_800 : vector<16xi1>
        tpu.vector_store_idx %arg9[%parallel_loop3A_100, %parallel_loop3A_794], %parallel_loop3A_784 masked %parallel_loop3A_801 : memref<512x78xf32, #tpu.memory_space<vmem>>[vector<16xi32>, vector<16xi32>], vector<16xf32>, vector<16xi1>
        %parallel_loop3A_802 = arith.constant 15 : i32
        %parallel_loop3A_803 = vector.broadcast %parallel_loop3A_802 : i32 to vector<16xi32>
        %parallel_loop3A_804 = arith.addi %parallel_loop3A_803, %parallel_loop3A_101 : vector<16xi32>
        %parallel_loop3A_805 = arith.constant 15 : i32
        %parallel_loop3A_806 = vector.broadcast %parallel_loop3A_805 : i32 to vector<16xi32>
        %parallel_loop3A_807 = arith.andi %parallel_loop3A_804, %parallel_loop3A_806 : vector<16xi32>
        %parallel_loop3A_808 = tpu.vector_load_idx %arg7[%parallel_loop3A_100, %parallel_loop3A_807] : memref<512x16xf32, #tpu.memory_space<vmem>>[vector<16xi32>, vector<16xi32>], vector<16xf32>,
        %parallel_loop3A_809 = arith.constant 8 : i32
        %parallel_loop3A_810 = vector.broadcast %parallel_loop3A_809 : i32 to vector<16xi32>
        %parallel_loop3A_811 = arith.cmpi slt, %parallel_loop3A_807, %parallel_loop3A_810 : vector<16xi32>
        %parallel_loop3A_812 = arith.constant 31 : i32
        %parallel_loop3A_813 = vector.broadcast %parallel_loop3A_812 : i32 to vector<16xi32>
        %parallel_loop3A_814 = arith.addi %parallel_loop3A_813, %parallel_loop3A_807 : vector<16xi32>
        %parallel_loop3A_815 = arith.constant 62 : i32
        %parallel_loop3A_816 = vector.broadcast %parallel_loop3A_815 : i32 to vector<16xi32>
        %parallel_loop3A_817 = arith.addi %parallel_loop3A_816, %parallel_loop3A_807 : vector<16xi32>
        %parallel_loop3A_818 = arith.select %parallel_loop3A_811, %parallel_loop3A_814, %parallel_loop3A_817 : vector<16xi1>, vector<16xi32>
        %parallel_loop3A_819 = arith.constant 0 : i32
        %parallel_loop3A_820 = vector.broadcast %parallel_loop3A_819 : i32 to vector<16xi32>
        %parallel_loop3A_821 = arith.cmpi ne, %parallel_loop3A_807, %parallel_loop3A_820 : vector<16xi32>
        %parallel_loop3A_822 = arith.constant 8 : i32
        %parallel_loop3A_823 = vector.broadcast %parallel_loop3A_822 : i32 to vector<16xi32>
        %parallel_loop3A_824 = arith.cmpi ne, %parallel_loop3A_807, %parallel_loop3A_823 : vector<16xi32>
        %parallel_loop3A_825 = arith.andi %parallel_loop3A_821, %parallel_loop3A_824 : vector<16xi1>
        tpu.vector_store_idx %arg9[%parallel_loop3A_100, %parallel_loop3A_818], %parallel_loop3A_808 masked %parallel_loop3A_825 : memref<512x78xf32, #tpu.memory_space<vmem>>[vector<16xi32>, vector<16xi32>], vector<16xf32>, vector<16xi1>
      } {sc.loop_unroll_factor = 4 : i64, sc.parallel_access}
      %mul3A_80 = arith.constant 512 : i32
      %mul3A_81 = arith.muli %add3A_64, %mul3A_80 : i32
      %add3A_82 = arith.addi %mul3A_2, %mul3A_81 : i32
      %dma_start3A_83 = arith.constant 0 : i32
      %dma_start3A_84 = tpu.memref_slice %arg4[%add3A_82, %dma_start3A_83] : memref<3276800x78xf32, #tpu.memory_space<hbm>> -> memref<512x78xf32, #tpu.memory_space<hbm>>
      %dma_start3A_85 = arith.constant 0 : i32
      %dma_start3A_86 = tpu.memref_slice %arg4[%add3A_82, %dma_start3A_85] : memref<3276800x78xf32, #tpu.memory_space<hbm>> -> memref<512x78xf32, #tpu.memory_space<hbm>>
      tpu.enqueue_dma source(%arg9 : memref<512x78xf32, #tpu.memory_space<vmem>>) target(%dma_start3A_86 : memref<512x78xf32, #tpu.memory_space<hbm>>) target_semaphore(%arg13 : memref<!tpu.dma_semaphore, #tpu.memory_space<semaphore_mem>>)
      %add3A_87 = arith.constant 2 : i32
      %add3A_88 = arith.addi %add3A_64, %add3A_87 : i32
      %lt3A_89 = arith.constant 200 : i32
      %lt3A_90 = arith.cmpi slt, %add3A_88, %lt3A_89 : i32
      %convert_element_type3A_91 = arith.extui %lt3A_90 : i1 to i32
      %cond3A_92 = arith.constant 0 : i32
      %cond3A_93 = arith.cmpi ne, %convert_element_type3A_91, %cond3A_92 : i32
      scf.if %cond3A_93 {
        %add3A_95 = arith.constant 2 : i32
        %add3A_96 = arith.addi %add3A_64, %add3A_95 : i32
        %mul3A_97 = arith.constant 512 : i32
        %mul3A_98 = arith.muli %add3A_96, %mul3A_97 : i32
        %add3A_99 = arith.addi %mul3A_2, %mul3A_98 : i32
        %dma_start3A_100 = arith.constant 0 : i32
        %dma_start3A_101 = tpu.memref_slice %arg2[%add3A_99, %dma_start3A_100] : memref<3276800x16xf32, #tpu.memory_space<hbm>> -> memref<512x16xf32, #tpu.memory_space<hbm>>
        %dma_start3A_102 = arith.constant 0 : i32
        %dma_start3A_103 = tpu.memref_slice %arg2[%add3A_99, %dma_start3A_102] : memref<3276800x16xf32, #tpu.memory_space<hbm>> -> memref<512x16xf32, #tpu.memory_space<hbm>>
        tpu.enqueue_dma source(%dma_start3A_103 : memref<512x16xf32, #tpu.memory_space<hbm>>) target(%arg7 : memref<512x16xf32, #tpu.memory_space<vmem>>) target_semaphore(%arg11 : memref<!tpu.dma_semaphore, #tpu.memory_space<semaphore_mem>>)
      } else {
      }
      %scan3A_94 = arith.constant 0 : i32
      scf.yield %scan3A_94 : i32
    }
    %scan3A_19 = arith.constant 100 : i32
    %add3A_20 = arith.constant 101376 : i32
    %add3A_21 = arith.addi %mul3A_2, %add3A_20 : i32
    %dma_wait3A = arith.constant 0 : i32
    %dma_wait3A_22 = tpu.memref_slice %arg4[%add3A_21, %dma_wait3A] : memref<3276800x78xf32, #tpu.memory_space<hbm>> -> memref<512x78xf32, #tpu.memory_space<hbm>>
    %dma_wait3A_23 = arith.constant 0 : i32
    %dma_wait3A_24 = tpu.memref_slice %arg4[%add3A_21, %dma_wait3A_23] : memref<3276800x78xf32, #tpu.memory_space<hbm>> -> memref<512x78xf32, #tpu.memory_space<hbm>>
    tpu.wait_dma2 semaphore(%arg12 : memref<!tpu.dma_semaphore, #tpu.memory_space<semaphore_mem>>) src(%arg8 : memref<512x78xf32, #tpu.memory_space<vmem>>) dst(%dma_wait3A_24 : memref<512x78xf32, #tpu.memory_space<hbm>>)
    %add3A_25 = arith.constant 101888 : i32
    %add3A_26 = arith.addi %mul3A_2, %add3A_25 : i32
    %dma_wait3A_27 = arith.constant 0 : i32
    %dma_wait3A_28 = tpu.memref_slice %arg4[%add3A_26, %dma_wait3A_27] : memref<3276800x78xf32, #tpu.memory_space<hbm>> -> memref<512x78xf32, #tpu.memory_space<hbm>>
    %dma_wait3A_29 = arith.constant 0 : i32
    %dma_wait3A_30 = tpu.memref_slice %arg4[%add3A_26, %dma_wait3A_29] : memref<3276800x78xf32, #tpu.memory_space<hbm>> -> memref<512x78xf32, #tpu.memory_space<hbm>>
    tpu.wait_dma2 semaphore(%arg13 : memref<!tpu.dma_semaphore, #tpu.memory_space<semaphore_mem>>) src(%arg9 : memref<512x78xf32, #tpu.memory_space<vmem>>) dst(%dma_wait3A_30 : memref<512x78xf32, #tpu.memory_space<hbm>>)
    return
  }
}

</mosaic_0001>

<sc_bundles>
// kernel: kernel.3.cloned.1.call-start
scs
__scs_entry_jumppad:
0x0: {  	(pc) =	sbr.rel $0x88, $3  }
0x1: {  	(tag) =	ssettag $0x0;
	lr =	simm.s32 $0x1  }
0x2: {  	[smem:$0x3F9F] =	sst lr;
	_ =	strace $0xD0000000  }
0x3: {  	_ = 	snop  }
0x4: {  	_ = 	snop  }
0x5: {  	_ = 	snop  }
0x6: {  	_ = 	snop  }
0x7: {  	_ = 	snop  }
__scs_overlays_trampoline_lowered:
0x8: {  	[smem:$0x3FAE] =	sst s0  }
0x9: {  	[smem:$0x3FAF] =	sst s1  }
0xa: {  	[smem:$0x3FB0] =	sst s2  }
0xb: {  	[smem:$0x3FB1] =	sst s3  }
0xc: {  	[smem:$0x3FB2] =	sst s4  }
0xd: {  	[smem:$0x3FB3] =	sst s5  }
0xe: {  	[smem:$0x3FB4] =	sst s6  }
0xf: {  	[smem:$0x3FB5] =	sst s7  }
0x10: {  	[smem:$0x3FB6] =	sst s8  }
0x11: {  	[smem:$0x3FB7] =	sst s9;
	s0 =	simm.s32 @!p0 $0x0  }
0x12: {  	s1 =	sld [smem:$0x3F9D];
	s0 =	simm.s32 @p0 $0x1  }
0x13: {  	[smem:$0x3FB8] =	sst s0;
	s0 =	simm.s32 @!p1 $0x0  }
0x14: {  	s2 =	sld [smem:$0x3F9C];
	s0 =	simm.s32 @p1 $0x1  }
0x15: {  	[smem:$0x3FB9] =	sst s0;
	s0 =	simm.s32 @!p2 $0x0  }
0x16: {  	s3 =	sld [smem:$0x3FDB];
	s0 =	simm.s32 @p2 $0x1  }
0x17: {  	s4 =	simm.s32 $0x1BF5;
	[smem:$0x3FBB] =	sst s0  }
0x18: {  	s0 =	sld [smem:$0x3F9E];
	_ =	swait.ge [sflag:s4], $0x0  }
0x19: {  	s7 =	sld [smem:$0x3F9F]  }
0x1a: {  	s8 =	sadd.s32 $0xFFFFE003, lr  }
0x1b: {  	s9 =	sadd.s32 $0xFFFFFEF7, lr;
	s5 =	simm.s32 $0xFFFFFFFF;
	p2 =	slt.u32 s8, $0xFFFFF086  }
0x1c: {  	p1 =	slt.u32 s9, $0xF7A;
	s5 =	simm.s32 @!p2 $0x0  }
0x1d: {  	s5 =	simm.s32 @p1 $0x1;
	p0 =	seq.s32 s7, s2  }
0x1e: {  	s7 =	smul.u32 @!p0 $0xF7A, s2;
	p2 =	seq.s32 @!p0 s5, $0x0  }
0x1f: {  	s9 =	smul.u32 $0xF7A, s1;
	s8 =	simm.s32 @!p0 $0x1BF5;
	p2 =	por !p2, p0  }
0x20: {  	[sflag:s8] =	ssyncset.s32 @!p0 $0xFFFFF086;
	s6 =	sadd.s32 @!p0 s3, s7;
	s7 =	simm.s32 @!p0 $0x108  }
0x21: {  	s3 =	sadd.s32 s3, s9;
	s6 =	sadd.s32 @!p0 $0x88, s6;
	s7 =	simm.s32 @p2 $0x1082  }
0x22: {  	[simem:s7], [sflag:s8] =	dma.local @!p0 [hbm:s6], $0xF7A  }
0x23: {  	s9 =	sor.u32 $0xD0000000, s2;
	s6 =	simm.s32 $0x108;
	_ =	swait.ge @!p0 [sflag:s8], $0x0  }
0x24: {  	s3 =	sadd.s32 $0x88, s3;
	s6 =	simm.s32 @!p1 $0x1082;
	[sflag:s4] =	ssyncset.s32 $0xFFFFF086  }
0x25: {  	[simem:s6], [sflag:s4] =	dma.local [hbm:s3], $0xF7A  }
0x26: {  	[smem:$0x3F9F] =	sst s1;
	(tag) =	ssettag s2;
	_ =	strace s9  }
0x27: {  	s1 =	sld [smem:$0x3FAF]  }
0x28: {  	s2 =	sld [smem:$0x3FB0]  }
0x29: {  	s4 =	sld [smem:$0x3FB2]  }
0x2a: {  	p0 =	seq.s32 s5, $0x0;
	s5 =	sld [smem:$0x3FB3]  }
0x2b: {  	s6 =	sld [smem:$0x3FB4]  }
0x2c: {  	s7 =	sld [smem:$0x3FB5]  }
0x2d: {  	s3 =	simm.s32 $0x108;
	s8 =	sld [smem:$0x3FB6]  }
0x2e: {  	s3 =	simm.s32 @!p0 $0x1082;
	s9 =	sld [smem:$0x3FB7]  }
0x2f: {  	lr =	sadd.s32 s0, s3;
	s0 =	sld [smem:$0x3FAE]  }
0x30: {  	s3 =	sld [smem:$0x3FB1]  }
0x31: {  	[smem:$0x3FBA] =	sst s10  }
0x32: {  	s10 =	sld [smem:$0x3FB8];
	_ =	sdelay $0x3  }
0x33: {  	p0 =	seq.s32 s10, $0x1;
	s10 =	sld [smem:$0x3FBA];
	_ =	sdelay $0x3  }
0x34: {  	[smem:$0x3FBA] =	sst s10  }
0x35: {  	s10 =	sld [smem:$0x3FB9];
	_ =	sdelay $0x3  }
0x36: {  	p1 =	seq.s32 s10, $0x1;
	s10 =	sld [smem:$0x3FBA];
	_ =	sdelay $0x3  }
0x37: {  	[smem:$0x3FBA] =	sst s10  }
0x38: {  	s10 =	sld [smem:$0x3FBB]  }
0x39: {  	_ = 	snop;
	(pc) =	sbr.ind lr, $3  }
0x3a: {  	_ = 	snop  }
0x3b: {  	_ = 	snop  }
0x3c: {  	p2 =	seq.s32 s10, $0x1;
	s10 =	sld [smem:$0x3FBA]  }
0x3d: {  	_ =	shalt  }
0x3e: {  	_ =	shalt  }
0x3f: {  	_ =	shalt  }
0x40: {  	_ =	shalt  }
0x41: {  	_ =	shalt  }
0x42: {  	_ =	shalt  }
0x43: {  	_ =	shalt  }
0x44: {  	_ =	shalt  }
0x45: {  	_ =	shalt  }
0x46: {  	_ =	shalt  }
0x47: {  	_ =	shalt  }
0x48: {  	_ =	shalt  }
0x49: {  	_ =	shalt  }
0x4a: {  	_ =	shalt  }
0x4b: {  	_ =	shalt  }
0x4c: {  	_ =	shalt  }
0x4d: {  	_ =	shalt  }
0x4e: {  	_ =	shalt  }
0x4f: {  	_ =	shalt  }
0x50: {  	_ =	shalt  }
0x51: {  	_ =	shalt  }
0x52: {  	_ =	shalt  }
0x53: {  	_ =	shalt  }
0x54: {  	_ =	shalt  }
0x55: {  	_ =	shalt  }
0x56: {  	_ =	shalt  }
0x57: {  	_ =	shalt  }
0x58: {  	_ =	shalt  }
0x59: {  	_ =	shalt  }
0x5a: {  	_ =	shalt  }
0x5b: {  	_ =	shalt  }
0x5c: {  	_ =	shalt  }
0x5d: {  	_ =	shalt  }
0x5e: {  	_ =	shalt  }
0x5f: {  	_ =	shalt  }
0x60: {  	_ =	shalt  }
0x61: {  	_ =	shalt  }
0x62: {  	_ =	shalt  }
0x63: {  	_ =	shalt  }
0x64: {  	_ =	shalt  }
0x65: {  	_ =	shalt  }
0x66: {  	_ =	shalt  }
0x67: {  	_ =	shalt  }
0x68: {  	_ =	shalt  }
0x69: {  	_ =	shalt  }
0x6a: {  	_ =	shalt  }
0x6b: {  	_ =	shalt  }
0x6c: {  	_ =	shalt  }
0x6d: {  	_ =	shalt  }
0x6e: {  	_ =	shalt  }
0x6f: {  	_ =	shalt  }
0x70: {  	_ =	shalt  }
0x71: {  	_ =	shalt  }
0x72: {  	_ =	shalt  }
0x73: {  	_ =	shalt  }
0x74: {  	_ =	shalt  }
0x75: {  	_ =	shalt  }
0x76: {  	_ =	shalt  }
0x77: {  	_ =	shalt  }
0x78: {  	_ =	shalt  }
0x79: {  	_ =	shalt  }
0x7a: {  	_ =	shalt  }
0x7b: {  	_ =	shalt  }
0x7c: {  	_ =	shalt  }
0x7d: {  	_ =	shalt  }
0x7e: {  	_ =	shalt  }
0x7f: {  	_ =	shalt  }
0x80: {  	_ =	shalt  }
0x81: {  	_ =	shalt  }
0x82: {  	_ =	shalt  }
0x83: {  	_ =	shalt  }
0x84: {  	_ =	shalt  }
0x85: {  	_ =	shalt  }
0x86: {  	_ =	shalt  }
0x87: {  	_ =	shalt  }
.Lfunc_end0:
.L_simem_size_0:
called_computation.1_lowered:
.L_overlay_start_0:
0x88: {  	s2 =	sld [smem:$0x3FD9]  }
0x89: {  	s3 =	sld [smem:$0x3FFE];
	_ =	sdelay $0x1  }
0x8a: {  	s1 =	srdreg.scid  }
0x8b: {  	s0 =	sand.u32 $0x1, s1  }
0x8c: {  	s17 =	sshll.u32 s0, $0xA;
	s2 =	sadd.s32 s3, s2  }
0x8d: {  	s2 =	sadd.s32 s2, s17  }
0x8e: {  	[smem:$0x3FC6] =	sst s2  }
0x8f: {  	_ = 	snop  }
0x90: {  	s2 =	sld [smem:$0x3FD0];
	(tm) =	ssettm $0x1  }
0x91: {  	s18 =	sld [smem:$0x3FFB];
	_ =	sdelay $0x3  }
0x92: {  	_ =	strace s18  }
0x93: {  	s3 =	sld [smem:$0x3FFC];
	_ =	sdelay $0x3  }
0x94: {  	_ =	strace s3  }
0x95: {  	s3 =	sld [smem:$0x3FFD];
	_ =	sdelay $0x3  }
0x96: {  	_ =	strace s3  }
0x97: {  	_ =	strace $0x8FFFFFFF  }
0x98: {  	s19 =	sld [smem:$0x3FDB];
	_ =	sdelay $0x1  }
0x99: {  	s4 =	simm.s32 $_scs_section_size  }
0x9a: {  	s5 =	simm.s32 $_size__tile_overlayer_lowered;
	s6 =	simm.s32 $_tile_overlayer_lowered  }
0x9b: {  	s22 =	simm.s32 $0x1BFF;
	s21 =	sshll.u32 s6, $0x1;
	s3 =	sadd.s32 s4, s19  }
0x9c: {  	s7 =	simm.s32 $0x0;
	s20 =	sshll.u32 s5, $0x1;
	s5 =	sadd.s32 s21, s3  }
0x9d: {  	[timem:s7], [sflag:s22] =	dma.local [hbm:s5], s20  }
0x9e: {  	_ =	swait.ge [sflag:s22], s20  }
0x9f: {  	s4 =	ssub.s32 $0x0, s20;
	[sflag:s22] =	ssyncset.done $0x0  }
0xa0: {  	[sflag:s22] =	ssyncadd.s32 s4;
	_ =	sdelay $0x1  }
0xa1: {  	s23 =	simm.s32 $0x1B8B  }
0xa2: {  	_ =	swait.ge [sflag:s23], $0x1  }
0xa3: {  	[sflag:s23] =	ssyncset.done $0x0  }
0xa4: {  	s25 =	simm.s32 $0x1B8E;
	s24 =	sld [smem:$0x3FFE];
	[sflag:s23] =	ssyncadd.s32 $0xFFFFFFFF  }
0xa5: {  	s26 =	simm.s32 $execute0_lowered;
	[smem:$0x3FD2] =	sst s25  }
0xa6: {  	s5 =	sshll.u32 s26, $0x1;
	_ =	strace $0x80000046;
	[dreg:$0x1] =	wrdreg $0xFFFFFFFF  }
0xa7: {  	s28 =	simm.s32 $_size_execute0_lowered;
	s3 =	sadd.s32 s3, s5;
	[dreg:$0x0] =	wrdreg $0x0  }
0xa8: {  	s5 =	sshll.u32 s28, $0x1;
	[dreg:$0x2] =	wrdreg s3  }
0xa9: {  	[dreg:$0x3] =	wrdreg s5  }
0xaa: {  	[dreg:$0x4] =	wrdreg $0xC0  }
0xab: {  	_ =	task [dreg:s7], $0x5FFFF  }
0xac: {  	[dreg:$0x1] =	wrdreg $0xFFFFFFFF  }
0xad: {  	[dreg:$0x0] =	wrdreg $0x60  }
0xae: {  	[dreg:$0x2] =	wrdreg s2  }
0xaf: {  	[dreg:$0x3] =	wrdreg s24  }
0xb0: {  	[dreg:$0x4] =	wrdreg $0x9  }
0xb1: {  	_ =	task.clear_ibuf [dreg:s7], $0x5FFFF;
	_ =	strace $0x90000046  }
0xb2: {  	s29 =	simm.s32 $0x9;
	_ =	strace $0x80000048  }
0xb3: {  	_ =	swait.ge [sflag:s29], $0x1  }
0xb4: {  	[sflag:s29] =	ssyncadd.s32 $0xFFFFFFFF  }
0xb5: {  	_ =	strace $0x90000048  }
0xb6: {  	_ =	sfence  }
0xb7: {  	s30 =	sld [smem:$0x0];
	_ =	sdelay $0x2  }
0xb8: {  	s31 =	sshll.u32 s1, $0xD;
	s1 =	sshrl.u32 s1, $0x2  }
0xb9: {  	s3 =	sand.u32 $0x4000, s31;
	s1 =	sadd.s32 s1, s30  }
0xba: {  	s0 =	sor.u32 s3, s0;
	s1 =	sshll.u32 s1, $0x11  }
0xbb: {  	s0 =	sor.u32 s1, s0  }
0xbc: {  	s0 =	sadd.s32 $0x8F2B, s0  }
0xbd: {  	[sflag:s0] =	ssyncadd.remote.s32 $0x1  }
0xbe: {  	_ =	sfence.sel $0xFFFF  }
0xbf: {  	[dreg:$0x0] =	wrdreg $0xFFFFFFFF;
	(pc) =	sbr.abs _section_cstart, $3  }
0xc0: {  	[dreg:$0x1] =	wrdreg $0xFFFFFFFF  }
0xc1: {  	_ =	task.clear_ibuf [dreg:s7], $0x2FFFF;
	_ =	strace $0x9FFFFFFF  }
0xc2: {  	(tm) =	ssettm $0x7FFFFFFF  }
0xc3: {  	_ =	shalt  }
tec
execute0_lowered:
.L_overlay_start_1:
0x0: {  	(tag) =	ssettag $0x1  }
0x1: {  	v0 =	vimm.s32 $0x49484746;
	v43 =	vimm.s32 $0x4D4C4B4A  }
0x2: {  	v44 =	vimm.s32 $0x2221201F;
	v1 =	vimm.s32 $0x26252423;
	vm7 =	vcmask $0x1F10  }
0x3: {  	v45 =	vimm.s32 $0xFEDCBA9;
	v7 =	vimm.s32 $0x87654321;
	v46 =	vimm.s32 $0x4A494847  }
0x4: {  	v47 =	vimm.s32 $0x1F4D4C4B;
	v48 =	vimm.s32 $0x23222120;
	v49 =	vimm.s32 $0x46262524  }
0x5: {  	v50 =	vimm.s32 $0x10FEDCBA;
	v51 =	vimm.s32 $0x98765432;
	v53 =	vimm.s32 $0x4B4A4948  }
0x6: {  	v54 =	vimm.s32 $0x201F4D4C;
	v55 =	vimm.s32 $0x24232221;
	v56 =	vimm.s32 $0x47462625  }
0x7: {  	v57 =	vimm.s32 $0x210FEDCB;
	v15 =	vimm.s32 $0xA9876543;
	v17 =	vimm.s32 $0x3210FEDC  }
0x8: {  	v19 =	vimm.s32 $0xBA987654;
	v20 =	vimm.s32 $0x21201F4D;
	v21 =	vimm.s32 $0x48474626  }
0x9: {  	v33 =	vimm.s32 $0xCBA98765;
	v4 =	vunpack.c.0.s8.s32 v0;
	v5 =	vunpack.c.0.s8.s32 v43  }
0xa: {  	v8 =	vunpack.c.0.s8.s32 v44;
	v9 =	vunpack.c.0.s8.s32 v1;
	v6 =	vunpack.c.l.s4.s8 v45  }
0xb: {  	v7 =	vunpack.c.l.s4.s8 v7;
	v10 =	vunpack.c.0.s8.s32 v46;
	v11 =	vunpack.c.0.s8.s32 v47  }
0xc: {  	v30 =	vunpack.c.0.s8.s32 v48;
	v31 =	vunpack.c.0.s8.s32 v49;
	v13 =	vunpack.c.l.s4.s8 v50  }
0xd: {  	v14 =	vunpack.c.l.s4.s8 v51;
	v35 =	vunpack.c.0.s8.s32 v54;
	v36 =	vunpack.c.0.s8.s32 v55  }
0xe: {  	v37 =	vunpack.c.0.s8.s32 v56;
	v58 =	vunpack.c.l.s4.s8 v57;
	v59 =	vunpack.c.l.s4.s8 v15  }
0xf: {  	v17 =	vunpack.c.l.s4.s8 v17;
	v19 =	vunpack.c.l.s4.s8 v19;
	v40 =	vunpack.c.0.s8.s32 v20  }
0x10: {  	v20 =	vimm.s32 $0x25242322;
	v43 =	vunpack.c.0.s8.s32 v21;
	v46 =	vimm.s32 $0x543210FE  }
0x11: {  	v47 =	vimm.s32 $0xDCBA9876;
	v42 =	vunpack.c.0.s8.s32 v20;
	v2 =	vsel vm7, v5, v4  }
0x12: {  	v3 =	vsel vm7, v9, v8;
	v26 =	vunpack.c.0.s8.s32 v6;
	v28 =	vunpack.c.0.s8.s32 v7  }
0x13: {  	v27 =	vunpack.c.0.s8.s32 v13;
	v61 =	vunpack.c.0.s8.s32 v17;
	v0 =	vunpack.c.0.s8.s32 v19  }
0x14: {  	v16 =	vunpack.c.0.s8.s32 v14;
	v13 =	vunpack.c.0.s8.s32 v58;
	v18 =	vunpack.c.0.s8.s32 v59  }
0x15: {  	v6 =	vsel vm7, v8, v5;
	v20 =	vsel vm7, v4, v9;
	v22 =	vcombine.low v0, v61  }
0x16: {  	v5 =	vunpack.c.l.s4.s8 v33;
	v8 =	vunpack.c.l.s4.s8 v46;
	v9 =	vunpack.c.l.s4.s8 v47;
	[tilespmem:$0x1FDB0] =	vst v13  }
0x17: {  	[tilespmem:$0x1FDC0] =	vst v18;
	v18 =	vcombine.low v18, v13;
	v13 =	vand.u32 $0xF, v22;
	v22 =	vimm.s32 $0x43210FED  }
0x18: {  	v17 =	vunpack.c.0.s8.s32 v8;
	v21 =	vunpack.c.0.s8.s32 v9;
	v4 =	vunpack.c.l.s4.s8 v22  }
0x19: {  	v48 =	vsel vm7, v10, v31;
	v12 =	vcombine.low v28, v26;
	v60 =	vcombine.low v16, v27  }
0x1a: {  	v15 =	vunpack.c.0.s8.s32 v5;
	v49 =	vcombine.low v21, v17;
	v14 =	vunpack.c.0.s8.s32 v4  }
0x1b: {  	[tilespmem:$0x1FDA0] =	vst v16;
	v52 =	vand.u32 $0xF, v12;
	v12 =	vunpack.c.0.s8.s32 v53;
	v22 =	vsel vm7, v30, v11  }
0x1c: {  	[tilespmem:$0x1FDD0] =	vst v61;
	v50 =	vcombine.low v48, v22;
	v51 =	vand.u32 $0xF, v49;
	v4 =	vcombine.low v15, v14  }
0x1d: {  	s0 =	rddreg [dreg:$0x0];
	v38 =	vand.u32 $0xF, v18;
	v18 =	vmovc v52;
	v52 =	vsel vm7, v36, v35;
	v54 =	vsel vm7, v12, v37;
	[tilespmem:$0x1FE00] =	vst v51  }
0x1e: {  	s6 =	rddreg [dreg:$0x1];
	s3 =	simm.s32 $0x0;
	v23 =	vand.u32 $0xF, v60;
	v60 =	vcombine.low v54, v52;
	[tilespmem:$0x1FDF0] =	vst v50;
	v4 =	vand.u32 $0xF, v4  }
0x1f: {  	s2 =	srdreg.scid;
	[smem:$0x7FF] =	sst s3;
	[tilespmem:$0x1FDE0] =	vst v4  }
0x20: {  	s5 =	sand.u32 $0x1, s2;
	s2 =	rddreg [dreg:$0x2];
	_ =	strace $0x80000047;
	[tilespmem:$0x1FE10] =	vst v60  }
0x21: {  	[tilespmem:$0x1FE20] =	vst v26  }
0x22: {  	v39 =	vsel vm7, v11, v10;
	[tilespmem:$0x1FE30] =	vst v28  }
0x23: {  	v63 =	vsel vm7, v31, v30;
	[tilespmem:$0x1FE40] =	vst v39  }
0x24: {  	v30 =	vmov v27;
	v44 =	vsel vm7, v35, v12;
	[tilespmem:$0x1FE50] =	vst v63  }
0x25: {  	v45 =	vsel vm7, v37, v36;
	v16 =	vimm.s32 $0x4C4B4A49;
	v31 =	vmov v44;
	[tilespmem:$0x1FE60] =	vst v30  }
0x26: {  	v41 =	vunpack.c.0.s8.s32 v16;
	v35 =	vmov v45;
	[tilespmem:$0x1FE70] =	vst v31  }
0x27: {  	[tilespmem:$0x1FE80] =	vst v35  }
0x28: {  	v19 =	vsel vm7, v43, v42;
	v1 =	vsel vm7, v40, v41;
	[tilespmem:$0x1FE90] =	vst v0  }
0x29: {  	v62 =	vcombine.low v19, v1;
	[tilespmem:$0x1FEA0] =	vst v38  }
0x2a: {  	[tilespmem:$0x1FEB0] =	vst v1  }
0x2b: {  	v36 =	vmov v62;
	[tilespmem:$0x1FEC0] =	vst v19  }
0x2c: {  	v37 =	vmov v13;
	[tilespmem:$0x1FED0] =	vst v36  }
0x2d: {  	v16 =	vcombine.low v20, v6;
	[tilespmem:$0x1FEE0] =	vst v37  }
0x2e: {  	[tilespmem:$0x1FEF0] =	vst v6  }
0x2f: {  	v25 =	vlaneseq.u32;
	vm0 =	vcmask $0x3F24;
	v61 =	vsel vm7, v42, v40;
	v40 =	vmovc v16;
	[tilespmem:$0x1FF00] =	vst v20  }
0x30: {  	vm1 =	vcmask $0x1F04;
	vm2 =	vcmask $0x1B00;
	vm3 =	vcmask $0x173C;
	[tilespmem:$0x1FF10] =	vst v40  }
0x31: {  	vm4 =	vcmask $0x1338;
	vm5 =	vcmask $0xF34;
	vm6 =	vcmask $0xB30;
	[tilespmem:$0x1FF20] =	vst v14  }
0x32: {  	vm8 =	vcmask $0x72C;
	vm0 =	vmor vm1, vm0;
	vm1 =	vcmask $0x3B20;
	[tilespmem:$0x1FF30] =	vst v15  }
0x33: {  	v55 =	vimm.s32 $0xEDCBA987;
	vm1 =	vmor vm2, vm1;
	vm2 =	vcmask $0x371C;
	[tilespmem:$0x1FF40] =	vst v17  }
0x34: {  	v57 =	vimm.s32 $0xFEDCBA98;
	vm2 =	vmor vm3, vm2;
	vm3 =	vcmask $0x3318;
	[tilespmem:$0x1FF50] =	vst v21  }
0x35: {  	s1 =	stileid.u32;
	s14 =	simm.s32 $0x3E80;
	vm3 =	vmor vm4, vm3;
	vm4 =	vcmask $0x2F14;
	v5 =	vunpack.c.l.s4.s8 v55;
	[tilespmem:$0x1FF60] =	vst v22  }
0x36: {  	s13 =	simm.s32 $0x5;
	s4 =	sshll.u32 s1, $0x1;
	v59 =	vimm.s32 $0x76543210;
	vm4 =	vmor vm5, vm4;
	v53 =	vimm.s32 $0x6543210F;
	[tilespmem:$0x1FF70] =	vst v48  }
0x37: {  	s15 =	simm.s32 $0x5E80;
	s16 =	simm.s32 $0x1;
	s7 =	sor.u32 s5, s4;
	vm5 =	vcmask $0x2B10;
	v58 =	vunpack.c.0.s8.s32 v5;
	v4 =	vunpack.c.l.s4.s8 v53;
	[tilespmem:$0x1FF80] =	vst v52  }
0x38: {  	s17 =	simm.s32 $0x7E80;
	s18 =	simm.s32 $0x2;
	s4 =	smul.u32 $0x19000, s7;
	v32 =	vcombine.low v3, v2;
	v34 =	vcombine.low v63, v39;
	vm5 =	vmor vm6, vm5;
	[tilespmem:$0x1FF90] =	vst v54  }
0x39: {  	s19 =	simm.s32 $0x11E80;
	s20 =	simm.s32 $0x3;
	s9 =	smul.u32 $0x32000, s7;
	v16 =	vsel vm7, v41, v43;
	[tilespmem:$0x1FFB0] =	vst v58;
	v56 =	vunpack.c.0.s8.s32 v4;
	v4 =	vunpack.c.l.s4.s8 v57  }
.Ltmp0:
0x3a: {  	s21 =	simm.s32 $0x4;
	s8 =	ssub.s32 $0x2, s5;
	vm6 =	vcmask $0x270C;
	v5 =	vunpack.c.l.s4.s8 v59;
	v43 =	vcombine.low v16, v61;
	[tilespmem:$0x1FFC0] =	vst v61;
	(pc) =	sbr.rel .LBB2_1-.Ltmp0, $4  }
0x3b: {  	s22 =	simm.s32 $0x0;
	s10 =	sshrl.u32 s8, $0x1;
	s11 =	smul.u32 $0x190000, s7;
	vm6 =	vmor vm8, vm6;
	[tilespmem:$0x1FFD0] =	vst v16;
	v62 =	vcombine.low v58, v56;
	v4 =	vunpack.c.0.s8.s32 v4  }
0x3c: {  	s5 =	sadd.s32 $0x800, s6;
	s6 =	sadd.s32 $0x1000, s6;
	s12 =	ssub.s32 s8, s10;
	vm8 =	vcmask $0x328;
	v5 =	vunpack.c.0.s8.s32 v5;
	v24 =	vcombine.low v45, v44;
	[tilespmem:$0x1FFE0] =	vst v43  }
0x3d: {  	s7 =	sadd.s32 s0, s9;
	s9 =	sor.u32 $0x4000, s11;
	s10 =	sor.u32 $0x200, s4;
	vm7 =	vcmask $0x2308;
	v41 =	vmovc v23;
	[tilespmem:$0x1FFA0] =	vst v56;
	v4 =	vand.u32 $0xF, v4;
	v27 =	vand.u32 $0xF, v62  }
0x3e: {  	s11 =	sor.u32 $0x6000, s11;
	s12 =	smax.u32 s12, $0x1;
	s8 =	sadd.s32 $0x400, s7;
	vm7 =	vmor vm8, vm7;
	v45 =	vcombine.low v2, v3;
	v42 =	vmovc v24;
	v44 =	vcombine.low v4, v5;
	[tilespmem:$0x1FFF0] =	vst v27  }
.LBB2_8:
0x3f: {  	_ =	swait.ge [sflag:s20], $0xA000  }
0x40: {  	[sflag:s20] =	ssyncset.done $0x0  }
0x41: {  	[sflag:s20] =	ssyncadd.s32 $0xFFFF6000  }
0x42: {  	_ =	swait.ge [sflag:s21], $0xA000  }
0x43: {  	s22 =	sadd.s32 $0x1, s22;
	v26 =	vld [tilespmem:$0x1FE20]  }
0x44: {  	p0 =	sne.s32 s22, s12;
	v28 =	vld [tilespmem:$0x1FE30]  }
.Ltmp1:
0x45: {  	v39 =	vld [tilespmem:$0x1FE40];
	(pc) =	sbr.rel @!p0 .LBB2_9-.Ltmp1, $4  }
0x46: {  	v63 =	vld [tilespmem:$0x1FE50]  }
0x47: {  	v30 =	vld [tilespmem:$0x1FE60]  }
0x48: {  	[sflag:s21] =	ssyncset.done $0x0;
	v31 =	vld [tilespmem:$0x1FE70]  }
0x49: {  	v35 =	vld [tilespmem:$0x1FE80];
	[sflag:s21] =	ssyncadd.s32 $0xFFFF6000  }
.LBB2_1:
0x4a: {  	[tilespmem:s3], [sflag:$0x5] =	stream.linear.gather [hbm4b:s5+s3], $0x3E80, $0x38;
	[tilespmem:$0x1BE80] =	vst v63  }
0x4b: {  	_ =	swait.ge [sflag:s13], $0x3E80  }
0x4c: {  	[sflag:s13] =	ssyncset.done $0x0  }
0x4d: {  	[sflag:s13] =	ssyncadd.s32 $0xFFFFC180  }
0x4e: {  	[tilespmem:s14], [sflag:$0x1] =	stream.linear.gather [hbm4b:s7+s3], $0x2000, $0x38;
	[tilespmem:$0x1BE80] =	vst v63  }
0x4f: {  	s23 =	simm.s32 $0x0  }
0x50: {  	[tilespmem:s15], [sflag:$0x2] =	stream.linear.gather [hbm4b:s8+s3], $0x2000, $0x38;
	[tilespmem:$0x1BE80] =	vst v63  }
.LBB2_2:
0x51: {  	_ =	swait.ge [sflag:s16], $0x2000  }
0x52: {  	p0 =	seq.s32 s23, $0x0;
	[sflag:s16] =	ssyncset.done $0x0  }
0x53: {  	s28 =	simm.s32 @!p0 $0x3;
	[sflag:s16] =	ssyncadd.s32 $0xFFFFE000  }
0x54: {  	_ =	swait.ge @!p0 [sflag:s28], $0xA000  }
0x55: {  	s25 =	sshll.u32 s23, $0xA;
	v33 =	vld [tilespmem:$0x1FDE0]  }
0x56: {  	s24 =	sshll.u32 s23, $0xE;
	s29 =	simm.s32 $0x30;
	[sflag:s28] =	ssyncset.done @!p0 $0x0;
	v1 =	vld [tilespmem:$0x1FDF0]  }
0x57: {  	s26 =	sadd.s32 s4, s25;
	v6 =	vld [tilespmem:$0x1FE00];
	[sflag:s28] =	ssyncadd.s32 @!p0 $0xFFFF6000;
	s28 =	simm.s32 $0xFFFFFFFC  }
.LBB2_3:
0x58: {  	s30 =	sadd.s32 $0xFFFFFFD0, s29  }
0x59: {  	v4 =	vor.u32 s30, v25  }
0x5a: {  	v59 =	vshll.u32 v4, $0x4  }
0x5b: {  	v2 =	vor.u32 $0x8, v59;
	_ =	sdelay $0x3  }
0x5c: {  	v3 =	vld.idx.msk [tilespmem:v59+s14+$0x0], $0xffff  }
0x5d: {  	v2 =	vld.idx.msk [tilespmem:v2+s14+$0x0], $0xffff;
	_ =	sdelay $0x3  }
0x5e: {  	v3 =	vtrunc.f32 v3  }
0x5f: {  	v3 =	vcvt.f32.s32 v3;
	v2 =	vtrunc.f32 v2  }
0x60: {  	v2 =	vcvt.f32.s32 v2  }
0x61: {  	vm8 =	vgt.s32 v3, $0x0  }
0x62: {  	v3 =	vnsel vm8, $0x0, v3;
	vm8 =	vgt.s32 v2, $0x0  }
0x63: {  	v3 =	vmin.u32 v3, $0x18F;
	v2 =	vnsel vm8, $0x0, v2  }
0x64: {  	v2 =	vmin.u32 v2, $0x18F;
	v3 =	vmul.u32 $0x28, v3  }
0x65: {  	v2 =	vmul.u32 $0x28, v2;
	_ =	sdelay $0x1  }
0x66: {  	v5 =	vor.u32 $0x1, v3  }
0x67: {  	v9 =	vor.u32 $0x2, v3  }
0x68: {  	v46 =	vor.u32 $0x3, v3  }
0x69: {  	v48 =	vor.u32 $0x4, v3;
	v10 =	vld.idx.msk [tilespmem:v3+s3+$0x0], $0xffff  }
0x6a: {  	v50 =	vor.u32 $0x5, v3;
	v12 =	vld.idx.msk [tilespmem:v2+s3+$0x0], $0xffff  }
0x6b: {  	v52 =	vor.u32 $0x6, v3;
	v5 =	vld.idx.msk [tilespmem:v5+s3+$0x0], $0xffff  }
0x6c: {  	v54 =	vor.u32 $0x7, v3;
	v9 =	vld.idx.msk [tilespmem:v9+s3+$0x0], $0xffff  }
0x6d: {  	v8 =	vor.u32 $0x1, v2;
	v46 =	vld.idx.msk [tilespmem:v46+s3+$0x0], $0xffff  }
0x6e: {  	v11 =	vor.u32 $0x2, v2;
	v48 =	vld.idx.msk [tilespmem:v48+s3+$0x0], $0xffff  }
0x6f: {  	v47 =	vor.u32 $0x3, v2;
	v50 =	vld.idx.msk [tilespmem:v50+s3+$0x0], $0xffff  }
0x70: {  	v49 =	vor.u32 $0x4, v2;
	v62 =	vld.idx.msk [tilespmem:v52+s3+$0x0], $0xffff  }
0x71: {  	v51 =	vor.u32 $0x5, v2;
	v54 =	vld.idx.msk [tilespmem:v54+s3+$0x0], $0xffff  }
0x72: {  	v60 =	vmul.u32 $0x50, v4;
	v53 =	vor.u32 $0x6, v2;
	v8 =	vld.idx.msk [tilespmem:v8+s3+$0x0], $0xffff  }
0x73: {  	v55 =	vor.u32 $0x7, v2;
	v11 =	vld.idx.msk [tilespmem:v11+s3+$0x0], $0xffff  }
0x74: {  	v15 =	vadd.s32 $0x27, v60;
	v47 =	vld.idx.msk [tilespmem:v47+s3+$0x0], $0xffff  }
0x75: {  	v56 =	vor.u32 $0x1, v60;
	v49 =	vld.idx.msk [tilespmem:v49+s3+$0x0], $0xffff  }
0x76: {  	v57 =	vadd.s32 $0x28, v60;
	v4 =	vld.idx.msk [tilespmem:v51+s3+$0x0], $0xffff  }
0x77: {  	v58 =	vor.u32 $0x2, v60;
	v53 =	vld.idx.msk [tilespmem:v53+s3+$0x0], $0xffff  }
0x78: {  	v21 =	vadd.s32 $0x29, v60;
	v55 =	vld.idx.msk [tilespmem:v55+s3+$0x0], $0xffff;
	[tilespmem:v60+s17+$0x0] =	vst.idx.msk $0xffff, v10  }
0x79: {  	v22 =	vor.u32 $0x3, v60;
	[tilespmem:v15+s17+$0x0] =	vst.idx.msk $0xffff, v12  }
0x7a: {  	[tilespmem:v56+s17+$0x0] =	vst.idx.msk $0xffff, v5;
	v5 =	vadd.s32 $0x2A, v60  }
0x7b: {  	[tilespmem:v57+s17+$0x0] =	vst.idx.msk $0xffff, v8;
	v8 =	vor.u32 $0x4, v60  }
0x7c: {  	v23 =	vadd.s32 $0x2B, v60;
	[tilespmem:v58+s17+$0x0] =	vst.idx.msk $0xffff, v9  }
0x7d: {  	v43 =	vor.u32 $0x5, v60;
	[tilespmem:v21+s17+$0x0] =	vst.idx.msk $0xffff, v11  }
0x7e: {  	v52 =	vadd.s32 $0x2C, v60;
	[tilespmem:v22+s17+$0x0] =	vst.idx.msk $0xffff, v46  }
0x7f: {  	[tilespmem:v5+s17+$0x0] =	vst.idx.msk $0xffff, v47;
	v5 =	vor.u32 $0x6, v60  }
0x80: {  	[tilespmem:v8+s17+$0x0] =	vst.idx.msk $0xffff, v48;
	v8 =	vadd.s32 $0x2D, v60  }
0x81: {  	v56 =	vor.u32 $0x7, v60;
	[tilespmem:v23+s17+$0x0] =	vst.idx.msk $0xffff, v49  }
0x82: {  	v57 =	vadd.s32 $0x2E, v60;
	[tilespmem:v43+s17+$0x0] =	vst.idx.msk $0xffff, v50  }
0x83: {  	[tilespmem:v52+s17+$0x0] =	vst.idx.msk $0xffff, v4;
	v4 =	vadd.s32 $0x8, v3  }
0x84: {  	v58 =	vadd.s32 $0x9, v2;
	[tilespmem:v5+s17+$0x0] =	vst.idx.msk $0xffff, v62  }
0x85: {  	v61 =	vadd.s32 $0xA, v3;
	[tilespmem:v8+s17+$0x0] =	vst.idx.msk $0xffff, v53  }
0x86: {  	v21 =	vadd.s32 $0xB, v3;
	[tilespmem:v56+s17+$0x0] =	vst.idx.msk $0xffff, v54  }
0x87: {  	v22 =	vadd.s32 $0xB, v2;
	[tilespmem:v57+s17+$0x0] =	vst.idx.msk $0xffff, v55  }
0x88: {  	v23 =	vadd.s32 $0xC, v3;
	v4 =	vld.idx.msk [tilespmem:v4+s3+$0x0], $0xffff  }
0x89: {  	v43 =	vadd.s32 $0xC, v2;
	v9 =	vld.idx.msk [tilespmem:v58+s3+$0x0], $0xffff  }
0x8a: {  	v13 =	vadd.s32 $0xF, v2;
	v10 =	vld.idx.msk [tilespmem:v61+s3+$0x0], $0xffff  }
0x8b: {  	v5 =	vadd.s32 $0x8, v2;
	v12 =	vld.idx.msk [tilespmem:v21+s3+$0x0], $0xffff  }
0x8c: {  	v62 =	vadd.s32 $0xA, v2;
	v46 =	vld.idx.msk [tilespmem:v22+s3+$0x0], $0xffff  }
0x8d: {  	v8 =	vadd.s32 $0x9, v3;
	v47 =	vld.idx.msk [tilespmem:v23+s3+$0x0], $0xffff  }
0x8e: {  	v56 =	vadd.s32 $0xD, v3;
	v48 =	vld.idx.msk [tilespmem:v43+s3+$0x0], $0xffff  }
0x8f: {  	v57 =	vadd.s32 $0xD, v2;
	v54 =	vld.idx.msk [tilespmem:v13+s3+$0x0], $0xffff  }
0x90: {  	v58 =	vadd.s32 $0xE, v3;
	v5 =	vld.idx.msk [tilespmem:v5+s3+$0x0], $0xffff  }
0x91: {  	v61 =	vadd.s32 $0xE, v2;
	v11 =	vld.idx.msk [tilespmem:v62+s3+$0x0], $0xffff  }
0x92: {  	v14 =	vor.u32 $0x8, v60;
	v62 =	vadd.s32 $0xF, v3;
	v8 =	vld.idx.msk [tilespmem:v8+s3+$0x0], $0xffff  }
0x93: {  	v15 =	vadd.s32 $0x2F, v60;
	v49 =	vld.idx.msk [tilespmem:v56+s3+$0x0], $0xffff  }
0x94: {  	v21 =	vor.u32 $0x9, v60;
	v50 =	vld.idx.msk [tilespmem:v57+s3+$0x0], $0xffff  }
0x95: {  	v22 =	vadd.s32 $0x30, v60;
	v51 =	vld.idx.msk [tilespmem:v58+s3+$0x0], $0xffff  }
0x96: {  	v52 =	vld.idx.msk [tilespmem:v61+s3+$0x0], $0xffff;
	v61 =	vor.u32 $0xA, v60  }
0x97: {  	v53 =	vld.idx.msk [tilespmem:v62+s3+$0x0], $0xffff;
	[tilespmem:v14+s17+$0x0] =	vst.idx.msk $0xffff, v4;
	v4 =	vadd.s32 $0x31, v60  }
0x98: {  	[tilespmem:v15+s17+$0x0] =	vst.idx.msk $0xffff, v5;
	v5 =	vor.u32 $0xB, v60  }
0x99: {  	[tilespmem:v21+s17+$0x0] =	vst.idx.msk $0xffff, v8;
	v8 =	vadd.s32 $0x32, v60  }
0x9a: {  	v23 =	vor.u32 $0xC, v60;
	[tilespmem:v22+s17+$0x0] =	vst.idx.msk $0xffff, v9  }
0x9b: {  	v43 =	vadd.s32 $0x33, v60;
	[tilespmem:v61+s17+$0x0] =	vst.idx.msk $0xffff, v10  }
0x9c: {  	[tilespmem:v4+s17+$0x0] =	vst.idx.msk $0xffff, v11;
	v4 =	vor.u32 $0xD, v60  }
0x9d: {  	[tilespmem:v5+s17+$0x0] =	vst.idx.msk $0xffff, v12;
	v5 =	vadd.s32 $0x34, v60  }
0x9e: {  	[tilespmem:v8+s17+$0x0] =	vst.idx.msk $0xffff, v46;
	v8 =	vor.u32 $0xE, v60  }
0x9f: {  	[tilespmem:v23+s17+$0x0] =	vst.idx.msk $0xffff, v47;
	v47 =	vadd.s32 $0x35, v60  }
0xa0: {  	[tilespmem:v43+s17+$0x0] =	vst.idx.msk $0xffff, v48;
	v48 =	vor.u32 $0xF, v60  }
0xa1: {  	[tilespmem:v4+s17+$0x0] =	vst.idx.msk $0xffff, v49;
	v4 =	vadd.s32 $0x36, v60  }
0xa2: {  	[tilespmem:v5+s17+$0x0] =	vst.idx.msk $0xffff, v50;
	v5 =	vadd.s32 $0x10, v3  }
0xa3: {  	v55 =	vadd.s32 $0x11, v2;
	[tilespmem:v8+s17+$0x0] =	vst.idx.msk $0xffff, v51  }
0xa4: {  	v56 =	vadd.s32 $0x12, v2;
	[tilespmem:v47+s17+$0x0] =	vst.idx.msk $0xffff, v52  }
0xa5: {  	v57 =	vadd.s32 $0x13, v3;
	[tilespmem:v48+s17+$0x0] =	vst.idx.msk $0xffff, v53  }
0xa6: {  	v58 =	vadd.s32 $0x13, v2;
	[tilespmem:v4+s17+$0x0] =	vst.idx.msk $0xffff, v54  }
0xa7: {  	v61 =	vadd.s32 $0x14, v3;
	v5 =	vld.idx.msk [tilespmem:v5+s3+$0x0], $0xffff  }
0xa8: {  	v62 =	vadd.s32 $0x14, v2;
	v10 =	vld.idx.msk [tilespmem:v55+s3+$0x0], $0xffff  }
0xa9: {  	v21 =	vadd.s32 $0x15, v3;
	v11 =	vld.idx.msk [tilespmem:v56+s3+$0x0], $0xffff  }
0xaa: {  	v22 =	vadd.s32 $0x15, v2;
	v12 =	vld.idx.msk [tilespmem:v57+s3+$0x0], $0xffff  }
0xab: {  	v23 =	vadd.s32 $0x16, v3;
	v46 =	vld.idx.msk [tilespmem:v58+s3+$0x0], $0xffff  }
0xac: {  	v8 =	vadd.s32 $0x10, v2;
	v47 =	vld.idx.msk [tilespmem:v61+s3+$0x0], $0xffff  }
0xad: {  	v52 =	vadd.s32 $0x11, v3;
	v48 =	vld.idx.msk [tilespmem:v62+s3+$0x0], $0xffff  }
0xae: {  	v43 =	vadd.s32 $0x16, v2;
	v49 =	vld.idx.msk [tilespmem:v21+s3+$0x0], $0xffff  }
0xaf: {  	v4 =	vadd.s32 $0x12, v3;
	v50 =	vld.idx.msk [tilespmem:v22+s3+$0x0], $0xffff  }
0xb0: {  	v61 =	vadd.s32 $0x17, v3;
	v51 =	vld.idx.msk [tilespmem:v23+s3+$0x0], $0xffff  }
0xb1: {  	v13 =	vadd.s32 $0x10, v60;
	v62 =	vadd.s32 $0x17, v2;
	v8 =	vld.idx.msk [tilespmem:v8+s3+$0x0], $0xffff  }
0xb2: {  	v14 =	vadd.s32 $0x37, v60;
	v9 =	vld.idx.msk [tilespmem:v52+s3+$0x0], $0xffff  }
0xb3: {  	v15 =	vadd.s32 $0x11, v60;
	v52 =	vld.idx.msk [tilespmem:v43+s3+$0x0], $0xffff  }
0xb4: {  	v21 =	vadd.s32 $0x38, v60;
	v4 =	vld.idx.msk [tilespmem:v4+s3+$0x0], $0xffff  }
0xb5: {  	v22 =	vadd.s32 $0x12, v60;
	v53 =	vld.idx.msk [tilespmem:v61+s3+$0x0], $0xffff  }
0xb6: {  	v54 =	vld.idx.msk [tilespmem:v62+s3+$0x0], $0xffff;
	[tilespmem:v13+s17+$0x0] =	vst.idx.msk $0xffff, v5;
	v5 =	vadd.s32 $0x39, v60  }
0xb7: {  	[tilespmem:v14+s17+$0x0] =	vst.idx.msk $0xffff, v8;
	v8 =	vadd.s32 $0x13, v60  }
0xb8: {  	v23 =	vadd.s32 $0x3A, v60;
	[tilespmem:v15+s17+$0x0] =	vst.idx.msk $0xffff, v9  }
0xb9: {  	v43 =	vadd.s32 $0x14, v60;
	[tilespmem:v21+s17+$0x0] =	vst.idx.msk $0xffff, v10  }
0xba: {  	[tilespmem:v22+s17+$0x0] =	vst.idx.msk $0xffff, v4;
	v4 =	vadd.s32 $0x3B, v60  }
0xbb: {  	[tilespmem:v5+s17+$0x0] =	vst.idx.msk $0xffff, v11;
	v5 =	vadd.s32 $0x15, v60  }
0xbc: {  	[tilespmem:v8+s17+$0x0] =	vst.idx.msk $0xffff, v12;
	v8 =	vadd.s32 $0x3C, v60  }
0xbd: {  	[tilespmem:v23+s17+$0x0] =	vst.idx.msk $0xffff, v46;
	v46 =	vadd.s32 $0x16, v60  }
0xbe: {  	[tilespmem:v43+s17+$0x0] =	vst.idx.msk $0xffff, v47;
	v47 =	vadd.s32 $0x3D, v60  }
0xbf: {  	[tilespmem:v4+s17+$0x0] =	vst.idx.msk $0xffff, v48;
	v4 =	vadd.s32 $0x17, v60  }
0xc0: {  	[tilespmem:v5+s17+$0x0] =	vst.idx.msk $0xffff, v49;
	v5 =	vadd.s32 $0x3E, v60  }
0xc1: {  	[tilespmem:v8+s17+$0x0] =	vst.idx.msk $0xffff, v50;
	v8 =	vadd.s32 $0x18, v3  }
0xc2: {  	v55 =	vadd.s32 $0x1A, v2;
	[tilespmem:v46+s17+$0x0] =	vst.idx.msk $0xffff, v51  }
0xc3: {  	v56 =	vadd.s32 $0x1B, v3;
	[tilespmem:v47+s17+$0x0] =	vst.idx.msk $0xffff, v52  }
0xc4: {  	v57 =	vadd.s32 $0x1B, v2;
	[tilespmem:v4+s17+$0x0] =	vst.idx.msk $0xffff, v53  }
0xc5: {  	v58 =	vadd.s32 $0x1C, v3;
	[tilespmem:v5+s17+$0x0] =	vst.idx.msk $0xffff, v54  }
0xc6: {  	v61 =	vadd.s32 $0x1C, v2;
	v8 =	vld.idx.msk [tilespmem:v8+s3+$0x0], $0xffff  }
0xc7: {  	v62 =	vadd.s32 $0x1D, v3;
	v11 =	vld.idx.msk [tilespmem:v55+s3+$0x0], $0xffff  }
0xc8: {  	v15 =	vadd.s32 $0x1D, v2;
	v12 =	vld.idx.msk [tilespmem:v56+s3+$0x0], $0xffff  }
0xc9: {  	v51 =	vadd.s32 $0x18, v2;
	v46 =	vld.idx.msk [tilespmem:v57+s3+$0x0], $0xffff  }
0xca: {  	v21 =	vadd.s32 $0x1E, v3;
	v47 =	vld.idx.msk [tilespmem:v58+s3+$0x0], $0xffff  }
0xcb: {  	v52 =	vadd.s32 $0x19, v3;
	v48 =	vld.idx.msk [tilespmem:v61+s3+$0x0], $0xffff  }
0xcc: {  	v22 =	vadd.s32 $0x1E, v2;
	v49 =	vld.idx.msk [tilespmem:v62+s3+$0x0], $0xffff  }
0xcd: {  	v4 =	vadd.s32 $0x19, v2;
	v50 =	vld.idx.msk [tilespmem:v15+s3+$0x0], $0xffff  }
0xce: {  	v2 =	vadd.s32 $0x1F, v2;
	v9 =	vld.idx.msk [tilespmem:v51+s3+$0x0], $0xffff  }
0xcf: {  	v5 =	vadd.s32 $0x1A, v3;
	v51 =	vld.idx.msk [tilespmem:v21+s3+$0x0], $0xffff  }
0xd0: {  	v23 =	vadd.s32 $0x18, v60;
	v3 =	vadd.s32 $0x1F, v3;
	v10 =	vld.idx.msk [tilespmem:v52+s3+$0x0], $0xffff  }
0xd1: {  	v43 =	vadd.s32 $0x3F, v60;
	v52 =	vld.idx.msk [tilespmem:v22+s3+$0x0], $0xffff  }
0xd2: {  	v61 =	vadd.s32 $0x19, v60;
	v4 =	vld.idx.msk [tilespmem:v4+s3+$0x0], $0xffff  }
0xd3: {  	v62 =	vadd.s32 $0x40, v60;
	v2 =	vld.idx.msk [tilespmem:v2+s3+$0x0], $0xffff  }
0xd4: {  	v13 =	vadd.s32 $0x1A, v60;
	v5 =	vld.idx.msk [tilespmem:v5+s3+$0x0], $0xffff  }
0xd5: {  	v3 =	vld.idx.msk [tilespmem:v3+s3+$0x0], $0xffff;
	[tilespmem:v23+s17+$0x0] =	vst.idx.msk $0xffff, v8;
	v8 =	vadd.s32 $0x41, v60  }
0xd6: {  	v14 =	vadd.s32 $0x1B, v60;
	[tilespmem:v43+s17+$0x0] =	vst.idx.msk $0xffff, v9  }
0xd7: {  	v15 =	vadd.s32 $0x42, v60;
	[tilespmem:v61+s17+$0x0] =	vst.idx.msk $0xffff, v10  }
0xd8: {  	[tilespmem:v62+s17+$0x0] =	vst.idx.msk $0xffff, v4;
	v4 =	vadd.s32 $0x1C, v60  }
0xd9: {  	[tilespmem:v13+s17+$0x0] =	vst.idx.msk $0xffff, v5;
	v5 =	vadd.s32 $0x43, v60  }
0xda: {  	[tilespmem:v8+s17+$0x0] =	vst.idx.msk $0xffff, v11;
	v8 =	vadd.s32 $0x1D, v60  }
0xdb: {  	v21 =	vadd.s32 $0x44, v60;
	[tilespmem:v14+s17+$0x0] =	vst.idx.msk $0xffff, v12  }
0xdc: {  	v22 =	vadd.s32 $0x1E, v60;
	[tilespmem:v15+s17+$0x0] =	vst.idx.msk $0xffff, v46  }
0xdd: {  	[tilespmem:v4+s17+$0x0] =	vst.idx.msk $0xffff, v47;
	v4 =	vadd.s32 $0x45, v60  }
0xde: {  	[tilespmem:v5+s17+$0x0] =	vst.idx.msk $0xffff, v48;
	v5 =	vadd.s32 $0x1F, v60  }
0xdf: {  	[tilespmem:v8+s17+$0x0] =	vst.idx.msk $0xffff, v49;
	v8 =	vadd.s32 $0x46, v60  }
0xe0: {  	v23 =	vor.u32 v25, v59;
	[tilespmem:v21+s17+$0x0] =	vst.idx.msk $0xffff, v50  }
0xe1: {  	[tilespmem:v22+s17+$0x0] =	vst.idx.msk $0xffff, v51  }
0xe2: {  	[tilespmem:v4+s17+$0x0] =	vst.idx.msk $0xffff, v52  }
0xe3: {  	[tilespmem:v5+s17+$0x0] =	vst.idx.msk $0xffff, v3  }
0xe4: {  	[tilespmem:v8+s17+$0x0] =	vst.idx.msk $0xffff, v2  }
0xe5: {  	v3 =	vadd.s32 v32, v60;
	v2 =	vld.idx.msk [tilespmem:v23+s14+$0x0], $0xffff  }
0xe6: {  	v4 =	vor.u32 v18, v59;
	_ =	sdelay $0x3  }
0xe7: {  	[tilespmem:v3+s17+$0x0] =	vst.idx.msk vm0, v2  }
0xe8: {  	v3 =	vadd.s32 v34, v60;
	v2 =	vld.idx.msk [tilespmem:v4+s14+$0x0], $0xffff  }
0xe9: {  	v4 =	vor.u32 v41, v59;
	_ =	sdelay $0x3  }
0xea: {  	[tilespmem:v3+s17+$0x0] =	vst.idx.msk vm1, v2  }
0xeb: {  	v3 =	vadd.s32 v42, v60;
	v2 =	vld.idx.msk [tilespmem:v4+s14+$0x0], $0xffff  }
0xec: {  	v4 =	vor.u32 v38, v59;
	_ =	sdelay $0x3  }
0xed: {  	[tilespmem:v3+s17+$0x0] =	vst.idx.msk vm2, v2  }
0xee: {  	v3 =	vadd.s32 v36, v60;
	v2 =	vld.idx.msk [tilespmem:v4+s14+$0x0], $0xffff  }
0xef: {  	v4 =	vor.u32 v37, v59;
	_ =	sdelay $0x3  }
0xf0: {  	[tilespmem:v3+s17+$0x0] =	vst.idx.msk vm3, v2  }
0xf1: {  	v3 =	vadd.s32 v40, v60;
	v2 =	vld.idx.msk [tilespmem:v4+s14+$0x0], $0xffff  }
0xf2: {  	v4 =	vor.u32 v33, v59;
	_ =	sdelay $0x3  }
0xf3: {  	[tilespmem:v3+s17+$0x0] =	vst.idx.msk vm4, v2  }
0xf4: {  	v3 =	vadd.s32 v1, v60;
	v2 =	vld.idx.msk [tilespmem:v4+s14+$0x0], $0xffff  }
0xf5: {  	v0 =	vld [tilespmem:$0x1FE10];
	v4 =	vor.u32 v6, v59;
	_ =	sdelay $0x3  }
0xf6: {  	[tilespmem:v3+s17+$0x0] =	vst.idx.msk vm5, v2  }
0xf7: {  	v3 =	vadd.s32 v0, v60;
	v2 =	vld.idx.msk [tilespmem:v4+s14+$0x0], $0xffff  }
0xf8: {  	v15 =	vld [tilespmem:$0x1FFE0];
	v4 =	vor.u32 v27, v59;
	_ =	sdelay $0x3  }
0xf9: {  	[tilespmem:v3+s17+$0x0] =	vst.idx.msk vm6, v2  }
0xfa: {  	v3 =	vadd.s32 v15, v60;
	v2 =	vld.idx.msk [tilespmem:v4+s14+$0x0], $0xffff  }
0xfb: {  	v4 =	vor.u32 v44, v59;
	_ =	sdelay $0x1  }
0xfc: {  	v5 =	vcombine.low v26, v28  }
0xfd: {  	s31 =	sadd.s32 $0xFFFFFFE0, s29  }
0xfe: {  	v46 =	vand.u32 $0xF, v5;
	v5 =	vor.u32 s31, v25;
	[tilespmem:v3+s17+$0x0] =	vst.idx.msk vm7, v2  }
0xff: {  	v61 =	vshll.u32 v5, $0x4;
	v3 =	vadd.s32 v45, v60;
	v2 =	vld.idx.msk [tilespmem:v4+s14+$0x0], $0xffff  }
0x100: {  	v8 =	vor.u32 $0x8, v61;
	_ =	sdelay $0x3  }
0x101: {  	[tilespmem:v3+s17+$0x0] =	vst.idx.msk vm0, v2;
	v2 =	vld.idx.msk [tilespmem:v61+s14+$0x0], $0xffff  }
0x102: {  	v3 =	vld.idx.msk [tilespmem:v8+s14+$0x0], $0xffff;
	_ =	sdelay $0x3  }
0x103: {  	v2 =	vtrunc.f32 v2  }
0x104: {  	v4 =	vor.u32 v46, v59;
	v3 =	vtrunc.f32 v3;
	v2 =	vcvt.f32.s32 v2  }
0x105: {  	v3 =	vcvt.f32.s32 v3  }
0x106: {  	vm8 =	vgt.s32 v2, $0x0  }
0x107: {  	v2 =	vnsel vm8, $0x0, v2;
	vm8 =	vgt.s32 v3, $0x0  }
0x108: {  	v2 =	vmin.u32 v2, $0x18F;
	v3 =	vnsel vm8, $0x0, v3  }
0x109: {  	v50 =	vld.idx.msk [tilespmem:v4+s14+$0x0], $0xffff;
	v3 =	vmin.u32 v3, $0x18F;
	v4 =	vmul.u32 $0x28, v2  }
0x10a: {  	v3 =	vmul.u32 $0x28, v3;
	_ =	sdelay $0x1  }
0x10b: {  	v2 =	vor.u32 $0x1, v4  }
0x10c: {  	v38 =	vor.u32 $0x2, v4  }
0x10d: {  	v43 =	vor.u32 $0x3, v4  }
0x10e: {  	v57 =	vor.u32 $0x4, v4;
	v10 =	vld.idx.msk [tilespmem:v4+s3+$0x0], $0xffff  }
0x10f: {  	v62 =	vor.u32 $0x5, v4;
	v12 =	vld.idx.msk [tilespmem:v3+s3+$0x0], $0xffff  }
0x110: {  	v14 =	vor.u32 $0x6, v4;
	v2 =	vld.idx.msk [tilespmem:v2+s3+$0x0], $0xffff  }
0x111: {  	v8 =	vor.u32 $0x1, v3;
	v9 =	vld.idx.msk [tilespmem:v38+s3+$0x0], $0xffff  }
0x112: {  	v40 =	vor.u32 $0x2, v3;
	v47 =	vld.idx.msk [tilespmem:v43+s3+$0x0], $0xffff  }
0x113: {  	v56 =	vor.u32 $0x3, v3;
	v49 =	vld.idx.msk [tilespmem:v57+s3+$0x0], $0xffff  }
0x114: {  	v58 =	vor.u32 $0x4, v3;
	v52 =	vld.idx.msk [tilespmem:v62+s3+$0x0], $0xffff  }
0x115: {  	v13 =	vor.u32 $0x5, v3;
	v36 =	vld.idx.msk [tilespmem:v14+s3+$0x0], $0xffff  }
0x116: {  	v21 =	vor.u32 $0x6, v3;
	v8 =	vld.idx.msk [tilespmem:v8+s3+$0x0], $0xffff  }
0x117: {  	v22 =	vor.u32 $0x7, v4;
	v62 =	vmul.u32 $0x50, v5;
	v11 =	vld.idx.msk [tilespmem:v40+s3+$0x0], $0xffff  }
0x118: {  	v23 =	vor.u32 $0x7, v3;
	v48 =	vld.idx.msk [tilespmem:v56+s3+$0x0], $0xffff  }
0x119: {  	v51 =	vld.idx.msk [tilespmem:v58+s3+$0x0], $0xffff;
	v37 =	vadd.s32 $0x27, v62  }
0x11a: {  	v5 =	vld.idx.msk [tilespmem:v13+s3+$0x0], $0xffff;
	v38 =	vor.u32 $0x1, v62  }
0x11b: {  	v55 =	vld.idx.msk [tilespmem:v21+s3+$0x0], $0xffff;
	v40 =	vadd.s32 $0x28, v62  }
0x11c: {  	v56 =	vld.idx.msk [tilespmem:v22+s3+$0x0], $0xffff;
	v13 =	vor.u32 $0x2, v62  }
0x11d: {  	v57 =	vld.idx.msk [tilespmem:v23+s3+$0x0], $0xffff;
	v43 =	vadd.s32 $0x29, v62;
	[tilespmem:v62+s17+$0x0] =	vst.idx.msk $0xffff, v10  }
0x11e: {  	v54 =	vor.u32 $0x3, v62;
	[tilespmem:v37+s17+$0x0] =	vst.idx.msk $0xffff, v12  }
0x11f: {  	[tilespmem:v38+s17+$0x0] =	vst.idx.msk $0xffff, v2;
	v2 =	vadd.s32 $0x2A, v62  }
0x120: {  	[tilespmem:v40+s17+$0x0] =	vst.idx.msk $0xffff, v8;
	v8 =	vor.u32 $0x4, v62  }
0x121: {  	v7 =	vmov v63;
	v63 =	vadd.s32 $0x2B, v62;
	[tilespmem:v13+s17+$0x0] =	vst.idx.msk $0xffff, v9  }
0x122: {  	v13 =	vor.u32 $0x5, v62;
	[tilespmem:v43+s17+$0x0] =	vst.idx.msk $0xffff, v11  }
0x123: {  	v14 =	vadd.s32 $0x2C, v62;
	[tilespmem:v54+s17+$0x0] =	vst.idx.msk $0xffff, v47  }
0x124: {  	[tilespmem:v2+s17+$0x0] =	vst.idx.msk $0xffff, v48;
	v2 =	vor.u32 $0x6, v62  }
0x125: {  	[tilespmem:v8+s17+$0x0] =	vst.idx.msk $0xffff, v49;
	v8 =	vadd.s32 $0x2D, v62  }
0x126: {  	v21 =	vor.u32 $0x7, v62;
	[tilespmem:v63+s17+$0x0] =	vst.idx.msk $0xffff, v51  }
0x127: {  	v22 =	vadd.s32 $0x2E, v62;
	[tilespmem:v13+s17+$0x0] =	vst.idx.msk $0xffff, v52  }
0x128: {  	[tilespmem:v14+s17+$0x0] =	vst.idx.msk $0xffff, v5;
	v5 =	vadd.s32 $0x8, v4  }
0x129: {  	v23 =	vadd.s32 $0x9, v3;
	[tilespmem:v2+s17+$0x0] =	vst.idx.msk $0xffff, v36  }
0x12a: {  	v37 =	vadd.s32 $0xA, v3;
	[tilespmem:v8+s17+$0x0] =	vst.idx.msk $0xffff, v55  }
0x12b: {  	v38 =	vadd.s32 $0xB, v4;
	[tilespmem:v21+s17+$0x0] =	vst.idx.msk $0xffff, v56  }
0x12c: {  	v40 =	vadd.s32 $0xB, v3;
	[tilespmem:v22+s17+$0x0] =	vst.idx.msk $0xffff, v57  }
0x12d: {  	v43 =	vadd.s32 $0xC, v4;
	v5 =	vld.idx.msk [tilespmem:v5+s3+$0x0], $0xffff  }
0x12e: {  	v58 =	vadd.s32 $0xD, v3;
	v9 =	vld.idx.msk [tilespmem:v23+s3+$0x0], $0xffff  }
0x12f: {  	v63 =	vadd.s32 $0xE, v4;
	v11 =	vld.idx.msk [tilespmem:v37+s3+$0x0], $0xffff  }
0x130: {  	v14 =	vadd.s32 $0xE, v3;
	v12 =	vld.idx.msk [tilespmem:v38+s3+$0x0], $0xffff  }
0x131: {  	v2 =	vadd.s32 $0x8, v3;
	v13 =	vld.idx.msk [tilespmem:v40+s3+$0x0], $0xffff  }
0x132: {  	v36 =	vadd.s32 $0xA, v4;
	v47 =	vld.idx.msk [tilespmem:v43+s3+$0x0], $0xffff  }
0x133: {  	v8 =	vadd.s32 $0x9, v4;
	v51 =	vld.idx.msk [tilespmem:v58+s3+$0x0], $0xffff  }
0x134: {  	v56 =	vadd.s32 $0xC, v3;
	v52 =	vld.idx.msk [tilespmem:v63+s3+$0x0], $0xffff  }
0x135: {  	v21 =	vadd.s32 $0xF, v4;
	v53 =	vld.idx.msk [tilespmem:v14+s3+$0x0], $0xffff  }
0x136: {  	v57 =	vadd.s32 $0xD, v4;
	v2 =	vld.idx.msk [tilespmem:v2+s3+$0x0], $0xffff  }
0x137: {  	v22 =	vadd.s32 $0xF, v3;
	v23 =	vor.u32 $0x8, v62;
	v10 =	vld.idx.msk [tilespmem:v36+s3+$0x0], $0xffff  }
0x138: {  	v36 =	vadd.s32 $0x2F, v62;
	v8 =	vld.idx.msk [tilespmem:v8+s3+$0x0], $0xffff  }
0x139: {  	v37 =	vor.u32 $0x9, v62;
	v48 =	vld.idx.msk [tilespmem:v56+s3+$0x0], $0xffff  }
0x13a: {  	v38 =	vadd.s32 $0x30, v62;
	v54 =	vld.idx.msk [tilespmem:v21+s3+$0x0], $0xffff  }
0x13b: {  	v16 =	vor.u32 $0xA, v62;
	v49 =	vld.idx.msk [tilespmem:v57+s3+$0x0], $0xffff  }
0x13c: {  	v55 =	vld.idx.msk [tilespmem:v22+s3+$0x0], $0xffff;
	[tilespmem:v23+s17+$0x0] =	vst.idx.msk $0xffff, v5;
	v5 =	vadd.s32 $0x31, v62  }
0x13d: {  	[tilespmem:v36+s17+$0x0] =	vst.idx.msk $0xffff, v2;
	v2 =	vor.u32 $0xB, v62  }
0x13e: {  	[tilespmem:v37+s17+$0x0] =	vst.idx.msk $0xffff, v8;
	v8 =	vadd.s32 $0x32, v62  }
0x13f: {  	v40 =	vor.u32 $0xC, v62;
	[tilespmem:v38+s17+$0x0] =	vst.idx.msk $0xffff, v9  }
0x140: {  	v43 =	vadd.s32 $0x33, v62;
	[tilespmem:v16+s17+$0x0] =	vst.idx.msk $0xffff, v10  }
0x141: {  	[tilespmem:v5+s17+$0x0] =	vst.idx.msk $0xffff, v11;
	v5 =	vor.u32 $0xD, v62  }
0x142: {  	[tilespmem:v2+s17+$0x0] =	vst.idx.msk $0xffff, v12;
	v2 =	vadd.s32 $0x34, v62  }
0x143: {  	[tilespmem:v8+s17+$0x0] =	vst.idx.msk $0xffff, v13;
	v8 =	vor.u32 $0xE, v62  }
0x144: {  	[tilespmem:v40+s17+$0x0] =	vst.idx.msk $0xffff, v47;
	v47 =	vadd.s32 $0x35, v62  }
0x145: {  	v56 =	vor.u32 $0xF, v62;
	[tilespmem:v43+s17+$0x0] =	vst.idx.msk $0xffff, v48  }
0x146: {  	[tilespmem:v5+s17+$0x0] =	vst.idx.msk $0xffff, v49;
	v5 =	vadd.s32 $0x36, v62  }
0x147: {  	[tilespmem:v2+s17+$0x0] =	vst.idx.msk $0xffff, v51;
	v2 =	vadd.s32 $0x10, v4  }
0x148: {  	v57 =	vadd.s32 $0x11, v4;
	[tilespmem:v8+s17+$0x0] =	vst.idx.msk $0xffff, v52  }
0x149: {  	v58 =	vadd.s32 $0x11, v3;
	[tilespmem:v47+s17+$0x0] =	vst.idx.msk $0xffff, v53  }
0x14a: {  	v63 =	vadd.s32 $0x12, v3;
	[tilespmem:v56+s17+$0x0] =	vst.idx.msk $0xffff, v54  }
0x14b: {  	v21 =	vadd.s32 $0x13, v4;
	[tilespmem:v5+s17+$0x0] =	vst.idx.msk $0xffff, v55  }
0x14c: {  	v22 =	vadd.s32 $0x13, v3;
	v2 =	vld.idx.msk [tilespmem:v2+s3+$0x0], $0xffff  }
0x14d: {  	v16 =	vadd.s32 $0x14, v4;
	v9 =	vld.idx.msk [tilespmem:v57+s3+$0x0], $0xffff  }
0x14e: {  	v23 =	vadd.s32 $0x14, v3;
	v10 =	vld.idx.msk [tilespmem:v58+s3+$0x0], $0xffff  }
0x14f: {  	v36 =	vadd.s32 $0x15, v4;
	v11 =	vld.idx.msk [tilespmem:v63+s3+$0x0], $0xffff  }
0x150: {  	v37 =	vadd.s32 $0x15, v3;
	v12 =	vld.idx.msk [tilespmem:v21+s3+$0x0], $0xffff  }
0x151: {  	v38 =	vadd.s32 $0x16, v4;
	v13 =	vld.idx.msk [tilespmem:v22+s3+$0x0], $0xffff  }
0x152: {  	v8 =	vadd.s32 $0x10, v3;
	v16 =	vld.idx.msk [tilespmem:v16+s3+$0x0], $0xffff  }
0x153: {  	v40 =	vadd.s32 $0x16, v3;
	v47 =	vld.idx.msk [tilespmem:v23+s3+$0x0], $0xffff  }
0x154: {  	v43 =	vadd.s32 $0x17, v4;
	v48 =	vld.idx.msk [tilespmem:v36+s3+$0x0], $0xffff  }
0x155: {  	v5 =	vadd.s32 $0x12, v4;
	v49 =	vld.idx.msk [tilespmem:v37+s3+$0x0], $0xffff  }
0x156: {  	v14 =	vadd.s32 $0x10, v62;
	v63 =	vadd.s32 $0x17, v3;
	v51 =	vld.idx.msk [tilespmem:v38+s3+$0x0], $0xffff  }
0x157: {  	v21 =	vadd.s32 $0x37, v62;
	v8 =	vld.idx.msk [tilespmem:v8+s3+$0x0], $0xffff  }
0x158: {  	v52 =	vld.idx.msk [tilespmem:v40+s3+$0x0], $0xffff;
	v22 =	vadd.s32 $0x11, v62  }
0x159: {  	v53 =	vld.idx.msk [tilespmem:v43+s3+$0x0], $0xffff;
	v23 =	vadd.s32 $0x38, v62  }
0x15a: {  	v36 =	vadd.s32 $0x12, v62;
	v5 =	vld.idx.msk [tilespmem:v5+s3+$0x0], $0xffff  }
0x15b: {  	v54 =	vld.idx.msk [tilespmem:v63+s3+$0x0], $0xffff;
	[tilespmem:v14+s17+$0x0] =	vst.idx.msk $0xffff, v2;
	v2 =	vadd.s32 $0x39, v62  }
0x15c: {  	[tilespmem:v21+s17+$0x0] =	vst.idx.msk $0xffff, v8;
	v8 =	vadd.s32 $0x13, v62  }
0x15d: {  	v37 =	vadd.s32 $0x3A, v62;
	[tilespmem:v22+s17+$0x0] =	vst.idx.msk $0xffff, v9  }
0x15e: {  	v38 =	vadd.s32 $0x14, v62;
	[tilespmem:v23+s17+$0x0] =	vst.idx.msk $0xffff, v10  }
0x15f: {  	[tilespmem:v36+s17+$0x0] =	vst.idx.msk $0xffff, v5;
	v5 =	vadd.s32 $0x3B, v62  }
0x160: {  	[tilespmem:v2+s17+$0x0] =	vst.idx.msk $0xffff, v11;
	v2 =	vadd.s32 $0x15, v62  }
0x161: {  	[tilespmem:v8+s17+$0x0] =	vst.idx.msk $0xffff, v12;
	v8 =	vadd.s32 $0x3C, v62  }
0x162: {  	v40 =	vadd.s32 $0x16, v62;
	[tilespmem:v37+s17+$0x0] =	vst.idx.msk $0xffff, v13  }
0x163: {  	v43 =	vadd.s32 $0x3D, v62;
	[tilespmem:v38+s17+$0x0] =	vst.idx.msk $0xffff, v16  }
0x164: {  	[tilespmem:v5+s17+$0x0] =	vst.idx.msk $0xffff, v47;
	v5 =	vadd.s32 $0x17, v62  }
0x165: {  	s31 =	sadd.s32 $0xFFFFFFF0, s29;
	v55 =	vadd.s32 $0x3E, v62;
	[tilespmem:v2+s17+$0x0] =	vst.idx.msk $0xffff, v48  }
0x166: {  	v12 =	vor.u32 s31, v25;
	[tilespmem:v8+s17+$0x0] =	vst.idx.msk $0xffff, v49;
	v8 =	vadd.s32 $0x18, v4  }
0x167: {  	v2 =	vshll.u32 v12, $0x4;
	[tilespmem:v40+s17+$0x0] =	vst.idx.msk $0xffff, v51  }
0x168: {  	v56 =	vadd.s32 $0x18, v3;
	[tilespmem:v43+s17+$0x0] =	vst.idx.msk $0xffff, v52  }
0x169: {  	[tilespmem:v5+s17+$0x0] =	vst.idx.msk $0xffff, v53;
	v5 =	vadd.s32 $0x19, v4  }
0x16a: {  	v57 =	vor.u32 $0x8, v2;
	[tilespmem:v55+s17+$0x0] =	vst.idx.msk $0xffff, v54  }
0x16b: {  	v11 =	vld.idx.msk [tilespmem:v8+s3+$0x0], $0xffff;
	v8 =	vadd.s32 $0x19, v3  }
0x16c: {  	v58 =	vadd.s32 $0x1A, v4;
	v16 =	vld.idx.msk [tilespmem:v2+s14+$0x0], $0xffff  }
0x16d: {  	v63 =	vadd.s32 $0x1A, v3;
	v47 =	vld.idx.msk [tilespmem:v56+s3+$0x0], $0xffff  }
0x16e: {  	v48 =	vld.idx.msk [tilespmem:v5+s3+$0x0], $0xffff;
	v5 =	vadd.s32 $0x1B, v4  }
0x16f: {  	v21 =	vadd.s32 $0x1B, v3;
	v10 =	vld.idx.msk [tilespmem:v57+s14+$0x0], $0xffff  }
0x170: {  	v51 =	vld.idx.msk [tilespmem:v8+s3+$0x0], $0xffff;
	v8 =	vadd.s32 $0x1C, v4  }
0x171: {  	v23 =	vadd.s32 $0x1D, v4;
	v13 =	vld.idx.msk [tilespmem:v58+s3+$0x0], $0xffff;
	v16 =	vtrunc.f32 v16  }
0x172: {  	v36 =	vadd.s32 $0x1E, v4;
	v53 =	vld.idx.msk [tilespmem:v63+s3+$0x0], $0xffff;
	v16 =	vcvt.f32.s32 v16  }
0x173: {  	v54 =	vld.idx.msk [tilespmem:v5+s3+$0x0], $0xffff;
	v5 =	vadd.s32 $0x1D, v3  }
0x174: {  	v37 =	vadd.s32 $0x1E, v3;
	v49 =	vld.idx.msk [tilespmem:v21+s3+$0x0], $0xffff;
	v10 =	vtrunc.f32 v10;
	vm8 =	vgt.s32 v16, $0x0  }
0x175: {  	v4 =	vadd.s32 $0x1F, v4;
	v10 =	vcvt.f32.s32 v10;
	v56 =	vld.idx.msk [tilespmem:v8+s3+$0x0], $0xffff;
	v8 =	vnsel vm8, $0x0, v16  }
0x176: {  	v38 =	vadd.s32 $0x1F, v3;
	v52 =	vld.idx.msk [tilespmem:v23+s3+$0x0], $0xffff;
	v8 =	vmin.u32 v8, $0x18F  }
0x177: {  	v22 =	vadd.s32 $0x1C, v3;
	v55 =	vld.idx.msk [tilespmem:v36+s3+$0x0], $0xffff;
	vm8 =	vgt.s32 v10, $0x0;
	v8 =	vmul.u32 $0x28, v8  }
0x178: {  	v3 =	vnsel vm8, $0x0, v10;
	v63 =	vld.idx.msk [tilespmem:v5+s3+$0x0], $0xffff;
	v5 =	vor.u32 s29, v25  }
0x179: {  	v43 =	vadd.s32 $0x18, v62;
	v57 =	vld.idx.msk [tilespmem:v37+s3+$0x0], $0xffff;
	v40 =	vmin.u32 v3, $0x18F;
	v3 =	vshll.u32 v5, $0x4  }
0x17a: {  	v19 =	vld.idx.msk [tilespmem:v4+s3+$0x0], $0xffff;
	v4 =	vadd.s32 $0x3F, v62;
	v9 =	vmul.u32 $0x28, v40;
	v17 =	vor.u32 $0x8, v3  }
0x17b: {  	v20 =	vadd.s32 $0x19, v62;
	v58 =	vld.idx.msk [tilespmem:v38+s3+$0x0], $0xffff  }
0x17c: {  	v24 =	vadd.s32 $0x40, v62;
	v16 =	vld.idx.msk [tilespmem:v22+s3+$0x0], $0xffff;
	v23 =	vor.u32 $0x1, v8  }
0x17d: {  	v29 =	vadd.s32 $0x41, v62;
	v14 =	vmovc v28;
	v28 =	vadd.s32 $0x1A, v62;
	v21 =	vmovc v30;
	v30 =	vor.u32 $0x2, v8;
	v26 =	vld.idx.msk [tilespmem:v8+s3+$0x0], $0xffff  }
0x17e: {  	v22 =	vmovc v31;
	v10 =	vadd.s32 $0x1B, v62;
	[tilespmem:v43+s17+$0x0] =	vst.idx.msk $0xffff, v11;
	v11 =	vadd.s32 $0x42, v62;
	v37 =	vor.u32 $0x3, v8;
	v31 =	vld.idx.msk [tilespmem:v3+s14+$0x0], $0xffff  }
0x17f: {  	v43 =	vmovc v45;
	v45 =	vmov v44;
	v44 =	vmov v35;
	v35 =	vor.u32 $0x2, v9;
	[tilespmem:v4+s17+$0x0] =	vst.idx.msk $0xffff, v47;
	v17 =	vld.idx.msk [tilespmem:v17+s14+$0x0], $0xffff  }
0x180: {  	v40 =	vor.u32 $0x4, v8;
	v27 =	vor.u32 $0x1, v9;
	v4 =	vadd.s32 $0x1C, v62;
	[tilespmem:v20+s17+$0x0] =	vst.idx.msk $0xffff, v48;
	v36 =	vld.idx.msk [tilespmem:v9+s3+$0x0], $0xffff  }
0x181: {  	v47 =	vadd.s32 $0x43, v62;
	v38 =	vor.u32 $0x3, v9;
	v20 =	vadd.s32 $0x1D, v62;
	[tilespmem:v24+s17+$0x0] =	vst.idx.msk $0xffff, v51;
	v23 =	vld.idx.msk [tilespmem:v23+s3+$0x0], $0xffff  }
0x182: {  	v48 =	vadd.s32 $0x44, v62;
	v24 =	vadd.s32 $0x1E, v62;
	v51 =	vadd.s32 $0x45, v62;
	[tilespmem:v28+s17+$0x0] =	vst.idx.msk $0xffff, v13;
	v28 =	vld.idx.msk [tilespmem:v30+s3+$0x0], $0xffff  }
0x183: {  	v13 =	vadd.s32 $0x1F, v62;
	v30 =	vor.u32 $0x4, v9;
	[tilespmem:v29+s17+$0x0] =	vst.idx.msk $0xffff, v53;
	v37 =	vld.idx.msk [tilespmem:v37+s3+$0x0], $0xffff;
	v31 =	vtrunc.f32 v31  }
0x184: {  	v29 =	vld.idx.msk [tilespmem:v35+s3+$0x0], $0xffff;
	v35 =	vor.u32 $0x5, v8;
	[tilespmem:v10+s17+$0x0] =	vst.idx.msk $0xffff, v54;
	v31 =	vcvt.f32.s32 v31;
	v17 =	vtrunc.f32 v17  }
0x185: {  	v53 =	vadd.s32 $0x46, v62;
	v40 =	vld.idx.msk [tilespmem:v40+s3+$0x0], $0xffff;
	v10 =	vor.u32 $0x5, v9;
	[tilespmem:v11+s17+$0x0] =	vst.idx.msk $0xffff, v49;
	v17 =	vcvt.f32.s32 v17  }
0x186: {  	v27 =	vld.idx.msk [tilespmem:v27+s3+$0x0], $0xffff;
	v54 =	vor.u32 $0x6, v9;
	v49 =	vor.u32 $0x6, v8;
	[tilespmem:v4+s17+$0x0] =	vst.idx.msk $0xffff, v56;
	vm8 =	vgt.s32 v31, $0x0  }
0x187: {  	v38 =	vld.idx.msk [tilespmem:v38+s3+$0x0], $0xffff;
	v56 =	vor.u32 $0x7, v8;
	[tilespmem:v47+s17+$0x0] =	vst.idx.msk $0xffff, v16;
	v4 =	vnsel vm8, $0x0, v31;
	vm8 =	vgt.s32 v17, $0x0  }
0x188: {  	v16 =	vld.idx.msk [tilespmem:v30+s3+$0x0], $0xffff;
	[tilespmem:v20+s17+$0x0] =	vst.idx.msk $0xffff, v52;
	v47 =	vnsel vm8, $0x0, v17;
	v17 =	vor.u32 $0x7, v9;
	v30 =	vmin.u32 v4, $0x18F  }
0x189: {  	v20 =	vld.idx.msk [tilespmem:v35+s3+$0x0], $0xffff;
	[tilespmem:v48+s17+$0x0] =	vst.idx.msk $0xffff, v63;
	v4 =	vmul.u32 $0x50, v12;
	v52 =	vmin.u32 v47, $0x18F;
	v11 =	vmul.u32 $0x28, v30  }
0x18a: {  	[tilespmem:v24+s17+$0x0] =	vst.idx.msk $0xffff, v55;
	v30 =	vld.idx.msk [tilespmem:v10+s3+$0x0], $0xffff;
	v10 =	vmul.u32 $0x28, v52  }
0x18b: {  	[tilespmem:v51+s17+$0x0] =	vst.idx.msk $0xffff, v57;
	v31 =	vld.idx.msk [tilespmem:v54+s3+$0x0], $0xffff;
	v24 =	vadd.s32 $0x27, v4  }
0x18c: {  	[tilespmem:v13+s17+$0x0] =	vst.idx.msk $0xffff, v19;
	v13 =	vld.idx.msk [tilespmem:v56+s3+$0x0], $0xffff;
	v35 =	vor.u32 $0x1, v4;
	v47 =	vor.u32 $0x1, v11  }
0x18d: {  	v12 =	vld.idx.msk [tilespmem:v49+s3+$0x0], $0xffff;
	v19 =	vadd.s32 $0x28, v4;
	v57 =	vor.u32 $0x1, v10  }
0x18e: {  	[tilespmem:v53+s17+$0x0] =	vst.idx.msk $0xffff, v58;
	v49 =	vor.u32 $0x2, v4;
	v58 =	vor.u32 $0x2, v11;
	v17 =	vld.idx.msk [tilespmem:v17+s3+$0x0], $0xffff  }
0x18f: {  	v53 =	vor.u32 $0x2, v10;
	[tilespmem:v4+s17+$0x0] =	vst.idx.msk $0xffff, v26;
	v26 =	vadd.s32 $0x29, v4;
	v52 =	vld.idx.msk [tilespmem:v11+s3+$0x0], $0xffff  }
0x190: {  	v54 =	vor.u32 $0x3, v11;
	[tilespmem:v24+s17+$0x0] =	vst.idx.msk $0xffff, v36;
	v24 =	vor.u32 $0x3, v4;
	v36 =	vld.idx.msk [tilespmem:v10+s3+$0x0], $0xffff  }
0x191: {  	[tilespmem:v35+s17+$0x0] =	vst.idx.msk $0xffff, v23;
	v23 =	vadd.s32 $0x2A, v4;
	v35 =	vld.idx.msk [tilespmem:v47+s3+$0x0], $0xffff;
	v47 =	vor.u32 $0x3, v10  }
0x192: {  	[tilespmem:v19+s17+$0x0] =	vst.idx.msk $0xffff, v27;
	v19 =	vor.u32 $0x4, v4;
	v27 =	vld.idx.msk [tilespmem:v57+s3+$0x0], $0xffff;
	v57 =	vor.u32 $0x4, v11  }
0x193: {  	[tilespmem:v49+s17+$0x0] =	vst.idx.msk $0xffff, v28;
	v28 =	vadd.s32 $0x2B, v4;
	v49 =	vld.idx.msk [tilespmem:v58+s3+$0x0], $0xffff;
	v58 =	vor.u32 $0x4, v10  }
0x194: {  	[tilespmem:v26+s17+$0x0] =	vst.idx.msk $0xffff, v29;
	v26 =	vor.u32 $0x5, v4;
	v29 =	vld.idx.msk [tilespmem:v53+s3+$0x0], $0xffff;
	v53 =	vor.u32 $0x5, v11  }
0x195: {  	[tilespmem:v24+s17+$0x0] =	vst.idx.msk $0xffff, v37;
	v24 =	vadd.s32 $0x2C, v4;
	v37 =	vld.idx.msk [tilespmem:v54+s3+$0x0], $0xffff;
	v54 =	vor.u32 $0x5, v10  }
0x196: {  	[tilespmem:v23+s17+$0x0] =	vst.idx.msk $0xffff, v38;
	v23 =	vor.u32 $0x6, v4;
	v38 =	vld.idx.msk [tilespmem:v47+s3+$0x0], $0xffff;
	v47 =	vor.u32 $0x6, v11  }
0x197: {  	[tilespmem:v19+s17+$0x0] =	vst.idx.msk $0xffff, v40;
	v19 =	vadd.s32 $0x2D, v4;
	v40 =	vld.idx.msk [tilespmem:v57+s3+$0x0], $0xffff;
	v57 =	vor.u32 $0x6, v10  }
0x198: {  	[tilespmem:v28+s17+$0x0] =	vst.idx.msk $0xffff, v16;
	v16 =	vor.u32 $0x7, v4;
	v28 =	vld.idx.msk [tilespmem:v58+s3+$0x0], $0xffff;
	v58 =	vor.u32 $0x7, v11  }
0x199: {  	v5 =	vmul.u32 $0x50, v5;
	v56 =	vor.u32 $0x7, v10;
	[tilespmem:v26+s17+$0x0] =	vst.idx.msk $0xffff, v20;
	v20 =	vadd.s32 $0x2E, v4;
	v26 =	vld.idx.msk [tilespmem:v53+s3+$0x0], $0xffff  }
0x19a: {  	[tilespmem:v24+s17+$0x0] =	vst.idx.msk $0xffff, v30;
	v24 =	vadd.s32 $0x8, v8;
	v30 =	vld.idx.msk [tilespmem:v54+s3+$0x0], $0xffff  }
0x19b: {  	v54 =	vadd.s32 $0xA, v9;
	[tilespmem:v23+s17+$0x0] =	vst.idx.msk $0xffff, v12;
	v23 =	vld.idx.msk [tilespmem:v47+s3+$0x0], $0xffff;
	v47 =	vadd.s32 $0x27, v5  }
0x19c: {  	v48 =	vor.u32 $0x1, v5;
	v12 =	vadd.s32 $0x8, v9;
	[tilespmem:v19+s17+$0x0] =	vst.idx.msk $0xffff, v31;
	v31 =	vld.idx.msk [tilespmem:v57+s3+$0x0], $0xffff  }
0x19d: {  	v51 =	vadd.s32 $0x28, v5;
	v19 =	vadd.s32 $0x9, v8;
	[tilespmem:v16+s17+$0x0] =	vst.idx.msk $0xffff, v13;
	v16 =	vld.idx.msk [tilespmem:v58+s3+$0x0], $0xffff  }
0x19e: {  	v57 =	vor.u32 $0x2, v5;
	v13 =	vadd.s32 $0x9, v9;
	[tilespmem:v20+s17+$0x0] =	vst.idx.msk $0xffff, v17;
	v20 =	vld.idx.msk [tilespmem:v56+s3+$0x0], $0xffff  }
0x19f: {  	v58 =	vadd.s32 $0x29, v5;
	v17 =	vadd.s32 $0xA, v8;
	[tilespmem:v5+s17+$0x0] =	vst.idx.msk $0xffff, v52;
	v24 =	vld.idx.msk [tilespmem:v24+s3+$0x0], $0xffff  }
0x1a0: {  	v54 =	vld.idx.msk [tilespmem:v54+s3+$0x0], $0xffff;
	[tilespmem:v47+s17+$0x0] =	vst.idx.msk $0xffff, v36;
	v36 =	vadd.s32 $0xB, v8;
	v47 =	vor.u32 $0x3, v5  }
0x1a1: {  	v12 =	vld.idx.msk [tilespmem:v12+s3+$0x0], $0xffff;
	[tilespmem:v48+s17+$0x0] =	vst.idx.msk $0xffff, v35;
	v35 =	vadd.s32 $0xB, v9;
	v48 =	vadd.s32 $0x2A, v5  }
0x1a2: {  	v19 =	vld.idx.msk [tilespmem:v19+s3+$0x0], $0xffff;
	[tilespmem:v51+s17+$0x0] =	vst.idx.msk $0xffff, v27;
	v27 =	vadd.s32 $0xC, v8;
	v51 =	vor.u32 $0x4, v5  }
0x1a3: {  	v13 =	vld.idx.msk [tilespmem:v13+s3+$0x0], $0xffff;
	[tilespmem:v57+s17+$0x0] =	vst.idx.msk $0xffff, v49;
	v49 =	vadd.s32 $0xC, v9;
	v57 =	vadd.s32 $0x2B, v5  }
0x1a4: {  	v17 =	vld.idx.msk [tilespmem:v17+s3+$0x0], $0xffff;
	[tilespmem:v58+s17+$0x0] =	vst.idx.msk $0xffff, v29;
	v29 =	vadd.s32 $0xD, v8;
	v58 =	vor.u32 $0x5, v5  }
0x1a5: {  	v56 =	vadd.s32 $0x2C, v5;
	v36 =	vld.idx.msk [tilespmem:v36+s3+$0x0], $0xffff;
	[tilespmem:v47+s17+$0x0] =	vst.idx.msk $0xffff, v37;
	v37 =	vadd.s32 $0xD, v9  }
0x1a6: {  	v35 =	vld.idx.msk [tilespmem:v35+s3+$0x0], $0xffff;
	[tilespmem:v48+s17+$0x0] =	vst.idx.msk $0xffff, v38;
	v38 =	vadd.s32 $0xE, v8;
	v48 =	vor.u32 $0x6, v5  }
0x1a7: {  	v27 =	vld.idx.msk [tilespmem:v27+s3+$0x0], $0xffff;
	[tilespmem:v51+s17+$0x0] =	vst.idx.msk $0xffff, v40;
	v40 =	vadd.s32 $0xE, v9;
	v51 =	vadd.s32 $0x2D, v5  }
0x1a8: {  	v49 =	vld.idx.msk [tilespmem:v49+s3+$0x0], $0xffff;
	[tilespmem:v57+s17+$0x0] =	vst.idx.msk $0xffff, v28;
	v28 =	vadd.s32 $0xF, v8;
	v57 =	vor.u32 $0x7, v5  }
0x1a9: {  	v29 =	vld.idx.msk [tilespmem:v29+s3+$0x0], $0xffff;
	[tilespmem:v58+s17+$0x0] =	vst.idx.msk $0xffff, v26;
	v26 =	vadd.s32 $0xF, v9;
	v58 =	vadd.s32 $0x2E, v5  }
0x1aa: {  	v37 =	vld.idx.msk [tilespmem:v37+s3+$0x0], $0xffff;
	[tilespmem:v56+s17+$0x0] =	vst.idx.msk $0xffff, v30;
	v30 =	vor.u32 $0x8, v4;
	v56 =	vadd.s32 $0x8, v11  }
0x1ab: {  	v38 =	vld.idx.msk [tilespmem:v38+s3+$0x0], $0xffff;
	[tilespmem:v48+s17+$0x0] =	vst.idx.msk $0xffff, v23;
	v23 =	vadd.s32 $0x2F, v4;
	v48 =	vadd.s32 $0x8, v10  }
0x1ac: {  	v40 =	vld.idx.msk [tilespmem:v40+s3+$0x0], $0xffff;
	[tilespmem:v51+s17+$0x0] =	vst.idx.msk $0xffff, v31;
	v31 =	vor.u32 $0x9, v4;
	v51 =	vadd.s32 $0x9, v11  }
0x1ad: {  	v28 =	vld.idx.msk [tilespmem:v28+s3+$0x0], $0xffff;
	[tilespmem:v57+s17+$0x0] =	vst.idx.msk $0xffff, v16;
	v16 =	vadd.s32 $0x30, v4;
	v57 =	vadd.s32 $0x9, v10  }
0x1ae: {  	v26 =	vld.idx.msk [tilespmem:v26+s3+$0x0], $0xffff;
	[tilespmem:v58+s17+$0x0] =	vst.idx.msk $0xffff, v20;
	v20 =	vor.u32 $0xA, v4;
	v58 =	vadd.s32 $0xA, v11  }
0x1af: {  	[tilespmem:v30+s17+$0x0] =	vst.idx.msk $0xffff, v24;
	v24 =	vadd.s32 $0x31, v4;
	v30 =	vld.idx.msk [tilespmem:v56+s3+$0x0], $0xffff;
	v56 =	vadd.s32 $0xA, v10  }
0x1b0: {  	[tilespmem:v23+s17+$0x0] =	vst.idx.msk $0xffff, v12;
	v12 =	vor.u32 $0xB, v4;
	v23 =	vld.idx.msk [tilespmem:v48+s3+$0x0], $0xffff;
	v48 =	vadd.s32 $0xB, v11  }
0x1b1: {  	[tilespmem:v31+s17+$0x0] =	vst.idx.msk $0xffff, v19;
	v19 =	vadd.s32 $0x32, v4;
	v31 =	vld.idx.msk [tilespmem:v51+s3+$0x0], $0xffff;
	v51 =	vadd.s32 $0xB, v10  }
0x1b2: {  	v53 =	vadd.s32 $0xC, v11;
	[tilespmem:v16+s17+$0x0] =	vst.idx.msk $0xffff, v13;
	v13 =	vor.u32 $0xC, v4;
	v16 =	vld.idx.msk [tilespmem:v57+s3+$0x0], $0xffff  }
0x1b3: {  	v57 =	vadd.s32 $0xC, v10;
	[tilespmem:v20+s17+$0x0] =	vst.idx.msk $0xffff, v17;
	v17 =	vadd.s32 $0x33, v4;
	v20 =	vld.idx.msk [tilespmem:v58+s3+$0x0], $0xffff  }
0x1b4: {  	v58 =	vadd.s32 $0xD, v11;
	[tilespmem:v24+s17+$0x0] =	vst.idx.msk $0xffff, v54;
	v24 =	vor.u32 $0xD, v4;
	v47 =	vld.idx.msk [tilespmem:v56+s3+$0x0], $0xffff  }
0x1b5: {  	[tilespmem:v12+s17+$0x0] =	vst.idx.msk $0xffff, v36;
	v12 =	vadd.s32 $0x34, v4;
	v36 =	vld.idx.msk [tilespmem:v48+s3+$0x0], $0xffff;
	v48 =	vadd.s32 $0xD, v10  }
0x1b6: {  	[tilespmem:v19+s17+$0x0] =	vst.idx.msk $0xffff, v35;
	v19 =	vor.u32 $0xE, v4;
	v35 =	vld.idx.msk [tilespmem:v51+s3+$0x0], $0xffff;
	v51 =	vadd.s32 $0xE, v11  }
0x1b7: {  	[tilespmem:v13+s17+$0x0] =	vst.idx.msk $0xffff, v27;
	v13 =	vadd.s32 $0x35, v4;
	v27 =	vld.idx.msk [tilespmem:v53+s3+$0x0], $0xffff;
	v53 =	vadd.s32 $0xE, v10  }
0x1b8: {  	[tilespmem:v17+s17+$0x0] =	vst.idx.msk $0xffff, v49;
	v17 =	vor.u32 $0xF, v4;
	v49 =	vld.idx.msk [tilespmem:v57+s3+$0x0], $0xffff;
	v57 =	vadd.s32 $0xF, v11  }
0x1b9: {  	[tilespmem:v24+s17+$0x0] =	vst.idx.msk $0xffff, v29;
	v24 =	vadd.s32 $0x36, v4;
	v29 =	vld.idx.msk [tilespmem:v58+s3+$0x0], $0xffff;
	v58 =	vadd.s32 $0xF, v10  }
0x1ba: {  	[tilespmem:v12+s17+$0x0] =	vst.idx.msk $0xffff, v37;
	v12 =	vadd.s32 $0x10, v8;
	v37 =	vld.idx.msk [tilespmem:v48+s3+$0x0], $0xffff;
	v48 =	vor.u32 $0x8, v5  }
0x1bb: {  	[tilespmem:v19+s17+$0x0] =	vst.idx.msk $0xffff, v38;
	v19 =	vadd.s32 $0x10, v9;
	v38 =	vld.idx.msk [tilespmem:v51+s3+$0x0], $0xffff;
	v51 =	vadd.s32 $0x2F, v5  }
0x1bc: {  	[tilespmem:v13+s17+$0x0] =	vst.idx.msk $0xffff, v40;
	v13 =	vadd.s32 $0x11, v8;
	v40 =	vld.idx.msk [tilespmem:v53+s3+$0x0], $0xffff;
	v53 =	vor.u32 $0x9, v5  }
0x1bd: {  	[tilespmem:v17+s17+$0x0] =	vst.idx.msk $0xffff, v28;
	v17 =	vadd.s32 $0x11, v9;
	v28 =	vld.idx.msk [tilespmem:v57+s3+$0x0], $0xffff;
	v57 =	vadd.s32 $0x30, v5  }
0x1be: {  	[tilespmem:v24+s17+$0x0] =	vst.idx.msk $0xffff, v26;
	v24 =	vadd.s32 $0x12, v8;
	v26 =	vld.idx.msk [tilespmem:v58+s3+$0x0], $0xffff;
	v58 =	vor.u32 $0xA, v5  }
0x1bf: {  	v12 =	vld.idx.msk [tilespmem:v12+s3+$0x0], $0xffff;
	[tilespmem:v48+s17+$0x0] =	vst.idx.msk $0xffff, v30;
	v30 =	vadd.s32 $0x12, v9;
	v48 =	vadd.s32 $0x31, v5  }
0x1c0: {  	v19 =	vld.idx.msk [tilespmem:v19+s3+$0x0], $0xffff;
	[tilespmem:v51+s17+$0x0] =	vst.idx.msk $0xffff, v23;
	v23 =	vadd.s32 $0x13, v8;
	v51 =	vor.u32 $0xB, v5  }
0x1c1: {  	v13 =	vld.idx.msk [tilespmem:v13+s3+$0x0], $0xffff;
	[tilespmem:v53+s17+$0x0] =	vst.idx.msk $0xffff, v31;
	v31 =	vadd.s32 $0x13, v9;
	v53 =	vadd.s32 $0x32, v5  }
0x1c2: {  	v17 =	vld.idx.msk [tilespmem:v17+s3+$0x0], $0xffff;
	[tilespmem:v57+s17+$0x0] =	vst.idx.msk $0xffff, v16;
	v16 =	vadd.s32 $0x14, v8;
	v57 =	vor.u32 $0xC, v5  }
0x1c3: {  	v24 =	vld.idx.msk [tilespmem:v24+s3+$0x0], $0xffff;
	[tilespmem:v58+s17+$0x0] =	vst.idx.msk $0xffff, v20;
	v20 =	vadd.s32 $0x14, v9;
	v58 =	vadd.s32 $0x33, v5  }
0x1c4: {  	v30 =	vld.idx.msk [tilespmem:v30+s3+$0x0], $0xffff;
	[tilespmem:v48+s17+$0x0] =	vst.idx.msk $0xffff, v47;
	v47 =	vadd.s32 $0x15, v8;
	v48 =	vor.u32 $0xD, v5  }
0x1c5: {  	v23 =	vld.idx.msk [tilespmem:v23+s3+$0x0], $0xffff;
	[tilespmem:v51+s17+$0x0] =	vst.idx.msk $0xffff, v36;
	v36 =	vadd.s32 $0x15, v9;
	v51 =	vadd.s32 $0x34, v5  }
0x1c6: {  	v31 =	vld.idx.msk [tilespmem:v31+s3+$0x0], $0xffff;
	[tilespmem:v53+s17+$0x0] =	vst.idx.msk $0xffff, v35;
	v35 =	vadd.s32 $0x16, v8;
	v53 =	vor.u32 $0xE, v5  }
0x1c7: {  	v16 =	vld.idx.msk [tilespmem:v16+s3+$0x0], $0xffff;
	[tilespmem:v57+s17+$0x0] =	vst.idx.msk $0xffff, v27;
	v27 =	vadd.s32 $0x16, v9;
	v57 =	vadd.s32 $0x35, v5  }
0x1c8: {  	v20 =	vld.idx.msk [tilespmem:v20+s3+$0x0], $0xffff;
	[tilespmem:v58+s17+$0x0] =	vst.idx.msk $0xffff, v49;
	v49 =	vadd.s32 $0x17, v8;
	v58 =	vor.u32 $0xF, v5  }
0x1c9: {  	v47 =	vld.idx.msk [tilespmem:v47+s3+$0x0], $0xffff;
	[tilespmem:v48+s17+$0x0] =	vst.idx.msk $0xffff, v29;
	v29 =	vadd.s32 $0x17, v9;
	v48 =	vadd.s32 $0x36, v5  }
0x1ca: {  	v36 =	vld.idx.msk [tilespmem:v36+s3+$0x0], $0xffff;
	[tilespmem:v51+s17+$0x0] =	vst.idx.msk $0xffff, v37;
	v37 =	vadd.s32 $0x10, v4;
	v51 =	vadd.s32 $0x10, v11  }
0x1cb: {  	v35 =	vld.idx.msk [tilespmem:v35+s3+$0x0], $0xffff;
	[tilespmem:v53+s17+$0x0] =	vst.idx.msk $0xffff, v38;
	v38 =	vadd.s32 $0x37, v4;
	v53 =	vadd.s32 $0x10, v10  }
0x1cc: {  	v27 =	vld.idx.msk [tilespmem:v27+s3+$0x0], $0xffff;
	[tilespmem:v57+s17+$0x0] =	vst.idx.msk $0xffff, v40;
	v40 =	vadd.s32 $0x11, v4;
	v57 =	vadd.s32 $0x11, v11  }
0x1cd: {  	v49 =	vld.idx.msk [tilespmem:v49+s3+$0x0], $0xffff;
	[tilespmem:v58+s17+$0x0] =	vst.idx.msk $0xffff, v28;
	v28 =	vadd.s32 $0x38, v4;
	v58 =	vadd.s32 $0x11, v10  }
0x1ce: {  	v29 =	vld.idx.msk [tilespmem:v29+s3+$0x0], $0xffff;
	[tilespmem:v48+s17+$0x0] =	vst.idx.msk $0xffff, v26;
	v26 =	vadd.s32 $0x12, v4;
	v48 =	vadd.s32 $0x12, v11  }
0x1cf: {  	[tilespmem:v37+s17+$0x0] =	vst.idx.msk $0xffff, v12;
	v12 =	vadd.s32 $0x39, v4;
	v37 =	vld.idx.msk [tilespmem:v51+s3+$0x0], $0xffff;
	v51 =	vadd.s32 $0x12, v10  }
0x1d0: {  	[tilespmem:v38+s17+$0x0] =	vst.idx.msk $0xffff, v19;
	v19 =	vadd.s32 $0x13, v4;
	v38 =	vld.idx.msk [tilespmem:v53+s3+$0x0], $0xffff;
	v53 =	vadd.s32 $0x13, v11  }
0x1d1: {  	[tilespmem:v40+s17+$0x0] =	vst.idx.msk $0xffff, v13;
	v13 =	vadd.s32 $0x3A, v4;
	v40 =	vld.idx.msk [tilespmem:v57+s3+$0x0], $0xffff;
	v57 =	vadd.s32 $0x13, v10  }
0x1d2: {  	[tilespmem:v28+s17+$0x0] =	vst.idx.msk $0xffff, v17;
	v17 =	vadd.s32 $0x14, v4;
	v28 =	vld.idx.msk [tilespmem:v58+s3+$0x0], $0xffff;
	v58 =	vadd.s32 $0x14, v11  }
0x1d3: {  	[tilespmem:v26+s17+$0x0] =	vst.idx.msk $0xffff, v24;
	v24 =	vadd.s32 $0x3B, v4;
	v26 =	vld.idx.msk [tilespmem:v48+s3+$0x0], $0xffff;
	v48 =	vadd.s32 $0x14, v10  }
0x1d4: {  	[tilespmem:v12+s17+$0x0] =	vst.idx.msk $0xffff, v30;
	v12 =	vadd.s32 $0x15, v4;
	v30 =	vld.idx.msk [tilespmem:v51+s3+$0x0], $0xffff;
	v51 =	vadd.s32 $0x15, v11  }
0x1d5: {  	[tilespmem:v19+s17+$0x0] =	vst.idx.msk $0xffff, v23;
	v19 =	vadd.s32 $0x3C, v4;
	v23 =	vld.idx.msk [tilespmem:v53+s3+$0x0], $0xffff;
	v53 =	vadd.s32 $0x15, v10  }
0x1d6: {  	[tilespmem:v13+s17+$0x0] =	vst.idx.msk $0xffff, v31;
	v13 =	vadd.s32 $0x16, v4;
	v31 =	vld.idx.msk [tilespmem:v57+s3+$0x0], $0xffff;
	v57 =	vadd.s32 $0x16, v11  }
0x1d7: {  	[tilespmem:v17+s17+$0x0] =	vst.idx.msk $0xffff, v16;
	v16 =	vadd.s32 $0x3D, v4;
	v17 =	vld.idx.msk [tilespmem:v58+s3+$0x0], $0xffff;
	v58 =	vadd.s32 $0x16, v10  }
0x1d8: {  	[tilespmem:v24+s17+$0x0] =	vst.idx.msk $0xffff, v20;
	v20 =	vadd.s32 $0x17, v4;
	v24 =	vld.idx.msk [tilespmem:v48+s3+$0x0], $0xffff  }
0x1d9: {  	[tilespmem:v12+s17+$0x0] =	vst.idx.msk $0xffff, v47;
	v12 =	vadd.s32 $0x3E, v4;
	v47 =	vld.idx.msk [tilespmem:v51+s3+$0x0], $0xffff;
	v51 =	vadd.s32 $0x17, v10  }
0x1da: {  	v48 =	vadd.s32 $0x17, v11;
	[tilespmem:v19+s17+$0x0] =	vst.idx.msk $0xffff, v36;
	v36 =	vld.idx.msk [tilespmem:v53+s3+$0x0], $0xffff;
	v53 =	vadd.s32 $0x10, v5  }
0x1db: {  	v19 =	vadd.s32 $0x18, v8;
	[tilespmem:v13+s17+$0x0] =	vst.idx.msk $0xffff, v35;
	v35 =	vld.idx.msk [tilespmem:v57+s3+$0x0], $0xffff;
	v57 =	vadd.s32 $0x37, v5  }
0x1dc: {  	v13 =	vadd.s32 $0x18, v9;
	[tilespmem:v16+s17+$0x0] =	vst.idx.msk $0xffff, v27;
	v27 =	vld.idx.msk [tilespmem:v58+s3+$0x0], $0xffff;
	v58 =	vadd.s32 $0x11, v5  }
0x1dd: {  	v16 =	vadd.s32 $0x19, v8;
	[tilespmem:v20+s17+$0x0] =	vst.idx.msk $0xffff, v49;
	v49 =	vadd.s32 $0x38, v5  }
0x1de: {  	v20 =	vadd.s32 $0x19, v9;
	[tilespmem:v12+s17+$0x0] =	vst.idx.msk $0xffff, v29;
	v29 =	vld.idx.msk [tilespmem:v51+s3+$0x0], $0xffff;
	v51 =	vadd.s32 $0x12, v5  }
0x1df: {  	v48 =	vld.idx.msk [tilespmem:v48+s3+$0x0], $0xffff;
	v12 =	vadd.s32 $0x1A, v8;
	[tilespmem:v53+s17+$0x0] =	vst.idx.msk $0xffff, v37;
	v53 =	vadd.s32 $0x39, v5  }
0x1e0: {  	v19 =	vld.idx.msk [tilespmem:v19+s3+$0x0], $0xffff;
	v37 =	vadd.s32 $0x1A, v9;
	[tilespmem:v57+s17+$0x0] =	vst.idx.msk $0xffff, v38;
	v57 =	vadd.s32 $0x13, v5  }
0x1e1: {  	v13 =	vld.idx.msk [tilespmem:v13+s3+$0x0], $0xffff;
	v38 =	vadd.s32 $0x1B, v8;
	[tilespmem:v58+s17+$0x0] =	vst.idx.msk $0xffff, v40;
	v58 =	vadd.s32 $0x3A, v5  }
0x1e2: {  	v16 =	vld.idx.msk [tilespmem:v16+s3+$0x0], $0xffff;
	v40 =	vadd.s32 $0x1B, v9;
	[tilespmem:v49+s17+$0x0] =	vst.idx.msk $0xffff, v28;
	v49 =	vadd.s32 $0x14, v5  }
0x1e3: {  	v20 =	vld.idx.msk [tilespmem:v20+s3+$0x0], $0xffff;
	[tilespmem:v51+s17+$0x0] =	vst.idx.msk $0xffff, v26;
	v26 =	vadd.s32 $0x1C, v9;
	v51 =	vadd.s32 $0x3B, v5  }
0x1e4: {  	v28 =	vadd.s32 $0x1C, v8;
	v12 =	vld.idx.msk [tilespmem:v12+s3+$0x0], $0xffff;
	[tilespmem:v53+s17+$0x0] =	vst.idx.msk $0xffff, v30;
	v53 =	vadd.s32 $0x15, v5  }
0x1e5: {  	v37 =	vld.idx.msk [tilespmem:v37+s3+$0x0], $0xffff;
	v30 =	vadd.s32 $0x1D, v8;
	[tilespmem:v57+s17+$0x0] =	vst.idx.msk $0xffff, v23;
	v57 =	vadd.s32 $0x3C, v5  }
0x1e6: {  	v38 =	vld.idx.msk [tilespmem:v38+s3+$0x0], $0xffff;
	v23 =	vadd.s32 $0x1D, v9;
	[tilespmem:v58+s17+$0x0] =	vst.idx.msk $0xffff, v31;
	v58 =	vadd.s32 $0x16, v5  }
0x1e7: {  	v56 =	vadd.s32 $0x3D, v5;
	v40 =	vld.idx.msk [tilespmem:v40+s3+$0x0], $0xffff;
	v31 =	vadd.s32 $0x1E, v8;
	[tilespmem:v49+s17+$0x0] =	vst.idx.msk $0xffff, v17  }
0x1e8: {  	v8 =	vadd.s32 $0x1F, v8;
	[tilespmem:v51+s17+$0x0] =	vst.idx.msk $0xffff, v24;
	v24 =	vld.idx.msk [tilespmem:v26+s3+$0x0], $0xffff;
	v26 =	vadd.s32 $0x17, v5  }
0x1e9: {  	v28 =	vld.idx.msk [tilespmem:v28+s3+$0x0], $0xffff;
	v17 =	vadd.s32 $0x1E, v9;
	[tilespmem:v53+s17+$0x0] =	vst.idx.msk $0xffff, v47;
	v47 =	vadd.s32 $0x3E, v5  }
0x1ea: {  	v9 =	vadd.s32 $0x1F, v9;
	v30 =	vld.idx.msk [tilespmem:v30+s3+$0x0], $0xffff;
	[tilespmem:v57+s17+$0x0] =	vst.idx.msk $0xffff, v36;
	v36 =	vadd.s32 $0x18, v4  }
0x1eb: {  	v51 =	vadd.s32 $0x18, v11;
	v23 =	vld.idx.msk [tilespmem:v23+s3+$0x0], $0xffff;
	v57 =	vadd.s32 $0x3F, v4;
	[tilespmem:v58+s17+$0x0] =	vst.idx.msk $0xffff, v35  }
0x1ec: {  	v31 =	vld.idx.msk [tilespmem:v31+s3+$0x0], $0xffff;
	v58 =	vadd.s32 $0x18, v10;
	[tilespmem:v56+s17+$0x0] =	vst.idx.msk $0xffff, v27;
	v27 =	vadd.s32 $0x19, v4  }
0x1ed: {  	v49 =	vadd.s32 $0x19, v11;
	v8 =	vld.idx.msk [tilespmem:v8+s3+$0x0], $0xffff;
	[tilespmem:v26+s17+$0x0] =	vst.idx.msk $0xffff, v48;
	v26 =	vadd.s32 $0x40, v4  }
0x1ee: {  	v17 =	vld.idx.msk [tilespmem:v17+s3+$0x0], $0xffff;
	v56 =	vadd.s32 $0x19, v10;
	[tilespmem:v47+s17+$0x0] =	vst.idx.msk $0xffff, v29;
	v29 =	vadd.s32 $0x1A, v4  }
0x1ef: {  	v9 =	vld.idx.msk [tilespmem:v9+s3+$0x0], $0xffff;
	v47 =	vadd.s32 $0x1A, v11;
	[tilespmem:v36+s17+$0x0] =	vst.idx.msk $0xffff, v19;
	v19 =	vadd.s32 $0x41, v4  }
0x1f0: {  	v36 =	vld.idx.msk [tilespmem:v51+s3+$0x0], $0xffff;
	v51 =	vadd.s32 $0x1A, v10;
	[tilespmem:v57+s17+$0x0] =	vst.idx.msk $0xffff, v13;
	v57 =	vadd.s32 $0x1B, v4  }
0x1f1: {  	v35 =	vld.idx.msk [tilespmem:v58+s3+$0x0], $0xffff;
	v58 =	vadd.s32 $0x1B, v11;
	[tilespmem:v27+s17+$0x0] =	vst.idx.msk $0xffff, v16;
	v16 =	vadd.s32 $0x42, v4  }
0x1f2: {  	v27 =	vld.idx.msk [tilespmem:v49+s3+$0x0], $0xffff;
	v49 =	vadd.s32 $0x1B, v10;
	[tilespmem:v26+s17+$0x0] =	vst.idx.msk $0xffff, v20;
	v20 =	vadd.s32 $0x1C, v4  }
0x1f3: {  	v48 =	vadd.s32 $0x1C, v11;
	v26 =	vld.idx.msk [tilespmem:v56+s3+$0x0], $0xffff;
	v56 =	vadd.s32 $0x43, v4;
	[tilespmem:v29+s17+$0x0] =	vst.idx.msk $0xffff, v12  }
0x1f4: {  	v29 =	vld.idx.msk [tilespmem:v47+s3+$0x0], $0xffff;
	v47 =	vadd.s32 $0x1C, v10;
	[tilespmem:v19+s17+$0x0] =	vst.idx.msk $0xffff, v37;
	v19 =	vadd.s32 $0x1D, v4  }
0x1f5: {  	v37 =	vld.idx.msk [tilespmem:v51+s3+$0x0], $0xffff;
	v51 =	vadd.s32 $0x1D, v11;
	[tilespmem:v57+s17+$0x0] =	vst.idx.msk $0xffff, v38;
	v57 =	vadd.s32 $0x44, v4  }
0x1f6: {  	v38 =	vld.idx.msk [tilespmem:v58+s3+$0x0], $0xffff;
	v58 =	vadd.s32 $0x1D, v10;
	[tilespmem:v16+s17+$0x0] =	vst.idx.msk $0xffff, v40;
	v16 =	vadd.s32 $0x1E, v4  }
0x1f7: {  	v54 =	vadd.s32 $0x1E, v11;
	v40 =	vld.idx.msk [tilespmem:v49+s3+$0x0], $0xffff;
	[tilespmem:v20+s17+$0x0] =	vst.idx.msk $0xffff, v28;
	v20 =	vadd.s32 $0x45, v4  }
0x1f8: {  	v55 =	vadd.s32 $0x1E, v10;
	v28 =	vld.idx.msk [tilespmem:v48+s3+$0x0], $0xffff;
	[tilespmem:v56+s17+$0x0] =	vst.idx.msk $0xffff, v24;
	v56 =	vadd.s32 $0x1F, v4  }
0x1f9: {  	v11 =	vadd.s32 $0x1F, v11;
	v24 =	vld.idx.msk [tilespmem:v47+s3+$0x0], $0xffff;
	[tilespmem:v19+s17+$0x0] =	vst.idx.msk $0xffff, v30;
	v19 =	vadd.s32 $0x46, v4  }
0x1fa: {  	v10 =	vadd.s32 $0x1F, v10;
	v30 =	vld.idx.msk [tilespmem:v51+s3+$0x0], $0xffff;
	[tilespmem:v57+s17+$0x0] =	vst.idx.msk $0xffff, v23;
	v57 =	vadd.s32 $0x18, v5  }
0x1fb: {  	v13 =	vld.idx.msk [tilespmem:v58+s3+$0x0], $0xffff;
	[tilespmem:v16+s17+$0x0] =	vst.idx.msk $0xffff, v31;
	v31 =	vadd.s32 $0x3F, v5  }
0x1fc: {  	v16 =	vld.idx.msk [tilespmem:v54+s3+$0x0], $0xffff;
	[tilespmem:v20+s17+$0x0] =	vst.idx.msk $0xffff, v17;
	v20 =	vadd.s32 $0x19, v5  }
0x1fd: {  	v58 =	vadd.s32 $0x40, v5;
	v17 =	vld.idx.msk [tilespmem:v55+s3+$0x0], $0xffff;
	[tilespmem:v56+s17+$0x0] =	vst.idx.msk $0xffff, v8  }
0x1fe: {  	v48 =	vadd.s32 $0x1A, v5;
	v8 =	vld.idx.msk [tilespmem:v11+s3+$0x0], $0xffff;
	[tilespmem:v19+s17+$0x0] =	vst.idx.msk $0xffff, v9  }
0x1ff: {  	v49 =	vadd.s32 $0x41, v5;
	v9 =	vld.idx.msk [tilespmem:v10+s3+$0x0], $0xffff;
	[tilespmem:v57+s17+$0x0] =	vst.idx.msk $0xffff, v36  }
0x200: {  	v19 =	vadd.s32 $0x1B, v5;
	[tilespmem:v31+s17+$0x0] =	vst.idx.msk $0xffff, v35  }
0x201: {  	[tilespmem:v20+s17+$0x0] =	vst.idx.msk $0xffff, v27;
	v20 =	vadd.s32 $0x42, v5  }
0x202: {  	v51 =	vadd.s32 $0x1C, v5;
	[tilespmem:v58+s17+$0x0] =	vst.idx.msk $0xffff, v26  }
0x203: {  	v52 =	vadd.s32 $0x43, v5;
	[tilespmem:v48+s17+$0x0] =	vst.idx.msk $0xffff, v29  }
0x204: {  	v53 =	vadd.s32 $0x1D, v5;
	[tilespmem:v49+s17+$0x0] =	vst.idx.msk $0xffff, v37  }
0x205: {  	[tilespmem:v19+s17+$0x0] =	vst.idx.msk $0xffff, v38;
	v19 =	vadd.s32 $0x44, v5  }
0x206: {  	[tilespmem:v20+s17+$0x0] =	vst.idx.msk $0xffff, v40;
	v20 =	vadd.s32 $0x1E, v5  }
0x207: {  	v54 =	vadd.s32 $0x45, v5;
	[tilespmem:v51+s17+$0x0] =	vst.idx.msk $0xffff, v28  }
0x208: {  	v56 =	vadd.s32 $0x1F, v5;
	[tilespmem:v52+s17+$0x0] =	vst.idx.msk $0xffff, v24  }
0x209: {  	v57 =	vadd.s32 $0x46, v5;
	[tilespmem:v53+s17+$0x0] =	vst.idx.msk $0xffff, v30  }
0x20a: {  	v58 =	vor.u32 v25, v3;
	[tilespmem:v19+s17+$0x0] =	vst.idx.msk $0xffff, v13  }
0x20b: {  	v24 =	vor.u32 v25, v2;
	[tilespmem:v20+s17+$0x0] =	vst.idx.msk $0xffff, v16  }
0x20c: {  	v55 =	vor.u32 v25, v61;
	[tilespmem:v54+s17+$0x0] =	vst.idx.msk $0xffff, v17  }
0x20d: {  	[tilespmem:v56+s17+$0x0] =	vst.idx.msk $0xffff, v8  }
0x20e: {  	[tilespmem:v57+s17+$0x0] =	vst.idx.msk $0xffff, v9  }
0x20f: {  	v49 =	vadd.s32 v32, v5;
	v12 =	vld.idx.msk [tilespmem:v58+s14+$0x0], $0xffff  }
0x210: {  	v19 =	vor.u32 v18, v3;
	v17 =	vadd.s32 v32, v4;
	v47 =	vld.idx.msk [tilespmem:v24+s14+$0x0], $0xffff  }
0x211: {  	v23 =	vld.idx.msk [tilespmem:v55+s14+$0x0], $0xffff;
	v48 =	vor.u32 v18, v2;
	v16 =	vadd.s32 v32, v62;
	_ =	sdelay $0x2  }
0x212: {  	[tilespmem:v49+s17+$0x0] =	vst.idx.msk vm0, v12  }
0x213: {  	v8 =	vor.u32 v18, v61;
	[tilespmem:v17+s17+$0x0] =	vst.idx.msk vm0, v47;
	v17 =	vadd.s32 v34, v5;
	v13 =	vld.idx.msk [tilespmem:v19+s14+$0x0], $0xffff  }
0x214: {  	[tilespmem:v16+s17+$0x0] =	vst.idx.msk vm0, v23;
	v16 =	vadd.s32 v34, v4;
	v9 =	vld.idx.msk [tilespmem:v48+s14+$0x0], $0xffff;
	v19 =	vor.u32 v41, v3  }
0x215: {  	v38 =	vld [tilespmem:$0x1FEA0];
	_ =	sdelay $0x2  }
0x216: {  	v51 =	vadd.s32 v34, v62;
	v8 =	vld.idx.msk [tilespmem:v8+s14+$0x0], $0xffff;
	[tilespmem:v17+s17+$0x0] =	vst.idx.msk vm1, v13  }
0x217: {  	v52 =	vor.u32 v41, v61;
	[tilespmem:v16+s17+$0x0] =	vst.idx.msk vm1, v9;
	v17 =	vadd.s32 v42, v5;
	v16 =	vld.idx.msk [tilespmem:v19+s14+$0x0], $0xffff  }
0x218: {  	v36 =	vld [tilespmem:$0x1FED0];
	v19 =	vor.u32 v38, v3  }
0x219: {  	v37 =	vld [tilespmem:$0x1FEE0];
	_ =	sdelay $0x1  }
0x21a: {  	[tilespmem:v51+s17+$0x0] =	vst.idx.msk vm1, v8  }
0x21b: {  	v54 =	vadd.s32 v42, v62;
	v8 =	vld.idx.msk [tilespmem:v52+s14+$0x0], $0xffff;
	[tilespmem:v17+s17+$0x0] =	vst.idx.msk vm2, v16  }
0x21c: {  	v55 =	vor.u32 v38, v61;
	v17 =	vadd.s32 v36, v5;
	v16 =	vld.idx.msk [tilespmem:v19+s14+$0x0], $0xffff  }
0x21d: {  	v40 =	vld [tilespmem:$0x1FF10];
	v19 =	vor.u32 v37, v3;
	_ =	sdelay $0x2  }
0x21e: {  	[tilespmem:v54+s17+$0x0] =	vst.idx.msk vm2, v8  }
0x21f: {  	v53 =	vor.u32 v41, v2;
	v23 =	vadd.s32 v36, v62;
	v8 =	vld.idx.msk [tilespmem:v55+s14+$0x0], $0xffff;
	[tilespmem:v17+s17+$0x0] =	vst.idx.msk vm3, v16  }
0x220: {  	v47 =	vor.u32 v37, v61;
	v17 =	vadd.s32 v40, v5;
	v16 =	vld.idx.msk [tilespmem:v19+s14+$0x0], $0xffff  }
0x221: {  	v19 =	vor.u32 v33, v3;
	_ =	sdelay $0x2  }
0x222: {  	v57 =	vadd.s32 v42, v4;
	v56 =	vld.idx.msk [tilespmem:v53+s14+$0x0], $0xffff;
	[tilespmem:v23+s17+$0x0] =	vst.idx.msk vm3, v8  }
0x223: {  	v58 =	vor.u32 v38, v2;
	v51 =	vadd.s32 v40, v62;
	v8 =	vld.idx.msk [tilespmem:v47+s14+$0x0], $0xffff;
	[tilespmem:v17+s17+$0x0] =	vst.idx.msk vm4, v16  }
0x224: {  	v52 =	vor.u32 v33, v61;
	v17 =	vadd.s32 v1, v5;
	v16 =	vld.idx.msk [tilespmem:v19+s14+$0x0], $0xffff  }
0x225: {  	v19 =	vor.u32 v6, v3  }
0x226: {  	v27 =	vld [tilespmem:$0x1FFF0]  }
0x227: {  	[tilespmem:v57+s17+$0x0] =	vst.idx.msk vm2, v56  }
0x228: {  	v48 =	vadd.s32 v36, v4;
	v11 =	vld.idx.msk [tilespmem:v58+s14+$0x0], $0xffff;
	[tilespmem:v51+s17+$0x0] =	vst.idx.msk vm4, v8  }
0x229: {  	v49 =	vor.u32 v37, v2;
	v55 =	vadd.s32 v1, v62;
	v8 =	vld.idx.msk [tilespmem:v52+s14+$0x0], $0xffff;
	[tilespmem:v17+s17+$0x0] =	vst.idx.msk vm5, v16  }
0x22a: {  	v56 =	vor.u32 v6, v61;
	v17 =	vadd.s32 v0, v5;
	v16 =	vld.idx.msk [tilespmem:v19+s14+$0x0], $0xffff  }
0x22b: {  	v19 =	vor.u32 v27, v3;
	_ =	sdelay $0x1  }
0x22c: {  	[tilespmem:v48+s17+$0x0] =	vst.idx.msk vm3, v11  }
0x22d: {  	v53 =	vadd.s32 v40, v4;
	v11 =	vld.idx.msk [tilespmem:v49+s14+$0x0], $0xffff;
	[tilespmem:v55+s17+$0x0] =	vst.idx.msk vm5, v8  }
0x22e: {  	v54 =	vor.u32 v33, v2;
	v23 =	vadd.s32 v0, v62;
	v8 =	vld.idx.msk [tilespmem:v56+s14+$0x0], $0xffff;
	[tilespmem:v17+s17+$0x0] =	vst.idx.msk vm6, v16  }
0x22f: {  	v35 =	vmovc v44;
	v44 =	vmov v45;
	v47 =	vor.u32 v27, v61;
	v17 =	vadd.s32 v15, v5;
	v16 =	vld.idx.msk [tilespmem:v19+s14+$0x0], $0xffff  }
0x230: {  	v19 =	vor.u32 v44, v3;
	_ =	sdelay $0x1  }
0x231: {  	v48 =	vadd.s32 v0, v4;
	[tilespmem:v53+s17+$0x0] =	vst.idx.msk vm4, v11;
	v0 =	vld [tilespmem:$0x1FDA0]  }
0x232: {  	v11 =	vld.idx.msk [tilespmem:v54+s14+$0x0], $0xffff;
	[tilespmem:v23+s17+$0x0] =	vst.idx.msk vm6, v8  }
0x233: {  	v57 =	vadd.s32 v1, v4;
	v8 =	vld.idx.msk [tilespmem:v47+s14+$0x0], $0xffff;
	[tilespmem:v17+s17+$0x0] =	vst.idx.msk vm7, v16  }
0x234: {  	v58 =	vor.u32 v6, v2;
	v17 =	vadd.s32 v43, v5;
	v16 =	vld.idx.msk [tilespmem:v19+s14+$0x0], $0xffff  }
0x235: {  	v63 =	vmov v7;
	v20 =	vor.u32 v46, v3;
	v47 =	vcombine.low v39, v7;
	v7 =	vld [tilespmem:$0x1FDC0]  }
0x236: {  	v19 =	vcombine.low v21, v0;
	v0 =	vld [tilespmem:$0x1FDB0];
	_ =	sdelay $0x1  }
0x237: {  	[tilespmem:v57+s17+$0x0] =	vst.idx.msk vm5, v11  }
0x238: {  	v51 =	vadd.s32 v15, v62;
	v11 =	vld.idx.msk [tilespmem:v58+s14+$0x0], $0xffff;
	[tilespmem:v17+s17+$0x0] =	vst.idx.msk vm0, v16  }
0x239: {  	v52 =	vor.u32 v44, v61;
	v17 =	vld.idx.msk [tilespmem:v20+s14+$0x0], $0xffff  }
0x23a: {  	v20 =	vcombine.low v0, v7;
	v0 =	vld [tilespmem:$0x1FEB0]  }
0x23b: {  	v7 =	vld [tilespmem:$0x1FEC0];
	_ =	sdelay $0x1  }
0x23c: {  	v49 =	vor.u32 v27, v2;
	[tilespmem:v51+s17+$0x0] =	vst.idx.msk vm7, v8  }
0x23d: {  	v55 =	vadd.s32 v43, v62;
	v8 =	vld.idx.msk [tilespmem:v52+s14+$0x0], $0xffff  }
0x23e: {  	v56 =	vor.u32 v46, v61;
	[tilespmem:v48+s17+$0x0] =	vst.idx.msk vm6, v11;
	v48 =	vand.u32 $0xF, v19;
	v19 =	vadd.s32 v47, v5  }
0x23f: {  	v24 =	vor.u32 v48, v3;
	v51 =	vcombine.low v0, v7;
	v0 =	vld [tilespmem:$0x1FE90]  }
0x240: {  	v7 =	vld [tilespmem:$0x1FDD0]  }
0x241: {  	v53 =	vadd.s32 v15, v4;
	v11 =	vld.idx.msk [tilespmem:v49+s14+$0x0], $0xffff  }
0x242: {  	[tilespmem:v55+s17+$0x0] =	vst.idx.msk vm0, v8  }
0x243: {  	v54 =	vor.u32 v44, v2;
	v9 =	vld.idx.msk [tilespmem:v56+s14+$0x0], $0xffff;
	[tilespmem:v19+s17+$0x0] =	vst.idx.msk vm1, v17  }
0x244: {  	v19 =	vld.idx.msk [tilespmem:v24+s14+$0x0], $0xffff  }
0x245: {  	v24 =	vcombine.low v7, v0;
	v0 =	vld [tilespmem:$0x1FF00]  }
0x246: {  	[tilespmem:v53+s17+$0x0] =	vst.idx.msk vm7, v11;
	v53 =	vadd.s32 v47, v62;
	v7 =	vld [tilespmem:$0x1FEF0];
	_ =	sdelay $0x1  }
0x247: {  	v57 =	vadd.s32 v43, v4;
	v11 =	vld.idx.msk [tilespmem:v54+s14+$0x0], $0xffff  }
0x248: {  	v58 =	vor.u32 v46, v2  }
0x249: {  	v52 =	vadd.s32 v47, v60  }
0x24a: {  	v8 =	vor.u32 v48, v59;
	[tilespmem:v53+s17+$0x0] =	vst.idx.msk vm1, v9;
	v53 =	vcombine.low v7, v0;
	v0 =	vld [tilespmem:$0x1FF20]  }
0x24b: {  	v7 =	vld [tilespmem:$0x1FF30]  }
0x24c: {  	[tilespmem:v57+s17+$0x0] =	vst.idx.msk vm0, v11  }
0x24d: {  	v49 =	vcombine.low v22, v35;
	v55 =	vadd.s32 v47, v4;
	v54 =	vor.u32 v48, v61;
	v12 =	vld.idx.msk [tilespmem:v58+s14+$0x0], $0xffff  }
0x24e: {  	[tilespmem:v52+s17+$0x0] =	vst.idx.msk vm1, v50;
	v16 =	vor.u32 v48, v2  }
0x24f: {  	v56 =	vadd.s32 v49, v60;
	v8 =	vld.idx.msk [tilespmem:v8+s14+$0x0], $0xffff;
	v50 =	vand.u32 $0xF, v20  }
0x250: {  	v57 =	vor.u32 v50, v59;
	v52 =	vand.u32 $0xF, v24;
	v24 =	vcombine.low v0, v7;
	v0 =	vld [tilespmem:$0x1FF60]  }
0x251: {  	v7 =	vld [tilespmem:$0x1FF70]  }
0x252: {  	v58 =	vadd.s32 v49, v62;
	v10 =	vld.idx.msk [tilespmem:v54+s14+$0x0], $0xffff;
	[tilespmem:v55+s17+$0x0] =	vst.idx.msk vm1, v12  }
0x253: {  	v45 =	vmov v43;
	v43 =	vor.u32 v50, v61;
	v13 =	vld.idx.msk [tilespmem:v16+s14+$0x0], $0xffff;
	v16 =	vadd.s32 v49, v4  }
0x254: {  	v20 =	vadd.s32 v49, v5;
	v17 =	vor.u32 v50, v2;
	[tilespmem:v56+s17+$0x0] =	vst.idx.msk vm2, v8  }
0x255: {  	v26 =	vor.u32 v50, v3;
	v56 =	vadd.s32 v51, v60;
	v8 =	vld.idx.msk [tilespmem:v57+s14+$0x0], $0xffff  }
0x256: {  	v57 =	vor.u32 v52, v59;
	v55 =	vcombine.low v0, v7;
	v0 =	vld [tilespmem:$0x1FF40]  }
0x257: {  	[tilespmem:v58+s17+$0x0] =	vst.idx.msk vm2, v10;
	v7 =	vld [tilespmem:$0x1FF50]  }
0x258: {  	v11 =	vld.idx.msk [tilespmem:v43+s14+$0x0], $0xffff;
	[tilespmem:v16+s17+$0x0] =	vst.idx.msk vm2, v13  }
0x259: {  	v58 =	vadd.s32 v51, v62;
	v16 =	vld.idx.msk [tilespmem:v17+s14+$0x0], $0xffff;
	[tilespmem:v20+s17+$0x0] =	vst.idx.msk vm2, v19  }
0x25a: {  	v17 =	vadd.s32 v51, v4;
	v20 =	vld.idx.msk [tilespmem:v26+s14+$0x0], $0xffff;
	v43 =	vor.u32 v52, v61;
	[tilespmem:v56+s17+$0x0] =	vst.idx.msk vm3, v8  }
0x25b: {  	v23 =	vadd.s32 v51, v5;
	v19 =	vor.u32 v52, v2;
	v8 =	vld.idx.msk [tilespmem:v57+s14+$0x0], $0xffff  }
0x25c: {  	v26 =	vor.u32 v52, v3;
	v54 =	vand.u32 $0xF, v24;
	v24 =	vcombine.low v0, v7;
	v0 =	vld [tilespmem:$0x1FF80]  }
0x25d: {  	v57 =	vadd.s32 v53, v60;
	v7 =	vld [tilespmem:$0x1FF90]  }
0x25e: {  	[tilespmem:v58+s17+$0x0] =	vst.idx.msk vm3, v11  }
0x25f: {  	[tilespmem:v17+s17+$0x0] =	vst.idx.msk vm3, v16;
	v12 =	vadd.s32 v53, v62;
	v11 =	vld.idx.msk [tilespmem:v43+s14+$0x0], $0xffff;
	v58 =	vor.u32 v54, v59  }
0x260: {  	v17 =	vadd.s32 v53, v4;
	[tilespmem:v23+s17+$0x0] =	vst.idx.msk vm3, v20;
	v16 =	vld.idx.msk [tilespmem:v19+s14+$0x0], $0xffff;
	v43 =	vor.u32 v54, v61  }
0x261: {  	v23 =	vadd.s32 v53, v5;
	v20 =	vld.idx.msk [tilespmem:v26+s14+$0x0], $0xffff;
	v19 =	vor.u32 v54, v2  }
0x262: {  	v26 =	vor.u32 v54, v3;
	[tilespmem:v57+s17+$0x0] =	vst.idx.msk vm4, v8;
	v57 =	vcombine.low v0, v7;
	v0 =	vld [tilespmem:$0x1FFA0]  }
0x263: {  	v7 =	vld [tilespmem:$0x1FFB0]  }
0x264: {  	[tilespmem:v12+s17+$0x0] =	vst.idx.msk vm4, v11;
	v9 =	vadd.s32 v55, v60;
	v8 =	vld.idx.msk [tilespmem:v58+s14+$0x0], $0xffff;
	v56 =	vand.u32 $0xF, v24  }
0x265: {  	[tilespmem:v17+s17+$0x0] =	vst.idx.msk vm4, v16;
	v12 =	vadd.s32 v55, v62;
	v11 =	vld.idx.msk [tilespmem:v43+s14+$0x0], $0xffff;
	v10 =	vor.u32 v56, v59  }
0x266: {  	[tilespmem:v23+s17+$0x0] =	vst.idx.msk vm4, v20;
	v17 =	vadd.s32 v55, v4;
	v16 =	vld.idx.msk [tilespmem:v19+s14+$0x0], $0xffff;
	v43 =	vor.u32 v56, v61  }
0x267: {  	v23 =	vadd.s32 v55, v5;
	v20 =	vld.idx.msk [tilespmem:v26+s14+$0x0], $0xffff;
	v19 =	vor.u32 v56, v2  }
0x268: {  	v26 =	vor.u32 v56, v3;
	v24 =	vcombine.low v0, v7;
	v0 =	vld [tilespmem:$0x1FFC0]  }
0x269: {  	[tilespmem:v9+s17+$0x0] =	vst.idx.msk vm5, v8;
	v7 =	vld [tilespmem:$0x1FFD0]  }
0x26a: {  	[tilespmem:v12+s17+$0x0] =	vst.idx.msk vm5, v11;
	v9 =	vadd.s32 v57, v60;
	v8 =	vld.idx.msk [tilespmem:v10+s14+$0x0], $0xffff;
	v58 =	vand.u32 $0xF, v24  }
0x26b: {  	[tilespmem:v17+s17+$0x0] =	vst.idx.msk vm5, v16;
	v12 =	vadd.s32 v57, v62;
	v11 =	vld.idx.msk [tilespmem:v43+s14+$0x0], $0xffff;
	v10 =	vor.u32 v58, v59  }
0x26c: {  	[tilespmem:v23+s17+$0x0] =	vst.idx.msk vm5, v20;
	v17 =	vadd.s32 v57, v4;
	v16 =	vld.idx.msk [tilespmem:v19+s14+$0x0], $0xffff;
	v43 =	vor.u32 v58, v61  }
0x26d: {  	v20 =	vadd.s32 v57, v5;
	v19 =	vld.idx.msk [tilespmem:v26+s14+$0x0], $0xffff;
	v2 =	vor.u32 v58, v2  }
0x26e: {  	v3 =	vor.u32 v58, v3;
	v59 =	vcombine.low v0, v7  }
0x26f: {  	[tilespmem:v9+s17+$0x0] =	vst.idx.msk vm6, v8  }
0x270: {  	[tilespmem:v12+s17+$0x0] =	vst.idx.msk vm6, v11;
	v60 =	vadd.s32 v59, v60;
	v8 =	vld.idx.msk [tilespmem:v10+s14+$0x0], $0xffff  }
0x271: {  	[tilespmem:v17+s17+$0x0] =	vst.idx.msk vm6, v16;
	v62 =	vadd.s32 v59, v62;
	v61 =	vld.idx.msk [tilespmem:v43+s14+$0x0], $0xffff  }
0x272: {  	s28 =	sadd.s32 $0x4, s28;
	[tilespmem:v20+s17+$0x0] =	vst.idx.msk vm6, v19;
	v4 =	vadd.s32 v59, v4;
	v2 =	vld.idx.msk [tilespmem:v2+s14+$0x0], $0xffff  }
0x273: {  	p1 =	slt.u32 s28, $0x1C;
	v5 =	vadd.s32 v59, v5;
	v3 =	vld.idx.msk [tilespmem:v3+s14+$0x0], $0xffff  }
.Ltmp2:
0x274: {  	_ = 	snop;
	(pc) =	sbr.rel @p1 .LBB2_3-.Ltmp2, $4  }
0x275: {  	[tilespmem:v60+s17+$0x0] =	vst.idx.msk vm7, v8  }
0x276: {  	[tilespmem:v62+s17+$0x0] =	vst.idx.msk vm7, v61  }
0x277: {  	[tilespmem:v4+s17+$0x0] =	vst.idx.msk vm7, v2  }
0x278: {  	s29 =	sadd.s32 $0x40, s29;
	v31 =	vmov v22;
	v28 =	vmov v14;
	v30 =	vmov v21;
	v26 =	vld [tilespmem:$0x1FE20];
	[tilespmem:v5+s17+$0x0] =	vst.idx.msk vm7, v3  }
0x279: {  	s26 =	smul.u32 $0xA, s26;
	_ =	sdelay $0x1  }
0x27a: {  	p1 =	seq.s32 s23, $0x63;
	s26 =	sadd.s32 s6, s26  }
0x27b: {  	[hbm4b:s26+s3] =	stream.linear.scatter [tilespmem:s17], [sflag:$0x3], $0xA000, $0x38;
	[tilespmem:$0x1BE80] =	vst v63  }
0x27c: {  	s26 =	sadd.s32 @!p1 s24, s9  }
0x27d: {  	s26 =	sshrl.u32 @!p1 s26, $0x3  }
0x27e: {  	s28 =	simm.s32 @!p1 $0x0;
	s29 =	simm.s32 @!p1 $0x3E80;
	s26 =	sadd.s32 @!p1 s0, s26  }
0x27f: {  	[tilespmem:s29], [sflag:$0x1] =	stream.linear.gather @!p1 [hbm4b:s26+s28], $0x2000, $0x38;
	[tilespmem:$0x1BE80] =	vst v63  }
0x280: {  	_ =	swait.ge [sflag:s18], $0x2000  }
0x281: {  	[sflag:s18] =	ssyncset.done $0x0  }
0x282: {  	s26 =	simm.s32 @!p0 $0x4;
	[sflag:s18] =	ssyncadd.s32 $0xFFFFE000  }
0x283: {  	_ =	swait.ge @!p0 [sflag:s26], $0xA000  }
0x284: {  	s25 =	sadd.s32 s25, s10;
	[sflag:s26] =	ssyncset.done @!p0 $0x0;
	v39 =	vld [tilespmem:$0x1FE10]  }
0x285: {  	v21 =	vmov v33;
	v22 =	vmov v1;
	v33 =	vmov v6;
	s28 =	simm.s32 $0x30;
	v43 =	vld [tilespmem:$0x1FFE0];
	[sflag:s26] =	ssyncadd.s32 @!p0 $0xFFFF6000;
	s26 =	simm.s32 $0xFFFFFFFC  }
.LBB2_5:
0x286: {  	s29 =	sadd.s32 $0xFFFFFFD0, s28  }
0x287: {  	v4 =	vor.u32 s29, v25  }
0x288: {  	v60 =	vshll.u32 v4, $0x4  }
0x289: {  	v2 =	vor.u32 $0x8, v60;
	_ =	sdelay $0x3  }
0x28a: {  	v3 =	vld.idx.msk [tilespmem:v60+s15+$0x0], $0xffff  }
0x28b: {  	v2 =	vld.idx.msk [tilespmem:v2+s15+$0x0], $0xffff;
	_ =	sdelay $0x3  }
0x28c: {  	v3 =	vtrunc.f32 v3  }
0x28d: {  	v3 =	vcvt.f32.s32 v3;
	v2 =	vtrunc.f32 v2  }
0x28e: {  	v2 =	vcvt.f32.s32 v2  }
0x28f: {  	vm8 =	vgt.s32 v3, $0x0  }
0x290: {  	v3 =	vnsel vm8, $0x0, v3;
	vm8 =	vgt.s32 v2, $0x0  }
0x291: {  	v3 =	vmin.u32 v3, $0x18F;
	v2 =	vnsel vm8, $0x0, v2  }
0x292: {  	v2 =	vmin.u32 v2, $0x18F;
	v3 =	vmul.u32 $0x28, v3  }
0x293: {  	v2 =	vmul.u32 $0x28, v2;
	_ =	sdelay $0x1  }
0x294: {  	v5 =	vor.u32 $0x1, v3  }
0x295: {  	v9 =	vor.u32 $0x2, v3  }
0x296: {  	v13 =	vor.u32 $0x3, v3  }
0x297: {  	v17 =	vor.u32 $0x4, v3;
	v10 =	vld.idx.msk [tilespmem:v3+s3+$0x0], $0xffff  }
0x298: {  	v20 =	vor.u32 $0x5, v3;
	v12 =	vld.idx.msk [tilespmem:v2+s3+$0x0], $0xffff  }
0x299: {  	v27 =	vor.u32 $0x7, v3;
	v5 =	vld.idx.msk [tilespmem:v5+s3+$0x0], $0xffff  }
0x29a: {  	v8 =	vor.u32 $0x1, v2;
	v9 =	vld.idx.msk [tilespmem:v9+s3+$0x0], $0xffff  }
0x29b: {  	v11 =	vor.u32 $0x2, v2;
	v13 =	vld.idx.msk [tilespmem:v13+s3+$0x0], $0xffff  }
0x29c: {  	v23 =	vor.u32 $0x5, v2;
	v17 =	vld.idx.msk [tilespmem:v17+s3+$0x0], $0xffff  }
0x29d: {  	v24 =	vor.u32 $0x6, v3;
	v20 =	vld.idx.msk [tilespmem:v20+s3+$0x0], $0xffff  }
0x29e: {  	v16 =	vor.u32 $0x3, v2;
	v27 =	vld.idx.msk [tilespmem:v27+s3+$0x0], $0xffff  }
0x29f: {  	v19 =	vor.u32 $0x4, v2;
	v8 =	vld.idx.msk [tilespmem:v8+s3+$0x0], $0xffff  }
0x2a0: {  	v61 =	vmul.u32 $0x50, v4;
	v26 =	vor.u32 $0x6, v2;
	v11 =	vld.idx.msk [tilespmem:v11+s3+$0x0], $0xffff  }
0x2a1: {  	v28 =	vor.u32 $0x7, v2;
	v4 =	vld.idx.msk [tilespmem:v23+s3+$0x0], $0xffff  }
0x2a2: {  	v23 =	vld.idx.msk [tilespmem:v24+s3+$0x0], $0xffff;
	v24 =	vadd.s32 $0x27, v61  }
0x2a3: {  	v29 =	vor.u32 $0x1, v61;
	v16 =	vld.idx.msk [tilespmem:v16+s3+$0x0], $0xffff  }
0x2a4: {  	v30 =	vadd.s32 $0x28, v61;
	v19 =	vld.idx.msk [tilespmem:v19+s3+$0x0], $0xffff  }
0x2a5: {  	v31 =	vor.u32 $0x2, v61;
	v26 =	vld.idx.msk [tilespmem:v26+s3+$0x0], $0xffff  }
0x2a6: {  	v35 =	vadd.s32 $0x29, v61;
	v28 =	vld.idx.msk [tilespmem:v28+s3+$0x0], $0xffff;
	[tilespmem:v61+s19+$0x0] =	vst.idx.msk $0xffff, v10  }
0x2a7: {  	v62 =	vor.u32 $0x3, v61;
	[tilespmem:v24+s19+$0x0] =	vst.idx.msk $0xffff, v12  }
0x2a8: {  	v63 =	vadd.s32 $0x2A, v61;
	[tilespmem:v29+s19+$0x0] =	vst.idx.msk $0xffff, v5  }
0x2a9: {  	v0 =	vor.u32 $0x4, v61;
	[tilespmem:v30+s19+$0x0] =	vst.idx.msk $0xffff, v8  }
0x2aa: {  	v1 =	vadd.s32 $0x2B, v61;
	[tilespmem:v31+s19+$0x0] =	vst.idx.msk $0xffff, v9  }
0x2ab: {  	v14 =	vor.u32 $0x5, v61;
	[tilespmem:v35+s19+$0x0] =	vst.idx.msk $0xffff, v11  }
0x2ac: {  	v15 =	vadd.s32 $0x2C, v61;
	[tilespmem:v62+s19+$0x0] =	vst.idx.msk $0xffff, v13  }
0x2ad: {  	v30 =	vor.u32 $0x6, v61;
	[tilespmem:v63+s19+$0x0] =	vst.idx.msk $0xffff, v16  }
0x2ae: {  	v31 =	vadd.s32 $0x2D, v61;
	[tilespmem:v0+s19+$0x0] =	vst.idx.msk $0xffff, v17  }
0x2af: {  	v35 =	vor.u32 $0x7, v61;
	[tilespmem:v1+s19+$0x0] =	vst.idx.msk $0xffff, v19  }
0x2b0: {  	v62 =	vadd.s32 $0x2E, v61;
	[tilespmem:v14+s19+$0x0] =	vst.idx.msk $0xffff, v20  }
0x2b1: {  	v63 =	vadd.s32 $0x8, v3;
	[tilespmem:v15+s19+$0x0] =	vst.idx.msk $0xffff, v4  }
0x2b2: {  	v0 =	vadd.s32 $0x8, v2;
	[tilespmem:v30+s19+$0x0] =	vst.idx.msk $0xffff, v23  }
0x2b3: {  	v1 =	vadd.s32 $0x9, v3;
	[tilespmem:v31+s19+$0x0] =	vst.idx.msk $0xffff, v26  }
0x2b4: {  	v16 =	vadd.s32 $0xC, v3;
	[tilespmem:v35+s19+$0x0] =	vst.idx.msk $0xffff, v27  }
0x2b5: {  	v17 =	vadd.s32 $0xC, v2;
	[tilespmem:v62+s19+$0x0] =	vst.idx.msk $0xffff, v28  }
0x2b6: {  	v19 =	vadd.s32 $0xD, v3;
	v4 =	vld.idx.msk [tilespmem:v63+s3+$0x0], $0xffff  }
0x2b7: {  	v20 =	vadd.s32 $0xD, v2;
	v5 =	vld.idx.msk [tilespmem:v0+s3+$0x0], $0xffff  }
0x2b8: {  	v24 =	vadd.s32 $0xE, v2;
	v8 =	vld.idx.msk [tilespmem:v1+s3+$0x0], $0xffff  }
0x2b9: {  	v30 =	vadd.s32 $0x9, v2;
	v16 =	vld.idx.msk [tilespmem:v16+s3+$0x0], $0xffff  }
0x2ba: {  	v23 =	vadd.s32 $0xE, v3;
	v17 =	vld.idx.msk [tilespmem:v17+s3+$0x0], $0xffff  }
0x2bb: {  	v31 =	vadd.s32 $0xA, v3;
	v19 =	vld.idx.msk [tilespmem:v19+s3+$0x0], $0xffff  }
0x2bc: {  	v26 =	vadd.s32 $0xF, v3;
	v20 =	vld.idx.msk [tilespmem:v20+s3+$0x0], $0xffff  }
0x2bd: {  	v35 =	vadd.s32 $0xA, v2;
	v24 =	vld.idx.msk [tilespmem:v24+s3+$0x0], $0xffff  }
0x2be: {  	v27 =	vadd.s32 $0xF, v2;
	v9 =	vld.idx.msk [tilespmem:v30+s3+$0x0], $0xffff  }
0x2bf: {  	v62 =	vadd.s32 $0xB, v3;
	v23 =	vld.idx.msk [tilespmem:v23+s3+$0x0], $0xffff  }
0x2c0: {  	v28 =	vor.u32 $0x8, v61;
	v63 =	vadd.s32 $0xB, v2;
	v10 =	vld.idx.msk [tilespmem:v31+s3+$0x0], $0xffff  }
0x2c1: {  	v29 =	vadd.s32 $0x2F, v61;
	v26 =	vld.idx.msk [tilespmem:v26+s3+$0x0], $0xffff  }
0x2c2: {  	v0 =	vor.u32 $0x9, v61;
	v11 =	vld.idx.msk [tilespmem:v35+s3+$0x0], $0xffff  }
0x2c3: {  	v1 =	vadd.s32 $0x30, v61;
	v27 =	vld.idx.msk [tilespmem:v27+s3+$0x0], $0xffff  }
0x2c4: {  	v35 =	vor.u32 $0xA, v61;
	v12 =	vld.idx.msk [tilespmem:v62+s3+$0x0], $0xffff  }
0x2c5: {  	v14 =	vadd.s32 $0x31, v61;
	v13 =	vld.idx.msk [tilespmem:v63+s3+$0x0], $0xffff;
	[tilespmem:v28+s19+$0x0] =	vst.idx.msk $0xffff, v4  }
0x2c6: {  	v15 =	vor.u32 $0xB, v61;
	[tilespmem:v29+s19+$0x0] =	vst.idx.msk $0xffff, v5  }
0x2c7: {  	v62 =	vadd.s32 $0x32, v61;
	[tilespmem:v0+s19+$0x0] =	vst.idx.msk $0xffff, v8  }
0x2c8: {  	v63 =	vor.u32 $0xC, v61;
	[tilespmem:v1+s19+$0x0] =	vst.idx.msk $0xffff, v9  }
0x2c9: {  	v0 =	vadd.s32 $0x33, v61;
	[tilespmem:v35+s19+$0x0] =	vst.idx.msk $0xffff, v10  }
0x2ca: {  	v1 =	vor.u32 $0xD, v61;
	[tilespmem:v14+s19+$0x0] =	vst.idx.msk $0xffff, v11  }
0x2cb: {  	v14 =	vadd.s32 $0x34, v61;
	[tilespmem:v15+s19+$0x0] =	vst.idx.msk $0xffff, v12  }
0x2cc: {  	v15 =	vor.u32 $0xE, v61;
	[tilespmem:v62+s19+$0x0] =	vst.idx.msk $0xffff, v13  }
0x2cd: {  	v30 =	vadd.s32 $0x35, v61;
	[tilespmem:v63+s19+$0x0] =	vst.idx.msk $0xffff, v16  }
0x2ce: {  	v31 =	vor.u32 $0xF, v61;
	[tilespmem:v0+s19+$0x0] =	vst.idx.msk $0xffff, v17  }
0x2cf: {  	v35 =	vadd.s32 $0x36, v61;
	[tilespmem:v1+s19+$0x0] =	vst.idx.msk $0xffff, v19  }
0x2d0: {  	v62 =	vadd.s32 $0x10, v3;
	[tilespmem:v14+s19+$0x0] =	vst.idx.msk $0xffff, v20  }
0x2d1: {  	v63 =	vadd.s32 $0x10, v2;
	[tilespmem:v15+s19+$0x0] =	vst.idx.msk $0xffff, v23  }
0x2d2: {  	v0 =	vadd.s32 $0x11, v3;
	[tilespmem:v30+s19+$0x0] =	vst.idx.msk $0xffff, v24  }
0x2d3: {  	v1 =	vadd.s32 $0x11, v2;
	[tilespmem:v31+s19+$0x0] =	vst.idx.msk $0xffff, v26  }
0x2d4: {  	v16 =	vadd.s32 $0x14, v3;
	[tilespmem:v35+s19+$0x0] =	vst.idx.msk $0xffff, v27  }
0x2d5: {  	v17 =	vadd.s32 $0x14, v2;
	v5 =	vld.idx.msk [tilespmem:v62+s3+$0x0], $0xffff  }
0x2d6: {  	v19 =	vadd.s32 $0x15, v3;
	v8 =	vld.idx.msk [tilespmem:v63+s3+$0x0], $0xffff  }
0x2d7: {  	v20 =	vadd.s32 $0x15, v2;
	v9 =	vld.idx.msk [tilespmem:v0+s3+$0x0], $0xffff  }
0x2d8: {  	v23 =	vadd.s32 $0x16, v3;
	v10 =	vld.idx.msk [tilespmem:v1+s3+$0x0], $0xffff  }
0x2d9: {  	v30 =	vadd.s32 $0x12, v3;
	v16 =	vld.idx.msk [tilespmem:v16+s3+$0x0], $0xffff  }
0x2da: {  	v24 =	vadd.s32 $0x16, v2;
	v17 =	vld.idx.msk [tilespmem:v17+s3+$0x0], $0xffff  }
0x2db: {  	v31 =	vadd.s32 $0x12, v2;
	v19 =	vld.idx.msk [tilespmem:v19+s3+$0x0], $0xffff  }
0x2dc: {  	v26 =	vadd.s32 $0x17, v3;
	v20 =	vld.idx.msk [tilespmem:v20+s3+$0x0], $0xffff  }
0x2dd: {  	v35 =	vadd.s32 $0x13, v3;
	v23 =	vld.idx.msk [tilespmem:v23+s3+$0x0], $0xffff  }
0x2de: {  	v27 =	vadd.s32 $0x17, v2;
	v4 =	vld.idx.msk [tilespmem:v30+s3+$0x0], $0xffff  }
0x2df: {  	v28 =	vadd.s32 $0x10, v61;
	v62 =	vadd.s32 $0x13, v2;
	v24 =	vld.idx.msk [tilespmem:v24+s3+$0x0], $0xffff  }
0x2e0: {  	v29 =	vadd.s32 $0x37, v61;
	v11 =	vld.idx.msk [tilespmem:v31+s3+$0x0], $0xffff  }
0x2e1: {  	v63 =	vadd.s32 $0x11, v61;
	v26 =	vld.idx.msk [tilespmem:v26+s3+$0x0], $0xffff  }
0x2e2: {  	v0 =	vadd.s32 $0x38, v61;
	v12 =	vld.idx.msk [tilespmem:v35+s3+$0x0], $0xffff  }
0x2e3: {  	v1 =	vadd.s32 $0x12, v61;
	v27 =	vld.idx.msk [tilespmem:v27+s3+$0x0], $0xffff  }
0x2e4: {  	v14 =	vadd.s32 $0x39, v61;
	v13 =	vld.idx.msk [tilespmem:v62+s3+$0x0], $0xffff;
	[tilespmem:v28+s19+$0x0] =	vst.idx.msk $0xffff, v5  }
0x2e5: {  	v15 =	vadd.s32 $0x13, v61;
	[tilespmem:v29+s19+$0x0] =	vst.idx.msk $0xffff, v8  }
0x2e6: {  	v62 =	vadd.s32 $0x3A, v61;
	[tilespmem:v63+s19+$0x0] =	vst.idx.msk $0xffff, v9  }
0x2e7: {  	v63 =	vadd.s32 $0x14, v61;
	[tilespmem:v0+s19+$0x0] =	vst.idx.msk $0xffff, v10  }
0x2e8: {  	v0 =	vadd.s32 $0x3B, v61;
	[tilespmem:v1+s19+$0x0] =	vst.idx.msk $0xffff, v4  }
0x2e9: {  	v1 =	vadd.s32 $0x15, v61;
	[tilespmem:v14+s19+$0x0] =	vst.idx.msk $0xffff, v11  }
0x2ea: {  	v14 =	vadd.s32 $0x3C, v61;
	[tilespmem:v15+s19+$0x0] =	vst.idx.msk $0xffff, v12  }
0x2eb: {  	v15 =	vadd.s32 $0x16, v61;
	[tilespmem:v62+s19+$0x0] =	vst.idx.msk $0xffff, v13  }
0x2ec: {  	v30 =	vadd.s32 $0x3D, v61;
	[tilespmem:v63+s19+$0x0] =	vst.idx.msk $0xffff, v16  }
0x2ed: {  	v31 =	vadd.s32 $0x17, v61;
	[tilespmem:v0+s19+$0x0] =	vst.idx.msk $0xffff, v17  }
0x2ee: {  	v35 =	vadd.s32 $0x3E, v61;
	[tilespmem:v1+s19+$0x0] =	vst.idx.msk $0xffff, v19  }
0x2ef: {  	v62 =	vadd.s32 $0x18, v3;
	[tilespmem:v14+s19+$0x0] =	vst.idx.msk $0xffff, v20  }
0x2f0: {  	v63 =	vadd.s32 $0x18, v2;
	[tilespmem:v15+s19+$0x0] =	vst.idx.msk $0xffff, v23  }
0x2f1: {  	v0 =	vadd.s32 $0x19, v3;
	[tilespmem:v30+s19+$0x0] =	vst.idx.msk $0xffff, v24  }
0x2f2: {  	v1 =	vadd.s32 $0x19, v2;
	[tilespmem:v31+s19+$0x0] =	vst.idx.msk $0xffff, v26  }
0x2f3: {  	v16 =	vadd.s32 $0x1C, v3;
	[tilespmem:v35+s19+$0x0] =	vst.idx.msk $0xffff, v27  }
0x2f4: {  	v17 =	vadd.s32 $0x1C, v2;
	v8 =	vld.idx.msk [tilespmem:v62+s3+$0x0], $0xffff  }
0x2f5: {  	v19 =	vadd.s32 $0x1D, v3;
	v9 =	vld.idx.msk [tilespmem:v63+s3+$0x0], $0xffff  }
0x2f6: {  	v20 =	vadd.s32 $0x1D, v2;
	v10 =	vld.idx.msk [tilespmem:v0+s3+$0x0], $0xffff  }
0x2f7: {  	v23 =	vadd.s32 $0x1E, v3;
	v4 =	vld.idx.msk [tilespmem:v1+s3+$0x0], $0xffff  }
0x2f8: {  	v30 =	vadd.s32 $0x1A, v3;
	v16 =	vld.idx.msk [tilespmem:v16+s3+$0x0], $0xffff  }
0x2f9: {  	v24 =	vadd.s32 $0x1E, v2;
	v17 =	vld.idx.msk [tilespmem:v17+s3+$0x0], $0xffff  }
0x2fa: {  	v31 =	vadd.s32 $0x1A, v2;
	v19 =	vld.idx.msk [tilespmem:v19+s3+$0x0], $0xffff  }
0x2fb: {  	v35 =	vadd.s32 $0x1B, v3;
	v20 =	vld.idx.msk [tilespmem:v20+s3+$0x0], $0xffff  }
0x2fc: {  	v3 =	vadd.s32 $0x1F, v3;
	v23 =	vld.idx.msk [tilespmem:v23+s3+$0x0], $0xffff  }
0x2fd: {  	v62 =	vadd.s32 $0x1B, v2;
	v5 =	vld.idx.msk [tilespmem:v30+s3+$0x0], $0xffff  }
0x2fe: {  	v26 =	vadd.s32 $0x18, v61;
	v2 =	vadd.s32 $0x1F, v2;
	v24 =	vld.idx.msk [tilespmem:v24+s3+$0x0], $0xffff  }
0x2ff: {  	v27 =	vadd.s32 $0x3F, v61;
	v11 =	vld.idx.msk [tilespmem:v31+s3+$0x0], $0xffff  }
0x300: {  	v28 =	vadd.s32 $0x19, v61;
	v12 =	vld.idx.msk [tilespmem:v35+s3+$0x0], $0xffff  }
0x301: {  	v29 =	vadd.s32 $0x40, v61;
	v3 =	vld.idx.msk [tilespmem:v3+s3+$0x0], $0xffff  }
0x302: {  	v63 =	vadd.s32 $0x1A, v61;
	v13 =	vld.idx.msk [tilespmem:v62+s3+$0x0], $0xffff  }
0x303: {  	v0 =	vadd.s32 $0x41, v61;
	v2 =	vld.idx.msk [tilespmem:v2+s3+$0x0], $0xffff;
	[tilespmem:v26+s19+$0x0] =	vst.idx.msk $0xffff, v8  }
0x304: {  	v1 =	vadd.s32 $0x1B, v61;
	[tilespmem:v27+s19+$0x0] =	vst.idx.msk $0xffff, v9  }
0x305: {  	v14 =	vadd.s32 $0x42, v61;
	[tilespmem:v28+s19+$0x0] =	vst.idx.msk $0xffff, v10  }
0x306: {  	v15 =	vadd.s32 $0x1C, v61;
	[tilespmem:v29+s19+$0x0] =	vst.idx.msk $0xffff, v4  }
0x307: {  	v30 =	vadd.s32 $0x43, v61;
	[tilespmem:v63+s19+$0x0] =	vst.idx.msk $0xffff, v5  }
0x308: {  	v31 =	vadd.s32 $0x1D, v61;
	[tilespmem:v0+s19+$0x0] =	vst.idx.msk $0xffff, v11  }
0x309: {  	v35 =	vadd.s32 $0x44, v61;
	[tilespmem:v1+s19+$0x0] =	vst.idx.msk $0xffff, v12  }
0x30a: {  	v62 =	vadd.s32 $0x1E, v61;
	[tilespmem:v14+s19+$0x0] =	vst.idx.msk $0xffff, v13  }
0x30b: {  	v63 =	vadd.s32 $0x45, v61;
	[tilespmem:v15+s19+$0x0] =	vst.idx.msk $0xffff, v16  }
0x30c: {  	v0 =	vadd.s32 $0x1F, v61;
	[tilespmem:v30+s19+$0x0] =	vst.idx.msk $0xffff, v17  }
0x30d: {  	v1 =	vadd.s32 $0x46, v61;
	[tilespmem:v31+s19+$0x0] =	vst.idx.msk $0xffff, v19  }
0x30e: {  	v12 =	vor.u32 v25, v60;
	[tilespmem:v35+s19+$0x0] =	vst.idx.msk $0xffff, v20  }
0x30f: {  	[tilespmem:v62+s19+$0x0] =	vst.idx.msk $0xffff, v23  }
0x310: {  	[tilespmem:v63+s19+$0x0] =	vst.idx.msk $0xffff, v24  }
0x311: {  	[tilespmem:v0+s19+$0x0] =	vst.idx.msk $0xffff, v3  }
0x312: {  	[tilespmem:v1+s19+$0x0] =	vst.idx.msk $0xffff, v2  }
0x313: {  	v13 =	vadd.s32 v32, v61;
	v2 =	vld.idx.msk [tilespmem:v12+s15+$0x0], $0xffff  }
0x314: {  	v14 =	vor.u32 v18, v60;
	_ =	sdelay $0x3  }
0x315: {  	[tilespmem:v13+s19+$0x0] =	vst.idx.msk vm0, v2  }
0x316: {  	v15 =	vadd.s32 v34, v61;
	v2 =	vld.idx.msk [tilespmem:v14+s15+$0x0], $0xffff  }
0x317: {  	v30 =	vor.u32 v41, v60;
	_ =	sdelay $0x3  }
0x318: {  	[tilespmem:v15+s19+$0x0] =	vst.idx.msk vm1, v2  }
0x319: {  	v31 =	vadd.s32 v42, v61;
	v2 =	vld.idx.msk [tilespmem:v30+s15+$0x0], $0xffff  }
0x31a: {  	v35 =	vor.u32 v38, v60;
	_ =	sdelay $0x3  }
0x31b: {  	[tilespmem:v31+s19+$0x0] =	vst.idx.msk vm2, v2  }
0x31c: {  	v38 =	vadd.s32 v36, v61;
	v2 =	vld.idx.msk [tilespmem:v35+s15+$0x0], $0xffff  }
0x31d: {  	v62 =	vor.u32 v37, v60;
	_ =	sdelay $0x3  }
0x31e: {  	[tilespmem:v38+s19+$0x0] =	vst.idx.msk vm3, v2  }
0x31f: {  	v63 =	vadd.s32 v40, v61;
	v2 =	vld.idx.msk [tilespmem:v62+s15+$0x0], $0xffff  }
0x320: {  	v8 =	vor.u32 v21, v60;
	_ =	sdelay $0x3  }
0x321: {  	[tilespmem:v63+s19+$0x0] =	vst.idx.msk vm4, v2  }
0x322: {  	s30 =	sadd.s32 $0xFFFFFFE0, s28;
	v9 =	vadd.s32 v22, v61;
	v2 =	vld.idx.msk [tilespmem:v8+s15+$0x0], $0xffff  }
0x323: {  	v10 =	vor.u32 v33, v60;
	v8 =	vor.u32 s30, v25  }
0x324: {  	v62 =	vshll.u32 v8, $0x4  }
0x325: {  	v0 =	vld [tilespmem:$0x1FFF0]  }
0x326: {  	v31 =	vor.u32 $0x8, v62  }
0x327: {  	[tilespmem:v9+s19+$0x0] =	vst.idx.msk vm5, v2  }
0x328: {  	v2 =	vld.idx.msk [tilespmem:v10+s15+$0x0], $0xffff  }
0x329: {  	v11 =	vadd.s32 v39, v61;
	v35 =	vld.idx.msk [tilespmem:v62+s15+$0x0], $0xffff  }
0x32a: {  	v12 =	vor.u32 v0, v60  }
0x32b: {  	v36 =	vld.idx.msk [tilespmem:v31+s15+$0x0], $0xffff;
	_ =	sdelay $0x2  }
0x32c: {  	[tilespmem:v11+s19+$0x0] =	vst.idx.msk vm6, v2;
	v3 =	vtrunc.f32 v35  }
0x32d: {  	v13 =	vadd.s32 v43, v61;
	v2 =	vld.idx.msk [tilespmem:v12+s15+$0x0], $0xffff;
	v3 =	vcvt.f32.s32 v3  }
0x32e: {  	v14 =	vor.u32 v44, v60;
	v4 =	vtrunc.f32 v36  }
0x32f: {  	v4 =	vcvt.f32.s32 v4;
	vm8 =	vgt.s32 v3, $0x0  }
0x330: {  	v3 =	vnsel vm8, $0x0, v3  }
0x331: {  	vm8 =	vgt.s32 v4, $0x0;
	v3 =	vmin.u32 v3, $0x18F  }
0x332: {  	v4 =	vnsel vm8, $0x0, v4;
	[tilespmem:v13+s19+$0x0] =	vst.idx.msk vm7, v2;
	v5 =	vmul.u32 $0x28, v3  }
0x333: {  	v15 =	vadd.s32 v45, v61;
	v4 =	vmin.u32 v4, $0x18F;
	v2 =	vld.idx.msk [tilespmem:v14+s15+$0x0], $0xffff  }
0x334: {  	v30 =	vor.u32 v46, v60;
	v4 =	vmul.u32 $0x28, v4;
	_ =	sdelay $0x1  }
0x335: {  	v3 =	vor.u32 $0x1, v5  }
0x336: {  	v38 =	vor.u32 $0x2, v5  }
0x337: {  	v16 =	vor.u32 $0x3, v5;
	[tilespmem:v15+s19+$0x0] =	vst.idx.msk vm0, v2;
	v39 =	vld.idx.msk [tilespmem:v5+s3+$0x0], $0xffff  }
0x338: {  	v37 =	vor.u32 $0x1, v4;
	v33 =	vld.idx.msk [tilespmem:v30+s15+$0x0], $0xffff  }
0x339: {  	v40 =	vor.u32 $0x2, v4;
	v43 =	vld.idx.msk [tilespmem:v4+s3+$0x0], $0xffff  }
0x33a: {  	v17 =	vor.u32 $0x3, v4;
	v3 =	vld.idx.msk [tilespmem:v3+s3+$0x0], $0xffff  }
0x33b: {  	v19 =	vor.u32 $0x4, v5;
	v10 =	vld.idx.msk [tilespmem:v38+s3+$0x0], $0xffff  }
0x33c: {  	v20 =	vor.u32 $0x4, v4;
	v16 =	vld.idx.msk [tilespmem:v16+s3+$0x0], $0xffff  }
0x33d: {  	v24 =	vor.u32 $0x5, v4;
	v9 =	vld.idx.msk [tilespmem:v37+s3+$0x0], $0xffff  }
0x33e: {  	v26 =	vor.u32 $0x6, v5;
	v12 =	vld.idx.msk [tilespmem:v40+s3+$0x0], $0xffff  }
0x33f: {  	v23 =	vor.u32 $0x5, v5;
	v17 =	vld.idx.msk [tilespmem:v17+s3+$0x0], $0xffff;
	[tilespmem:$0x1FD90] =	vst v33  }
0x340: {  	v27 =	vor.u32 $0x6, v4;
	v19 =	vld.idx.msk [tilespmem:v19+s3+$0x0], $0xffff  }
0x341: {  	v63 =	vmul.u32 $0x50, v8;
	v28 =	vor.u32 $0x7, v5;
	v20 =	vld.idx.msk [tilespmem:v20+s3+$0x0], $0xffff  }
0x342: {  	v29 =	vor.u32 $0x7, v4;
	v8 =	vld.idx.msk [tilespmem:v24+s3+$0x0], $0xffff  }
0x343: {  	v24 =	vld.idx.msk [tilespmem:v26+s3+$0x0], $0xffff;
	v26 =	vadd.s32 $0x27, v63  }
0x344: {  	v6 =	vor.u32 $0x1, v63;
	v23 =	vld.idx.msk [tilespmem:v23+s3+$0x0], $0xffff  }
0x345: {  	v7 =	vadd.s32 $0x28, v63;
	v27 =	vld.idx.msk [tilespmem:v27+s3+$0x0], $0xffff  }
0x346: {  	v36 =	vor.u32 $0x2, v63;
	v28 =	vld.idx.msk [tilespmem:v28+s3+$0x0], $0xffff  }
0x347: {  	v37 =	vadd.s32 $0x29, v63;
	v29 =	vld.idx.msk [tilespmem:v29+s3+$0x0], $0xffff;
	[tilespmem:v63+s19+$0x0] =	vst.idx.msk $0xffff, v39  }
0x348: {  	v38 =	vor.u32 $0x3, v63;
	[tilespmem:v26+s19+$0x0] =	vst.idx.msk $0xffff, v43  }
0x349: {  	v39 =	vadd.s32 $0x2A, v63;
	[tilespmem:v6+s19+$0x0] =	vst.idx.msk $0xffff, v3  }
0x34a: {  	v40 =	vor.u32 $0x4, v63;
	[tilespmem:v7+s19+$0x0] =	vst.idx.msk $0xffff, v9  }
0x34b: {  	v43 =	vadd.s32 $0x2B, v63;
	[tilespmem:v36+s19+$0x0] =	vst.idx.msk $0xffff, v10  }
0x34c: {  	v6 =	vor.u32 $0x5, v63;
	[tilespmem:v37+s19+$0x0] =	vst.idx.msk $0xffff, v12  }
0x34d: {  	v7 =	vadd.s32 $0x2C, v63;
	[tilespmem:v38+s19+$0x0] =	vst.idx.msk $0xffff, v16  }
0x34e: {  	v30 =	vor.u32 $0x6, v63;
	[tilespmem:v39+s19+$0x0] =	vst.idx.msk $0xffff, v17  }
0x34f: {  	v31 =	vadd.s32 $0x2D, v63;
	[tilespmem:v40+s19+$0x0] =	vst.idx.msk $0xffff, v19  }
0x350: {  	v33 =	vor.u32 $0x7, v63;
	[tilespmem:v43+s19+$0x0] =	vst.idx.msk $0xffff, v20  }
0x351: {  	v35 =	vadd.s32 $0x2E, v63;
	[tilespmem:v6+s19+$0x0] =	vst.idx.msk $0xffff, v23  }
0x352: {  	v36 =	vadd.s32 $0x8, v5;
	[tilespmem:v7+s19+$0x0] =	vst.idx.msk $0xffff, v8  }
0x353: {  	v37 =	vadd.s32 $0x8, v4;
	[tilespmem:v30+s19+$0x0] =	vst.idx.msk $0xffff, v24  }
0x354: {  	v38 =	vadd.s32 $0x9, v5;
	[tilespmem:v31+s19+$0x0] =	vst.idx.msk $0xffff, v27  }
0x355: {  	v39 =	vadd.s32 $0x9, v4;
	[tilespmem:v33+s19+$0x0] =	vst.idx.msk $0xffff, v28  }
0x356: {  	v40 =	vadd.s32 $0xA, v5;
	[tilespmem:v35+s19+$0x0] =	vst.idx.msk $0xffff, v29  }
0x357: {  	v43 =	vadd.s32 $0xA, v4;
	v8 =	vld.idx.msk [tilespmem:v36+s3+$0x0], $0xffff  }
0x358: {  	v1 =	vadd.s32 $0xB, v5;
	v3 =	vld.idx.msk [tilespmem:v37+s3+$0x0], $0xffff  }
0x359: {  	v16 =	vadd.s32 $0xB, v4;
	v9 =	vld.idx.msk [tilespmem:v38+s3+$0x0], $0xffff  }
0x35a: {  	v17 =	vadd.s32 $0xC, v5;
	v10 =	vld.idx.msk [tilespmem:v39+s3+$0x0], $0xffff  }
0x35b: {  	v19 =	vadd.s32 $0xC, v4;
	v11 =	vld.idx.msk [tilespmem:v40+s3+$0x0], $0xffff  }
0x35c: {  	v20 =	vadd.s32 $0xD, v5;
	v12 =	vld.idx.msk [tilespmem:v43+s3+$0x0], $0xffff  }
0x35d: {  	v23 =	vadd.s32 $0xD, v4;
	v13 =	vld.idx.msk [tilespmem:v1+s3+$0x0], $0xffff  }
0x35e: {  	v26 =	vadd.s32 $0xE, v4;
	v16 =	vld.idx.msk [tilespmem:v16+s3+$0x0], $0xffff  }
0x35f: {  	v24 =	vadd.s32 $0xE, v5;
	v17 =	vld.idx.msk [tilespmem:v17+s3+$0x0], $0xffff  }
0x360: {  	v27 =	vadd.s32 $0xF, v5;
	v19 =	vld.idx.msk [tilespmem:v19+s3+$0x0], $0xffff  }
0x361: {  	v28 =	vadd.s32 $0xF, v4;
	v29 =	vor.u32 $0x8, v63;
	v20 =	vld.idx.msk [tilespmem:v20+s3+$0x0], $0xffff  }
0x362: {  	v2 =	vadd.s32 $0x2F, v63;
	v23 =	vld.idx.msk [tilespmem:v23+s3+$0x0], $0xffff  }
0x363: {  	v14 =	vor.u32 $0x9, v63;
	v26 =	vld.idx.msk [tilespmem:v26+s3+$0x0], $0xffff  }
0x364: {  	v15 =	vadd.s32 $0x30, v63;
	v24 =	vld.idx.msk [tilespmem:v24+s3+$0x0], $0xffff  }
0x365: {  	v33 =	vor.u32 $0xA, v63;
	v27 =	vld.idx.msk [tilespmem:v27+s3+$0x0], $0xffff  }
0x366: {  	v37 =	vadd.s32 $0x31, v63;
	v28 =	vld.idx.msk [tilespmem:v28+s3+$0x0], $0xffff;
	[tilespmem:v29+s19+$0x0] =	vst.idx.msk $0xffff, v8  }
0x367: {  	v38 =	vor.u32 $0xB, v63;
	[tilespmem:v2+s19+$0x0] =	vst.idx.msk $0xffff, v3  }
0x368: {  	v39 =	vadd.s32 $0x32, v63;
	[tilespmem:v14+s19+$0x0] =	vst.idx.msk $0xffff, v9  }
0x369: {  	v40 =	vor.u32 $0xC, v63;
	[tilespmem:v15+s19+$0x0] =	vst.idx.msk $0xffff, v10  }
0x36a: {  	v43 =	vadd.s32 $0x33, v63;
	[tilespmem:v33+s19+$0x0] =	vst.idx.msk $0xffff, v11  }
0x36b: {  	[tilespmem:v37+s19+$0x0] =	vst.idx.msk $0xffff, v12;
	v12 =	vor.u32 $0xD, v63  }
0x36c: {  	[tilespmem:v38+s19+$0x0] =	vst.idx.msk $0xffff, v13;
	v13 =	vadd.s32 $0x34, v63  }
0x36d: {  	v14 =	vor.u32 $0xE, v63;
	[tilespmem:v39+s19+$0x0] =	vst.idx.msk $0xffff, v16  }
0x36e: {  	v15 =	vadd.s32 $0x35, v63;
	[tilespmem:v40+s19+$0x0] =	vst.idx.msk $0xffff, v17  }
0x36f: {  	v30 =	vor.u32 $0xF, v63;
	[tilespmem:v43+s19+$0x0] =	vst.idx.msk $0xffff, v19  }
0x370: {  	v31 =	vadd.s32 $0x36, v63;
	[tilespmem:v12+s19+$0x0] =	vst.idx.msk $0xffff, v20  }
0x371: {  	v33 =	vadd.s32 $0x10, v5;
	[tilespmem:v13+s19+$0x0] =	vst.idx.msk $0xffff, v23  }
0x372: {  	v35 =	vadd.s32 $0x10, v4;
	[tilespmem:v14+s19+$0x0] =	vst.idx.msk $0xffff, v24  }
0x373: {  	v36 =	vadd.s32 $0x11, v5;
	[tilespmem:v15+s19+$0x0] =	vst.idx.msk $0xffff, v26  }
0x374: {  	v37 =	vadd.s32 $0x11, v4;
	[tilespmem:v30+s19+$0x0] =	vst.idx.msk $0xffff, v27  }
0x375: {  	v38 =	vadd.s32 $0x12, v5;
	[tilespmem:v31+s19+$0x0] =	vst.idx.msk $0xffff, v28  }
0x376: {  	v39 =	vadd.s32 $0x12, v4;
	v3 =	vld.idx.msk [tilespmem:v33+s3+$0x0], $0xffff  }
0x377: {  	v40 =	vadd.s32 $0x13, v5;
	v9 =	vld.idx.msk [tilespmem:v35+s3+$0x0], $0xffff  }
0x378: {  	v16 =	vadd.s32 $0x13, v4;
	v10 =	vld.idx.msk [tilespmem:v36+s3+$0x0], $0xffff  }
0x379: {  	v17 =	vadd.s32 $0x14, v5;
	v11 =	vld.idx.msk [tilespmem:v37+s3+$0x0], $0xffff  }
0x37a: {  	v19 =	vadd.s32 $0x14, v4;
	v8 =	vld.idx.msk [tilespmem:v38+s3+$0x0], $0xffff  }
0x37b: {  	v20 =	vadd.s32 $0x15, v5;
	v12 =	vld.idx.msk [tilespmem:v39+s3+$0x0], $0xffff  }
0x37c: {  	v23 =	vadd.s32 $0x15, v4;
	v13 =	vld.idx.msk [tilespmem:v40+s3+$0x0], $0xffff  }
0x37d: {  	v24 =	vadd.s32 $0x16, v5;
	v16 =	vld.idx.msk [tilespmem:v16+s3+$0x0], $0xffff  }
0x37e: {  	v26 =	vadd.s32 $0x16, v4;
	v17 =	vld.idx.msk [tilespmem:v17+s3+$0x0], $0xffff  }
0x37f: {  	v27 =	vadd.s32 $0x17, v5;
	v19 =	vld.idx.msk [tilespmem:v19+s3+$0x0], $0xffff  }
0x380: {  	v29 =	vadd.s32 $0x10, v63;
	v28 =	vadd.s32 $0x17, v4;
	v20 =	vld.idx.msk [tilespmem:v20+s3+$0x0], $0xffff  }
0x381: {  	v43 =	vadd.s32 $0x37, v63;
	v23 =	vld.idx.msk [tilespmem:v23+s3+$0x0], $0xffff  }
0x382: {  	v6 =	vadd.s32 $0x11, v63;
	v24 =	vld.idx.msk [tilespmem:v24+s3+$0x0], $0xffff  }
0x383: {  	v7 =	vadd.s32 $0x38, v63;
	v26 =	vld.idx.msk [tilespmem:v26+s3+$0x0], $0xffff  }
0x384: {  	v14 =	vadd.s32 $0x12, v63;
	v27 =	vld.idx.msk [tilespmem:v27+s3+$0x0], $0xffff  }
0x385: {  	v15 =	vadd.s32 $0x39, v63;
	v28 =	vld.idx.msk [tilespmem:v28+s3+$0x0], $0xffff;
	[tilespmem:v29+s19+$0x0] =	vst.idx.msk $0xffff, v3  }
0x386: {  	v30 =	vadd.s32 $0x13, v63;
	[tilespmem:v43+s19+$0x0] =	vst.idx.msk $0xffff, v9  }
0x387: {  	v31 =	vadd.s32 $0x3A, v63;
	[tilespmem:v6+s19+$0x0] =	vst.idx.msk $0xffff, v10  }
0x388: {  	v33 =	vadd.s32 $0x14, v63;
	[tilespmem:v7+s19+$0x0] =	vst.idx.msk $0xffff, v11  }
0x389: {  	v35 =	vadd.s32 $0x3B, v63;
	[tilespmem:v14+s19+$0x0] =	vst.idx.msk $0xffff, v8  }
0x38a: {  	v36 =	vadd.s32 $0x15, v63;
	[tilespmem:v15+s19+$0x0] =	vst.idx.msk $0xffff, v12  }
0x38b: {  	v37 =	vadd.s32 $0x3C, v63;
	[tilespmem:v30+s19+$0x0] =	vst.idx.msk $0xffff, v13  }
0x38c: {  	s31 =	sadd.s32 $0xFFFFFFF0, s28;
	v38 =	vadd.s32 $0x16, v63;
	[tilespmem:v31+s19+$0x0] =	vst.idx.msk $0xffff, v16  }
0x38d: {  	v39 =	vadd.s32 $0x3D, v63;
	v13 =	vor.u32 s31, v25;
	[tilespmem:v33+s19+$0x0] =	vst.idx.msk $0xffff, v17  }
0x38e: {  	v40 =	vadd.s32 $0x17, v63;
	v3 =	vshll.u32 v13, $0x4;
	[tilespmem:v35+s19+$0x0] =	vst.idx.msk $0xffff, v19  }
0x38f: {  	v43 =	vadd.s32 $0x3E, v63;
	v35 =	vor.u32 $0x8, v3;
	[tilespmem:v36+s19+$0x0] =	vst.idx.msk $0xffff, v20  }
0x390: {  	v30 =	vadd.s32 $0x18, v5;
	[tilespmem:v37+s19+$0x0] =	vst.idx.msk $0xffff, v23  }
0x391: {  	v31 =	vadd.s32 $0x18, v4;
	[tilespmem:v38+s19+$0x0] =	vst.idx.msk $0xffff, v24  }
0x392: {  	v33 =	vadd.s32 $0x19, v5;
	[tilespmem:v39+s19+$0x0] =	vst.idx.msk $0xffff, v26  }
0x393: {  	v36 =	vadd.s32 $0x19, v4;
	v17 =	vld.idx.msk [tilespmem:v3+s15+$0x0], $0xffff;
	[tilespmem:v40+s19+$0x0] =	vst.idx.msk $0xffff, v27  }
0x394: {  	v16 =	vadd.s32 $0x1A, v5;
	v11 =	vld.idx.msk [tilespmem:v35+s15+$0x0], $0xffff;
	[tilespmem:v43+s19+$0x0] =	vst.idx.msk $0xffff, v28  }
0x395: {  	v37 =	vadd.s32 $0x1A, v4;
	v12 =	vld.idx.msk [tilespmem:v30+s3+$0x0], $0xffff  }
0x396: {  	v23 =	vadd.s32 $0x1B, v4;
	v19 =	vld.idx.msk [tilespmem:v31+s3+$0x0], $0xffff  }
0x397: {  	v29 =	vadd.s32 $0x1E, v5;
	v20 =	vld.idx.msk [tilespmem:v33+s3+$0x0], $0xffff  }
0x398: {  	v38 =	vadd.s32 $0x1B, v5;
	v24 =	vld.idx.msk [tilespmem:v36+s3+$0x0], $0xffff  }
0x399: {  	v0 =	vadd.s32 $0x1E, v4;
	v39 =	vadd.s32 $0x1C, v5;
	v16 =	vld.idx.msk [tilespmem:v16+s3+$0x0], $0xffff  }
0x39a: {  	v2 =	vadd.s32 $0x1F, v4;
	v40 =	vadd.s32 $0x1D, v5;
	v5 =	vadd.s32 $0x1F, v5;
	v27 =	vld.idx.msk [tilespmem:v37+s3+$0x0], $0xffff  }
0x39b: {  	v8 =	vor.u32 s28, v25;
	v43 =	vadd.s32 $0x1D, v4;
	v23 =	vld.idx.msk [tilespmem:v23+s3+$0x0], $0xffff;
	v17 =	vtrunc.f32 v17  }
0x39c: {  	v26 =	vadd.s32 $0x1C, v4;
	v4 =	vshll.u32 v8, $0x4;
	v29 =	vld.idx.msk [tilespmem:v29+s3+$0x0], $0xffff;
	v17 =	vcvt.f32.s32 v17  }
0x39d: {  	v28 =	vld.idx.msk [tilespmem:v38+s3+$0x0], $0xffff;
	v11 =	vtrunc.f32 v11  }
0x39e: {  	v30 =	vld.idx.msk [tilespmem:v39+s3+$0x0], $0xffff;
	vm8 =	vgt.s32 v17, $0x0;
	v11 =	vcvt.f32.s32 v11  }
0x39f: {  	v38 =	vld.idx.msk [tilespmem:v5+s3+$0x0], $0xffff;
	v1 =	vnsel vm8, $0x0, v17  }
0x3a0: {  	v37 =	vor.u32 $0x8, v4;
	v36 =	vld.idx.msk [tilespmem:v43+s3+$0x0], $0xffff;
	v9 =	vmin.u32 v1, $0x18F;
	vm8 =	vgt.s32 v11, $0x0  }
0x3a1: {  	v39 =	vmovc v34;
	v34 =	vmovc v18;
	v18 =	vld.idx.msk [tilespmem:v4+s15+$0x0], $0xffff;
	v9 =	vmul.u32 $0x28, v9;
	v14 =	vnsel vm8, $0x0, v11;
	v11 =	vadd.s32 $0x18, v63  }
0x3a2: {  	v5 =	vadd.s32 $0x3F, v63;
	v17 =	vld.idx.msk [tilespmem:v26+s3+$0x0], $0xffff  }
0x3a3: {  	v43 =	vmovc v42;
	v42 =	vmovc v41;
	v26 =	vld.idx.msk [tilespmem:v40+s3+$0x0], $0xffff;
	v40 =	vadd.s32 $0x19, v63;
	v15 =	vmin.u32 v14, $0x18F;
	v41 =	vor.u32 $0x1, v9  }
0x3a4: {  	v31 =	vld.idx.msk [tilespmem:v0+s3+$0x0], $0xffff;
	v0 =	vadd.s32 $0x40, v63;
	v10 =	vmul.u32 $0x28, v15;
	v15 =	vor.u32 $0x2, v9  }
0x3a5: {  	v7 =	vadd.s32 $0x1A, v63;
	v35 =	vld.idx.msk [tilespmem:v2+s3+$0x0], $0xffff;
	v25 =	vor.u32 $0x3, v9  }
0x3a6: {  	v37 =	vld.idx.msk [tilespmem:v37+s15+$0x0], $0xffff;
	v14 =	vadd.s32 $0x41, v63;
	[tilespmem:v11+s19+$0x0] =	vst.idx.msk $0xffff, v12  }
0x3a7: {  	v18 =	vtrunc.f32 v18;
	v21 =	vor.u32 $0x2, v10;
	v11 =	vadd.s32 $0x1B, v63;
	v1 =	vld.idx.msk [tilespmem:v9+s3+$0x0], $0xffff;
	[tilespmem:v5+s19+$0x0] =	vst.idx.msk $0xffff, v19  }
0x3a8: {  	v18 =	vcvt.f32.s32 v18;
	v6 =	vor.u32 $0x1, v10;
	v12 =	vadd.s32 $0x42, v63;
	[tilespmem:v40+s19+$0x0] =	vst.idx.msk $0xffff, v20;
	v41 =	vld.idx.msk [tilespmem:v41+s3+$0x0], $0xffff  }
0x3a9: {  	v2 =	vmovc v32;
	v33 =	vor.u32 $0x4, v9;
	v32 =	vor.u32 $0x3, v10;
	v5 =	vadd.s32 $0x1C, v63;
	v15 =	vld.idx.msk [tilespmem:v15+s3+$0x0], $0xffff;
	[tilespmem:v0+s19+$0x0] =	vst.idx.msk $0xffff, v24  }
0x3aa: {  	vm8 =	vgt.s32 v18, $0x0;
	v19 =	vadd.s32 $0x43, v63;
	v20 =	vadd.s32 $0x1D, v63;
	v25 =	vld.idx.msk [tilespmem:v25+s3+$0x0], $0xffff;
	[tilespmem:v7+s19+$0x0] =	vst.idx.msk $0xffff, v16  }
0x3ab: {  	v40 =	vadd.s32 $0x44, v63;
	v22 =	vld.idx.msk [tilespmem:v10+s3+$0x0], $0xffff;
	v0 =	vadd.s32 $0x1E, v63;
	v16 =	vor.u32 $0x4, v10;
	[tilespmem:v14+s19+$0x0] =	vst.idx.msk $0xffff, v27  }
0x3ac: {  	v24 =	vadd.s32 $0x45, v63;
	v14 =	vld.idx.msk [tilespmem:v21+s3+$0x0], $0xffff;
	v21 =	vor.u32 $0x5, v9;
	v27 =	vtrunc.f32 v37;
	[tilespmem:v11+s19+$0x0] =	vst.idx.msk $0xffff, v28  }
0x3ad: {  	v6 =	vld.idx.msk [tilespmem:v6+s3+$0x0], $0xffff;
	v7 =	vadd.s32 $0x1F, v63;
	v11 =	vor.u32 $0x5, v10;
	v27 =	vcvt.f32.s32 v27;
	[tilespmem:v12+s19+$0x0] =	vst.idx.msk $0xffff, v23  }
0x3ae: {  	v37 =	vor.u32 $0x6, v10;
	v28 =	vadd.s32 $0x46, v63;
	v23 =	vld.idx.msk [tilespmem:v32+s3+$0x0], $0xffff;
	v32 =	vor.u32 $0x6, v9;
	[tilespmem:v5+s19+$0x0] =	vst.idx.msk $0xffff, v30  }
0x3af: {  	v30 =	vld.idx.msk [tilespmem:v33+s3+$0x0], $0xffff;
	v33 =	vor.u32 $0x7, v9;
	v5 =	vnsel vm8, $0x0, v18;
	vm8 =	vgt.s32 v27, $0x0;
	[tilespmem:v19+s19+$0x0] =	vst.idx.msk $0xffff, v17  }
0x3b0: {  	v16 =	vld.idx.msk [tilespmem:v16+s3+$0x0], $0xffff;
	v12 =	vnsel vm8, $0x0, v27;
	v18 =	vmin.u32 v5, $0x18F;
	v5 =	vmul.u32 $0x50, v13;
	[tilespmem:v20+s19+$0x0] =	vst.idx.msk $0xffff, v26  }
0x3b1: {  	v17 =	vor.u32 $0x7, v10;
	v19 =	vld.idx.msk [tilespmem:v21+s3+$0x0], $0xffff;
	v13 =	vmin.u32 v12, $0x18F;
	v12 =	vmul.u32 $0x28, v18;
	[tilespmem:v40+s19+$0x0] =	vst.idx.msk $0xffff, v36  }
0x3b2: {  	v18 =	vld.idx.msk [tilespmem:v11+s3+$0x0], $0xffff;
	v11 =	vmul.u32 $0x28, v13;
	v13 =	vadd.s32 $0x27, v5;
	[tilespmem:v0+s19+$0x0] =	vst.idx.msk $0xffff, v29  }
0x3b3: {  	v20 =	vld.idx.msk [tilespmem:v37+s3+$0x0], $0xffff;
	v21 =	vor.u32 $0x1, v5;
	[tilespmem:v24+s19+$0x0] =	vst.idx.msk $0xffff, v31  }
0x3b4: {  	v26 =	vadd.s32 $0x28, v5;
	v0 =	vld.idx.msk [tilespmem:v32+s3+$0x0], $0xffff;
	v24 =	vor.u32 $0x1, v12;
	[tilespmem:v7+s19+$0x0] =	vst.idx.msk $0xffff, v38  }
0x3b5: {  	v29 =	vor.u32 $0x2, v12;
	v7 =	vld.idx.msk [tilespmem:v33+s3+$0x0], $0xffff;
	[tilespmem:v28+s19+$0x0] =	vst.idx.msk $0xffff, v35;
	v28 =	vor.u32 $0x2, v5  }
0x3b6: {  	v32 =	vor.u32 $0x2, v11;
	v17 =	vld.idx.msk [tilespmem:v17+s3+$0x0], $0xffff;
	[tilespmem:v5+s19+$0x0] =	vst.idx.msk $0xffff, v1;
	v1 =	vadd.s32 $0x29, v5  }
0x3b7: {  	v33 =	vor.u32 $0x3, v12;
	v31 =	vld.idx.msk [tilespmem:v12+s3+$0x0], $0xffff;
	[tilespmem:v13+s19+$0x0] =	vst.idx.msk $0xffff, v22;
	v13 =	vor.u32 $0x3, v5  }
0x3b8: {  	v35 =	vor.u32 $0x3, v11;
	v22 =	vld.idx.msk [tilespmem:v11+s3+$0x0], $0xffff;
	[tilespmem:v21+s19+$0x0] =	vst.idx.msk $0xffff, v41;
	v21 =	vadd.s32 $0x2A, v5  }
0x3b9: {  	v27 =	vor.u32 $0x1, v11;
	v24 =	vld.idx.msk [tilespmem:v24+s3+$0x0], $0xffff;
	[tilespmem:v26+s19+$0x0] =	vst.idx.msk $0xffff, v6;
	v6 =	vor.u32 $0x4, v5  }
0x3ba: {  	[tilespmem:v28+s19+$0x0] =	vst.idx.msk $0xffff, v15;
	v15 =	vadd.s32 $0x2B, v5;
	v28 =	vld.idx.msk [tilespmem:v29+s3+$0x0], $0xffff;
	v29 =	vor.u32 $0x4, v11  }
0x3bb: {  	[tilespmem:v1+s19+$0x0] =	vst.idx.msk $0xffff, v14;
	v1 =	vor.u32 $0x5, v5;
	v14 =	vld.idx.msk [tilespmem:v32+s3+$0x0], $0xffff;
	v32 =	vor.u32 $0x5, v12  }
0x3bc: {  	[tilespmem:v13+s19+$0x0] =	vst.idx.msk $0xffff, v25;
	v13 =	vadd.s32 $0x2C, v5;
	v25 =	vld.idx.msk [tilespmem:v33+s3+$0x0], $0xffff;
	v33 =	vor.u32 $0x5, v11  }
0x3bd: {  	[tilespmem:v21+s19+$0x0] =	vst.idx.msk $0xffff, v23;
	v21 =	vor.u32 $0x6, v5;
	v23 =	vld.idx.msk [tilespmem:v35+s3+$0x0], $0xffff;
	v35 =	vor.u32 $0x6, v12  }
0x3be: {  	v26 =	vld.idx.msk [tilespmem:v27+s3+$0x0], $0xffff;
	[tilespmem:v6+s19+$0x0] =	vst.idx.msk $0xffff, v30;
	v6 =	vadd.s32 $0x2D, v5;
	v30 =	vor.u32 $0x6, v11  }
0x3bf: {  	[tilespmem:v15+s19+$0x0] =	vst.idx.msk $0xffff, v16;
	v15 =	vor.u32 $0x7, v5;
	v16 =	vld.idx.msk [tilespmem:v29+s3+$0x0], $0xffff;
	v29 =	vor.u32 $0x7, v12  }
0x3c0: {  	v8 =	vmul.u32 $0x50, v8;
	[tilespmem:v1+s19+$0x0] =	vst.idx.msk $0xffff, v19;
	v1 =	vadd.s32 $0x2E, v5;
	v19 =	vld.idx.msk [tilespmem:v32+s3+$0x0], $0xffff;
	v32 =	vor.u32 $0x7, v11  }
0x3c1: {  	v27 =	vor.u32 $0x4, v12;
	[tilespmem:v13+s19+$0x0] =	vst.idx.msk $0xffff, v18;
	v18 =	vld.idx.msk [tilespmem:v33+s3+$0x0], $0xffff  }
0x3c2: {  	v13 =	vadd.s32 $0x8, v9;
	v33 =	vadd.s32 $0x27, v8;
	[tilespmem:v21+s19+$0x0] =	vst.idx.msk $0xffff, v0;
	v21 =	vld.idx.msk [tilespmem:v35+s3+$0x0], $0xffff  }
0x3c3: {  	v0 =	vadd.s32 $0x8, v10;
	[tilespmem:v6+s19+$0x0] =	vst.idx.msk $0xffff, v20;
	v20 =	vld.idx.msk [tilespmem:v30+s3+$0x0], $0xffff;
	v30 =	vor.u32 $0x1, v8  }
0x3c4: {  	v35 =	vadd.s32 $0xA, v10;
	[tilespmem:v15+s19+$0x0] =	vst.idx.msk $0xffff, v7;
	v15 =	vld.idx.msk [tilespmem:v29+s3+$0x0], $0xffff;
	v29 =	vadd.s32 $0x28, v8  }
0x3c5: {  	v6 =	vadd.s32 $0x9, v9;
	[tilespmem:v1+s19+$0x0] =	vst.idx.msk $0xffff, v17;
	v17 =	vld.idx.msk [tilespmem:v32+s3+$0x0], $0xffff;
	v32 =	vor.u32 $0x2, v8  }
0x3c6: {  	v27 =	vld.idx.msk [tilespmem:v27+s3+$0x0], $0xffff;
	v7 =	vadd.s32 $0x9, v10;
	[tilespmem:v8+s19+$0x0] =	vst.idx.msk $0xffff, v31;
	v31 =	vadd.s32 $0x29, v8  }
0x3c7: {  	v1 =	vadd.s32 $0xA, v9;
	v13 =	vld.idx.msk [tilespmem:v13+s3+$0x0], $0xffff;
	[tilespmem:v33+s19+$0x0] =	vst.idx.msk $0xffff, v22;
	v33 =	vor.u32 $0x3, v8  }
0x3c8: {  	v22 =	vadd.s32 $0xB, v9;
	v0 =	vld.idx.msk [tilespmem:v0+s3+$0x0], $0xffff;
	[tilespmem:v30+s19+$0x0] =	vst.idx.msk $0xffff, v24;
	v30 =	vadd.s32 $0x2A, v8  }
0x3c9: {  	v35 =	vld.idx.msk [tilespmem:v35+s3+$0x0], $0xffff;
	v24 =	vadd.s32 $0xB, v10;
	[tilespmem:v29+s19+$0x0] =	vst.idx.msk $0xffff, v26;
	v29 =	vor.u32 $0x4, v8  }
0x3ca: {  	v6 =	vld.idx.msk [tilespmem:v6+s3+$0x0], $0xffff;
	v26 =	vadd.s32 $0xC, v9;
	[tilespmem:v32+s19+$0x0] =	vst.idx.msk $0xffff, v28;
	v32 =	vadd.s32 $0x2B, v8  }
0x3cb: {  	v7 =	vld.idx.msk [tilespmem:v7+s3+$0x0], $0xffff;
	v28 =	vadd.s32 $0xC, v10;
	[tilespmem:v31+s19+$0x0] =	vst.idx.msk $0xffff, v14;
	v31 =	vor.u32 $0x5, v8  }
0x3cc: {  	v1 =	vld.idx.msk [tilespmem:v1+s3+$0x0], $0xffff;
	v14 =	vadd.s32 $0xD, v9;
	[tilespmem:v33+s19+$0x0] =	vst.idx.msk $0xffff, v25;
	v33 =	vadd.s32 $0x2C, v8  }
0x3cd: {  	v22 =	vld.idx.msk [tilespmem:v22+s3+$0x0], $0xffff;
	v25 =	vadd.s32 $0xD, v10;
	[tilespmem:v30+s19+$0x0] =	vst.idx.msk $0xffff, v23;
	v30 =	vor.u32 $0x6, v8  }
0x3ce: {  	v24 =	vld.idx.msk [tilespmem:v24+s3+$0x0], $0xffff;
	v23 =	vadd.s32 $0xE, v9;
	[tilespmem:v29+s19+$0x0] =	vst.idx.msk $0xffff, v27;
	v29 =	vadd.s32 $0x2D, v8  }
0x3cf: {  	v26 =	vld.idx.msk [tilespmem:v26+s3+$0x0], $0xffff;
	v27 =	vadd.s32 $0xE, v10;
	[tilespmem:v32+s19+$0x0] =	vst.idx.msk $0xffff, v16;
	v32 =	vor.u32 $0x7, v8  }
0x3d0: {  	v28 =	vld.idx.msk [tilespmem:v28+s3+$0x0], $0xffff;
	v16 =	vadd.s32 $0xF, v9;
	[tilespmem:v31+s19+$0x0] =	vst.idx.msk $0xffff, v19;
	v31 =	vadd.s32 $0x2E, v8  }
0x3d1: {  	v14 =	vld.idx.msk [tilespmem:v14+s3+$0x0], $0xffff;
	v19 =	vadd.s32 $0xF, v10;
	[tilespmem:v33+s19+$0x0] =	vst.idx.msk $0xffff, v18;
	v18 =	vor.u32 $0x8, v5  }
0x3d2: {  	v25 =	vld.idx.msk [tilespmem:v25+s3+$0x0], $0xffff;
	[tilespmem:v30+s19+$0x0] =	vst.idx.msk $0xffff, v21;
	v21 =	vadd.s32 $0x2F, v5;
	v30 =	vadd.s32 $0x8, v11  }
0x3d3: {  	v23 =	vld.idx.msk [tilespmem:v23+s3+$0x0], $0xffff;
	[tilespmem:v29+s19+$0x0] =	vst.idx.msk $0xffff, v20;
	v20 =	vor.u32 $0x9, v5;
	v29 =	vadd.s32 $0x9, v12  }
0x3d4: {  	v27 =	vld.idx.msk [tilespmem:v27+s3+$0x0], $0xffff;
	[tilespmem:v32+s19+$0x0] =	vst.idx.msk $0xffff, v15;
	v15 =	vadd.s32 $0x30, v5;
	v32 =	vadd.s32 $0x9, v11  }
0x3d5: {  	v16 =	vld.idx.msk [tilespmem:v16+s3+$0x0], $0xffff;
	[tilespmem:v31+s19+$0x0] =	vst.idx.msk $0xffff, v17;
	v17 =	vor.u32 $0xA, v5;
	v31 =	vadd.s32 $0xA, v12  }
0x3d6: {  	v33 =	vadd.s32 $0x8, v12;
	v19 =	vld.idx.msk [tilespmem:v19+s3+$0x0], $0xffff;
	[tilespmem:v18+s19+$0x0] =	vst.idx.msk $0xffff, v13;
	v13 =	vadd.s32 $0x31, v5  }
0x3d7: {  	[tilespmem:v21+s19+$0x0] =	vst.idx.msk $0xffff, v0;
	v0 =	vor.u32 $0xB, v5;
	v21 =	vld.idx.msk [tilespmem:v30+s3+$0x0], $0xffff;
	v30 =	vadd.s32 $0xB, v12  }
0x3d8: {  	[tilespmem:v20+s19+$0x0] =	vst.idx.msk $0xffff, v6;
	v6 =	vadd.s32 $0x32, v5;
	v20 =	vld.idx.msk [tilespmem:v29+s3+$0x0], $0xffff;
	v29 =	vadd.s32 $0xB, v11  }
0x3d9: {  	[tilespmem:v15+s19+$0x0] =	vst.idx.msk $0xffff, v7;
	v7 =	vor.u32 $0xC, v5;
	v15 =	vld.idx.msk [tilespmem:v32+s3+$0x0], $0xffff;
	v32 =	vadd.s32 $0xC, v12  }
0x3da: {  	[tilespmem:v17+s19+$0x0] =	vst.idx.msk $0xffff, v1;
	v1 =	vadd.s32 $0x33, v5;
	v17 =	vld.idx.msk [tilespmem:v31+s3+$0x0], $0xffff;
	v31 =	vadd.s32 $0xC, v11  }
0x3db: {  	v18 =	vld.idx.msk [tilespmem:v33+s3+$0x0], $0xffff;
	[tilespmem:v13+s19+$0x0] =	vst.idx.msk $0xffff, v35;
	v13 =	vor.u32 $0xD, v5;
	v35 =	vadd.s32 $0xD, v12  }
0x3dc: {  	[tilespmem:v0+s19+$0x0] =	vst.idx.msk $0xffff, v22;
	v0 =	vadd.s32 $0x34, v5;
	v22 =	vld.idx.msk [tilespmem:v30+s3+$0x0], $0xffff;
	v30 =	vadd.s32 $0xD, v11  }
0x3dd: {  	[tilespmem:v6+s19+$0x0] =	vst.idx.msk $0xffff, v24;
	v6 =	vor.u32 $0xE, v5;
	v24 =	vld.idx.msk [tilespmem:v29+s3+$0x0], $0xffff;
	v29 =	vadd.s32 $0xE, v12  }
0x3de: {  	[tilespmem:v7+s19+$0x0] =	vst.idx.msk $0xffff, v26;
	v7 =	vadd.s32 $0x35, v5;
	v26 =	vld.idx.msk [tilespmem:v32+s3+$0x0], $0xffff;
	v32 =	vadd.s32 $0xE, v11  }
0x3df: {  	[tilespmem:v1+s19+$0x0] =	vst.idx.msk $0xffff, v28;
	v1 =	vor.u32 $0xF, v5;
	v28 =	vld.idx.msk [tilespmem:v31+s3+$0x0], $0xffff;
	v31 =	vadd.s32 $0xF, v12  }
0x3e0: {  	[tilespmem:v13+s19+$0x0] =	vst.idx.msk $0xffff, v14;
	v13 =	vadd.s32 $0x36, v5;
	v14 =	vld.idx.msk [tilespmem:v35+s3+$0x0], $0xffff;
	v35 =	vadd.s32 $0xF, v11  }
0x3e1: {  	v33 =	vadd.s32 $0xA, v11;
	[tilespmem:v0+s19+$0x0] =	vst.idx.msk $0xffff, v25;
	v25 =	vld.idx.msk [tilespmem:v30+s3+$0x0], $0xffff;
	v30 =	vor.u32 $0x8, v8  }
0x3e2: {  	v0 =	vadd.s32 $0x10, v9;
	[tilespmem:v6+s19+$0x0] =	vst.idx.msk $0xffff, v23;
	v23 =	vld.idx.msk [tilespmem:v29+s3+$0x0], $0xffff;
	v29 =	vadd.s32 $0x2F, v8  }
0x3e3: {  	v6 =	vadd.s32 $0x10, v10;
	[tilespmem:v7+s19+$0x0] =	vst.idx.msk $0xffff, v27;
	v27 =	vld.idx.msk [tilespmem:v32+s3+$0x0], $0xffff;
	v32 =	vor.u32 $0x9, v8  }
0x3e4: {  	v7 =	vadd.s32 $0x11, v9;
	[tilespmem:v1+s19+$0x0] =	vst.idx.msk $0xffff, v16;
	v16 =	vld.idx.msk [tilespmem:v31+s3+$0x0], $0xffff;
	v31 =	vadd.s32 $0x30, v8  }
0x3e5: {  	v1 =	vadd.s32 $0x11, v10;
	[tilespmem:v13+s19+$0x0] =	vst.idx.msk $0xffff, v19;
	v19 =	vld.idx.msk [tilespmem:v35+s3+$0x0], $0xffff;
	v35 =	vor.u32 $0xA, v8  }
0x3e6: {  	v33 =	vld.idx.msk [tilespmem:v33+s3+$0x0], $0xffff;
	v13 =	vadd.s32 $0x12, v9;
	[tilespmem:v30+s19+$0x0] =	vst.idx.msk $0xffff, v18;
	v30 =	vadd.s32 $0x31, v8  }
0x3e7: {  	v0 =	vld.idx.msk [tilespmem:v0+s3+$0x0], $0xffff;
	v18 =	vadd.s32 $0x12, v10;
	[tilespmem:v29+s19+$0x0] =	vst.idx.msk $0xffff, v21;
	v29 =	vor.u32 $0xB, v8  }
0x3e8: {  	v6 =	vld.idx.msk [tilespmem:v6+s3+$0x0], $0xffff;
	v21 =	vadd.s32 $0x13, v9;
	[tilespmem:v32+s19+$0x0] =	vst.idx.msk $0xffff, v20;
	v32 =	vadd.s32 $0x32, v8  }
0x3e9: {  	v7 =	vld.idx.msk [tilespmem:v7+s3+$0x0], $0xffff;
	v20 =	vadd.s32 $0x13, v10;
	[tilespmem:v31+s19+$0x0] =	vst.idx.msk $0xffff, v15;
	v31 =	vor.u32 $0xC, v8  }
0x3ea: {  	v1 =	vld.idx.msk [tilespmem:v1+s3+$0x0], $0xffff;
	v15 =	vadd.s32 $0x14, v9;
	[tilespmem:v35+s19+$0x0] =	vst.idx.msk $0xffff, v17;
	v35 =	vadd.s32 $0x33, v8  }
0x3eb: {  	v13 =	vld.idx.msk [tilespmem:v13+s3+$0x0], $0xffff;
	v17 =	vadd.s32 $0x14, v10;
	[tilespmem:v30+s19+$0x0] =	vst.idx.msk $0xffff, v33;
	v33 =	vor.u32 $0xD, v8  }
0x3ec: {  	v18 =	vld.idx.msk [tilespmem:v18+s3+$0x0], $0xffff;
	v30 =	vadd.s32 $0x15, v9;
	[tilespmem:v29+s19+$0x0] =	vst.idx.msk $0xffff, v22;
	v29 =	vadd.s32 $0x34, v8  }
0x3ed: {  	v21 =	vld.idx.msk [tilespmem:v21+s3+$0x0], $0xffff;
	v22 =	vadd.s32 $0x15, v10;
	[tilespmem:v32+s19+$0x0] =	vst.idx.msk $0xffff, v24;
	v32 =	vor.u32 $0xE, v8  }
0x3ee: {  	v20 =	vld.idx.msk [tilespmem:v20+s3+$0x0], $0xffff;
	v24 =	vadd.s32 $0x16, v9;
	[tilespmem:v31+s19+$0x0] =	vst.idx.msk $0xffff, v26;
	v31 =	vadd.s32 $0x35, v8  }
0x3ef: {  	v15 =	vld.idx.msk [tilespmem:v15+s3+$0x0], $0xffff;
	v26 =	vadd.s32 $0x16, v10;
	[tilespmem:v35+s19+$0x0] =	vst.idx.msk $0xffff, v28;
	v35 =	vor.u32 $0xF, v8  }
0x3f0: {  	v17 =	vld.idx.msk [tilespmem:v17+s3+$0x0], $0xffff;
	v28 =	vadd.s32 $0x17, v9;
	[tilespmem:v33+s19+$0x0] =	vst.idx.msk $0xffff, v14;
	v33 =	vadd.s32 $0x36, v8  }
0x3f1: {  	v30 =	vld.idx.msk [tilespmem:v30+s3+$0x0], $0xffff;
	v14 =	vadd.s32 $0x17, v10;
	[tilespmem:v29+s19+$0x0] =	vst.idx.msk $0xffff, v25;
	v25 =	vadd.s32 $0x10, v5  }
0x3f2: {  	v22 =	vld.idx.msk [tilespmem:v22+s3+$0x0], $0xffff;
	[tilespmem:v32+s19+$0x0] =	vst.idx.msk $0xffff, v23;
	v23 =	vadd.s32 $0x37, v5;
	v32 =	vadd.s32 $0x10, v11  }
0x3f3: {  	v24 =	vld.idx.msk [tilespmem:v24+s3+$0x0], $0xffff;
	[tilespmem:v31+s19+$0x0] =	vst.idx.msk $0xffff, v27;
	v27 =	vadd.s32 $0x11, v5;
	v31 =	vadd.s32 $0x11, v12  }
0x3f4: {  	v26 =	vld.idx.msk [tilespmem:v26+s3+$0x0], $0xffff;
	[tilespmem:v35+s19+$0x0] =	vst.idx.msk $0xffff, v16;
	v16 =	vadd.s32 $0x38, v5;
	v35 =	vadd.s32 $0x11, v11  }
0x3f5: {  	v28 =	vld.idx.msk [tilespmem:v28+s3+$0x0], $0xffff;
	[tilespmem:v33+s19+$0x0] =	vst.idx.msk $0xffff, v19;
	v19 =	vadd.s32 $0x12, v5;
	v33 =	vadd.s32 $0x12, v12  }
0x3f6: {  	v29 =	vadd.s32 $0x10, v12;
	v14 =	vld.idx.msk [tilespmem:v14+s3+$0x0], $0xffff;
	[tilespmem:v25+s19+$0x0] =	vst.idx.msk $0xffff, v0;
	v0 =	vadd.s32 $0x39, v5  }
0x3f7: {  	[tilespmem:v23+s19+$0x0] =	vst.idx.msk $0xffff, v6;
	v6 =	vadd.s32 $0x13, v5;
	v23 =	vld.idx.msk [tilespmem:v32+s3+$0x0], $0xffff;
	v32 =	vadd.s32 $0x13, v12  }
0x3f8: {  	[tilespmem:v27+s19+$0x0] =	vst.idx.msk $0xffff, v7;
	v7 =	vadd.s32 $0x3A, v5;
	v27 =	vld.idx.msk [tilespmem:v31+s3+$0x0], $0xffff;
	v31 =	vadd.s32 $0x13, v11  }
0x3f9: {  	[tilespmem:v16+s19+$0x0] =	vst.idx.msk $0xffff, v1;
	v1 =	vadd.s32 $0x14, v5;
	v16 =	vld.idx.msk [tilespmem:v35+s3+$0x0], $0xffff;
	v35 =	vadd.s32 $0x14, v12  }
0x3fa: {  	[tilespmem:v19+s19+$0x0] =	vst.idx.msk $0xffff, v13;
	v13 =	vadd.s32 $0x3B, v5;
	v19 =	vld.idx.msk [tilespmem:v33+s3+$0x0], $0xffff;
	v33 =	vadd.s32 $0x14, v11  }
0x3fb: {  	v25 =	vld.idx.msk [tilespmem:v29+s3+$0x0], $0xffff;
	v29 =	vadd.s32 $0x12, v11;
	[tilespmem:v0+s19+$0x0] =	vst.idx.msk $0xffff, v18;
	v0 =	vadd.s32 $0x15, v5  }
0x3fc: {  	[tilespmem:v6+s19+$0x0] =	vst.idx.msk $0xffff, v21;
	v6 =	vadd.s32 $0x3C, v5;
	v21 =	vld.idx.msk [tilespmem:v32+s3+$0x0], $0xffff;
	v32 =	vadd.s32 $0x15, v11  }
0x3fd: {  	[tilespmem:v7+s19+$0x0] =	vst.idx.msk $0xffff, v20;
	v7 =	vadd.s32 $0x16, v5;
	v20 =	vld.idx.msk [tilespmem:v31+s3+$0x0], $0xffff;
	v31 =	vadd.s32 $0x16, v12  }
0x3fe: {  	[tilespmem:v1+s19+$0x0] =	vst.idx.msk $0xffff, v15;
	v1 =	vadd.s32 $0x3D, v5;
	v15 =	vld.idx.msk [tilespmem:v35+s3+$0x0], $0xffff;
	v35 =	vadd.s32 $0x16, v11  }
0x3ff: {  	[tilespmem:v13+s19+$0x0] =	vst.idx.msk $0xffff, v17;
	v13 =	vadd.s32 $0x17, v5;
	v17 =	vld.idx.msk [tilespmem:v33+s3+$0x0], $0xffff;
	v33 =	vadd.s32 $0x17, v12  }
0x400: {  	v18 =	vld.idx.msk [tilespmem:v29+s3+$0x0], $0xffff;
	[tilespmem:v0+s19+$0x0] =	vst.idx.msk $0xffff, v30;
	v0 =	vadd.s32 $0x3E, v5;
	v30 =	vadd.s32 $0x17, v11  }
0x401: {  	v29 =	vadd.s32 $0x15, v12;
	[tilespmem:v6+s19+$0x0] =	vst.idx.msk $0xffff, v22;
	v22 =	vld.idx.msk [tilespmem:v32+s3+$0x0], $0xffff;
	v32 =	vadd.s32 $0x10, v8  }
0x402: {  	v6 =	vadd.s32 $0x18, v9;
	[tilespmem:v7+s19+$0x0] =	vst.idx.msk $0xffff, v24;
	v24 =	vld.idx.msk [tilespmem:v31+s3+$0x0], $0xffff;
	v31 =	vadd.s32 $0x37, v8  }
0x403: {  	v7 =	vadd.s32 $0x18, v10;
	[tilespmem:v1+s19+$0x0] =	vst.idx.msk $0xffff, v26;
	v26 =	vld.idx.msk [tilespmem:v35+s3+$0x0], $0xffff;
	v35 =	vadd.s32 $0x11, v8  }
0x404: {  	v1 =	vadd.s32 $0x19, v9;
	[tilespmem:v13+s19+$0x0] =	vst.idx.msk $0xffff, v28;
	v28 =	vld.idx.msk [tilespmem:v33+s3+$0x0], $0xffff;
	v33 =	vadd.s32 $0x38, v8  }
0x405: {  	v13 =	vadd.s32 $0x19, v10;
	[tilespmem:v0+s19+$0x0] =	vst.idx.msk $0xffff, v14;
	v14 =	vld.idx.msk [tilespmem:v30+s3+$0x0], $0xffff;
	v30 =	vadd.s32 $0x12, v8  }
0x406: {  	v29 =	vld.idx.msk [tilespmem:v29+s3+$0x0], $0xffff;
	v0 =	vadd.s32 $0x1A, v9;
	[tilespmem:v32+s19+$0x0] =	vst.idx.msk $0xffff, v25;
	v32 =	vadd.s32 $0x39, v8  }
0x407: {  	v6 =	vld.idx.msk [tilespmem:v6+s3+$0x0], $0xffff;
	v25 =	vadd.s32 $0x1A, v10;
	[tilespmem:v31+s19+$0x0] =	vst.idx.msk $0xffff, v23;
	v31 =	vadd.s32 $0x13, v8  }
0x408: {  	v7 =	vld.idx.msk [tilespmem:v7+s3+$0x0], $0xffff;
	v23 =	vadd.s32 $0x1B, v9;
	[tilespmem:v35+s19+$0x0] =	vst.idx.msk $0xffff, v27;
	v35 =	vadd.s32 $0x3A, v8  }
0x409: {  	v1 =	vld.idx.msk [tilespmem:v1+s3+$0x0], $0xffff;
	v27 =	vadd.s32 $0x1B, v10;
	[tilespmem:v33+s19+$0x0] =	vst.idx.msk $0xffff, v16;
	v33 =	vadd.s32 $0x14, v8  }
0x40a: {  	v13 =	vld.idx.msk [tilespmem:v13+s3+$0x0], $0xffff;
	[tilespmem:v30+s19+$0x0] =	vst.idx.msk $0xffff, v19;
	v19 =	vadd.s32 $0x1C, v10;
	v30 =	vadd.s32 $0x3B, v8  }
0x40b: {  	v16 =	vadd.s32 $0x1C, v9;
	v0 =	vld.idx.msk [tilespmem:v0+s3+$0x0], $0xffff;
	[tilespmem:v32+s19+$0x0] =	vst.idx.msk $0xffff, v18;
	v32 =	vadd.s32 $0x15, v8  }
0x40c: {  	v25 =	vld.idx.msk [tilespmem:v25+s3+$0x0], $0xffff;
	v18 =	vadd.s32 $0x1D, v9;
	[tilespmem:v31+s19+$0x0] =	vst.idx.msk $0xffff, v21;
	v31 =	vadd.s32 $0x3C, v8  }
0x40d: {  	v23 =	vld.idx.msk [tilespmem:v23+s3+$0x0], $0xffff;
	v21 =	vadd.s32 $0x1D, v10;
	[tilespmem:v35+s19+$0x0] =	vst.idx.msk $0xffff, v20;
	v35 =	vadd.s32 $0x16, v8  }
0x40e: {  	v27 =	vld.idx.msk [tilespmem:v27+s3+$0x0], $0xffff;
	v20 =	vadd.s32 $0x1E, v9;
	[tilespmem:v33+s19+$0x0] =	vst.idx.msk $0xffff, v15;
	v33 =	vadd.s32 $0x3D, v8  }
0x40f: {  	v9 =	vadd.s32 $0x1F, v9;
	[tilespmem:v30+s19+$0x0] =	vst.idx.msk $0xffff, v17;
	v17 =	vld.idx.msk [tilespmem:v19+s3+$0x0], $0xffff;
	v19 =	vadd.s32 $0x17, v8  }
0x410: {  	v16 =	vld.idx.msk [tilespmem:v16+s3+$0x0], $0xffff;
	v15 =	vadd.s32 $0x1E, v10;
	[tilespmem:v32+s19+$0x0] =	vst.idx.msk $0xffff, v29;
	v29 =	vadd.s32 $0x3E, v8  }
0x411: {  	v10 =	vadd.s32 $0x1F, v10;
	v18 =	vld.idx.msk [tilespmem:v18+s3+$0x0], $0xffff;
	[tilespmem:v31+s19+$0x0] =	vst.idx.msk $0xffff, v22;
	v22 =	vadd.s32 $0x18, v5  }
0x412: {  	v30 =	vadd.s32 $0x18, v12;
	v21 =	vld.idx.msk [tilespmem:v21+s3+$0x0], $0xffff;
	[tilespmem:v35+s19+$0x0] =	vst.idx.msk $0xffff, v24;
	v24 =	vadd.s32 $0x3F, v5  }
0x413: {  	v31 =	vadd.s32 $0x18, v11;
	v20 =	vld.idx.msk [tilespmem:v20+s3+$0x0], $0xffff;
	[tilespmem:v33+s19+$0x0] =	vst.idx.msk $0xffff, v26;
	v26 =	vadd.s32 $0x19, v5  }
0x414: {  	v32 =	vadd.s32 $0x19, v12;
	v9 =	vld.idx.msk [tilespmem:v9+s3+$0x0], $0xffff;
	[tilespmem:v19+s19+$0x0] =	vst.idx.msk $0xffff, v28;
	v19 =	vadd.s32 $0x40, v5  }
0x415: {  	v15 =	vld.idx.msk [tilespmem:v15+s3+$0x0], $0xffff;
	v28 =	vadd.s32 $0x19, v11;
	[tilespmem:v29+s19+$0x0] =	vst.idx.msk $0xffff, v14;
	v14 =	vadd.s32 $0x1A, v5  }
0x416: {  	v10 =	vld.idx.msk [tilespmem:v10+s3+$0x0], $0xffff;
	v29 =	vadd.s32 $0x1A, v12;
	[tilespmem:v22+s19+$0x0] =	vst.idx.msk $0xffff, v6;
	v6 =	vadd.s32 $0x41, v5  }
0x417: {  	v22 =	vld.idx.msk [tilespmem:v30+s3+$0x0], $0xffff;
	v30 =	vadd.s32 $0x1A, v11;
	[tilespmem:v24+s19+$0x0] =	vst.idx.msk $0xffff, v7;
	v7 =	vadd.s32 $0x1B, v5  }
0x418: {  	v24 =	vld.idx.msk [tilespmem:v31+s3+$0x0], $0xffff;
	v31 =	vadd.s32 $0x1B, v12;
	[tilespmem:v26+s19+$0x0] =	vst.idx.msk $0xffff, v1;
	v1 =	vadd.s32 $0x42, v5  }
0x419: {  	v26 =	vld.idx.msk [tilespmem:v32+s3+$0x0], $0xffff;
	v32 =	vadd.s32 $0x1B, v11;
	[tilespmem:v19+s19+$0x0] =	vst.idx.msk $0xffff, v13;
	v13 =	vadd.s32 $0x1C, v5  }
0x41a: {  	v19 =	vld.idx.msk [tilespmem:v28+s3+$0x0], $0xffff;
	v28 =	vadd.s32 $0x1C, v12;
	[tilespmem:v14+s19+$0x0] =	vst.idx.msk $0xffff, v0;
	v0 =	vadd.s32 $0x43, v5  }
0x41b: {  	v14 =	vld.idx.msk [tilespmem:v29+s3+$0x0], $0xffff;
	v29 =	vadd.s32 $0x1C, v11;
	[tilespmem:v6+s19+$0x0] =	vst.idx.msk $0xffff, v25;
	v6 =	vadd.s32 $0x1D, v5  }
0x41c: {  	v25 =	vld.idx.msk [tilespmem:v30+s3+$0x0], $0xffff;
	v30 =	vadd.s32 $0x1D, v12;
	[tilespmem:v7+s19+$0x0] =	vst.idx.msk $0xffff, v23;
	v7 =	vadd.s32 $0x44, v5  }
0x41d: {  	v23 =	vld.idx.msk [tilespmem:v31+s3+$0x0], $0xffff;
	v31 =	vadd.s32 $0x1D, v11;
	[tilespmem:v1+s19+$0x0] =	vst.idx.msk $0xffff, v27;
	v1 =	vadd.s32 $0x1E, v5  }
0x41e: {  	v27 =	vld.idx.msk [tilespmem:v32+s3+$0x0], $0xffff;
	v32 =	vadd.s32 $0x1E, v12;
	[tilespmem:v13+s19+$0x0] =	vst.idx.msk $0xffff, v16;
	v13 =	vadd.s32 $0x45, v5  }
0x41f: {  	v16 =	vld.idx.msk [tilespmem:v28+s3+$0x0], $0xffff;
	v28 =	vadd.s32 $0x1E, v11;
	[tilespmem:v0+s19+$0x0] =	vst.idx.msk $0xffff, v17;
	v0 =	vadd.s32 $0x1F, v5  }
0x420: {  	v12 =	vadd.s32 $0x1F, v12;
	v17 =	vld.idx.msk [tilespmem:v29+s3+$0x0], $0xffff;
	[tilespmem:v6+s19+$0x0] =	vst.idx.msk $0xffff, v18;
	v6 =	vadd.s32 $0x46, v5  }
0x421: {  	v11 =	vadd.s32 $0x1F, v11;
	v18 =	vld.idx.msk [tilespmem:v30+s3+$0x0], $0xffff;
	[tilespmem:v7+s19+$0x0] =	vst.idx.msk $0xffff, v21;
	v21 =	vadd.s32 $0x18, v8  }
0x422: {  	v7 =	vld.idx.msk [tilespmem:v31+s3+$0x0], $0xffff;
	[tilespmem:v1+s19+$0x0] =	vst.idx.msk $0xffff, v20;
	v20 =	vadd.s32 $0x3F, v8  }
0x423: {  	v1 =	vld.idx.msk [tilespmem:v32+s3+$0x0], $0xffff;
	[tilespmem:v13+s19+$0x0] =	vst.idx.msk $0xffff, v15;
	v15 =	vadd.s32 $0x19, v8  }
0x424: {  	v30 =	vadd.s32 $0x40, v8;
	v13 =	vld.idx.msk [tilespmem:v28+s3+$0x0], $0xffff;
	[tilespmem:v0+s19+$0x0] =	vst.idx.msk $0xffff, v9  }
0x425: {  	v31 =	vadd.s32 $0x1A, v8;
	v0 =	vld.idx.msk [tilespmem:v12+s3+$0x0], $0xffff;
	[tilespmem:v6+s19+$0x0] =	vst.idx.msk $0xffff, v10  }
0x426: {  	v35 =	vadd.s32 $0x41, v8;
	v6 =	vld.idx.msk [tilespmem:v11+s3+$0x0], $0xffff;
	[tilespmem:v21+s19+$0x0] =	vst.idx.msk $0xffff, v22  }
0x427: {  	v12 =	vadd.s32 $0x1B, v8;
	[tilespmem:v20+s19+$0x0] =	vst.idx.msk $0xffff, v24  }
0x428: {  	[tilespmem:v15+s19+$0x0] =	vst.idx.msk $0xffff, v26;
	v15 =	vadd.s32 $0x42, v8  }
0x429: {  	[tilespmem:v30+s19+$0x0] =	vst.idx.msk $0xffff, v19;
	v30 =	vadd.s32 $0x1C, v8  }
0x42a: {  	[tilespmem:v31+s19+$0x0] =	vst.idx.msk $0xffff, v14;
	v31 =	vadd.s32 $0x43, v8  }
0x42b: {  	[tilespmem:v35+s19+$0x0] =	vst.idx.msk $0xffff, v25;
	v35 =	vadd.s32 $0x1D, v8  }
0x42c: {  	[tilespmem:v12+s19+$0x0] =	vst.idx.msk $0xffff, v23;
	v12 =	vadd.s32 $0x44, v8  }
0x42d: {  	v14 =	vadd.s32 $0x1E, v8;
	[tilespmem:v15+s19+$0x0] =	vst.idx.msk $0xffff, v27  }
0x42e: {  	v9 =	vadd.s32 $0x45, v8;
	v25 =	vlaneseq.u32;
	[tilespmem:v30+s19+$0x0] =	vst.idx.msk $0xffff, v16  }
0x42f: {  	v30 =	vor.u32 v25, v62;
	[tilespmem:v31+s19+$0x0] =	vst.idx.msk $0xffff, v17;
	v31 =	vadd.s32 $0x1F, v8  }
0x430: {  	v16 =	vadd.s32 $0x46, v8;
	[tilespmem:v35+s19+$0x0] =	vst.idx.msk $0xffff, v18;
	v35 =	vor.u32 v25, v3  }
0x431: {  	[tilespmem:v12+s19+$0x0] =	vst.idx.msk $0xffff, v7;
	v12 =	vor.u32 v25, v4  }
0x432: {  	[tilespmem:v14+s19+$0x0] =	vst.idx.msk $0xffff, v1  }
0x433: {  	[tilespmem:v9+s19+$0x0] =	vst.idx.msk $0xffff, v13  }
0x434: {  	v18 =	vmov v34;
	v1 =	vld.idx.msk [tilespmem:v30+s15+$0x0], $0xffff;
	v9 =	vadd.s32 v2, v63;
	[tilespmem:v31+s19+$0x0] =	vst.idx.msk $0xffff, v0  }
0x435: {  	v11 =	vadd.s32 v2, v5;
	v0 =	vor.u32 v18, v62;
	v10 =	vld.idx.msk [tilespmem:v35+s15+$0x0], $0xffff;
	[tilespmem:v16+s19+$0x0] =	vst.idx.msk $0xffff, v6  }
0x436: {  	v30 =	vor.u32 v18, v3;
	v31 =	vadd.s32 v2, v8;
	v7 =	vld.idx.msk [tilespmem:v12+s15+$0x0], $0xffff  }
0x437: {  	v35 =	vor.u32 v18, v4;
	_ =	sdelay $0x1  }
0x438: {  	v38 =	vld [tilespmem:$0x1FEA0];
	v34 =	vmov v39;
	[tilespmem:v9+s19+$0x0] =	vst.idx.msk vm0, v1  }
0x439: {  	v41 =	vmov v42;
	v32 =	vmov v2;
	v1 =	vadd.s32 v34, v63;
	v0 =	vld.idx.msk [tilespmem:v0+s15+$0x0], $0xffff;
	[tilespmem:v11+s19+$0x0] =	vst.idx.msk vm0, v10  }
0x43a: {  	v2 =	vor.u32 v41, v62;
	v10 =	vadd.s32 v34, v5;
	v6 =	vld.idx.msk [tilespmem:v30+s15+$0x0], $0xffff;
	[tilespmem:v31+s19+$0x0] =	vst.idx.msk vm0, v7  }
0x43b: {  	v7 =	vor.u32 v41, v3;
	v31 =	vadd.s32 v34, v8;
	v30 =	vld.idx.msk [tilespmem:v35+s15+$0x0], $0xffff  }
0x43c: {  	v35 =	vor.u32 v41, v4  }
0x43d: {  	v37 =	vld [tilespmem:$0x1FEE0]  }
0x43e: {  	v36 =	vld [tilespmem:$0x1FED0];
	v42 =	vmov v43;
	[tilespmem:v1+s19+$0x0] =	vst.idx.msk vm1, v0  }
0x43f: {  	v1 =	vadd.s32 v42, v63;
	v0 =	vld.idx.msk [tilespmem:v2+s15+$0x0], $0xffff;
	[tilespmem:v10+s19+$0x0] =	vst.idx.msk vm1, v6  }
0x440: {  	v9 =	vadd.s32 v42, v5;
	v2 =	vor.u32 v38, v62;
	v7 =	vld.idx.msk [tilespmem:v7+s15+$0x0], $0xffff;
	[tilespmem:v31+s19+$0x0] =	vst.idx.msk vm1, v30  }
0x441: {  	v30 =	vor.u32 v38, v3;
	v31 =	vadd.s32 v42, v8;
	v11 =	vld.idx.msk [tilespmem:v35+s15+$0x0], $0xffff  }
0x442: {  	v35 =	vor.u32 v38, v4  }
0x443: {  	v40 =	vld [tilespmem:$0x1FF10]  }
0x444: {  	v21 =	vld [tilespmem:$0x1FDE0];
	[tilespmem:v1+s19+$0x0] =	vst.idx.msk vm2, v0  }
0x445: {  	v1 =	vadd.s32 v36, v63;
	v0 =	vld.idx.msk [tilespmem:v2+s15+$0x0], $0xffff;
	[tilespmem:v9+s19+$0x0] =	vst.idx.msk vm2, v7  }
0x446: {  	v2 =	vor.u32 v37, v62;
	v9 =	vadd.s32 v36, v5;
	v7 =	vld.idx.msk [tilespmem:v30+s15+$0x0], $0xffff;
	[tilespmem:v31+s19+$0x0] =	vst.idx.msk vm2, v11  }
0x447: {  	v30 =	vor.u32 v37, v3;
	v31 =	vadd.s32 v36, v8;
	v11 =	vld.idx.msk [tilespmem:v35+s15+$0x0], $0xffff  }
0x448: {  	v35 =	vor.u32 v37, v4  }
0x449: {  	v33 =	vld [tilespmem:$0x1FE00]  }
0x44a: {  	v22 =	vld [tilespmem:$0x1FDF0];
	[tilespmem:v1+s19+$0x0] =	vst.idx.msk vm3, v0  }
0x44b: {  	v1 =	vadd.s32 v40, v63;
	v0 =	vld.idx.msk [tilespmem:v2+s15+$0x0], $0xffff;
	[tilespmem:v9+s19+$0x0] =	vst.idx.msk vm3, v7  }
0x44c: {  	v2 =	vor.u32 v21, v62;
	v9 =	vadd.s32 v40, v5;
	v7 =	vld.idx.msk [tilespmem:v30+s15+$0x0], $0xffff;
	[tilespmem:v31+s19+$0x0] =	vst.idx.msk vm3, v11  }
0x44d: {  	v30 =	vor.u32 v21, v3;
	v31 =	vadd.s32 v40, v8;
	v11 =	vld.idx.msk [tilespmem:v35+s15+$0x0], $0xffff  }
0x44e: {  	v35 =	vor.u32 v21, v4  }
0x44f: {  	v27 =	vld [tilespmem:$0x1FFF0]  }
0x450: {  	v39 =	vld [tilespmem:$0x1FE10];
	[tilespmem:v1+s19+$0x0] =	vst.idx.msk vm4, v0  }
0x451: {  	v1 =	vadd.s32 v22, v63;
	v0 =	vld.idx.msk [tilespmem:v2+s15+$0x0], $0xffff;
	[tilespmem:v9+s19+$0x0] =	vst.idx.msk vm4, v7  }
0x452: {  	v2 =	vor.u32 v33, v62;
	v9 =	vadd.s32 v22, v5;
	v7 =	vld.idx.msk [tilespmem:v30+s15+$0x0], $0xffff;
	[tilespmem:v31+s19+$0x0] =	vst.idx.msk vm4, v11  }
0x453: {  	v30 =	vor.u32 v33, v3;
	v31 =	vadd.s32 v22, v8;
	v11 =	vld.idx.msk [tilespmem:v35+s15+$0x0], $0xffff  }
0x454: {  	v35 =	vor.u32 v33, v4;
	_ =	sdelay $0x1  }
0x455: {  	v43 =	vld [tilespmem:$0x1FFE0];
	[tilespmem:v1+s19+$0x0] =	vst.idx.msk vm5, v0  }
0x456: {  	v1 =	vadd.s32 v39, v63;
	v0 =	vld.idx.msk [tilespmem:v2+s15+$0x0], $0xffff;
	[tilespmem:v9+s19+$0x0] =	vst.idx.msk vm5, v7  }
0x457: {  	v2 =	vor.u32 v27, v62;
	v9 =	vadd.s32 v39, v5;
	v7 =	vld.idx.msk [tilespmem:v30+s15+$0x0], $0xffff;
	[tilespmem:v31+s19+$0x0] =	vst.idx.msk vm5, v11  }
0x458: {  	v30 =	vor.u32 v27, v3;
	v31 =	vadd.s32 v39, v8;
	v11 =	vld.idx.msk [tilespmem:v35+s15+$0x0], $0xffff  }
0x459: {  	v35 =	vor.u32 v27, v4;
	_ =	sdelay $0x1  }
0x45a: {  	[tilespmem:v1+s19+$0x0] =	vst.idx.msk vm6, v0  }
0x45b: {  	v1 =	vadd.s32 v43, v63;
	v0 =	vld.idx.msk [tilespmem:v2+s15+$0x0], $0xffff;
	[tilespmem:v9+s19+$0x0] =	vst.idx.msk vm6, v7  }
0x45c: {  	v2 =	vor.u32 v44, v62;
	v9 =	vadd.s32 v43, v5;
	v7 =	vld.idx.msk [tilespmem:v30+s15+$0x0], $0xffff;
	[tilespmem:v31+s19+$0x0] =	vst.idx.msk vm6, v11  }
0x45d: {  	v30 =	vor.u32 v44, v3;
	v31 =	vadd.s32 v43, v8;
	v11 =	vld.idx.msk [tilespmem:v35+s15+$0x0], $0xffff  }
0x45e: {  	v35 =	vor.u32 v44, v4;
	_ =	sdelay $0x1  }
0x45f: {  	[tilespmem:v1+s19+$0x0] =	vst.idx.msk vm7, v0  }
0x460: {  	v1 =	vadd.s32 v45, v63;
	v0 =	vld.idx.msk [tilespmem:v2+s15+$0x0], $0xffff;
	[tilespmem:v9+s19+$0x0] =	vst.idx.msk vm7, v7  }
0x461: {  	v6 =	vor.u32 v46, v62;
	v9 =	vadd.s32 v45, v5;
	v7 =	vld.idx.msk [tilespmem:v30+s15+$0x0], $0xffff;
	[tilespmem:v31+s19+$0x0] =	vst.idx.msk vm7, v11  }
0x462: {  	v30 =	vor.u32 v46, v3;
	v31 =	vadd.s32 v45, v8;
	v11 =	vld.idx.msk [tilespmem:v35+s15+$0x0], $0xffff  }
0x463: {  	v35 =	vor.u32 v46, v4;
	_ =	sdelay $0x1  }
0x464: {  	[tilespmem:v1+s19+$0x0] =	vst.idx.msk vm0, v0  }
0x465: {  	v1 =	vld.idx.msk [tilespmem:v6+s15+$0x0], $0xffff;
	[tilespmem:v9+s19+$0x0] =	vst.idx.msk vm0, v7  }
0x466: {  	v6 =	vadd.s32 v47, v63;
	v9 =	vld.idx.msk [tilespmem:v30+s15+$0x0], $0xffff;
	[tilespmem:v31+s19+$0x0] =	vst.idx.msk vm0, v11  }
0x467: {  	v10 =	vadd.s32 v47, v5;
	v12 =	vld.idx.msk [tilespmem:v35+s15+$0x0], $0xffff  }
0x468: {  	v14 =	vadd.s32 v47, v61;
	v11 =	vor.u32 v48, v3;
	v35 =	vld [tilespmem:$0x1FD90]  }
0x469: {  	v0 =	vor.u32 v48, v60;
	v30 =	vadd.s32 v47, v8  }
0x46a: {  	v7 =	vor.u32 v48, v62  }
0x46b: {  	v31 =	vor.u32 v48, v4;
	[tilespmem:v6+s19+$0x0] =	vst.idx.msk vm1, v1  }
0x46c: {  	[tilespmem:v10+s19+$0x0] =	vst.idx.msk vm1, v9  }
0x46d: {  	[tilespmem:v14+s19+$0x0] =	vst.idx.msk vm1, v35;
	v10 =	vld.idx.msk [tilespmem:v11+s15+$0x0], $0xffff;
	v11 =	vadd.s32 v49, v5  }
0x46e: {  	v2 =	vadd.s32 v49, v61;
	[tilespmem:v30+s19+$0x0] =	vst.idx.msk vm1, v12;
	v30 =	vor.u32 v50, v3;
	v0 =	vld.idx.msk [tilespmem:v0+s15+$0x0], $0xffff  }
0x46f: {  	v1 =	vor.u32 v50, v60;
	v6 =	vld.idx.msk [tilespmem:v7+s15+$0x0], $0xffff;
	v7 =	vadd.s32 v49, v63  }
0x470: {  	v9 =	vor.u32 v50, v62;
	v13 =	vld.idx.msk [tilespmem:v31+s15+$0x0], $0xffff;
	v31 =	vadd.s32 v49, v8  }
0x471: {  	v35 =	vor.u32 v50, v4  }
0x472: {  	[tilespmem:v11+s19+$0x0] =	vst.idx.msk vm2, v10  }
0x473: {  	v11 =	vadd.s32 v51, v5;
	[tilespmem:v2+s19+$0x0] =	vst.idx.msk vm2, v0;
	v10 =	vld.idx.msk [tilespmem:v30+s15+$0x0], $0xffff  }
0x474: {  	[tilespmem:v7+s19+$0x0] =	vst.idx.msk vm2, v6;
	v30 =	vor.u32 v52, v3;
	v0 =	vld.idx.msk [tilespmem:v1+s15+$0x0], $0xffff;
	v1 =	vadd.s32 v51, v61  }
0x475: {  	v7 =	vadd.s32 v51, v63;
	v6 =	vld.idx.msk [tilespmem:v9+s15+$0x0], $0xffff;
	v2 =	vor.u32 v52, v60;
	[tilespmem:v31+s19+$0x0] =	vst.idx.msk vm2, v13  }
0x476: {  	v9 =	vor.u32 v52, v62;
	v31 =	vadd.s32 v51, v8;
	v13 =	vld.idx.msk [tilespmem:v35+s15+$0x0], $0xffff  }
0x477: {  	v35 =	vor.u32 v52, v4  }
0x478: {  	[tilespmem:v11+s19+$0x0] =	vst.idx.msk vm3, v10  }
0x479: {  	v11 =	vadd.s32 v53, v5;
	[tilespmem:v1+s19+$0x0] =	vst.idx.msk vm3, v0;
	v10 =	vld.idx.msk [tilespmem:v30+s15+$0x0], $0xffff  }
0x47a: {  	[tilespmem:v7+s19+$0x0] =	vst.idx.msk vm3, v6;
	v1 =	vadd.s32 v53, v61;
	v30 =	vor.u32 v54, v3;
	v0 =	vld.idx.msk [tilespmem:v2+s15+$0x0], $0xffff  }
0x47b: {  	v7 =	vadd.s32 v53, v63;
	v6 =	vld.idx.msk [tilespmem:v9+s15+$0x0], $0xffff;
	[tilespmem:v31+s19+$0x0] =	vst.idx.msk vm3, v13;
	v2 =	vor.u32 v54, v60  }
0x47c: {  	v9 =	vor.u32 v54, v62;
	v31 =	vadd.s32 v53, v8;
	v13 =	vld.idx.msk [tilespmem:v35+s15+$0x0], $0xffff  }
0x47d: {  	v35 =	vor.u32 v54, v4  }
0x47e: {  	[tilespmem:v11+s19+$0x0] =	vst.idx.msk vm4, v10  }
0x47f: {  	v11 =	vadd.s32 v55, v5;
	[tilespmem:v1+s19+$0x0] =	vst.idx.msk vm4, v0;
	v10 =	vld.idx.msk [tilespmem:v30+s15+$0x0], $0xffff  }
0x480: {  	[tilespmem:v7+s19+$0x0] =	vst.idx.msk vm4, v6;
	v1 =	vadd.s32 v55, v61;
	v30 =	vor.u32 v56, v3;
	v0 =	vld.idx.msk [tilespmem:v2+s15+$0x0], $0xffff  }
0x481: {  	v7 =	vadd.s32 v55, v63;
	v6 =	vld.idx.msk [tilespmem:v9+s15+$0x0], $0xffff;
	[tilespmem:v31+s19+$0x0] =	vst.idx.msk vm4, v13;
	v2 =	vor.u32 v56, v60  }
0x482: {  	v9 =	vor.u32 v56, v62;
	v31 =	vadd.s32 v55, v8;
	v13 =	vld.idx.msk [tilespmem:v35+s15+$0x0], $0xffff  }
0x483: {  	v35 =	vor.u32 v56, v4  }
0x484: {  	[tilespmem:v11+s19+$0x0] =	vst.idx.msk vm5, v10  }
0x485: {  	[tilespmem:v1+s19+$0x0] =	vst.idx.msk vm5, v0;
	v10 =	vld.idx.msk [tilespmem:v30+s15+$0x0], $0xffff;
	v30 =	vadd.s32 v57, v5  }
0x486: {  	v3 =	vor.u32 v58, v3;
	[tilespmem:v7+s19+$0x0] =	vst.idx.msk vm5, v6;
	v1 =	vadd.s32 v57, v61;
	v0 =	vld.idx.msk [tilespmem:v2+s15+$0x0], $0xffff  }
0x487: {  	v60 =	vor.u32 v58, v60;
	v7 =	vadd.s32 v57, v63;
	v6 =	vld.idx.msk [tilespmem:v9+s15+$0x0], $0xffff;
	[tilespmem:v31+s19+$0x0] =	vst.idx.msk vm5, v13  }
0x488: {  	v62 =	vor.u32 v58, v62;
	v31 =	vld.idx.msk [tilespmem:v35+s15+$0x0], $0xffff;
	v35 =	vadd.s32 v57, v8  }
0x489: {  	v4 =	vor.u32 v58, v4  }
0x48a: {  	[tilespmem:v30+s19+$0x0] =	vst.idx.msk vm6, v10  }
0x48b: {  	v5 =	vadd.s32 v59, v5;
	[tilespmem:v1+s19+$0x0] =	vst.idx.msk vm6, v0;
	v3 =	vld.idx.msk [tilespmem:v3+s15+$0x0], $0xffff  }
0x48c: {  	[tilespmem:v7+s19+$0x0] =	vst.idx.msk vm6, v6;
	v0 =	vld.idx.msk [tilespmem:v60+s15+$0x0], $0xffff;
	v60 =	vadd.s32 v59, v61  }
0x48d: {  	s26 =	sadd.s32 $0x4, s26;
	[tilespmem:v35+s19+$0x0] =	vst.idx.msk vm6, v31;
	v61 =	vld.idx.msk [tilespmem:v62+s15+$0x0], $0xffff;
	v62 =	vadd.s32 v59, v63  }
0x48e: {  	p0 =	slt.u32 s26, $0x1C;
	v4 =	vld.idx.msk [tilespmem:v4+s15+$0x0], $0xffff;
	v63 =	vadd.s32 v59, v8  }
.Ltmp3:
0x48f: {  	_ = 	snop;
	(pc) =	sbr.rel @p0 .LBB2_5-.Ltmp3, $4  }
0x490: {  	[tilespmem:v5+s19+$0x0] =	vst.idx.msk vm7, v3  }
0x491: {  	[tilespmem:v60+s19+$0x0] =	vst.idx.msk vm7, v0  }
0x492: {  	[tilespmem:v62+s19+$0x0] =	vst.idx.msk vm7, v61  }
0x493: {  	s28 =	sadd.s32 $0x40, s28;
	[tilespmem:v63+s19+$0x0] =	vst.idx.msk vm7, v4  }
.Ltmp4:
0x494: {  	(pc) =	sbr.rel @p1 .LBB2_8-.Ltmp4, $3  }
0x495: {  	s25 =	smul.u32 $0xA, s25;
	_ =	sdelay $0x1  }
0x496: {  	s25 =	sadd.s32 s6, s25  }
0x497: {  	[hbm4b:s25+s3] =	stream.linear.scatter [tilespmem:s19], [sflag:$0x4], $0xA000, $0x38;
	[tilespmem:$0x1BE80] =	vst v63  }
0x498: {  	v26 =	vld [tilespmem:$0x1FE20]  }
0x499: {  	v28 =	vld [tilespmem:$0x1FE30]  }
.Ltmp5:
0x49a: {  	v39 =	vld [tilespmem:$0x1FE40];
	(pc) =	sbr.rel .LBB2_2-.Ltmp5, $4  }
0x49b: {  	s24 =	sadd.s32 s24, s11;
	v63 =	vld [tilespmem:$0x1FE50]  }
0x49c: {  	v30 =	vld [tilespmem:$0x1FE60];
	s24 =	sshrl.u32 s24, $0x3  }
0x49d: {  	s23 =	sadd.s32 $0x1, s23;
	v31 =	vld [tilespmem:$0x1FE70];
	s24 =	sadd.s32 s0, s24  }
0x49e: {  	v35 =	vld [tilespmem:$0x1FE80];
	[tilespmem:s15], [sflag:$0x2] =	stream.linear.gather [hbm4b:s24+s3], $0x2000, $0x38  }
.LBB2_9:
0x49f: {  	_ =	sfence.sel $0x180000  }
0x4a0: {  	[bflag:$0x0] =	sbarrier.arrive $0xFFFF  }
0x4a1: {  	p0 =	sne.s32 s1, $0x0;
	_ =	strace $0x90000047  }
0x4a2: {  	s0 =	sadd.s32 @!p0 $0x100000, s2;
	[bflag:$0x2] =	sbarrier.arrive $0xFFFF  }
0x4a3: {  	[sflag:s0] =	ssyncadd.tile.s32 @!p0 $0x1;
	_ =	shalt  }
.Lfunc_end2:
_tile_overlayer_lowered:
.L_overlay_start_2:
0x4a4: {  	(tag) =	ssettag $0x2  }
0x4a5: {  	s0 =	rddreg [dreg:$0x0];
	s2 =	stileid.u32  }
0x4a6: {  	s1 =	rddreg [dreg:$0x1];
	p0 =	sne.s32 s2, $0x0  }
0x4a7: {  	s3 =	rddreg [dreg:$0x2];
	[bflag:$0x3] =	sbarrier.arrive $0xFFFF;
	s2 =	simm.s32 @!p0 $0x1C05  }
0x4a8: {  	[timem:s3], [sflag:s2] =	dma.local @!p0 [hbm:s0], s1  }
0x4a9: {  	s0 =	simm.s32 @!p0 $0x5  }
0x4aa: {  	_ =	swait.ge @!p0 [sflag:s0], s1  }
0x4ab: {  	s1 =	ssub.s32 @!p0 $0x0, s1;
	[sflag:s0] =	ssyncset.done @!p0 $0x0  }
0x4ac: {  	[sflag:s0] =	ssyncadd.s32 @!p0 s1  }
0x4ad: {  	[bflag:$0x3] =	sbarrier.arrive $0xFFFF  }
0x4ae: {  	_ =	shalt  }

// kernel: sparse-core-data-format-call.cloned.1.call-start
scs
called_computation_lowered:
.L_overlay_start_0:
0x0: {  	s2 =	sld [smem:$0x3FD9]  }
0x1: {  	s3 =	sld [smem:$0x3FFE];
	_ =	sdelay $0x1  }
0x2: {  	s1 =	srdreg.scid  }
0x3: {  	s0 =	sand.u32 $0x1, s1  }
0x4: {  	s18 =	sshll.u32 s0, $0xA;
	s2 =	sadd.s32 s3, s2  }
0x5: {  	s2 =	sadd.s32 s2, s18  }
0x6: {  	[smem:$0x3FC6] =	sst s2  }
0x7: {  	_ = 	snop  }
0x8: {  	s2 =	sld [smem:$0x3FD0];
	(tm) =	ssettm $0x1  }
0x9: {  	s19 =	sld [smem:$0x3FFB];
	_ =	sdelay $0x3  }
0xa: {  	_ =	strace s19  }
0xb: {  	s3 =	sld [smem:$0x3FFC];
	_ =	sdelay $0x3  }
0xc: {  	_ =	strace s3  }
0xd: {  	s3 =	sld [smem:$0x3FFD];
	_ =	sdelay $0x3  }
0xe: {  	_ =	strace s3  }
0xf: {  	_ =	strace $0x8FFFFFFF  }
0x10: {  	s20 =	sld [smem:$0x3FDB];
	_ =	sdelay $0x1  }
0x11: {  	s4 =	simm.s32 $_scs_section_size  }
0x12: {  	s5 =	simm.s32 $_size__tile_overlayer_lowered;
	s6 =	simm.s32 $_tile_overlayer_lowered  }
0x13: {  	s23 =	simm.s32 $0x1BFF;
	s22 =	sshll.u32 s6, $0x1;
	s3 =	sadd.s32 s4, s20  }
0x14: {  	s7 =	simm.s32 $0x0;
	s21 =	sshll.u32 s5, $0x1;
	s5 =	sadd.s32 s22, s3  }
0x15: {  	[timem:s7], [sflag:s23] =	dma.local [hbm:s5], s21  }
0x16: {  	_ =	swait.ge [sflag:s23], s21  }
0x17: {  	s4 =	ssub.s32 $0x0, s21;
	[sflag:s23] =	ssyncset.done $0x0  }
0x18: {  	[sflag:s23] =	ssyncadd.s32 s4;
	_ =	sdelay $0x1  }
0x19: {  	s24 =	simm.s32 $0x1B8B  }
0x1a: {  	_ =	swait.ge [sflag:s24], $0x1  }
0x1b: {  	[sflag:s24] =	ssyncset.done $0x0  }
0x1c: {  	s26 =	simm.s32 $0x1B8E;
	s25 =	sld [smem:$0x3FFE];
	[sflag:s24] =	ssyncadd.s32 $0xFFFFFFFF  }
0x1d: {  	s27 =	simm.s32 $execute0_lowered;
	[smem:$0x3FD2] =	sst s26  }
0x1e: {  	s5 =	sshll.u32 s27, $0x1;
	_ =	strace $0x80000049;
	[dreg:$0x1] =	wrdreg $0xFFFFFFFF  }
0x1f: {  	s28 =	simm.s32 $_size_execute0_lowered;
	s3 =	sadd.s32 s3, s5;
	[dreg:$0x0] =	wrdreg $0x0  }
0x20: {  	s5 =	sshll.u32 s28, $0x1;
	[dreg:$0x2] =	wrdreg s3  }
0x21: {  	[dreg:$0x3] =	wrdreg s5  }
0x22: {  	[dreg:$0x4] =	wrdreg $0xC0  }
0x23: {  	_ =	task [dreg:s7], $0x5FFFF  }
0x24: {  	[dreg:$0x1] =	wrdreg $0xFFFFFFFF  }
0x25: {  	[dreg:$0x0] =	wrdreg $0x60  }
0x26: {  	[dreg:$0x2] =	wrdreg s25  }
0x27: {  	[dreg:$0x3] =	wrdreg s2  }
0x28: {  	[dreg:$0x4] =	wrdreg $0x9  }
0x29: {  	_ =	task.clear_ibuf [dreg:s7], $0x5FFFF;
	_ =	strace $0x90000049  }
0x2a: {  	s29 =	simm.s32 $0x9;
	_ =	strace $0x8000004B  }
0x2b: {  	_ =	swait.ge [sflag:s29], $0x1  }
0x2c: {  	[sflag:s29] =	ssyncadd.s32 $0xFFFFFFFF  }
0x2d: {  	_ =	strace $0x9000004B  }
0x2e: {  	_ =	sfence  }
0x2f: {  	s30 =	sld [smem:$0x0];
	_ =	sdelay $0x2  }
0x30: {  	s31 =	sshll.u32 s1, $0xD;
	s1 =	sshrl.u32 s1, $0x2  }
0x31: {  	s3 =	sand.u32 $0x4000, s31;
	s1 =	sadd.s32 s1, s30  }
0x32: {  	s0 =	sor.u32 s3, s0;
	s1 =	sshll.u32 s1, $0x11  }
0x33: {  	s0 =	sor.u32 s1, s0  }
0x34: {  	s0 =	sadd.s32 $0x8F2B, s0  }
0x35: {  	[sflag:s0] =	ssyncadd.remote.s32 $0x1  }
0x36: {  	_ =	sfence.sel $0xFFFF  }
0x37: {  	[dreg:$0x0] =	wrdreg $0xFFFFFFFF;
	(pc) =	sbr.abs _section_cstart, $3  }
0x38: {  	[dreg:$0x1] =	wrdreg $0xFFFFFFFF  }
0x39: {  	_ =	task.clear_ibuf [dreg:s7], $0x2FFFF;
	_ =	strace $0x9FFFFFFF  }
0x3a: {  	(tm) =	ssettm $0x7FFFFFFF  }
0x3b: {  	_ =	shalt  }
tec
execute0_lowered:
.L_overlay_start_1:
0x0: {  	(tag) =	ssettag $0x1  }
0x1: {  	s0 =	srdreg.scid  }
0x2: {  	s1 =	sshll.u32 s0, $0x4  }
0x3: {  	s6 =	rddreg [dreg:$0x0];
	s0 =	stileid.u32;
	s1 =	sand.u32 $0x10, s1  }
0x4: {  	s3 =	rddreg [dreg:$0x1];
	s1 =	sor.u32 s0, s1  }
0x5: {  	s5 =	simm.s32 $0x1;
	s31 =	simm.s32 $0x2;
	s2 =	sshll.u32 s1, $0x7  }
0x6: {  	s15 =	simm.s32 $0x0;
	s8 =	simm.s32 $0x320000;
	s4 =	ssub.s32 $0x4000, s2  }
0x7: {  	s14 =	simm.s32 $0x0;
	s9 =	simm.s32 $0x0;
	s30 =	sand.u32 $0xF80, s4  }
0x8: {  	s10 =	simm.s32 $0x0;
	s11 =	simm.s32 $0x0;
	p0 =	sne.s32 s30, $0x0  }
.Ltmp0:
0x9: {  	s7 =	sshrl.u32 s4, $0xC;
	s5 =	simm.s32 @!p0 $0x0;
	(pc) =	sbr.rel .LBB1_1-.Ltmp0, $4  }
0xa: {  	s13 =	simm.s32 $0x0;
	s1 =	rddreg [dreg:$0x2];
	s5 =	sadd.s32 s5, s7  }
0xb: {  	_ =	strace $0x8000004A;
	s4 =	simm.s32 $0x1;
	s5 =	smul.u32 $0xC8, s5  }
0xc: {  	s6 =	sadd.s32 $0x1F41000, s6;
	s12 =	smov.u32 s2;
	[sflag:s4] =	ssyncpa.u1 $0x0  }
0xd: {  	[sflag:s31] =	ssyncpa.u1 $0x0;
	p0 =	por $0x0, $0x0;
	s7 =	sor.u32 $0x1, s5  }
.LBB1_4:
0xe: {  	s20 =	sshra.s32 s20, $0x2;
	s27 =	sshll.u32 s9, $0xE  }
0xf: {  	s21 =	sand.u32 $0x78, s10;
	s22 =	sshll.u32 s10, $0x3;
	s24 =	sshll.u32 s9, $0x7  }
0x10: {  	p1 =	sgt.s32 s9, $0xC7;
	s30 =	sshra.s32 s9, $0x1F;
	s25 =	sshra.s32 s10, $0x1F  }
0x11: {  	s19 =	sadd.s32 s20, s19;
	s20 =	sand.u32 $0xFFFE0000, s27;
	s23 =	sand.u32 $0xFFFFFC00, s22  }
0x12: {  	v5 =	vld [tilespmem:s17+$0xFFFFFFD0];
	[tilespmem:s18+$0x2040 ss:$0x81] =	vst.msk $0xffff, v4;
	s22 =	sand.u32 $0x3C00, s22;
	s28 =	sand.u32 $0x380, s24;
	s31 =	sand.u32 s30, s9  }
0x13: {  	v58 =	vld [tilespmem:s17+$0xFFFFFFE0];
	[tilespmem:s18+$0x2850 ss:$0x81] =	vst.msk $0xffff, v3;
	s24 =	smov.u32 s10;
	s25 =	sand.u32 s25, s10;
	s20 =	sadd.s32 s23, s20  }
0x14: {  	v59 =	vld [tilespmem:s17+$0xFFFFFFF0];
	[tilespmem:s18+$0x3060 ss:$0x81] =	vst.msk $0xffff, v2;
	s21 =	sor.u32 s21, s22;
	s22 =	smov.u32 s9;
	s20 =	sshrl.u32 s20, $0xE  }
0x15: {  	v60 =	vld [tilespmem:s17+$0x0];
	[tilespmem:s18+$0x0 ss:$0x81] =	vst.msk $0xffff, v1;
	s22 =	simm.s32 @!p1 $0xC7;
	p1 =	sgt.s32 s10, $0x3F80;
	s29 =	smulhi.u32 $0x147AE15, s20  }
0x16: {  	v61 =	vld [tilespmem:s17+$0x10];
	[tilespmem:s19+$0x3870 ss:$0x81] =	vst.msk $0xffff, v0;
	s21 =	sor.u32 s28, s21;
	s18 =	ssub.s32 s22, s31;
	s24 =	simm.s32 @!p1 $0x3F80  }
0x17: {  	v62 =	vld [tilespmem:s17+$0x20];
	[tilespmem:s19+$0x810 ss:$0x81] =	vst.msk $0xffff, v5;
	s22 =	ssub.s32 s24, s25;
	s26 =	ssub.s32 $0xC8, s18;
	s23 =	smul.u32 $0xC8, s29  }
0x18: {  	v63 =	vld [tilespmem:s17+$0xFFFFFFC0];
	[tilespmem:s19+$0x1020 ss:$0x81] =	vst.msk $0xffff, v58;
	s27 =	sadd.s32 $0xFFFFFF39, s18;
	s18 =	smul.u32 $0x4E, s26;
	s28 =	sadd.s32 $0xFFFFC080, s22  }
0x19: {  	[tilespmem:s19+$0x1830 ss:$0x81] =	vst.msk $0xffff, v59;
	p1 =	sgt.s32 s27, $0x0;
	s17 =	ssub.s32 $0x4000, s22;
	p2 =	sgt.s32 s28, $0x7F  }
0x1a: {  	s30 =	sand.u32 $0x7, s10;
	[tilespmem:s19+$0x2040 ss:$0x81] =	vst.msk $0xffff, v60;
	s18 =	simm.s32 @p1 $0x0;
	s17 =	simm.s32 @p2 $0x0  }
0x1b: {  	[tilespmem:s19+$0x2850 ss:$0x81] =	vst.msk $0xffff, v61;
	s29 =	sshrl.u32 s21, $0x3;
	s20 =	ssub.s32 s20, s23;
	s17 =	smul.u32 s17, s18  }
0x1c: {  	[tilespmem:s19+$0x3060 ss:$0x81] =	vst.msk $0xffff, v62;
	s21 =	sshll.u32 s30, $0x12;
	s20 =	sshll.u32 s20, $0xB;
	s18 =	sadd.s32 s3, s29  }
0x1d: {  	[tilespmem:s19+$0x0 ss:$0x81] =	vst.msk $0xffff, v63;
	s31 =	sor.u32 $0x80, s21;
	s18 =	sadd.s32 s20, s18;
	s17 =	sand.u32 $0x3FFFFFFE, s17  }
0x1e: {  	[hbm4b:s18+s31] =	stream.strided.scatter [tilespmem:s16], [sflag:$0x2], s17, s8, s31, $0x20;
	[tilespmem:$0x10100] =	vst v63  }
.LBB1_5:
0x1f: {  	p1 =	slt.u32 s13, $0x2  }
0x20: {  	s17 =	smov.u32 s15;
	p2 =	sgt.s32 @!p1 s15, $0xC7;
	s16 =	sshra.s32 @!p1 s15, $0x1F  }
0x21: {  	p3 =	sgt.s32 @!p1 s14, $0x3F80;
	s18 =	sshra.s32 @!p1 s14, $0x1F;
	p2 =	por !p2, p1  }
0x22: {  	s15 =	sand.u32 @!p1 s16, s15;
	p3 =	por !p3, p1;
	s16 =	smov.u32 s14  }
0x23: {  	s14 =	sand.u32 @!p1 s18, s14;
	s17 =	simm.s32 @p2 $0xC7;
	s16 =	simm.s32 @p3 $0x3F80  }
0x24: {  	s18 =	smov.u32 s12;
	s15 =	ssub.s32 @!p1 s17, s15;
	s14 =	ssub.s32 @!p1 s16, s14  }
0x25: {  	s16 =	sadd.s32 @!p1 $0xFFFFFF39, s15;
	s15 =	ssub.s32 @!p1 $0xC8, s15;
	s17 =	sadd.s32 @!p1 $0xFFFFC080, s14  }
0x26: {  	p2 =	sgt.s32 @!p1 s16, $0x0;
	s15 =	smul.u32 @!p1 $0x4E, s15;
	p3 =	sgt.s32 @!p1 s17, $0x7F  }
0x27: {  	s14 =	ssub.s32 @!p1 $0x4000, s14;
	p2 =	por !p2, p1;
	p3 =	por !p3, p1  }
0x28: {  	s16 =	sadd.s32 $0x1, s11;
	s15 =	simm.s32 @!p2 $0x0;
	s14 =	simm.s32 @!p3 $0x0  }
0x29: {  	p2 =	sgt.s32 s16, $0xC7;
	s14 =	smul.u32 @!p1 s14, s15;
	s15 =	sadd.s32 $0x1000, s12  }
0x2a: {  	s18 =	smov.u32 @p2 s15  }
0x2b: {  	s16 =	simm.s32 @p2 $0x0;
	p2 =	sgt.s32 s18, $0x3FFF  }
0x2c: {  	s18 =	smov.u32 @p2 s2;
	p2 =	sne.s32 s13, s7  }
.Ltmp1:
0x2d: {  	p0 =	por !p0, !p0;
	s17 =	simm.s32 @!p1 $0x2;
	(pc) =	sbr.rel @!p2 .LBB1_6-.Ltmp1, $4  }
0x2e: {  	s15 =	smov.u32 s9;
	s9 =	smov.u32 s11;
	s14 =	sand.u32 @!p1 $0x3FFFFFFE, s14  }
0x2f: {  	s11 =	smov.u32 s16;
	_ =	swait.ge @!p1 [sflag:s17], s14;
	s19 =	ssub.s32 @!p1 $0x0, s14  }
0x30: {  	s14 =	smov.u32 s10;
	s13 =	sadd.s32 $0x1, s13;
	[sflag:s17] =	ssyncset.done @!p1 $0x0  }
0x31: {  	s10 =	smov.u32 s12;
	s12 =	smov.u32 s18;
	[sflag:s17] =	ssyncadd.s32 @!p1 s19  }
.LBB1_1:
0x32: {  	p1 =	sge.u32 s13, s5  }
0x33: {  	s16 =	sand.u32 @!p1 $0x1FFFFFF, s11  }
0x34: {  	s17 =	smulhi.u32 @!p1 $0x147AE15, s16;
	_ =	sdelay $0x1  }
0x35: {  	s17 =	smul.u32 @!p1 $0xC8, s17  }
0x36: {  	s18 =	sxor.u32 @!p1 $0xFFFFFFFF, s13;
	s19 =	smul.u32 @!p1 $0xC80, s12  }
0x37: {  	s31 =	sadd.s32 $0xFFFFFFFF, s13;
	s18 =	sshll.u32 @!p1 s18, $0xE;
	s16 =	ssub.s32 @!p1 s16, s17  }
0x38: {  	s17 =	sand.u32 @!p1 $0x4000, s18;
	s18 =	sadd.s32 @!p1 s6, s19;
	s16 =	sshll.u32 @!p1 s16, $0x4  }
0x39: {  	s19 =	simm.s32 @!p1 $0x6400;
	s16 =	sadd.s32 @!p1 s16, s18;
	s18 =	simm.s32 @!p1 $0x80  }
0x3a: {  	[tilespmem:s17], [sflag:$0x1] =	stream.strided.gather @!p1 [hbm4b:s16+s18], $0x4000, s19, s18, $0x38;
	[tilespmem:$0x10100] =	vst v63  }
0x3b: {  	p1 =	sge.u32 s31, s5  }
.Ltmp2:
0x3c: {  	_ = 	snop;
	(pc) =	sbr.rel @p1 .LBB1_5-.Ltmp2, $1  }
0x3d: {  	_ =	sdelay $0x3  }
0x3e: {  	s16 =	simm.s32 $0x1  }
0x3f: {  	_ =	swait.ge [sflag:s4], $0x4000;
	s16 =	simm.s32 @!p0 $0x0  }
0x40: {  	[sflag:s4] =	ssyncset.done $0x0;
	s17 =	sshll.u32 s16, $0xE  }
0x41: {  	[sflag:s4] =	ssyncadd.s32 $0xFFFFC000;
	s17 =	sor.u32 $0x40, s17  }
0x42: {  	s16 =	smul.u32 $0x10200, s16;
	v0 =	vld [tilespmem:s17+$0x30]  }
0x43: {  	v1 =	vld [tilespmem:s17+$0xFFFFFFD0]  }
0x44: {  	s16 =	sshrl.u32 s16, $0x2;
	v5 =	vld [tilespmem:s17+$0xFFFFFFE0]  }
0x45: {  	v6 =	vld [tilespmem:s17+$0xFFFFFFF0];
	s19 =	sor.u32 $0x8000, s16  }
0x46: {  	s31 =	sand.u32 $0x1, s13;
	v4 =	vld [tilespmem:s17+$0x0];
	s18 =	sadd.s32 $0x0, s19  }
0x47: {  	v3 =	vld [tilespmem:s17+$0x10];
	s16 =	smul.u32 $0x10200, s31;
	[tilespmem:s18+$0x3870 ss:$0x81] =	vst.msk $0xffff, v0  }
0x48: {  	v2 =	vld [tilespmem:s17+$0x20];
	[tilespmem:s18+$0x810 ss:$0x81] =	vst.msk $0xffff, v1  }
0x49: {  	s16 =	sshrl.u32 s16, $0x2;
	v1 =	vld [tilespmem:s17+$0xFFFFFFC0];
	[tilespmem:s18+$0x1020 ss:$0x81] =	vst.msk $0xffff, v5;
	s17 =	sadd.s32 $0x80, s17  }
0x4a: {  	s20 =	simm.s32 $0x4;
	s21 =	simm.s32 $0x8;
	s16 =	sor.u32 $0x8000, s16;
	[tilespmem:s18+$0x1830 ss:$0x81] =	vst.msk $0xffff, v6;
	v0 =	vld [tilespmem:s17+$0x30]  }
.LBB1_3:
0x4b: {  	p1 =	sne.s32 s21, $0x1FC;
	v5 =	vld [tilespmem:s17+$0xFFFFFFD0];
	[tilespmem:s18+$0x2040 ss:$0x81] =	vst.msk $0xffff, v4  }
0x4c: {  	v6 =	vld [tilespmem:s17+$0xFFFFFFE0];
	[tilespmem:s18+$0x2850 ss:$0x81] =	vst.msk $0xffff, v3  }
0x4d: {  	s22 =	sshra.s32 s20, $0x2;
	s20 =	smov.u32 s21;
	v7 =	vld [tilespmem:s17+$0xFFFFFFF0];
	[tilespmem:s18+$0x3060 ss:$0x81] =	vst.msk $0xffff, v2  }
.Ltmp3:
0x4e: {  	v4 =	vld [tilespmem:s17+$0x0];
	[tilespmem:s18+$0x0 ss:$0x81] =	vst.msk $0xffff, v1;
	s18 =	sadd.s32 s22, s19;
	(pc) =	sbr.rel @p1 .LBB1_3-.Ltmp3, $4  }
0x4f: {  	v3 =	vld [tilespmem:s17+$0x10];
	[tilespmem:s18+$0x3870 ss:$0x81] =	vst.msk $0xffff, v0  }
0x50: {  	[tilespmem:s18+$0x810 ss:$0x81] =	vst.msk $0xffff, v5;
	v2 =	vld [tilespmem:s17+$0x20]  }
0x51: {  	v1 =	vld [tilespmem:s17+$0xFFFFFFC0];
	[tilespmem:s18+$0x1020 ss:$0x81] =	vst.msk $0xffff, v6;
	s17 =	sadd.s32 $0x80, s17  }
0x52: {  	s21 =	sadd.s32 $0x4, s21;
	v0 =	vld [tilespmem:s17+$0x30];
	[tilespmem:s18+$0x1830 ss:$0x81] =	vst.msk $0xffff, v7  }
.Ltmp4:
0x53: {  	_ = 	snop;
	(pc) =	sbr.rel .LBB1_4-.Ltmp4, $1  }
0x54: {  	_ =	sdelay $0x3  }
.LBB1_6:
0x55: {  	_ =	sfence.sel $0x180000  }
0x56: {  	s2 =	simm.s32 $0x1;
	[bflag:$0x0] =	sbarrier.arrive $0xFFFF  }
0x57: {  	s31 =	simm.s32 $0x2;
	[sflag:s2] =	ssyncpa.u1 $0x1  }
0x58: {  	[sflag:s31] =	ssyncpa.u1 $0x1  }
0x59: {  	p0 =	sne.s32 s0, $0x0;
	_ =	strace $0x9000004A  }
0x5a: {  	s0 =	sadd.s32 @!p0 $0x100000, s1;
	[bflag:$0x2] =	sbarrier.arrive $0xFFFF  }
0x5b: {  	[sflag:s0] =	ssyncadd.tile.s32 @!p0 $0x1;
	_ =	shalt  }
.Lfunc_end1:
_tile_overlayer_lowered:
.L_overlay_start_2:
0x5c: {  	(tag) =	ssettag $0x2  }
0x5d: {  	s0 =	rddreg [dreg:$0x0];
	s2 =	stileid.u32  }
0x5e: {  	s1 =	rddreg [dreg:$0x1];
	p0 =	sne.s32 s2, $0x0  }
0x5f: {  	s3 =	rddreg [dreg:$0x2];
	[bflag:$0x3] =	sbarrier.arrive $0xFFFF;
	s2 =	simm.s32 @!p0 $0x1C01  }
0x60: {  	[timem:s3], [sflag:s2] =	dma.local @!p0 [hbm:s0], s1  }
0x61: {  	s0 =	simm.s32 @!p0 $0x1  }
0x62: {  	_ =	swait.ge @!p0 [sflag:s0], s1  }
0x63: {  	s1 =	ssub.s32 @!p0 $0x0, s1;
	[sflag:s0] =	ssyncset.done @!p0 $0x0  }
0x64: {  	[sflag:s0] =	ssyncadd.s32 @!p0 s1  }
0x65: {  	[bflag:$0x3] =	sbarrier.arrive $0xFFFF  }
0x66: {  	_ =	shalt  }

</sc_bundles>
